<compile_context>
chip_gen: v7x
topology: tpu7x:2x2x1
jax: 0.10.2.dev20260603
libtpu: 0.0.44.dev20260713+nightly
codegen_flags: <defaults>
</compile_context>

<pallas_src>
import functools

import jax
import jax.numpy as jnp
from jax import lax
from jax.experimental import pallas as pl
from jax.experimental.pallas import tpu as pltpu
from jax.experimental.pallas import tpu_sc as plsc

VOCAB = 100000
D = 128
B = 1024
L = 200
LANES = 16
NC = 2
NS = 16
NW = NC * NS
SEQ_PER_W = B // NW
SCALE = float(D) ** 0.5
LA, LB = 104, 96
NBUF = 6
NCHUNK = 2 * SEQ_PER_W
PREF = 4


def _body(seq_hbm, table_hbm, pos_hbm, out_hbm, idx_all, pos_v, rows_v,
          sg0, sg1, sg2, sg3, sg4, sg5, sw0, sw1, sw2, sw3, sw4, sw5, sp):
    sem_g = [sg0, sg1, sg2, sg3, sg4, sg5]
    sem_w = [sw0, sw1, sw2, sw3, sw4, sw5]
    wid = lax.axis_index("s") * NC + lax.axis_index("c")
    base = wid * SEQ_PER_W
    pltpu.sync_copy(seq_hbm.at[pl.ds(base * L, SEQ_PER_W * L)], idx_all)

    def chunk_refs(i, t, parity):
        ln = LA if parity == 0 else LB
        seq = i // 2
        idx = idx_all.at[pl.ds(seq * L + parity * LA, ln)]
        dst = rows_v.at[t, pl.ds(0, ln)]
        out = out_hbm.at[base + seq, pl.ds(parity * LA, ln)]
        return idx, dst, out

    def gather_start(i, t, parity):
        idx, dst, _ = chunk_refs(i, t, parity)
        pltpu.async_copy(table_hbm.at[idx], dst, sem_g[t])

    def gather_wait(i, t, parity):
        idx, dst, _ = chunk_refs(i, t, parity)
        pltpu.make_async_copy(table_hbm.at[idx], dst, sem_g[t]).wait()

    def write_start(i, t, parity):
        _, src, out = chunk_refs(i, t, parity)
        pltpu.async_copy(src, out, sem_w[t])

    def write_wait(i, t, parity):
        _, src, out = chunk_refs(i, t, parity)
        pltpu.make_async_copy(src, out, sem_w[t]).wait()

    def compute(t, parity):
        ln = LA if parity == 0 else LB

        def one_row(r, carry):
            pr = r + parity * LA
            for c in range(D // LANES):
                sl = pl.ds(c * LANES, LANES)
                rows_v[t, r, sl] = rows_v[t, r, sl] * SCALE + pos_v[pr, sl]
            return carry

        lax.fori_loop(0, ln, one_row, 0, unroll=False)

    def step(i, t, parity, drain_write, prefetch):
        kn = (t + PREF) % NBUF
        pn = parity
        if drain_write:
            write_wait(i - (NBUF - PREF), kn, pn)
        if prefetch:
            gather_start(i + PREF, kn, pn)
        gather_wait(i, t, parity)
        compute(t, parity)
        write_start(i, t, parity)

    for t in range(PREF):
        gather_start(t, t, t % 2)
    pltpu.async_copy(pos_hbm.at[0, pl.ds(0, L)], pos_v, sp).wait()
    for i in range(NBUF):
        step(i, i, i % 2, drain_write=(i >= NBUF - PREF), prefetch=True)

    def group(g, carry):
        for t in range(NBUF):
            step(g * NBUF + t, t, t % 2, drain_write=True, prefetch=True)
        return carry

    lax.fori_loop(1, (NCHUNK - PREF) // NBUF, group, 0, unroll=False)
    for i in range(NCHUNK - PREF, NCHUNK):
        step(i, i % NBUF, i % 2, drain_write=True, prefetch=False)
    for i in range(NCHUNK - (NBUF - PREF), NCHUNK):
        write_wait(i, i % NBUF, i % 2)


@jax.jit
def _pre_process(sequence, emb_table, pos_slice):
    f = functools.partial(
        pl.kernel,
        out_type=jax.ShapeDtypeStruct((B, L, D), jnp.float32),
        mesh=plsc.VectorSubcoreMesh(core_axis_name="c", subcore_axis_name="s"),
        scratch_types=[
            pltpu.VMEM((SEQ_PER_W * L,), jnp.int32),
            pltpu.VMEM((L, D), jnp.float32),
            pltpu.VMEM((NBUF, LA, D), jnp.float32),
        ] + [pltpu.SemaphoreType.DMA] * (2 * NBUF + 1),
    )(_body)
    return f(sequence, emb_table, pos_slice)


def kernel(sequence, emb_table, pos_encoding, training=False, mask=None):
    seq = sequence.astype(jnp.int32).reshape(B * L)
    return _pre_process(seq, emb_table, pos_encoding)

# --- scband reference (transcript-rebuilt; emitter-appended) ---
"""Pipeline reference for scband-pre-processing-layer-76931454205965 (READ-ONLY COPY).

The authoritative reference and input builder live on the scoring server;
editing this copy changes nothing except your own understanding.
"""

import jax, jax.numpy as jnp
import numpy as np

VOCAB = 100000
D = 128
B = 1024
L = 200


def _positional_encoding(position, d):
    pos = np.arange(position)[:, np.newaxis]
    i = np.arange(d)[np.newaxis, :]
    angle_rates = 1 / np.power(10000, 2 * (i // 2) / np.float32(d))
    angle_rads = pos * angle_rates
    sines = np.sin(angle_rads[:, 0::2])
    cosines = np.cos(angle_rads[:, 1::2])
    enc = np.concatenate([sines, cosines], axis=-1)
    enc = enc[np.newaxis, ...]
    return jnp.asarray(enc, dtype=jnp.float32)


def setup_inputs(seed: int = 0) -> dict:
    key = jax.random.key(seed)
    k1, k2 = jax.random.split(key)
    sequence = jax.random.randint(k1, (B, L), 0, VOCAB)
    emb_table = jax.random.normal(k2, (VOCAB, D), dtype=jnp.float32) * 0.05
    pos_encoding = _positional_encoding(VOCAB, D)
    mask = jnp.zeros((B, L), dtype=jnp.float32)
    return {
        "sequence": sequence,
        "emb_table": emb_table,
        "pos_encoding": pos_encoding,
        "training": False,
        "mask": mask,
    }


def reference(sequence, emb_table, pos_encoding, training=False, mask=None):
    # PreProcessingLayer.call
    seq_len = sequence.shape[1]
    x = jnp.take(emb_table, sequence, axis=0)          # Embedding lookup
    x = x * jnp.sqrt(jnp.asarray(D, dtype=jnp.float32))
    x = x + pos_encoding[:, :seq_len, :]
    # Dropout with training=False is identity
    return x

if __name__ == "__main__":
    import jax
    _d = setup_inputs()
    print(jax.jit(kernel)(*tuple(_d.values())))

</pallas_src>

<mosaic_0001>
#map = affine_map<(d0, d1) -> (0)>
#map1 = affine_map<(d0, d1) -> (0, 0)>
#map2 = affine_map<(d0, d1) -> (0, 0, 0)>
module attributes {stable_mosaic.version = 14 : i64} {
  func.func @_body(%arg0: i32, %arg1: i32, %arg2: memref<204800xi32, #tpu.memory_space<hbm>>, %arg3: memref<100000x128xf32, #tpu.memory_space<hbm>>, %arg4: memref<1x100000x128xf32, #tpu.memory_space<hbm>>, %arg5: memref<1024x200x128xf32, #tpu.memory_space<hbm>>, %arg6: memref<6400xi32, #tpu.memory_space<vmem>>, %arg7: memref<200x128xf32, #tpu.memory_space<vmem>>, %arg8: memref<6x104x128xf32, #tpu.memory_space<vmem>>, %arg9: memref<!tpu.dma_semaphore, #tpu.memory_space<semaphore_mem>>, %arg10: memref<!tpu.dma_semaphore, #tpu.memory_space<semaphore_mem>>, %arg11: memref<!tpu.dma_semaphore, #tpu.memory_space<semaphore_mem>>, %arg12: memref<!tpu.dma_semaphore, #tpu.memory_space<semaphore_mem>>, %arg13: memref<!tpu.dma_semaphore, #tpu.memory_space<semaphore_mem>>, %arg14: memref<!tpu.dma_semaphore, #tpu.memory_space<semaphore_mem>>, %arg15: memref<!tpu.dma_semaphore, #tpu.memory_space<semaphore_mem>>, %arg16: memref<!tpu.dma_semaphore, #tpu.memory_space<semaphore_mem>>, %arg17: memref<!tpu.dma_semaphore, #tpu.memory_space<semaphore_mem>>, %arg18: memref<!tpu.dma_semaphore, #tpu.memory_space<semaphore_mem>>, %arg19: memref<!tpu.dma_semaphore, #tpu.memory_space<semaphore_mem>>, %arg20: memref<!tpu.dma_semaphore, #tpu.memory_space<semaphore_mem>>, %arg21: memref<!tpu.dma_semaphore, #tpu.memory_space<semaphore_mem>>) attributes {dimension_semantics = [#tpu.dimension_semantics<core_parallel>, #tpu.dimension_semantics<subcore_parallel>], iteration_bounds = array<i64: 2, 16>, scalar_prefetch = 0 : i64, scratch_operands = 16 : i64, tpu.core_type = #tpu.core_type<sc_vector_subcore>, window_params = [{transform_indices = #map}, {transform_indices = #map1}, {transform_indices = #map2}, {transform_indices = #map2}]} {
    %mul3A = arith.constant 2 : i32
    %mul3A_0 = arith.muli %arg1, %mul3A : i32
    %add3A = arith.addi %mul3A_0, %arg0 : i32
    %mul3A_1 = arith.constant 32 : i32
    %mul3A_2 = arith.muli %add3A, %mul3A_1 : i32
    %mul3A_3 = arith.constant 200 : i32
    %mul3A_4 = arith.muli %mul3A_2, %mul3A_3 : i32
    "tpu.region"() ({
      %run_scoped3A = tpu.sem_alloc : memref<!tpu.dma_semaphore, #tpu.memory_space<semaphore_mem>>
      %dma_start3A_706 = tpu.memref_slice %arg2[%mul3A_4] : memref<204800xi32, #tpu.memory_space<hbm>> -> memref<6400xi32, #tpu.memory_space<hbm>>
      %dma_start3A_707 = tpu.memref_slice %arg2[%mul3A_4] : memref<204800xi32, #tpu.memory_space<hbm>> -> memref<6400xi32, #tpu.memory_space<hbm>>
      tpu.enqueue_dma source(%dma_start3A_707 : memref<6400xi32, #tpu.memory_space<hbm>>) target(%arg6 : memref<6400xi32, #tpu.memory_space<vmem>>) target_semaphore(%run_scoped3A : memref<!tpu.dma_semaphore, #tpu.memory_space<semaphore_mem>>)
      %dma_wait3A_708 = tpu.memref_slice %arg2[%mul3A_4] : memref<204800xi32, #tpu.memory_space<hbm>> -> memref<6400xi32, #tpu.memory_space<hbm>>
      %dma_wait3A_709 = tpu.memref_slice %arg2[%mul3A_4] : memref<204800xi32, #tpu.memory_space<hbm>> -> memref<6400xi32, #tpu.memory_space<hbm>>
      tpu.wait_dma2 semaphore(%run_scoped3A : memref<!tpu.dma_semaphore, #tpu.memory_space<semaphore_mem>>) src(%dma_wait3A_709 : memref<6400xi32, #tpu.memory_space<hbm>>) dst(%arg6 : memref<6400xi32, #tpu.memory_space<vmem>>)
      tpu.yield
    }) : () -> ()
    %add3A_5 = arith.constant 0 : i32
    %add3A_6 = arith.addi %mul3A_2, %add3A_5 : i32
    %dma_start3A = arith.constant 0 : i32
    %dma_start3A_7 = arith.constant 0 : i32
    %dma_start3A_8 = arith.constant 0 : i32
    %dma_start3A_9 = tpu.memref_slice %arg8[%dma_start3A, %dma_start3A_7, %dma_start3A_8] : memref<6x104x128xf32, #tpu.memory_space<vmem>> -> memref<1x104x128xf32, #tpu.memory_space<vmem>>
    %dma_start3A_10 = tpu.memref_squeeze %dma_start3A_9 : memref<1x104x128xf32, #tpu.memory_space<vmem>> -> memref<104x128xf32, #tpu.memory_space<vmem>>
    %dma_start3A_11 = arith.constant 0 : i32
    %dma_start3A_12 = tpu.memref_slice %arg6[%dma_start3A_11] : memref<6400xi32, #tpu.memory_space<vmem>> -> memref<104xi32, #tpu.memory_space<vmem>>
    %dma_start3A_13 = arith.constant 0 : i32
    %dma_start3A_14 = arith.constant 0 : i32
    %dma_start3A_15 = tpu.memref_slice %arg3[%dma_start3A_13, %dma_start3A_14] : memref<100000x128xf32, #tpu.memory_space<hbm>> -> memref<100000x128xf32, #tpu.memory_space<hbm>>
    tpu.enqueue_indirect_dma source(%dma_start3A_15 : memref<100000x128xf32, #tpu.memory_space<hbm>>) target(%dma_start3A_10 : memref<104x128xf32, #tpu.memory_space<vmem>>) offsets(%dma_start3A_12 : memref<104xi32, #tpu.memory_space<vmem>>) semaphore(%arg9 : memref<!tpu.dma_semaphore, #tpu.memory_space<semaphore_mem>>)
    %add3A_16 = arith.constant 0 : i32
    %add3A_17 = arith.addi %mul3A_2, %add3A_16 : i32
    %dma_start3A_18 = arith.constant 1 : i32
    %dma_start3A_19 = arith.constant 0 : i32
    %dma_start3A_20 = arith.constant 0 : i32
    %dma_start3A_21 = tpu.memref_slice %arg8[%dma_start3A_18, %dma_start3A_19, %dma_start3A_20] : memref<6x104x128xf32, #tpu.memory_space<vmem>> -> memref<1x96x128xf32, #tpu.memory_space<vmem>>
    %dma_start3A_22 = tpu.memref_squeeze %dma_start3A_21 : memref<1x96x128xf32, #tpu.memory_space<vmem>> -> memref<96x128xf32, #tpu.memory_space<vmem>>
    %dma_start3A_23 = arith.constant 104 : i32
    %dma_start3A_24 = tpu.memref_slice %arg6[%dma_start3A_23] : memref<6400xi32, #tpu.memory_space<vmem>> -> memref<96xi32, #tpu.memory_space<vmem>>
    %dma_start3A_25 = arith.constant 0 : i32
    %dma_start3A_26 = arith.constant 0 : i32
    %dma_start3A_27 = tpu.memref_slice %arg3[%dma_start3A_25, %dma_start3A_26] : memref<100000x128xf32, #tpu.memory_space<hbm>> -> memref<100000x128xf32, #tpu.memory_space<hbm>>
    tpu.enqueue_indirect_dma source(%dma_start3A_27 : memref<100000x128xf32, #tpu.memory_space<hbm>>) target(%dma_start3A_22 : memref<96x128xf32, #tpu.memory_space<vmem>>) offsets(%dma_start3A_24 : memref<96xi32, #tpu.memory_space<vmem>>) semaphore(%arg10 : memref<!tpu.dma_semaphore, #tpu.memory_space<semaphore_mem>>)
    %add3A_28 = arith.constant 1 : i32
    %add3A_29 = arith.addi %mul3A_2, %add3A_28 : i32
    %dma_start3A_30 = arith.constant 2 : i32
    %dma_start3A_31 = arith.constant 0 : i32
    %dma_start3A_32 = arith.constant 0 : i32
    %dma_start3A_33 = tpu.memref_slice %arg8[%dma_start3A_30, %dma_start3A_31, %dma_start3A_32] : memref<6x104x128xf32, #tpu.memory_space<vmem>> -> memref<1x104x128xf32, #tpu.memory_space<vmem>>
    %dma_start3A_34 = tpu.memref_squeeze %dma_start3A_33 : memref<1x104x128xf32, #tpu.memory_space<vmem>> -> memref<104x128xf32, #tpu.memory_space<vmem>>
    %dma_start3A_35 = arith.constant 200 : i32
    %dma_start3A_36 = tpu.memref_slice %arg6[%dma_start3A_35] : memref<6400xi32, #tpu.memory_space<vmem>> -> memref<104xi32, #tpu.memory_space<vmem>>
    %dma_start3A_37 = arith.constant 0 : i32
    %dma_start3A_38 = arith.constant 0 : i32
    %dma_start3A_39 = tpu.memref_slice %arg3[%dma_start3A_37, %dma_start3A_38] : memref<100000x128xf32, #tpu.memory_space<hbm>> -> memref<100000x128xf32, #tpu.memory_space<hbm>>
    tpu.enqueue_indirect_dma source(%dma_start3A_39 : memref<100000x128xf32, #tpu.memory_space<hbm>>) target(%dma_start3A_34 : memref<104x128xf32, #tpu.memory_space<vmem>>) offsets(%dma_start3A_36 : memref<104xi32, #tpu.memory_space<vmem>>) semaphore(%arg11 : memref<!tpu.dma_semaphore, #tpu.memory_space<semaphore_mem>>)
    %add3A_40 = arith.constant 1 : i32
    %add3A_41 = arith.addi %mul3A_2, %add3A_40 : i32
    %dma_start3A_42 = arith.constant 3 : i32
    %dma_start3A_43 = arith.constant 0 : i32
    %dma_start3A_44 = arith.constant 0 : i32
    %dma_start3A_45 = tpu.memref_slice %arg8[%dma_start3A_42, %dma_start3A_43, %dma_start3A_44] : memref<6x104x128xf32, #tpu.memory_space<vmem>> -> memref<1x96x128xf32, #tpu.memory_space<vmem>>
    %dma_start3A_46 = tpu.memref_squeeze %dma_start3A_45 : memref<1x96x128xf32, #tpu.memory_space<vmem>> -> memref<96x128xf32, #tpu.memory_space<vmem>>
    %dma_start3A_47 = arith.constant 304 : i32
    %dma_start3A_48 = tpu.memref_slice %arg6[%dma_start3A_47] : memref<6400xi32, #tpu.memory_space<vmem>> -> memref<96xi32, #tpu.memory_space<vmem>>
    %dma_start3A_49 = arith.constant 0 : i32
    %dma_start3A_50 = arith.constant 0 : i32
    %dma_start3A_51 = tpu.memref_slice %arg3[%dma_start3A_49, %dma_start3A_50] : memref<100000x128xf32, #tpu.memory_space<hbm>> -> memref<100000x128xf32, #tpu.memory_space<hbm>>
    tpu.enqueue_indirect_dma source(%dma_start3A_51 : memref<100000x128xf32, #tpu.memory_space<hbm>>) target(%dma_start3A_46 : memref<96x128xf32, #tpu.memory_space<vmem>>) offsets(%dma_start3A_48 : memref<96xi32, #tpu.memory_space<vmem>>) semaphore(%arg12 : memref<!tpu.dma_semaphore, #tpu.memory_space<semaphore_mem>>)
    %dma_start3A_52 = arith.constant 0 : i32
    %dma_start3A_53 = arith.constant 0 : i32
    %dma_start3A_54 = arith.constant 0 : i32
    %dma_start3A_55 = tpu.memref_slice %arg4[%dma_start3A_52, %dma_start3A_53, %dma_start3A_54] : memref<1x100000x128xf32, #tpu.memory_space<hbm>> -> memref<1x200x128xf32, #tpu.memory_space<hbm>>
    %dma_start3A_56 = tpu.memref_squeeze %dma_start3A_55 : memref<1x200x128xf32, #tpu.memory_space<hbm>> -> memref<200x128xf32, #tpu.memory_space<hbm>>
    %dma_start3A_57 = arith.constant 0 : i32
    %dma_start3A_58 = arith.constant 0 : i32
    %dma_start3A_59 = tpu.memref_slice %arg4[%dma_start3A_52, %dma_start3A_57, %dma_start3A_58] : memref<1x100000x128xf32, #tpu.memory_space<hbm>> -> memref<1x200x128xf32, #tpu.memory_space<hbm>>
    %dma_start3A_60 = tpu.memref_squeeze %dma_start3A_59 : memref<1x200x128xf32, #tpu.memory_space<hbm>> -> memref<200x128xf32, #tpu.memory_space<hbm>>
    tpu.enqueue_dma source(%dma_start3A_60 : memref<200x128xf32, #tpu.memory_space<hbm>>) target(%arg7 : memref<200x128xf32, #tpu.memory_space<vmem>>) target_semaphore(%arg21 : memref<!tpu.dma_semaphore, #tpu.memory_space<semaphore_mem>>)
    %dma_wait3A = arith.constant 0 : i32
    %dma_wait3A_61 = arith.constant 0 : i32
    %dma_wait3A_62 = arith.constant 0 : i32
    %dma_wait3A_63 = tpu.memref_slice %arg4[%dma_wait3A, %dma_wait3A_61, %dma_wait3A_62] : memref<1x100000x128xf32, #tpu.memory_space<hbm>> -> memref<1x200x128xf32, #tpu.memory_space<hbm>>
    %dma_wait3A_64 = tpu.memref_squeeze %dma_wait3A_63 : memref<1x200x128xf32, #tpu.memory_space<hbm>> -> memref<200x128xf32, #tpu.memory_space<hbm>>
    %dma_wait3A_65 = arith.constant 0 : i32
    %dma_wait3A_66 = arith.constant 0 : i32
    %dma_wait3A_67 = tpu.memref_slice %arg4[%dma_wait3A, %dma_wait3A_65, %dma_wait3A_66] : memref<1x100000x128xf32, #tpu.memory_space<hbm>> -> memref<1x200x128xf32, #tpu.memory_space<hbm>>
    %dma_wait3A_68 = tpu.memref_squeeze %dma_wait3A_67 : memref<1x200x128xf32, #tpu.memory_space<hbm>> -> memref<200x128xf32, #tpu.memory_space<hbm>>
    tpu.wait_dma2 semaphore(%arg21 : memref<!tpu.dma_semaphore, #tpu.memory_space<semaphore_mem>>) src(%dma_wait3A_68 : memref<200x128xf32, #tpu.memory_space<hbm>>) dst(%arg7 : memref<200x128xf32, #tpu.memory_space<vmem>>)
    %add3A_69 = arith.constant 2 : i32
    %add3A_70 = arith.addi %mul3A_2, %add3A_69 : i32
    %dma_start3A_71 = arith.constant 4 : i32
    %dma_start3A_72 = arith.constant 0 : i32
    %dma_start3A_73 = arith.constant 0 : i32
    %dma_start3A_74 = tpu.memref_slice %arg8[%dma_start3A_71, %dma_start3A_72, %dma_start3A_73] : memref<6x104x128xf32, #tpu.memory_space<vmem>> -> memref<1x104x128xf32, #tpu.memory_space<vmem>>
    %dma_start3A_75 = tpu.memref_squeeze %dma_start3A_74 : memref<1x104x128xf32, #tpu.memory_space<vmem>> -> memref<104x128xf32, #tpu.memory_space<vmem>>
    %dma_start3A_76 = arith.constant 400 : i32
    %dma_start3A_77 = tpu.memref_slice %arg6[%dma_start3A_76] : memref<6400xi32, #tpu.memory_space<vmem>> -> memref<104xi32, #tpu.memory_space<vmem>>
    %dma_start3A_78 = arith.constant 0 : i32
    %dma_start3A_79 = arith.constant 0 : i32
    %dma_start3A_80 = tpu.memref_slice %arg3[%dma_start3A_78, %dma_start3A_79] : memref<100000x128xf32, #tpu.memory_space<hbm>> -> memref<100000x128xf32, #tpu.memory_space<hbm>>
    tpu.enqueue_indirect_dma source(%dma_start3A_80 : memref<100000x128xf32, #tpu.memory_space<hbm>>) target(%dma_start3A_75 : memref<104x128xf32, #tpu.memory_space<vmem>>) offsets(%dma_start3A_77 : memref<104xi32, #tpu.memory_space<vmem>>) semaphore(%arg13 : memref<!tpu.dma_semaphore, #tpu.memory_space<semaphore_mem>>)
    %add3A_81 = arith.constant 0 : i32
    %add3A_82 = arith.addi %mul3A_2, %add3A_81 : i32
    %dma_wait3A_83 = arith.constant 0 : i32
    %dma_wait3A_84 = arith.constant 0 : i32
    %dma_wait3A_85 = arith.constant 0 : i32
    %dma_wait3A_86 = tpu.memref_slice %arg8[%dma_wait3A_83, %dma_wait3A_84, %dma_wait3A_85] : memref<6x104x128xf32, #tpu.memory_space<vmem>> -> memref<1x104x128xf32, #tpu.memory_space<vmem>>
    %dma_wait3A_87 = tpu.memref_squeeze %dma_wait3A_86 : memref<1x104x128xf32, #tpu.memory_space<vmem>> -> memref<104x128xf32, #tpu.memory_space<vmem>>
    %dma_wait3A_88 = arith.constant 0 : i32
    %dma_wait3A_89 = tpu.memref_slice %arg6[%dma_wait3A_88] : memref<6400xi32, #tpu.memory_space<vmem>> -> memref<104xi32, #tpu.memory_space<vmem>>
    %dma_wait3A_90 = arith.constant 0 : i32
    %dma_wait3A_91 = arith.constant 0 : i32
    %dma_wait3A_92 = tpu.memref_slice %arg3[%dma_wait3A_90, %dma_wait3A_91] : memref<100000x128xf32, #tpu.memory_space<hbm>> -> memref<100000x128xf32, #tpu.memory_space<hbm>>
    tpu.wait_indirect_dma semaphore(%arg9 : memref<!tpu.dma_semaphore, #tpu.memory_space<semaphore_mem>>) src(%dma_wait3A_92 : memref<100000x128xf32, #tpu.memory_space<hbm>>) dst(%dma_wait3A_87 : memref<104x128xf32, #tpu.memory_space<vmem>>)
    %scan3A = arith.constant 0 : i32
    %scan3A_93 = arith.constant 0 : i32
    %scan3A_94 = arith.constant 104 : i32
    %scan3A_95 = arith.addi %scan3A_93, %scan3A_94 : i32
    %scan3A_96 = arith.constant 1 : i32
    scf.for %scan3A_706 = %scan3A_93 to %scan3A_95 step %scan3A_96  : i32 {
      %add3A_707 = arith.constant 0 : i32
      %add3A_708 = arith.addi %scan3A_706, %add3A_707 : i32
      %get3A = arith.constant 0 : i32
      %get3A_709 = arith.index_cast %get3A : i32 to index
      %get3A_710 = arith.index_cast %scan3A_706 : i32 to index
      %get3A_711 = arith.constant 0 : index
      %get3A_712 = tpu.vector_load %arg8[%get3A_709, %get3A_710, %get3A_711] {strides = array<i32>} : memref<6x104x128xf32, #tpu.memory_space<vmem>>, vector<1x1x16xf32>,
      %get3A_713 = vector.shape_cast %get3A_712 : vector<1x1x16xf32> to vector<16xf32>
      %mul3A_714 = arith.constant 11.3137083 : f32
      %mul3A_715 = vector.broadcast %mul3A_714 : f32 to vector<16xf32>
      %mul3A_716 = arith.mulf %get3A_713, %mul3A_715 : vector<16xf32>
      %get3A_717 = arith.index_cast %add3A_708 : i32 to index
      %get3A_718 = arith.constant 0 : index
      %get3A_719 = tpu.vector_load %arg7[%get3A_717, %get3A_718] {strides = array<i32>} : memref<200x128xf32, #tpu.memory_space<vmem>>, vector<1x16xf32>,
      %get3A_720 = vector.shape_cast %get3A_719 : vector<1x16xf32> to vector<16xf32>
      %add3A_721 = arith.addf %mul3A_716, %get3A_720 : vector<16xf32>
      %swap3A = arith.constant 0 : i32
      %swap3A_722 = arith.index_cast %swap3A : i32 to index
      %swap3A_723 = arith.index_cast %scan3A_706 : i32 to index
      %swap3A_724 = arith.constant 0 : index
      %swap3A_725 = tpu.vector_load %arg8[%swap3A_722, %swap3A_723, %swap3A_724] {strides = array<i32>} : memref<6x104x128xf32, #tpu.memory_space<vmem>>, vector<1x1x16xf32>,
      %swap3A_726 = vector.shape_cast %swap3A_725 : vector<1x1x16xf32> to vector<16xf32>
      %swap3A_727 = vector.shape_cast %add3A_721 : vector<16xf32> to vector<1x1x16xf32>
      tpu.vector_store %arg8[%swap3A_722, %swap3A_723, %swap3A_724], %swap3A_727 {strides = array<i32>} : memref<6x104x128xf32, #tpu.memory_space<vmem>>, vector<1x1x16xf32>,
      %get3A_728 = arith.constant 0 : i32
      %get3A_729 = arith.index_cast %get3A_728 : i32 to index
      %get3A_730 = arith.index_cast %scan3A_706 : i32 to index
      %get3A_731 = arith.constant 16 : index
      %get3A_732 = tpu.vector_load %arg8[%get3A_729, %get3A_730, %get3A_731] {strides = array<i32>} : memref<6x104x128xf32, #tpu.memory_space<vmem>>, vector<1x1x16xf32>,
      %get3A_733 = vector.shape_cast %get3A_732 : vector<1x1x16xf32> to vector<16xf32>
      %mul3A_734 = arith.constant 11.3137083 : f32
      %mul3A_735 = vector.broadcast %mul3A_734 : f32 to vector<16xf32>
      %mul3A_736 = arith.mulf %get3A_733, %mul3A_735 : vector<16xf32>
      %get3A_737 = arith.index_cast %add3A_708 : i32 to index
      %get3A_738 = arith.constant 16 : index
      %get3A_739 = tpu.vector_load %arg7[%get3A_737, %get3A_738] {strides = array<i32>} : memref<200x128xf32, #tpu.memory_space<vmem>>, vector<1x16xf32>,
      %get3A_740 = vector.shape_cast %get3A_739 : vector<1x16xf32> to vector<16xf32>
      %add3A_741 = arith.addf %mul3A_736, %get3A_740 : vector<16xf32>
      %swap3A_742 = arith.constant 0 : i32
      %swap3A_743 = arith.index_cast %swap3A_742 : i32 to index
      %swap3A_744 = arith.index_cast %scan3A_706 : i32 to index
      %swap3A_745 = arith.constant 16 : index
      %swap3A_746 = tpu.vector_load %arg8[%swap3A_743, %swap3A_744, %swap3A_745] {strides = array<i32>} : memref<6x104x128xf32, #tpu.memory_space<vmem>>, vector<1x1x16xf32>,
      %swap3A_747 = vector.shape_cast %swap3A_746 : vector<1x1x16xf32> to vector<16xf32>
      %swap3A_748 = vector.shape_cast %add3A_741 : vector<16xf32> to vector<1x1x16xf32>
      tpu.vector_store %arg8[%swap3A_743, %swap3A_744, %swap3A_745], %swap3A_748 {strides = array<i32>} : memref<6x104x128xf32, #tpu.memory_space<vmem>>, vector<1x1x16xf32>,
      %get3A_749 = arith.constant 0 : i32
      %get3A_750 = arith.index_cast %get3A_749 : i32 to index
      %get3A_751 = arith.index_cast %scan3A_706 : i32 to index
      %get3A_752 = arith.constant 32 : index
      %get3A_753 = tpu.vector_load %arg8[%get3A_750, %get3A_751, %get3A_752] {strides = array<i32>} : memref<6x104x128xf32, #tpu.memory_space<vmem>>, vector<1x1x16xf32>,
      %get3A_754 = vector.shape_cast %get3A_753 : vector<1x1x16xf32> to vector<16xf32>
      %mul3A_755 = arith.constant 11.3137083 : f32
      %mul3A_756 = vector.broadcast %mul3A_755 : f32 to vector<16xf32>
      %mul3A_757 = arith.mulf %get3A_754, %mul3A_756 : vector<16xf32>
      %get3A_758 = arith.index_cast %add3A_708 : i32 to index
      %get3A_759 = arith.constant 32 : index
      %get3A_760 = tpu.vector_load %arg7[%get3A_758, %get3A_759] {strides = array<i32>} : memref<200x128xf32, #tpu.memory_space<vmem>>, vector<1x16xf32>,
      %get3A_761 = vector.shape_cast %get3A_760 : vector<1x16xf32> to vector<16xf32>
      %add3A_762 = arith.addf %mul3A_757, %get3A_761 : vector<16xf32>
      %swap3A_763 = arith.constant 0 : i32
      %swap3A_764 = arith.index_cast %swap3A_763 : i32 to index
      %swap3A_765 = arith.index_cast %scan3A_706 : i32 to index
      %swap3A_766 = arith.constant 32 : index
      %swap3A_767 = tpu.vector_load %arg8[%swap3A_764, %swap3A_765, %swap3A_766] {strides = array<i32>} : memref<6x104x128xf32, #tpu.memory_space<vmem>>, vector<1x1x16xf32>,
      %swap3A_768 = vector.shape_cast %swap3A_767 : vector<1x1x16xf32> to vector<16xf32>
      %swap3A_769 = vector.shape_cast %add3A_762 : vector<16xf32> to vector<1x1x16xf32>
      tpu.vector_store %arg8[%swap3A_764, %swap3A_765, %swap3A_766], %swap3A_769 {strides = array<i32>} : memref<6x104x128xf32, #tpu.memory_space<vmem>>, vector<1x1x16xf32>,
      %get3A_770 = arith.constant 0 : i32
      %get3A_771 = arith.index_cast %get3A_770 : i32 to index
      %get3A_772 = arith.index_cast %scan3A_706 : i32 to index
      %get3A_773 = arith.constant 48 : index
      %get3A_774 = tpu.vector_load %arg8[%get3A_771, %get3A_772, %get3A_773] {strides = array<i32>} : memref<6x104x128xf32, #tpu.memory_space<vmem>>, vector<1x1x16xf32>,
      %get3A_775 = vector.shape_cast %get3A_774 : vector<1x1x16xf32> to vector<16xf32>
      %mul3A_776 = arith.constant 11.3137083 : f32
      %mul3A_777 = vector.broadcast %mul3A_776 : f32 to vector<16xf32>
      %mul3A_778 = arith.mulf %get3A_775, %mul3A_777 : vector<16xf32>
      %get3A_779 = arith.index_cast %add3A_708 : i32 to index
      %get3A_780 = arith.constant 48 : index
      %get3A_781 = tpu.vector_load %arg7[%get3A_779, %get3A_780] {strides = array<i32>} : memref<200x128xf32, #tpu.memory_space<vmem>>, vector<1x16xf32>,
      %get3A_782 = vector.shape_cast %get3A_781 : vector<1x16xf32> to vector<16xf32>
      %add3A_783 = arith.addf %mul3A_778, %get3A_782 : vector<16xf32>
      %swap3A_784 = arith.constant 0 : i32
      %swap3A_785 = arith.index_cast %swap3A_784 : i32 to index
      %swap3A_786 = arith.index_cast %scan3A_706 : i32 to index
      %swap3A_787 = arith.constant 48 : index
      %swap3A_788 = tpu.vector_load %arg8[%swap3A_785, %swap3A_786, %swap3A_787] {strides = array<i32>} : memref<6x104x128xf32, #tpu.memory_space<vmem>>, vector<1x1x16xf32>,
      %swap3A_789 = vector.shape_cast %swap3A_788 : vector<1x1x16xf32> to vector<16xf32>
      %swap3A_790 = vector.shape_cast %add3A_783 : vector<16xf32> to vector<1x1x16xf32>
      tpu.vector_store %arg8[%swap3A_785, %swap3A_786, %swap3A_787], %swap3A_790 {strides = array<i32>} : memref<6x104x128xf32, #tpu.memory_space<vmem>>, vector<1x1x16xf32>,
      %get3A_791 = arith.constant 0 : i32
      %get3A_792 = arith.index_cast %get3A_791 : i32 to index
      %get3A_793 = arith.index_cast %scan3A_706 : i32 to index
      %get3A_794 = arith.constant 64 : index
      %get3A_795 = tpu.vector_load %arg8[%get3A_792, %get3A_793, %get3A_794] {strides = array<i32>} : memref<6x104x128xf32, #tpu.memory_space<vmem>>, vector<1x1x16xf32>,
      %get3A_796 = vector.shape_cast %get3A_795 : vector<1x1x16xf32> to vector<16xf32>
      %mul3A_797 = arith.constant 11.3137083 : f32
      %mul3A_798 = vector.broadcast %mul3A_797 : f32 to vector<16xf32>
      %mul3A_799 = arith.mulf %get3A_796, %mul3A_798 : vector<16xf32>
      %get3A_800 = arith.index_cast %add3A_708 : i32 to index
      %get3A_801 = arith.constant 64 : index
      %get3A_802 = tpu.vector_load %arg7[%get3A_800, %get3A_801] {strides = array<i32>} : memref<200x128xf32, #tpu.memory_space<vmem>>, vector<1x16xf32>,
      %get3A_803 = vector.shape_cast %get3A_802 : vector<1x16xf32> to vector<16xf32>
      %add3A_804 = arith.addf %mul3A_799, %get3A_803 : vector<16xf32>
      %swap3A_805 = arith.constant 0 : i32
      %swap3A_806 = arith.index_cast %swap3A_805 : i32 to index
      %swap3A_807 = arith.index_cast %scan3A_706 : i32 to index
      %swap3A_808 = arith.constant 64 : index
      %swap3A_809 = tpu.vector_load %arg8[%swap3A_806, %swap3A_807, %swap3A_808] {strides = array<i32>} : memref<6x104x128xf32, #tpu.memory_space<vmem>>, vector<1x1x16xf32>,
      %swap3A_810 = vector.shape_cast %swap3A_809 : vector<1x1x16xf32> to vector<16xf32>
      %swap3A_811 = vector.shape_cast %add3A_804 : vector<16xf32> to vector<1x1x16xf32>
      tpu.vector_store %arg8[%swap3A_806, %swap3A_807, %swap3A_808], %swap3A_811 {strides = array<i32>} : memref<6x104x128xf32, #tpu.memory_space<vmem>>, vector<1x1x16xf32>,
      %get3A_812 = arith.constant 0 : i32
      %get3A_813 = arith.index_cast %get3A_812 : i32 to index
      %get3A_814 = arith.index_cast %scan3A_706 : i32 to index
      %get3A_815 = arith.constant 80 : index
      %get3A_816 = tpu.vector_load %arg8[%get3A_813, %get3A_814, %get3A_815] {strides = array<i32>} : memref<6x104x128xf32, #tpu.memory_space<vmem>>, vector<1x1x16xf32>,
      %get3A_817 = vector.shape_cast %get3A_816 : vector<1x1x16xf32> to vector<16xf32>
      %mul3A_818 = arith.constant 11.3137083 : f32
      %mul3A_819 = vector.broadcast %mul3A_818 : f32 to vector<16xf32>
      %mul3A_820 = arith.mulf %get3A_817, %mul3A_819 : vector<16xf32>
      %get3A_821 = arith.index_cast %add3A_708 : i32 to index
      %get3A_822 = arith.constant 80 : index
      %get3A_823 = tpu.vector_load %arg7[%get3A_821, %get3A_822] {strides = array<i32>} : memref<200x128xf32, #tpu.memory_space<vmem>>, vector<1x16xf32>,
      %get3A_824 = vector.shape_cast %get3A_823 : vector<1x16xf32> to vector<16xf32>
      %add3A_825 = arith.addf %mul3A_820, %get3A_824 : vector<16xf32>
      %swap3A_826 = arith.constant 0 : i32
      %swap3A_827 = arith.index_cast %swap3A_826 : i32 to index
      %swap3A_828 = arith.index_cast %scan3A_706 : i32 to index
      %swap3A_829 = arith.constant 80 : index
      %swap3A_830 = tpu.vector_load %arg8[%swap3A_827, %swap3A_828, %swap3A_829] {strides = array<i32>} : memref<6x104x128xf32, #tpu.memory_space<vmem>>, vector<1x1x16xf32>,
      %swap3A_831 = vector.shape_cast %swap3A_830 : vector<1x1x16xf32> to vector<16xf32>
      %swap3A_832 = vector.shape_cast %add3A_825 : vector<16xf32> to vector<1x1x16xf32>
      tpu.vector_store %arg8[%swap3A_827, %swap3A_828, %swap3A_829], %swap3A_832 {strides = array<i32>} : memref<6x104x128xf32, #tpu.memory_space<vmem>>, vector<1x1x16xf32>,
      %get3A_833 = arith.constant 0 : i32
      %get3A_834 = arith.index_cast %get3A_833 : i32 to index
      %get3A_835 = arith.index_cast %scan3A_706 : i32 to index
      %get3A_836 = arith.constant 96 : index
      %get3A_837 = tpu.vector_load %arg8[%get3A_834, %get3A_835, %get3A_836] {strides = array<i32>} : memref<6x104x128xf32, #tpu.memory_space<vmem>>, vector<1x1x16xf32>,
      %get3A_838 = vector.shape_cast %get3A_837 : vector<1x1x16xf32> to vector<16xf32>
      %mul3A_839 = arith.constant 11.3137083 : f32
      %mul3A_840 = vector.broadcast %mul3A_839 : f32 to vector<16xf32>
      %mul3A_841 = arith.mulf %get3A_838, %mul3A_840 : vector<16xf32>
      %get3A_842 = arith.index_cast %add3A_708 : i32 to index
      %get3A_843 = arith.constant 96 : index
      %get3A_844 = tpu.vector_load %arg7[%get3A_842, %get3A_843] {strides = array<i32>} : memref<200x128xf32, #tpu.memory_space<vmem>>, vector<1x16xf32>,
      %get3A_845 = vector.shape_cast %get3A_844 : vector<1x16xf32> to vector<16xf32>
      %add3A_846 = arith.addf %mul3A_841, %get3A_845 : vector<16xf32>
      %swap3A_847 = arith.constant 0 : i32
      %swap3A_848 = arith.index_cast %swap3A_847 : i32 to index
      %swap3A_849 = arith.index_cast %scan3A_706 : i32 to index
      %swap3A_850 = arith.constant 96 : index
      %swap3A_851 = tpu.vector_load %arg8[%swap3A_848, %swap3A_849, %swap3A_850] {strides = array<i32>} : memref<6x104x128xf32, #tpu.memory_space<vmem>>, vector<1x1x16xf32>,
      %swap3A_852 = vector.shape_cast %swap3A_851 : vector<1x1x16xf32> to vector<16xf32>
      %swap3A_853 = vector.shape_cast %add3A_846 : vector<16xf32> to vector<1x1x16xf32>
      tpu.vector_store %arg8[%swap3A_848, %swap3A_849, %swap3A_850], %swap3A_853 {strides = array<i32>} : memref<6x104x128xf32, #tpu.memory_space<vmem>>, vector<1x1x16xf32>,
      %get3A_854 = arith.constant 0 : i32
      %get3A_855 = arith.index_cast %get3A_854 : i32 to index
      %get3A_856 = arith.index_cast %scan3A_706 : i32 to index
      %get3A_857 = arith.constant 112 : index
      %get3A_858 = tpu.vector_load %arg8[%get3A_855, %get3A_856, %get3A_857] {strides = array<i32>} : memref<6x104x128xf32, #tpu.memory_space<vmem>>, vector<1x1x16xf32>,
      %get3A_859 = vector.shape_cast %get3A_858 : vector<1x1x16xf32> to vector<16xf32>
      %mul3A_860 = arith.constant 11.3137083 : f32
      %mul3A_861 = vector.broadcast %mul3A_860 : f32 to vector<16xf32>
      %mul3A_862 = arith.mulf %get3A_859, %mul3A_861 : vector<16xf32>
      %get3A_863 = arith.index_cast %add3A_708 : i32 to index
      %get3A_864 = arith.constant 112 : index
      %get3A_865 = tpu.vector_load %arg7[%get3A_863, %get3A_864] {strides = array<i32>} : memref<200x128xf32, #tpu.memory_space<vmem>>, vector<1x16xf32>,
      %get3A_866 = vector.shape_cast %get3A_865 : vector<1x16xf32> to vector<16xf32>
      %add3A_867 = arith.addf %mul3A_862, %get3A_866 : vector<16xf32>
      %swap3A_868 = arith.constant 0 : i32
      %swap3A_869 = arith.index_cast %swap3A_868 : i32 to index
      %swap3A_870 = arith.index_cast %scan3A_706 : i32 to index
      %swap3A_871 = arith.constant 112 : index
      %swap3A_872 = tpu.vector_load %arg8[%swap3A_869, %swap3A_870, %swap3A_871] {strides = array<i32>} : memref<6x104x128xf32, #tpu.memory_space<vmem>>, vector<1x1x16xf32>,
      %swap3A_873 = vector.shape_cast %swap3A_872 : vector<1x1x16xf32> to vector<16xf32>
      %swap3A_874 = vector.shape_cast %add3A_867 : vector<16xf32> to vector<1x1x16xf32>
      tpu.vector_store %arg8[%swap3A_869, %swap3A_870, %swap3A_871], %swap3A_874 {strides = array<i32>} : memref<6x104x128xf32, #tpu.memory_space<vmem>>, vector<1x1x16xf32>,
    }
    %scan3A_97 = arith.constant 104 : i32
    %add3A_98 = arith.constant 0 : i32
    %add3A_99 = arith.addi %mul3A_2, %add3A_98 : i32
    %dma_start3A_100 = arith.constant 0 : i32
    %dma_start3A_101 = arith.constant 0 : i32
    %dma_start3A_102 = arith.constant 0 : i32
    %dma_start3A_103 = tpu.memref_slice %arg8[%dma_start3A_100, %dma_start3A_101, %dma_start3A_102] : memref<6x104x128xf32, #tpu.memory_space<vmem>> -> memref<1x104x128xf32, #tpu.memory_space<vmem>>
    %dma_start3A_104 = tpu.memref_squeeze %dma_start3A_103 : memref<1x104x128xf32, #tpu.memory_space<vmem>> -> memref<104x128xf32, #tpu.memory_space<vmem>>
    %dma_start3A_105 = arith.constant 0 : i32
    %dma_start3A_106 = arith.constant 0 : i32
    %dma_start3A_107 = tpu.memref_slice %arg5[%add3A_99, %dma_start3A_105, %dma_start3A_106] : memref<1024x200x128xf32, #tpu.memory_space<hbm>> -> memref<1x104x128xf32, #tpu.memory_space<hbm>>
    %dma_start3A_108 = tpu.memref_squeeze %dma_start3A_107 : memref<1x104x128xf32, #tpu.memory_space<hbm>> -> memref<104x128xf32, #tpu.memory_space<hbm>>
    %dma_start3A_109 = arith.constant 0 : i32
    %dma_start3A_110 = arith.constant 0 : i32
    %dma_start3A_111 = tpu.memref_slice %arg5[%add3A_99, %dma_start3A_109, %dma_start3A_110] : memref<1024x200x128xf32, #tpu.memory_space<hbm>> -> memref<1x104x128xf32, #tpu.memory_space<hbm>>
    %dma_start3A_112 = tpu.memref_squeeze %dma_start3A_111 : memref<1x104x128xf32, #tpu.memory_space<hbm>> -> memref<104x128xf32, #tpu.memory_space<hbm>>
    %dma_start3A_113 = arith.constant 0 : i32
    %dma_start3A_114 = arith.constant 0 : i32
    %dma_start3A_115 = tpu.memref_slice %arg8[%dma_start3A_100, %dma_start3A_113, %dma_start3A_114] : memref<6x104x128xf32, #tpu.memory_space<vmem>> -> memref<1x104x128xf32, #tpu.memory_space<vmem>>
    %dma_start3A_116 = tpu.memref_squeeze %dma_start3A_115 : memref<1x104x128xf32, #tpu.memory_space<vmem>> -> memref<104x128xf32, #tpu.memory_space<vmem>>
    tpu.enqueue_dma source(%dma_start3A_116 : memref<104x128xf32, #tpu.memory_space<vmem>>) target(%dma_start3A_112 : memref<104x128xf32, #tpu.memory_space<hbm>>) target_semaphore(%arg15 : memref<!tpu.dma_semaphore, #tpu.memory_space<semaphore_mem>>)
    %add3A_117 = arith.constant 2 : i32
    %add3A_118 = arith.addi %mul3A_2, %add3A_117 : i32
    %dma_start3A_119 = arith.constant 5 : i32
    %dma_start3A_120 = arith.constant 0 : i32
    %dma_start3A_121 = arith.constant 0 : i32
    %dma_start3A_122 = tpu.memref_slice %arg8[%dma_start3A_119, %dma_start3A_120, %dma_start3A_121] : memref<6x104x128xf32, #tpu.memory_space<vmem>> -> memref<1x96x128xf32, #tpu.memory_space<vmem>>
    %dma_start3A_123 = tpu.memref_squeeze %dma_start3A_122 : memref<1x96x128xf32, #tpu.memory_space<vmem>> -> memref<96x128xf32, #tpu.memory_space<vmem>>
    %dma_start3A_124 = arith.constant 504 : i32
    %dma_start3A_125 = tpu.memref_slice %arg6[%dma_start3A_124] : memref<6400xi32, #tpu.memory_space<vmem>> -> memref<96xi32, #tpu.memory_space<vmem>>
    %dma_start3A_126 = arith.constant 0 : i32
    %dma_start3A_127 = arith.constant 0 : i32
    %dma_start3A_128 = tpu.memref_slice %arg3[%dma_start3A_126, %dma_start3A_127] : memref<100000x128xf32, #tpu.memory_space<hbm>> -> memref<100000x128xf32, #tpu.memory_space<hbm>>
    tpu.enqueue_indirect_dma source(%dma_start3A_128 : memref<100000x128xf32, #tpu.memory_space<hbm>>) target(%dma_start3A_123 : memref<96x128xf32, #tpu.memory_space<vmem>>) offsets(%dma_start3A_125 : memref<96xi32, #tpu.memory_space<vmem>>) semaphore(%arg14 : memref<!tpu.dma_semaphore, #tpu.memory_space<semaphore_mem>>)
    %add3A_129 = arith.constant 0 : i32
    %add3A_130 = arith.addi %mul3A_2, %add3A_129 : i32
    %dma_wait3A_131 = arith.constant 1 : i32
    %dma_wait3A_132 = arith.constant 0 : i32
    %dma_wait3A_133 = arith.constant 0 : i32
    %dma_wait3A_134 = tpu.memref_slice %arg8[%dma_wait3A_131, %dma_wait3A_132, %dma_wait3A_133] : memref<6x104x128xf32, #tpu.memory_space<vmem>> -> memref<1x96x128xf32, #tpu.memory_space<vmem>>
    %dma_wait3A_135 = tpu.memref_squeeze %dma_wait3A_134 : memref<1x96x128xf32, #tpu.memory_space<vmem>> -> memref<96x128xf32, #tpu.memory_space<vmem>>
    %dma_wait3A_136 = arith.constant 104 : i32
    %dma_wait3A_137 = tpu.memref_slice %arg6[%dma_wait3A_136] : memref<6400xi32, #tpu.memory_space<vmem>> -> memref<96xi32, #tpu.memory_space<vmem>>
    %dma_wait3A_138 = arith.constant 0 : i32
    %dma_wait3A_139 = arith.constant 0 : i32
    %dma_wait3A_140 = tpu.memref_slice %arg3[%dma_wait3A_138, %dma_wait3A_139] : memref<100000x128xf32, #tpu.memory_space<hbm>> -> memref<100000x128xf32, #tpu.memory_space<hbm>>
    tpu.wait_indirect_dma semaphore(%arg10 : memref<!tpu.dma_semaphore, #tpu.memory_space<semaphore_mem>>) src(%dma_wait3A_140 : memref<100000x128xf32, #tpu.memory_space<hbm>>) dst(%dma_wait3A_135 : memref<96x128xf32, #tpu.memory_space<vmem>>)
    %scan3A_141 = arith.constant 0 : i32
    %scan3A_142 = arith.constant 0 : i32
    %scan3A_143 = arith.constant 96 : i32
    %scan3A_144 = arith.addi %scan3A_142, %scan3A_143 : i32
    %scan3A_145 = arith.constant 1 : i32
    scf.for %scan3A_706 = %scan3A_142 to %scan3A_144 step %scan3A_145  : i32 {
      %add3A_707 = arith.constant 104 : i32
      %add3A_708 = arith.addi %scan3A_706, %add3A_707 : i32
      %get3A = arith.constant 1 : i32
      %get3A_709 = arith.index_cast %get3A : i32 to index
      %get3A_710 = arith.index_cast %scan3A_706 : i32 to index
      %get3A_711 = arith.constant 0 : index
      %get3A_712 = tpu.vector_load %arg8[%get3A_709, %get3A_710, %get3A_711] {strides = array<i32>} : memref<6x104x128xf32, #tpu.memory_space<vmem>>, vector<1x1x16xf32>,
      %get3A_713 = vector.shape_cast %get3A_712 : vector<1x1x16xf32> to vector<16xf32>
      %mul3A_714 = arith.constant 11.3137083 : f32
      %mul3A_715 = vector.broadcast %mul3A_714 : f32 to vector<16xf32>
      %mul3A_716 = arith.mulf %get3A_713, %mul3A_715 : vector<16xf32>
      %get3A_717 = arith.index_cast %add3A_708 : i32 to index
      %get3A_718 = arith.constant 0 : index
      %get3A_719 = tpu.vector_load %arg7[%get3A_717, %get3A_718] {strides = array<i32>} : memref<200x128xf32, #tpu.memory_space<vmem>>, vector<1x16xf32>,
      %get3A_720 = vector.shape_cast %get3A_719 : vector<1x16xf32> to vector<16xf32>
      %add3A_721 = arith.addf %mul3A_716, %get3A_720 : vector<16xf32>
      %swap3A = arith.constant 1 : i32
      %swap3A_722 = arith.index_cast %swap3A : i32 to index
      %swap3A_723 = arith.index_cast %scan3A_706 : i32 to index
      %swap3A_724 = arith.constant 0 : index
      %swap3A_725 = tpu.vector_load %arg8[%swap3A_722, %swap3A_723, %swap3A_724] {strides = array<i32>} : memref<6x104x128xf32, #tpu.memory_space<vmem>>, vector<1x1x16xf32>,
      %swap3A_726 = vector.shape_cast %swap3A_725 : vector<1x1x16xf32> to vector<16xf32>
      %swap3A_727 = vector.shape_cast %add3A_721 : vector<16xf32> to vector<1x1x16xf32>
      tpu.vector_store %arg8[%swap3A_722, %swap3A_723, %swap3A_724], %swap3A_727 {strides = array<i32>} : memref<6x104x128xf32, #tpu.memory_space<vmem>>, vector<1x1x16xf32>,
      %get3A_728 = arith.constant 1 : i32
      %get3A_729 = arith.index_cast %get3A_728 : i32 to index
      %get3A_730 = arith.index_cast %scan3A_706 : i32 to index
      %get3A_731 = arith.constant 16 : index
      %get3A_732 = tpu.vector_load %arg8[%get3A_729, %get3A_730, %get3A_731] {strides = array<i32>} : memref<6x104x128xf32, #tpu.memory_space<vmem>>, vector<1x1x16xf32>,
      %get3A_733 = vector.shape_cast %get3A_732 : vector<1x1x16xf32> to vector<16xf32>
      %mul3A_734 = arith.constant 11.3137083 : f32
      %mul3A_735 = vector.broadcast %mul3A_734 : f32 to vector<16xf32>
      %mul3A_736 = arith.mulf %get3A_733, %mul3A_735 : vector<16xf32>
      %get3A_737 = arith.index_cast %add3A_708 : i32 to index
      %get3A_738 = arith.constant 16 : index
      %get3A_739 = tpu.vector_load %arg7[%get3A_737, %get3A_738] {strides = array<i32>} : memref<200x128xf32, #tpu.memory_space<vmem>>, vector<1x16xf32>,
      %get3A_740 = vector.shape_cast %get3A_739 : vector<1x16xf32> to vector<16xf32>
      %add3A_741 = arith.addf %mul3A_736, %get3A_740 : vector<16xf32>
      %swap3A_742 = arith.constant 1 : i32
      %swap3A_743 = arith.index_cast %swap3A_742 : i32 to index
      %swap3A_744 = arith.index_cast %scan3A_706 : i32 to index
      %swap3A_745 = arith.constant 16 : index
      %swap3A_746 = tpu.vector_load %arg8[%swap3A_743, %swap3A_744, %swap3A_745] {strides = array<i32>} : memref<6x104x128xf32, #tpu.memory_space<vmem>>, vector<1x1x16xf32>,
      %swap3A_747 = vector.shape_cast %swap3A_746 : vector<1x1x16xf32> to vector<16xf32>
      %swap3A_748 = vector.shape_cast %add3A_741 : vector<16xf32> to vector<1x1x16xf32>
      tpu.vector_store %arg8[%swap3A_743, %swap3A_744, %swap3A_745], %swap3A_748 {strides = array<i32>} : memref<6x104x128xf32, #tpu.memory_space<vmem>>, vector<1x1x16xf32>,
      %get3A_749 = arith.constant 1 : i32
      %get3A_750 = arith.index_cast %get3A_749 : i32 to index
      %get3A_751 = arith.index_cast %scan3A_706 : i32 to index
      %get3A_752 = arith.constant 32 : index
      %get3A_753 = tpu.vector_load %arg8[%get3A_750, %get3A_751, %get3A_752] {strides = array<i32>} : memref<6x104x128xf32, #tpu.memory_space<vmem>>, vector<1x1x16xf32>,
      %get3A_754 = vector.shape_cast %get3A_753 : vector<1x1x16xf32> to vector<16xf32>
      %mul3A_755 = arith.constant 11.3137083 : f32
      %mul3A_756 = vector.broadcast %mul3A_755 : f32 to vector<16xf32>
      %mul3A_757 = arith.mulf %get3A_754, %mul3A_756 : vector<16xf32>
      %get3A_758 = arith.index_cast %add3A_708 : i32 to index
      %get3A_759 = arith.constant 32 : index
      %get3A_760 = tpu.vector_load %arg7[%get3A_758, %get3A_759] {strides = array<i32>} : memref<200x128xf32, #tpu.memory_space<vmem>>, vector<1x16xf32>,
      %get3A_761 = vector.shape_cast %get3A_760 : vector<1x16xf32> to vector<16xf32>
      %add3A_762 = arith.addf %mul3A_757, %get3A_761 : vector<16xf32>
      %swap3A_763 = arith.constant 1 : i32
      %swap3A_764 = arith.index_cast %swap3A_763 : i32 to index
      %swap3A_765 = arith.index_cast %scan3A_706 : i32 to index
      %swap3A_766 = arith.constant 32 : index
      %swap3A_767 = tpu.vector_load %arg8[%swap3A_764, %swap3A_765, %swap3A_766] {strides = array<i32>} : memref<6x104x128xf32, #tpu.memory_space<vmem>>, vector<1x1x16xf32>,
      %swap3A_768 = vector.shape_cast %swap3A_767 : vector<1x1x16xf32> to vector<16xf32>
      %swap3A_769 = vector.shape_cast %add3A_762 : vector<16xf32> to vector<1x1x16xf32>
      tpu.vector_store %arg8[%swap3A_764, %swap3A_765, %swap3A_766], %swap3A_769 {strides = array<i32>} : memref<6x104x128xf32, #tpu.memory_space<vmem>>, vector<1x1x16xf32>,
      %get3A_770 = arith.constant 1 : i32
      %get3A_771 = arith.index_cast %get3A_770 : i32 to index
      %get3A_772 = arith.index_cast %scan3A_706 : i32 to index
      %get3A_773 = arith.constant 48 : index
      %get3A_774 = tpu.vector_load %arg8[%get3A_771, %get3A_772, %get3A_773] {strides = array<i32>} : memref<6x104x128xf32, #tpu.memory_space<vmem>>, vector<1x1x16xf32>,
      %get3A_775 = vector.shape_cast %get3A_774 : vector<1x1x16xf32> to vector<16xf32>
      %mul3A_776 = arith.constant 11.3137083 : f32
      %mul3A_777 = vector.broadcast %mul3A_776 : f32 to vector<16xf32>
      %mul3A_778 = arith.mulf %get3A_775, %mul3A_777 : vector<16xf32>
      %get3A_779 = arith.index_cast %add3A_708 : i32 to index
      %get3A_780 = arith.constant 48 : index
      %get3A_781 = tpu.vector_load %arg7[%get3A_779, %get3A_780] {strides = array<i32>} : memref<200x128xf32, #tpu.memory_space<vmem>>, vector<1x16xf32>,
      %get3A_782 = vector.shape_cast %get3A_781 : vector<1x16xf32> to vector<16xf32>
      %add3A_783 = arith.addf %mul3A_778, %get3A_782 : vector<16xf32>
      %swap3A_784 = arith.constant 1 : i32
      %swap3A_785 = arith.index_cast %swap3A_784 : i32 to index
      %swap3A_786 = arith.index_cast %scan3A_706 : i32 to index
      %swap3A_787 = arith.constant 48 : index
      %swap3A_788 = tpu.vector_load %arg8[%swap3A_785, %swap3A_786, %swap3A_787] {strides = array<i32>} : memref<6x104x128xf32, #tpu.memory_space<vmem>>, vector<1x1x16xf32>,
      %swap3A_789 = vector.shape_cast %swap3A_788 : vector<1x1x16xf32> to vector<16xf32>
      %swap3A_790 = vector.shape_cast %add3A_783 : vector<16xf32> to vector<1x1x16xf32>
      tpu.vector_store %arg8[%swap3A_785, %swap3A_786, %swap3A_787], %swap3A_790 {strides = array<i32>} : memref<6x104x128xf32, #tpu.memory_space<vmem>>, vector<1x1x16xf32>,
      %get3A_791 = arith.constant 1 : i32
      %get3A_792 = arith.index_cast %get3A_791 : i32 to index
      %get3A_793 = arith.index_cast %scan3A_706 : i32 to index
      %get3A_794 = arith.constant 64 : index
      %get3A_795 = tpu.vector_load %arg8[%get3A_792, %get3A_793, %get3A_794] {strides = array<i32>} : memref<6x104x128xf32, #tpu.memory_space<vmem>>, vector<1x1x16xf32>,
      %get3A_796 = vector.shape_cast %get3A_795 : vector<1x1x16xf32> to vector<16xf32>
      %mul3A_797 = arith.constant 11.3137083 : f32
      %mul3A_798 = vector.broadcast %mul3A_797 : f32 to vector<16xf32>
      %mul3A_799 = arith.mulf %get3A_796, %mul3A_798 : vector<16xf32>
      %get3A_800 = arith.index_cast %add3A_708 : i32 to index
      %get3A_801 = arith.constant 64 : index
      %get3A_802 = tpu.vector_load %arg7[%get3A_800, %get3A_801] {strides = array<i32>} : memref<200x128xf32, #tpu.memory_space<vmem>>, vector<1x16xf32>,
      %get3A_803 = vector.shape_cast %get3A_802 : vector<1x16xf32> to vector<16xf32>
      %add3A_804 = arith.addf %mul3A_799, %get3A_803 : vector<16xf32>
      %swap3A_805 = arith.constant 1 : i32
      %swap3A_806 = arith.index_cast %swap3A_805 : i32 to index
      %swap3A_807 = arith.index_cast %scan3A_706 : i32 to index
      %swap3A_808 = arith.constant 64 : index
      %swap3A_809 = tpu.vector_load %arg8[%swap3A_806, %swap3A_807, %swap3A_808] {strides = array<i32>} : memref<6x104x128xf32, #tpu.memory_space<vmem>>, vector<1x1x16xf32>,
      %swap3A_810 = vector.shape_cast %swap3A_809 : vector<1x1x16xf32> to vector<16xf32>
      %swap3A_811 = vector.shape_cast %add3A_804 : vector<16xf32> to vector<1x1x16xf32>
      tpu.vector_store %arg8[%swap3A_806, %swap3A_807, %swap3A_808], %swap3A_811 {strides = array<i32>} : memref<6x104x128xf32, #tpu.memory_space<vmem>>, vector<1x1x16xf32>,
      %get3A_812 = arith.constant 1 : i32
      %get3A_813 = arith.index_cast %get3A_812 : i32 to index
      %get3A_814 = arith.index_cast %scan3A_706 : i32 to index
      %get3A_815 = arith.constant 80 : index
      %get3A_816 = tpu.vector_load %arg8[%get3A_813, %get3A_814, %get3A_815] {strides = array<i32>} : memref<6x104x128xf32, #tpu.memory_space<vmem>>, vector<1x1x16xf32>,
      %get3A_817 = vector.shape_cast %get3A_816 : vector<1x1x16xf32> to vector<16xf32>
      %mul3A_818 = arith.constant 11.3137083 : f32
      %mul3A_819 = vector.broadcast %mul3A_818 : f32 to vector<16xf32>
      %mul3A_820 = arith.mulf %get3A_817, %mul3A_819 : vector<16xf32>
      %get3A_821 = arith.index_cast %add3A_708 : i32 to index
      %get3A_822 = arith.constant 80 : index
      %get3A_823 = tpu.vector_load %arg7[%get3A_821, %get3A_822] {strides = array<i32>} : memref<200x128xf32, #tpu.memory_space<vmem>>, vector<1x16xf32>,
      %get3A_824 = vector.shape_cast %get3A_823 : vector<1x16xf32> to vector<16xf32>
      %add3A_825 = arith.addf %mul3A_820, %get3A_824 : vector<16xf32>
      %swap3A_826 = arith.constant 1 : i32
      %swap3A_827 = arith.index_cast %swap3A_826 : i32 to index
      %swap3A_828 = arith.index_cast %scan3A_706 : i32 to index
      %swap3A_829 = arith.constant 80 : index
      %swap3A_830 = tpu.vector_load %arg8[%swap3A_827, %swap3A_828, %swap3A_829] {strides = array<i32>} : memref<6x104x128xf32, #tpu.memory_space<vmem>>, vector<1x1x16xf32>,
      %swap3A_831 = vector.shape_cast %swap3A_830 : vector<1x1x16xf32> to vector<16xf32>
      %swap3A_832 = vector.shape_cast %add3A_825 : vector<16xf32> to vector<1x1x16xf32>
      tpu.vector_store %arg8[%swap3A_827, %swap3A_828, %swap3A_829], %swap3A_832 {strides = array<i32>} : memref<6x104x128xf32, #tpu.memory_space<vmem>>, vector<1x1x16xf32>,
      %get3A_833 = arith.constant 1 : i32
      %get3A_834 = arith.index_cast %get3A_833 : i32 to index
      %get3A_835 = arith.index_cast %scan3A_706 : i32 to index
      %get3A_836 = arith.constant 96 : index
      %get3A_837 = tpu.vector_load %arg8[%get3A_834, %get3A_835, %get3A_836] {strides = array<i32>} : memref<6x104x128xf32, #tpu.memory_space<vmem>>, vector<1x1x16xf32>,
      %get3A_838 = vector.shape_cast %get3A_837 : vector<1x1x16xf32> to vector<16xf32>
      %mul3A_839 = arith.constant 11.3137083 : f32
      %mul3A_840 = vector.broadcast %mul3A_839 : f32 to vector<16xf32>
      %mul3A_841 = arith.mulf %get3A_838, %mul3A_840 : vector<16xf32>
      %get3A_842 = arith.index_cast %add3A_708 : i32 to index
      %get3A_843 = arith.constant 96 : index
      %get3A_844 = tpu.vector_load %arg7[%get3A_842, %get3A_843] {strides = array<i32>} : memref<200x128xf32, #tpu.memory_space<vmem>>, vector<1x16xf32>,
      %get3A_845 = vector.shape_cast %get3A_844 : vector<1x16xf32> to vector<16xf32>
      %add3A_846 = arith.addf %mul3A_841, %get3A_845 : vector<16xf32>
      %swap3A_847 = arith.constant 1 : i32
      %swap3A_848 = arith.index_cast %swap3A_847 : i32 to index
      %swap3A_849 = arith.index_cast %scan3A_706 : i32 to index
      %swap3A_850 = arith.constant 96 : index
      %swap3A_851 = tpu.vector_load %arg8[%swap3A_848, %swap3A_849, %swap3A_850] {strides = array<i32>} : memref<6x104x128xf32, #tpu.memory_space<vmem>>, vector<1x1x16xf32>,
      %swap3A_852 = vector.shape_cast %swap3A_851 : vector<1x1x16xf32> to vector<16xf32>
      %swap3A_853 = vector.shape_cast %add3A_846 : vector<16xf32> to vector<1x1x16xf32>
      tpu.vector_store %arg8[%swap3A_848, %swap3A_849, %swap3A_850], %swap3A_853 {strides = array<i32>} : memref<6x104x128xf32, #tpu.memory_space<vmem>>, vector<1x1x16xf32>,
      %get3A_854 = arith.constant 1 : i32
      %get3A_855 = arith.index_cast %get3A_854 : i32 to index
      %get3A_856 = arith.index_cast %scan3A_706 : i32 to index
      %get3A_857 = arith.constant 112 : index
      %get3A_858 = tpu.vector_load %arg8[%get3A_855, %get3A_856, %get3A_857] {strides = array<i32>} : memref<6x104x128xf32, #tpu.memory_space<vmem>>, vector<1x1x16xf32>,
      %get3A_859 = vector.shape_cast %get3A_858 : vector<1x1x16xf32> to vector<16xf32>
      %mul3A_860 = arith.constant 11.3137083 : f32
      %mul3A_861 = vector.broadcast %mul3A_860 : f32 to vector<16xf32>
      %mul3A_862 = arith.mulf %get3A_859, %mul3A_861 : vector<16xf32>
      %get3A_863 = arith.index_cast %add3A_708 : i32 to index
      %get3A_864 = arith.constant 112 : index
      %get3A_865 = tpu.vector_load %arg7[%get3A_863, %get3A_864] {strides = array<i32>} : memref<200x128xf32, #tpu.memory_space<vmem>>, vector<1x16xf32>,
      %get3A_866 = vector.shape_cast %get3A_865 : vector<1x16xf32> to vector<16xf32>
      %add3A_867 = arith.addf %mul3A_862, %get3A_866 : vector<16xf32>
      %swap3A_868 = arith.constant 1 : i32
      %swap3A_869 = arith.index_cast %swap3A_868 : i32 to index
      %swap3A_870 = arith.index_cast %scan3A_706 : i32 to index
      %swap3A_871 = arith.constant 112 : index
      %swap3A_872 = tpu.vector_load %arg8[%swap3A_869, %swap3A_870, %swap3A_871] {strides = array<i32>} : memref<6x104x128xf32, #tpu.memory_space<vmem>>, vector<1x1x16xf32>,
      %swap3A_873 = vector.shape_cast %swap3A_872 : vector<1x1x16xf32> to vector<16xf32>
      %swap3A_874 = vector.shape_cast %add3A_867 : vector<16xf32> to vector<1x1x16xf32>
      tpu.vector_store %arg8[%swap3A_869, %swap3A_870, %swap3A_871], %swap3A_874 {strides = array<i32>} : memref<6x104x128xf32, #tpu.memory_space<vmem>>, vector<1x1x16xf32>,
    }
    %scan3A_146 = arith.constant 96 : i32
    %add3A_147 = arith.constant 0 : i32
    %add3A_148 = arith.addi %mul3A_2, %add3A_147 : i32
    %dma_start3A_149 = arith.constant 1 : i32
    %dma_start3A_150 = arith.constant 0 : i32
    %dma_start3A_151 = arith.constant 0 : i32
    %dma_start3A_152 = tpu.memref_slice %arg8[%dma_start3A_149, %dma_start3A_150, %dma_start3A_151] : memref<6x104x128xf32, #tpu.memory_space<vmem>> -> memref<1x96x128xf32, #tpu.memory_space<vmem>>
    %dma_start3A_153 = tpu.memref_squeeze %dma_start3A_152 : memref<1x96x128xf32, #tpu.memory_space<vmem>> -> memref<96x128xf32, #tpu.memory_space<vmem>>
    %dma_start3A_154 = arith.constant 104 : i32
    %dma_start3A_155 = arith.constant 0 : i32
    %dma_start3A_156 = tpu.memref_slice %arg5[%add3A_148, %dma_start3A_154, %dma_start3A_155] : memref<1024x200x128xf32, #tpu.memory_space<hbm>> -> memref<1x96x128xf32, #tpu.memory_space<hbm>>
    %dma_start3A_157 = tpu.memref_squeeze %dma_start3A_156 : memref<1x96x128xf32, #tpu.memory_space<hbm>> -> memref<96x128xf32, #tpu.memory_space<hbm>>
    %dma_start3A_158 = arith.constant 104 : i32
    %dma_start3A_159 = arith.constant 0 : i32
    %dma_start3A_160 = tpu.memref_slice %arg5[%add3A_148, %dma_start3A_158, %dma_start3A_159] : memref<1024x200x128xf32, #tpu.memory_space<hbm>> -> memref<1x96x128xf32, #tpu.memory_space<hbm>>
    %dma_start3A_161 = tpu.memref_squeeze %dma_start3A_160 : memref<1x96x128xf32, #tpu.memory_space<hbm>> -> memref<96x128xf32, #tpu.memory_space<hbm>>
    %dma_start3A_162 = arith.constant 0 : i32
    %dma_start3A_163 = arith.constant 0 : i32
    %dma_start3A_164 = tpu.memref_slice %arg8[%dma_start3A_149, %dma_start3A_162, %dma_start3A_163] : memref<6x104x128xf32, #tpu.memory_space<vmem>> -> memref<1x96x128xf32, #tpu.memory_space<vmem>>
    %dma_start3A_165 = tpu.memref_squeeze %dma_start3A_164 : memref<1x96x128xf32, #tpu.memory_space<vmem>> -> memref<96x128xf32, #tpu.memory_space<vmem>>
    tpu.enqueue_dma source(%dma_start3A_165 : memref<96x128xf32, #tpu.memory_space<vmem>>) target(%dma_start3A_161 : memref<96x128xf32, #tpu.memory_space<hbm>>) target_semaphore(%arg16 : memref<!tpu.dma_semaphore, #tpu.memory_space<semaphore_mem>>)
    %add3A_166 = arith.constant 0 : i32
    %add3A_167 = arith.addi %mul3A_2, %add3A_166 : i32
    %dma_wait3A_168 = arith.constant 0 : i32
    %dma_wait3A_169 = arith.constant 0 : i32
    %dma_wait3A_170 = arith.constant 0 : i32
    %dma_wait3A_171 = tpu.memref_slice %arg8[%dma_wait3A_168, %dma_wait3A_169, %dma_wait3A_170] : memref<6x104x128xf32, #tpu.memory_space<vmem>> -> memref<1x104x128xf32, #tpu.memory_space<vmem>>
    %dma_wait3A_172 = tpu.memref_squeeze %dma_wait3A_171 : memref<1x104x128xf32, #tpu.memory_space<vmem>> -> memref<104x128xf32, #tpu.memory_space<vmem>>
    %dma_wait3A_173 = arith.constant 0 : i32
    %dma_wait3A_174 = arith.constant 0 : i32
    %dma_wait3A_175 = tpu.memref_slice %arg5[%add3A_167, %dma_wait3A_173, %dma_wait3A_174] : memref<1024x200x128xf32, #tpu.memory_space<hbm>> -> memref<1x104x128xf32, #tpu.memory_space<hbm>>
    %dma_wait3A_176 = tpu.memref_squeeze %dma_wait3A_175 : memref<1x104x128xf32, #tpu.memory_space<hbm>> -> memref<104x128xf32, #tpu.memory_space<hbm>>
    %dma_wait3A_177 = arith.constant 0 : i32
    %dma_wait3A_178 = arith.constant 0 : i32
    %dma_wait3A_179 = tpu.memref_slice %arg5[%add3A_167, %dma_wait3A_177, %dma_wait3A_178] : memref<1024x200x128xf32, #tpu.memory_space<hbm>> -> memref<1x104x128xf32, #tpu.memory_space<hbm>>
    %dma_wait3A_180 = tpu.memref_squeeze %dma_wait3A_179 : memref<1x104x128xf32, #tpu.memory_space<hbm>> -> memref<104x128xf32, #tpu.memory_space<hbm>>
    %dma_wait3A_181 = arith.constant 0 : i32
    %dma_wait3A_182 = arith.constant 0 : i32
    %dma_wait3A_183 = tpu.memref_slice %arg8[%dma_wait3A_168, %dma_wait3A_181, %dma_wait3A_182] : memref<6x104x128xf32, #tpu.memory_space<vmem>> -> memref<1x104x128xf32, #tpu.memory_space<vmem>>
    %dma_wait3A_184 = tpu.memref_squeeze %dma_wait3A_183 : memref<1x104x128xf32, #tpu.memory_space<vmem>> -> memref<104x128xf32, #tpu.memory_space<vmem>>
    tpu.wait_dma2 semaphore(%arg15 : memref<!tpu.dma_semaphore, #tpu.memory_space<semaphore_mem>>) src(%dma_wait3A_184 : memref<104x128xf32, #tpu.memory_space<vmem>>) dst(%dma_wait3A_180 : memref<104x128xf32, #tpu.memory_space<hbm>>)
    %add3A_185 = arith.constant 3 : i32
    %add3A_186 = arith.addi %mul3A_2, %add3A_185 : i32
    %dma_start3A_187 = arith.constant 0 : i32
    %dma_start3A_188 = arith.constant 0 : i32
    %dma_start3A_189 = arith.constant 0 : i32
    %dma_start3A_190 = tpu.memref_slice %arg8[%dma_start3A_187, %dma_start3A_188, %dma_start3A_189] : memref<6x104x128xf32, #tpu.memory_space<vmem>> -> memref<1x104x128xf32, #tpu.memory_space<vmem>>
    %dma_start3A_191 = tpu.memref_squeeze %dma_start3A_190 : memref<1x104x128xf32, #tpu.memory_space<vmem>> -> memref<104x128xf32, #tpu.memory_space<vmem>>
    %dma_start3A_192 = arith.constant 600 : i32
    %dma_start3A_193 = tpu.memref_slice %arg6[%dma_start3A_192] : memref<6400xi32, #tpu.memory_space<vmem>> -> memref<104xi32, #tpu.memory_space<vmem>>
    %dma_start3A_194 = arith.constant 0 : i32
    %dma_start3A_195 = arith.constant 0 : i32
    %dma_start3A_196 = tpu.memref_slice %arg3[%dma_start3A_194, %dma_start3A_195] : memref<100000x128xf32, #tpu.memory_space<hbm>> -> memref<100000x128xf32, #tpu.memory_space<hbm>>
    tpu.enqueue_indirect_dma source(%dma_start3A_196 : memref<100000x128xf32, #tpu.memory_space<hbm>>) target(%dma_start3A_191 : memref<104x128xf32, #tpu.memory_space<vmem>>) offsets(%dma_start3A_193 : memref<104xi32, #tpu.memory_space<vmem>>) semaphore(%arg9 : memref<!tpu.dma_semaphore, #tpu.memory_space<semaphore_mem>>)
    %add3A_197 = arith.constant 1 : i32
    %add3A_198 = arith.addi %mul3A_2, %add3A_197 : i32
    %dma_wait3A_199 = arith.constant 2 : i32
    %dma_wait3A_200 = arith.constant 0 : i32
    %dma_wait3A_201 = arith.constant 0 : i32
    %dma_wait3A_202 = tpu.memref_slice %arg8[%dma_wait3A_199, %dma_wait3A_200, %dma_wait3A_201] : memref<6x104x128xf32, #tpu.memory_space<vmem>> -> memref<1x104x128xf32, #tpu.memory_space<vmem>>
    %dma_wait3A_203 = tpu.memref_squeeze %dma_wait3A_202 : memref<1x104x128xf32, #tpu.memory_space<vmem>> -> memref<104x128xf32, #tpu.memory_space<vmem>>
    %dma_wait3A_204 = arith.constant 200 : i32
    %dma_wait3A_205 = tpu.memref_slice %arg6[%dma_wait3A_204] : memref<6400xi32, #tpu.memory_space<vmem>> -> memref<104xi32, #tpu.memory_space<vmem>>
    %dma_wait3A_206 = arith.constant 0 : i32
    %dma_wait3A_207 = arith.constant 0 : i32
    %dma_wait3A_208 = tpu.memref_slice %arg3[%dma_wait3A_206, %dma_wait3A_207] : memref<100000x128xf32, #tpu.memory_space<hbm>> -> memref<100000x128xf32, #tpu.memory_space<hbm>>
    tpu.wait_indirect_dma semaphore(%arg11 : memref<!tpu.dma_semaphore, #tpu.memory_space<semaphore_mem>>) src(%dma_wait3A_208 : memref<100000x128xf32, #tpu.memory_space<hbm>>) dst(%dma_wait3A_203 : memref<104x128xf32, #tpu.memory_space<vmem>>)
    %scan3A_209 = arith.constant 0 : i32
    %scan3A_210 = arith.constant 0 : i32
    %scan3A_211 = arith.constant 104 : i32
    %scan3A_212 = arith.addi %scan3A_210, %scan3A_211 : i32
    %scan3A_213 = arith.constant 1 : i32
    scf.for %scan3A_706 = %scan3A_210 to %scan3A_212 step %scan3A_213  : i32 {
      %add3A_707 = arith.constant 0 : i32
      %add3A_708 = arith.addi %scan3A_706, %add3A_707 : i32
      %get3A = arith.constant 2 : i32
      %get3A_709 = arith.index_cast %get3A : i32 to index
      %get3A_710 = arith.index_cast %scan3A_706 : i32 to index
      %get3A_711 = arith.constant 0 : index
      %get3A_712 = tpu.vector_load %arg8[%get3A_709, %get3A_710, %get3A_711] {strides = array<i32>} : memref<6x104x128xf32, #tpu.memory_space<vmem>>, vector<1x1x16xf32>,
      %get3A_713 = vector.shape_cast %get3A_712 : vector<1x1x16xf32> to vector<16xf32>
      %mul3A_714 = arith.constant 11.3137083 : f32
      %mul3A_715 = vector.broadcast %mul3A_714 : f32 to vector<16xf32>
      %mul3A_716 = arith.mulf %get3A_713, %mul3A_715 : vector<16xf32>
      %get3A_717 = arith.index_cast %add3A_708 : i32 to index
      %get3A_718 = arith.constant 0 : index
      %get3A_719 = tpu.vector_load %arg7[%get3A_717, %get3A_718] {strides = array<i32>} : memref<200x128xf32, #tpu.memory_space<vmem>>, vector<1x16xf32>,
      %get3A_720 = vector.shape_cast %get3A_719 : vector<1x16xf32> to vector<16xf32>
      %add3A_721 = arith.addf %mul3A_716, %get3A_720 : vector<16xf32>
      %swap3A = arith.constant 2 : i32
      %swap3A_722 = arith.index_cast %swap3A : i32 to index
      %swap3A_723 = arith.index_cast %scan3A_706 : i32 to index
      %swap3A_724 = arith.constant 0 : index
      %swap3A_725 = tpu.vector_load %arg8[%swap3A_722, %swap3A_723, %swap3A_724] {strides = array<i32>} : memref<6x104x128xf32, #tpu.memory_space<vmem>>, vector<1x1x16xf32>,
      %swap3A_726 = vector.shape_cast %swap3A_725 : vector<1x1x16xf32> to vector<16xf32>
      %swap3A_727 = vector.shape_cast %add3A_721 : vector<16xf32> to vector<1x1x16xf32>
      tpu.vector_store %arg8[%swap3A_722, %swap3A_723, %swap3A_724], %swap3A_727 {strides = array<i32>} : memref<6x104x128xf32, #tpu.memory_space<vmem>>, vector<1x1x16xf32>,
      %get3A_728 = arith.constant 2 : i32
      %get3A_729 = arith.index_cast %get3A_728 : i32 to index
      %get3A_730 = arith.index_cast %scan3A_706 : i32 to index
      %get3A_731 = arith.constant 16 : index
      %get3A_732 = tpu.vector_load %arg8[%get3A_729, %get3A_730, %get3A_731] {strides = array<i32>} : memref<6x104x128xf32, #tpu.memory_space<vmem>>, vector<1x1x16xf32>,
      %get3A_733 = vector.shape_cast %get3A_732 : vector<1x1x16xf32> to vector<16xf32>
      %mul3A_734 = arith.constant 11.3137083 : f32
      %mul3A_735 = vector.broadcast %mul3A_734 : f32 to vector<16xf32>
      %mul3A_736 = arith.mulf %get3A_733, %mul3A_735 : vector<16xf32>
      %get3A_737 = arith.index_cast %add3A_708 : i32 to index
      %get3A_738 = arith.constant 16 : index
      %get3A_739 = tpu.vector_load %arg7[%get3A_737, %get3A_738] {strides = array<i32>} : memref<200x128xf32, #tpu.memory_space<vmem>>, vector<1x16xf32>,
      %get3A_740 = vector.shape_cast %get3A_739 : vector<1x16xf32> to vector<16xf32>
      %add3A_741 = arith.addf %mul3A_736, %get3A_740 : vector<16xf32>
      %swap3A_742 = arith.constant 2 : i32
      %swap3A_743 = arith.index_cast %swap3A_742 : i32 to index
      %swap3A_744 = arith.index_cast %scan3A_706 : i32 to index
      %swap3A_745 = arith.constant 16 : index
      %swap3A_746 = tpu.vector_load %arg8[%swap3A_743, %swap3A_744, %swap3A_745] {strides = array<i32>} : memref<6x104x128xf32, #tpu.memory_space<vmem>>, vector<1x1x16xf32>,
      %swap3A_747 = vector.shape_cast %swap3A_746 : vector<1x1x16xf32> to vector<16xf32>
      %swap3A_748 = vector.shape_cast %add3A_741 : vector<16xf32> to vector<1x1x16xf32>
      tpu.vector_store %arg8[%swap3A_743, %swap3A_744, %swap3A_745], %swap3A_748 {strides = array<i32>} : memref<6x104x128xf32, #tpu.memory_space<vmem>>, vector<1x1x16xf32>,
      %get3A_749 = arith.constant 2 : i32
      %get3A_750 = arith.index_cast %get3A_749 : i32 to index
      %get3A_751 = arith.index_cast %scan3A_706 : i32 to index
      %get3A_752 = arith.constant 32 : index
      %get3A_753 = tpu.vector_load %arg8[%get3A_750, %get3A_751, %get3A_752] {strides = array<i32>} : memref<6x104x128xf32, #tpu.memory_space<vmem>>, vector<1x1x16xf32>,
      %get3A_754 = vector.shape_cast %get3A_753 : vector<1x1x16xf32> to vector<16xf32>
      %mul3A_755 = arith.constant 11.3137083 : f32
      %mul3A_756 = vector.broadcast %mul3A_755 : f32 to vector<16xf32>
      %mul3A_757 = arith.mulf %get3A_754, %mul3A_756 : vector<16xf32>
      %get3A_758 = arith.index_cast %add3A_708 : i32 to index
      %get3A_759 = arith.constant 32 : index
      %get3A_760 = tpu.vector_load %arg7[%get3A_758, %get3A_759] {strides = array<i32>} : memref<200x128xf32, #tpu.memory_space<vmem>>, vector<1x16xf32>,
      %get3A_761 = vector.shape_cast %get3A_760 : vector<1x16xf32> to vector<16xf32>
      %add3A_762 = arith.addf %mul3A_757, %get3A_761 : vector<16xf32>
      %swap3A_763 = arith.constant 2 : i32
      %swap3A_764 = arith.index_cast %swap3A_763 : i32 to index
      %swap3A_765 = arith.index_cast %scan3A_706 : i32 to index
      %swap3A_766 = arith.constant 32 : index
      %swap3A_767 = tpu.vector_load %arg8[%swap3A_764, %swap3A_765, %swap3A_766] {strides = array<i32>} : memref<6x104x128xf32, #tpu.memory_space<vmem>>, vector<1x1x16xf32>,
      %swap3A_768 = vector.shape_cast %swap3A_767 : vector<1x1x16xf32> to vector<16xf32>
      %swap3A_769 = vector.shape_cast %add3A_762 : vector<16xf32> to vector<1x1x16xf32>
      tpu.vector_store %arg8[%swap3A_764, %swap3A_765, %swap3A_766], %swap3A_769 {strides = array<i32>} : memref<6x104x128xf32, #tpu.memory_space<vmem>>, vector<1x1x16xf32>,
      %get3A_770 = arith.constant 2 : i32
      %get3A_771 = arith.index_cast %get3A_770 : i32 to index
      %get3A_772 = arith.index_cast %scan3A_706 : i32 to index
      %get3A_773 = arith.constant 48 : index
      %get3A_774 = tpu.vector_load %arg8[%get3A_771, %get3A_772, %get3A_773] {strides = array<i32>} : memref<6x104x128xf32, #tpu.memory_space<vmem>>, vector<1x1x16xf32>,
      %get3A_775 = vector.shape_cast %get3A_774 : vector<1x1x16xf32> to vector<16xf32>
      %mul3A_776 = arith.constant 11.3137083 : f32
      %mul3A_777 = vector.broadcast %mul3A_776 : f32 to vector<16xf32>
      %mul3A_778 = arith.mulf %get3A_775, %mul3A_777 : vector<16xf32>
      %get3A_779 = arith.index_cast %add3A_708 : i32 to index
      %get3A_780 = arith.constant 48 : index
      %get3A_781 = tpu.vector_load %arg7[%get3A_779, %get3A_780] {strides = array<i32>} : memref<200x128xf32, #tpu.memory_space<vmem>>, vector<1x16xf32>,
      %get3A_782 = vector.shape_cast %get3A_781 : vector<1x16xf32> to vector<16xf32>
      %add3A_783 = arith.addf %mul3A_778, %get3A_782 : vector<16xf32>
      %swap3A_784 = arith.constant 2 : i32
      %swap3A_785 = arith.index_cast %swap3A_784 : i32 to index
      %swap3A_786 = arith.index_cast %scan3A_706 : i32 to index
      %swap3A_787 = arith.constant 48 : index
      %swap3A_788 = tpu.vector_load %arg8[%swap3A_785, %swap3A_786, %swap3A_787] {strides = array<i32>} : memref<6x104x128xf32, #tpu.memory_space<vmem>>, vector<1x1x16xf32>,
      %swap3A_789 = vector.shape_cast %swap3A_788 : vector<1x1x16xf32> to vector<16xf32>
      %swap3A_790 = vector.shape_cast %add3A_783 : vector<16xf32> to vector<1x1x16xf32>
      tpu.vector_store %arg8[%swap3A_785, %swap3A_786, %swap3A_787], %swap3A_790 {strides = array<i32>} : memref<6x104x128xf32, #tpu.memory_space<vmem>>, vector<1x1x16xf32>,
      %get3A_791 = arith.constant 2 : i32
      %get3A_792 = arith.index_cast %get3A_791 : i32 to index
      %get3A_793 = arith.index_cast %scan3A_706 : i32 to index
      %get3A_794 = arith.constant 64 : index
      %get3A_795 = tpu.vector_load %arg8[%get3A_792, %get3A_793, %get3A_794] {strides = array<i32>} : memref<6x104x128xf32, #tpu.memory_space<vmem>>, vector<1x1x16xf32>,
      %get3A_796 = vector.shape_cast %get3A_795 : vector<1x1x16xf32> to vector<16xf32>
      %mul3A_797 = arith.constant 11.3137083 : f32
      %mul3A_798 = vector.broadcast %mul3A_797 : f32 to vector<16xf32>
      %mul3A_799 = arith.mulf %get3A_796, %mul3A_798 : vector<16xf32>
      %get3A_800 = arith.index_cast %add3A_708 : i32 to index
      %get3A_801 = arith.constant 64 : index
      %get3A_802 = tpu.vector_load %arg7[%get3A_800, %get3A_801] {strides = array<i32>} : memref<200x128xf32, #tpu.memory_space<vmem>>, vector<1x16xf32>,
      %get3A_803 = vector.shape_cast %get3A_802 : vector<1x16xf32> to vector<16xf32>
      %add3A_804 = arith.addf %mul3A_799, %get3A_803 : vector<16xf32>
      %swap3A_805 = arith.constant 2 : i32
      %swap3A_806 = arith.index_cast %swap3A_805 : i32 to index
      %swap3A_807 = arith.index_cast %scan3A_706 : i32 to index
      %swap3A_808 = arith.constant 64 : index
      %swap3A_809 = tpu.vector_load %arg8[%swap3A_806, %swap3A_807, %swap3A_808] {strides = array<i32>} : memref<6x104x128xf32, #tpu.memory_space<vmem>>, vector<1x1x16xf32>,
      %swap3A_810 = vector.shape_cast %swap3A_809 : vector<1x1x16xf32> to vector<16xf32>
      %swap3A_811 = vector.shape_cast %add3A_804 : vector<16xf32> to vector<1x1x16xf32>
      tpu.vector_store %arg8[%swap3A_806, %swap3A_807, %swap3A_808], %swap3A_811 {strides = array<i32>} : memref<6x104x128xf32, #tpu.memory_space<vmem>>, vector<1x1x16xf32>,
      %get3A_812 = arith.constant 2 : i32
      %get3A_813 = arith.index_cast %get3A_812 : i32 to index
      %get3A_814 = arith.index_cast %scan3A_706 : i32 to index
      %get3A_815 = arith.constant 80 : index
      %get3A_816 = tpu.vector_load %arg8[%get3A_813, %get3A_814, %get3A_815] {strides = array<i32>} : memref<6x104x128xf32, #tpu.memory_space<vmem>>, vector<1x1x16xf32>,
      %get3A_817 = vector.shape_cast %get3A_816 : vector<1x1x16xf32> to vector<16xf32>
      %mul3A_818 = arith.constant 11.3137083 : f32
      %mul3A_819 = vector.broadcast %mul3A_818 : f32 to vector<16xf32>
      %mul3A_820 = arith.mulf %get3A_817, %mul3A_819 : vector<16xf32>
      %get3A_821 = arith.index_cast %add3A_708 : i32 to index
      %get3A_822 = arith.constant 80 : index
      %get3A_823 = tpu.vector_load %arg7[%get3A_821, %get3A_822] {strides = array<i32>} : memref<200x128xf32, #tpu.memory_space<vmem>>, vector<1x16xf32>,
      %get3A_824 = vector.shape_cast %get3A_823 : vector<1x16xf32> to vector<16xf32>
      %add3A_825 = arith.addf %mul3A_820, %get3A_824 : vector<16xf32>
      %swap3A_826 = arith.constant 2 : i32
      %swap3A_827 = arith.index_cast %swap3A_826 : i32 to index
      %swap3A_828 = arith.index_cast %scan3A_706 : i32 to index
      %swap3A_829 = arith.constant 80 : index
      %swap3A_830 = tpu.vector_load %arg8[%swap3A_827, %swap3A_828, %swap3A_829] {strides = array<i32>} : memref<6x104x128xf32, #tpu.memory_space<vmem>>, vector<1x1x16xf32>,
      %swap3A_831 = vector.shape_cast %swap3A_830 : vector<1x1x16xf32> to vector<16xf32>
      %swap3A_832 = vector.shape_cast %add3A_825 : vector<16xf32> to vector<1x1x16xf32>
      tpu.vector_store %arg8[%swap3A_827, %swap3A_828, %swap3A_829], %swap3A_832 {strides = array<i32>} : memref<6x104x128xf32, #tpu.memory_space<vmem>>, vector<1x1x16xf32>,
      %get3A_833 = arith.constant 2 : i32
      %get3A_834 = arith.index_cast %get3A_833 : i32 to index
      %get3A_835 = arith.index_cast %scan3A_706 : i32 to index
      %get3A_836 = arith.constant 96 : index
      %get3A_837 = tpu.vector_load %arg8[%get3A_834, %get3A_835, %get3A_836] {strides = array<i32>} : memref<6x104x128xf32, #tpu.memory_space<vmem>>, vector<1x1x16xf32>,
      %get3A_838 = vector.shape_cast %get3A_837 : vector<1x1x16xf32> to vector<16xf32>
      %mul3A_839 = arith.constant 11.3137083 : f32
      %mul3A_840 = vector.broadcast %mul3A_839 : f32 to vector<16xf32>
      %mul3A_841 = arith.mulf %get3A_838, %mul3A_840 : vector<16xf32>
      %get3A_842 = arith.index_cast %add3A_708 : i32 to index
      %get3A_843 = arith.constant 96 : index
      %get3A_844 = tpu.vector_load %arg7[%get3A_842, %get3A_843] {strides = array<i32>} : memref<200x128xf32, #tpu.memory_space<vmem>>, vector<1x16xf32>,
      %get3A_845 = vector.shape_cast %get3A_844 : vector<1x16xf32> to vector<16xf32>
      %add3A_846 = arith.addf %mul3A_841, %get3A_845 : vector<16xf32>
      %swap3A_847 = arith.constant 2 : i32
      %swap3A_848 = arith.index_cast %swap3A_847 : i32 to index
      %swap3A_849 = arith.index_cast %scan3A_706 : i32 to index
      %swap3A_850 = arith.constant 96 : index
      %swap3A_851 = tpu.vector_load %arg8[%swap3A_848, %swap3A_849, %swap3A_850] {strides = array<i32>} : memref<6x104x128xf32, #tpu.memory_space<vmem>>, vector<1x1x16xf32>,
      %swap3A_852 = vector.shape_cast %swap3A_851 : vector<1x1x16xf32> to vector<16xf32>
      %swap3A_853 = vector.shape_cast %add3A_846 : vector<16xf32> to vector<1x1x16xf32>
      tpu.vector_store %arg8[%swap3A_848, %swap3A_849, %swap3A_850], %swap3A_853 {strides = array<i32>} : memref<6x104x128xf32, #tpu.memory_space<vmem>>, vector<1x1x16xf32>,
      %get3A_854 = arith.constant 2 : i32
      %get3A_855 = arith.index_cast %get3A_854 : i32 to index
      %get3A_856 = arith.index_cast %scan3A_706 : i32 to index
      %get3A_857 = arith.constant 112 : index
      %get3A_858 = tpu.vector_load %arg8[%get3A_855, %get3A_856, %get3A_857] {strides = array<i32>} : memref<6x104x128xf32, #tpu.memory_space<vmem>>, vector<1x1x16xf32>,
      %get3A_859 = vector.shape_cast %get3A_858 : vector<1x1x16xf32> to vector<16xf32>
      %mul3A_860 = arith.constant 11.3137083 : f32
      %mul3A_861 = vector.broadcast %mul3A_860 : f32 to vector<16xf32>
      %mul3A_862 = arith.mulf %get3A_859, %mul3A_861 : vector<16xf32>
      %get3A_863 = arith.index_cast %add3A_708 : i32 to index
      %get3A_864 = arith.constant 112 : index
      %get3A_865 = tpu.vector_load %arg7[%get3A_863, %get3A_864] {strides = array<i32>} : memref<200x128xf32, #tpu.memory_space<vmem>>, vector<1x16xf32>,
      %get3A_866 = vector.shape_cast %get3A_865 : vector<1x16xf32> to vector<16xf32>
      %add3A_867 = arith.addf %mul3A_862, %get3A_866 : vector<16xf32>
      %swap3A_868 = arith.constant 2 : i32
      %swap3A_869 = arith.index_cast %swap3A_868 : i32 to index
      %swap3A_870 = arith.index_cast %scan3A_706 : i32 to index
      %swap3A_871 = arith.constant 112 : index
      %swap3A_872 = tpu.vector_load %arg8[%swap3A_869, %swap3A_870, %swap3A_871] {strides = array<i32>} : memref<6x104x128xf32, #tpu.memory_space<vmem>>, vector<1x1x16xf32>,
      %swap3A_873 = vector.shape_cast %swap3A_872 : vector<1x1x16xf32> to vector<16xf32>
      %swap3A_874 = vector.shape_cast %add3A_867 : vector<16xf32> to vector<1x1x16xf32>
      tpu.vector_store %arg8[%swap3A_869, %swap3A_870, %swap3A_871], %swap3A_874 {strides = array<i32>} : memref<6x104x128xf32, #tpu.memory_space<vmem>>, vector<1x1x16xf32>,
    }
    %scan3A_214 = arith.constant 104 : i32
    %add3A_215 = arith.constant 1 : i32
    %add3A_216 = arith.addi %mul3A_2, %add3A_215 : i32
    %dma_start3A_217 = arith.constant 2 : i32
    %dma_start3A_218 = arith.constant 0 : i32
    %dma_start3A_219 = arith.constant 0 : i32
    %dma_start3A_220 = tpu.memref_slice %arg8[%dma_start3A_217, %dma_start3A_218, %dma_start3A_219] : memref<6x104x128xf32, #tpu.memory_space<vmem>> -> memref<1x104x128xf32, #tpu.memory_space<vmem>>
    %dma_start3A_221 = tpu.memref_squeeze %dma_start3A_220 : memref<1x104x128xf32, #tpu.memory_space<vmem>> -> memref<104x128xf32, #tpu.memory_space<vmem>>
    %dma_start3A_222 = arith.constant 0 : i32
    %dma_start3A_223 = arith.constant 0 : i32
    %dma_start3A_224 = tpu.memref_slice %arg5[%add3A_216, %dma_start3A_222, %dma_start3A_223] : memref<1024x200x128xf32, #tpu.memory_space<hbm>> -> memref<1x104x128xf32, #tpu.memory_space<hbm>>
    %dma_start3A_225 = tpu.memref_squeeze %dma_start3A_224 : memref<1x104x128xf32, #tpu.memory_space<hbm>> -> memref<104x128xf32, #tpu.memory_space<hbm>>
    %dma_start3A_226 = arith.constant 0 : i32
    %dma_start3A_227 = arith.constant 0 : i32
    %dma_start3A_228 = tpu.memref_slice %arg5[%add3A_216, %dma_start3A_226, %dma_start3A_227] : memref<1024x200x128xf32, #tpu.memory_space<hbm>> -> memref<1x104x128xf32, #tpu.memory_space<hbm>>
    %dma_start3A_229 = tpu.memref_squeeze %dma_start3A_228 : memref<1x104x128xf32, #tpu.memory_space<hbm>> -> memref<104x128xf32, #tpu.memory_space<hbm>>
    %dma_start3A_230 = arith.constant 0 : i32
    %dma_start3A_231 = arith.constant 0 : i32
    %dma_start3A_232 = tpu.memref_slice %arg8[%dma_start3A_217, %dma_start3A_230, %dma_start3A_231] : memref<6x104x128xf32, #tpu.memory_space<vmem>> -> memref<1x104x128xf32, #tpu.memory_space<vmem>>
    %dma_start3A_233 = tpu.memref_squeeze %dma_start3A_232 : memref<1x104x128xf32, #tpu.memory_space<vmem>> -> memref<104x128xf32, #tpu.memory_space<vmem>>
    tpu.enqueue_dma source(%dma_start3A_233 : memref<104x128xf32, #tpu.memory_space<vmem>>) target(%dma_start3A_229 : memref<104x128xf32, #tpu.memory_space<hbm>>) target_semaphore(%arg17 : memref<!tpu.dma_semaphore, #tpu.memory_space<semaphore_mem>>)
    %add3A_234 = arith.constant 0 : i32
    %add3A_235 = arith.addi %mul3A_2, %add3A_234 : i32
    %dma_wait3A_236 = arith.constant 1 : i32
    %dma_wait3A_237 = arith.constant 0 : i32
    %dma_wait3A_238 = arith.constant 0 : i32
    %dma_wait3A_239 = tpu.memref_slice %arg8[%dma_wait3A_236, %dma_wait3A_237, %dma_wait3A_238] : memref<6x104x128xf32, #tpu.memory_space<vmem>> -> memref<1x96x128xf32, #tpu.memory_space<vmem>>
    %dma_wait3A_240 = tpu.memref_squeeze %dma_wait3A_239 : memref<1x96x128xf32, #tpu.memory_space<vmem>> -> memref<96x128xf32, #tpu.memory_space<vmem>>
    %dma_wait3A_241 = arith.constant 104 : i32
    %dma_wait3A_242 = arith.constant 0 : i32
    %dma_wait3A_243 = tpu.memref_slice %arg5[%add3A_235, %dma_wait3A_241, %dma_wait3A_242] : memref<1024x200x128xf32, #tpu.memory_space<hbm>> -> memref<1x96x128xf32, #tpu.memory_space<hbm>>
    %dma_wait3A_244 = tpu.memref_squeeze %dma_wait3A_243 : memref<1x96x128xf32, #tpu.memory_space<hbm>> -> memref<96x128xf32, #tpu.memory_space<hbm>>
    %dma_wait3A_245 = arith.constant 104 : i32
    %dma_wait3A_246 = arith.constant 0 : i32
    %dma_wait3A_247 = tpu.memref_slice %arg5[%add3A_235, %dma_wait3A_245, %dma_wait3A_246] : memref<1024x200x128xf32, #tpu.memory_space<hbm>> -> memref<1x96x128xf32, #tpu.memory_space<hbm>>
    %dma_wait3A_248 = tpu.memref_squeeze %dma_wait3A_247 : memref<1x96x128xf32, #tpu.memory_space<hbm>> -> memref<96x128xf32, #tpu.memory_space<hbm>>
    %dma_wait3A_249 = arith.constant 0 : i32
    %dma_wait3A_250 = arith.constant 0 : i32
    %dma_wait3A_251 = tpu.memref_slice %arg8[%dma_wait3A_236, %dma_wait3A_249, %dma_wait3A_250] : memref<6x104x128xf32, #tpu.memory_space<vmem>> -> memref<1x96x128xf32, #tpu.memory_space<vmem>>
    %dma_wait3A_252 = tpu.memref_squeeze %dma_wait3A_251 : memref<1x96x128xf32, #tpu.memory_space<vmem>> -> memref<96x128xf32, #tpu.memory_space<vmem>>
    tpu.wait_dma2 semaphore(%arg16 : memref<!tpu.dma_semaphore, #tpu.memory_space<semaphore_mem>>) src(%dma_wait3A_252 : memref<96x128xf32, #tpu.memory_space<vmem>>) dst(%dma_wait3A_248 : memref<96x128xf32, #tpu.memory_space<hbm>>)
    %add3A_253 = arith.constant 3 : i32
    %add3A_254 = arith.addi %mul3A_2, %add3A_253 : i32
    %dma_start3A_255 = arith.constant 1 : i32
    %dma_start3A_256 = arith.constant 0 : i32
    %dma_start3A_257 = arith.constant 0 : i32
    %dma_start3A_258 = tpu.memref_slice %arg8[%dma_start3A_255, %dma_start3A_256, %dma_start3A_257] : memref<6x104x128xf32, #tpu.memory_space<vmem>> -> memref<1x96x128xf32, #tpu.memory_space<vmem>>
    %dma_start3A_259 = tpu.memref_squeeze %dma_start3A_258 : memref<1x96x128xf32, #tpu.memory_space<vmem>> -> memref<96x128xf32, #tpu.memory_space<vmem>>
    %dma_start3A_260 = arith.constant 704 : i32
    %dma_start3A_261 = tpu.memref_slice %arg6[%dma_start3A_260] : memref<6400xi32, #tpu.memory_space<vmem>> -> memref<96xi32, #tpu.memory_space<vmem>>
    %dma_start3A_262 = arith.constant 0 : i32
    %dma_start3A_263 = arith.constant 0 : i32
    %dma_start3A_264 = tpu.memref_slice %arg3[%dma_start3A_262, %dma_start3A_263] : memref<100000x128xf32, #tpu.memory_space<hbm>> -> memref<100000x128xf32, #tpu.memory_space<hbm>>
    tpu.enqueue_indirect_dma source(%dma_start3A_264 : memref<100000x128xf32, #tpu.memory_space<hbm>>) target(%dma_start3A_259 : memref<96x128xf32, #tpu.memory_space<vmem>>) offsets(%dma_start3A_261 : memref<96xi32, #tpu.memory_space<vmem>>) semaphore(%arg10 : memref<!tpu.dma_semaphore, #tpu.memory_space<semaphore_mem>>)
    %add3A_265 = arith.constant 1 : i32
    %add3A_266 = arith.addi %mul3A_2, %add3A_265 : i32
    %dma_wait3A_267 = arith.constant 3 : i32
    %dma_wait3A_268 = arith.constant 0 : i32
    %dma_wait3A_269 = arith.constant 0 : i32
    %dma_wait3A_270 = tpu.memref_slice %arg8[%dma_wait3A_267, %dma_wait3A_268, %dma_wait3A_269] : memref<6x104x128xf32, #tpu.memory_space<vmem>> -> memref<1x96x128xf32, #tpu.memory_space<vmem>>
    %dma_wait3A_271 = tpu.memref_squeeze %dma_wait3A_270 : memref<1x96x128xf32, #tpu.memory_space<vmem>> -> memref<96x128xf32, #tpu.memory_space<vmem>>
    %dma_wait3A_272 = arith.constant 304 : i32
    %dma_wait3A_273 = tpu.memref_slice %arg6[%dma_wait3A_272] : memref<6400xi32, #tpu.memory_space<vmem>> -> memref<96xi32, #tpu.memory_space<vmem>>
    %dma_wait3A_274 = arith.constant 0 : i32
    %dma_wait3A_275 = arith.constant 0 : i32
    %dma_wait3A_276 = tpu.memref_slice %arg3[%dma_wait3A_274, %dma_wait3A_275] : memref<100000x128xf32, #tpu.memory_space<hbm>> -> memref<100000x128xf32, #tpu.memory_space<hbm>>
    tpu.wait_indirect_dma semaphore(%arg12 : memref<!tpu.dma_semaphore, #tpu.memory_space<semaphore_mem>>) src(%dma_wait3A_276 : memref<100000x128xf32, #tpu.memory_space<hbm>>) dst(%dma_wait3A_271 : memref<96x128xf32, #tpu.memory_space<vmem>>)
    %scan3A_277 = arith.constant 0 : i32
    %scan3A_278 = arith.constant 0 : i32
    %scan3A_279 = arith.constant 96 : i32
    %scan3A_280 = arith.addi %scan3A_278, %scan3A_279 : i32
    %scan3A_281 = arith.constant 1 : i32
    scf.for %scan3A_706 = %scan3A_278 to %scan3A_280 step %scan3A_281  : i32 {
      %add3A_707 = arith.constant 104 : i32
      %add3A_708 = arith.addi %scan3A_706, %add3A_707 : i32
      %get3A = arith.constant 3 : i32
      %get3A_709 = arith.index_cast %get3A : i32 to index
      %get3A_710 = arith.index_cast %scan3A_706 : i32 to index
      %get3A_711 = arith.constant 0 : index
      %get3A_712 = tpu.vector_load %arg8[%get3A_709, %get3A_710, %get3A_711] {strides = array<i32>} : memref<6x104x128xf32, #tpu.memory_space<vmem>>, vector<1x1x16xf32>,
      %get3A_713 = vector.shape_cast %get3A_712 : vector<1x1x16xf32> to vector<16xf32>
      %mul3A_714 = arith.constant 11.3137083 : f32
      %mul3A_715 = vector.broadcast %mul3A_714 : f32 to vector<16xf32>
      %mul3A_716 = arith.mulf %get3A_713, %mul3A_715 : vector<16xf32>
      %get3A_717 = arith.index_cast %add3A_708 : i32 to index
      %get3A_718 = arith.constant 0 : index
      %get3A_719 = tpu.vector_load %arg7[%get3A_717, %get3A_718] {strides = array<i32>} : memref<200x128xf32, #tpu.memory_space<vmem>>, vector<1x16xf32>,
      %get3A_720 = vector.shape_cast %get3A_719 : vector<1x16xf32> to vector<16xf32>
      %add3A_721 = arith.addf %mul3A_716, %get3A_720 : vector<16xf32>
      %swap3A = arith.constant 3 : i32
      %swap3A_722 = arith.index_cast %swap3A : i32 to index
      %swap3A_723 = arith.index_cast %scan3A_706 : i32 to index
      %swap3A_724 = arith.constant 0 : index
      %swap3A_725 = tpu.vector_load %arg8[%swap3A_722, %swap3A_723, %swap3A_724] {strides = array<i32>} : memref<6x104x128xf32, #tpu.memory_space<vmem>>, vector<1x1x16xf32>,
      %swap3A_726 = vector.shape_cast %swap3A_725 : vector<1x1x16xf32> to vector<16xf32>
      %swap3A_727 = vector.shape_cast %add3A_721 : vector<16xf32> to vector<1x1x16xf32>
      tpu.vector_store %arg8[%swap3A_722, %swap3A_723, %swap3A_724], %swap3A_727 {strides = array<i32>} : memref<6x104x128xf32, #tpu.memory_space<vmem>>, vector<1x1x16xf32>,
      %get3A_728 = arith.constant 3 : i32
      %get3A_729 = arith.index_cast %get3A_728 : i32 to index
      %get3A_730 = arith.index_cast %scan3A_706 : i32 to index
      %get3A_731 = arith.constant 16 : index
      %get3A_732 = tpu.vector_load %arg8[%get3A_729, %get3A_730, %get3A_731] {strides = array<i32>} : memref<6x104x128xf32, #tpu.memory_space<vmem>>, vector<1x1x16xf32>,
      %get3A_733 = vector.shape_cast %get3A_732 : vector<1x1x16xf32> to vector<16xf32>
      %mul3A_734 = arith.constant 11.3137083 : f32
      %mul3A_735 = vector.broadcast %mul3A_734 : f32 to vector<16xf32>
      %mul3A_736 = arith.mulf %get3A_733, %mul3A_735 : vector<16xf32>
      %get3A_737 = arith.index_cast %add3A_708 : i32 to index
      %get3A_738 = arith.constant 16 : index
      %get3A_739 = tpu.vector_load %arg7[%get3A_737, %get3A_738] {strides = array<i32>} : memref<200x128xf32, #tpu.memory_space<vmem>>, vector<1x16xf32>,
      %get3A_740 = vector.shape_cast %get3A_739 : vector<1x16xf32> to vector<16xf32>
      %add3A_741 = arith.addf %mul3A_736, %get3A_740 : vector<16xf32>
      %swap3A_742 = arith.constant 3 : i32
      %swap3A_743 = arith.index_cast %swap3A_742 : i32 to index
      %swap3A_744 = arith.index_cast %scan3A_706 : i32 to index
      %swap3A_745 = arith.constant 16 : index
      %swap3A_746 = tpu.vector_load %arg8[%swap3A_743, %swap3A_744, %swap3A_745] {strides = array<i32>} : memref<6x104x128xf32, #tpu.memory_space<vmem>>, vector<1x1x16xf32>,
      %swap3A_747 = vector.shape_cast %swap3A_746 : vector<1x1x16xf32> to vector<16xf32>
      %swap3A_748 = vector.shape_cast %add3A_741 : vector<16xf32> to vector<1x1x16xf32>
      tpu.vector_store %arg8[%swap3A_743, %swap3A_744, %swap3A_745], %swap3A_748 {strides = array<i32>} : memref<6x104x128xf32, #tpu.memory_space<vmem>>, vector<1x1x16xf32>,
      %get3A_749 = arith.constant 3 : i32
      %get3A_750 = arith.index_cast %get3A_749 : i32 to index
      %get3A_751 = arith.index_cast %scan3A_706 : i32 to index
      %get3A_752 = arith.constant 32 : index
      %get3A_753 = tpu.vector_load %arg8[%get3A_750, %get3A_751, %get3A_752] {strides = array<i32>} : memref<6x104x128xf32, #tpu.memory_space<vmem>>, vector<1x1x16xf32>,
      %get3A_754 = vector.shape_cast %get3A_753 : vector<1x1x16xf32> to vector<16xf32>
      %mul3A_755 = arith.constant 11.3137083 : f32
      %mul3A_756 = vector.broadcast %mul3A_755 : f32 to vector<16xf32>
      %mul3A_757 = arith.mulf %get3A_754, %mul3A_756 : vector<16xf32>
      %get3A_758 = arith.index_cast %add3A_708 : i32 to index
      %get3A_759 = arith.constant 32 : index
      %get3A_760 = tpu.vector_load %arg7[%get3A_758, %get3A_759] {strides = array<i32>} : memref<200x128xf32, #tpu.memory_space<vmem>>, vector<1x16xf32>,
      %get3A_761 = vector.shape_cast %get3A_760 : vector<1x16xf32> to vector<16xf32>
      %add3A_762 = arith.addf %mul3A_757, %get3A_761 : vector<16xf32>
      %swap3A_763 = arith.constant 3 : i32
      %swap3A_764 = arith.index_cast %swap3A_763 : i32 to index
      %swap3A_765 = arith.index_cast %scan3A_706 : i32 to index
      %swap3A_766 = arith.constant 32 : index
      %swap3A_767 = tpu.vector_load %arg8[%swap3A_764, %swap3A_765, %swap3A_766] {strides = array<i32>} : memref<6x104x128xf32, #tpu.memory_space<vmem>>, vector<1x1x16xf32>,
      %swap3A_768 = vector.shape_cast %swap3A_767 : vector<1x1x16xf32> to vector<16xf32>
      %swap3A_769 = vector.shape_cast %add3A_762 : vector<16xf32> to vector<1x1x16xf32>
      tpu.vector_store %arg8[%swap3A_764, %swap3A_765, %swap3A_766], %swap3A_769 {strides = array<i32>} : memref<6x104x128xf32, #tpu.memory_space<vmem>>, vector<1x1x16xf32>,
      %get3A_770 = arith.constant 3 : i32
      %get3A_771 = arith.index_cast %get3A_770 : i32 to index
      %get3A_772 = arith.index_cast %scan3A_706 : i32 to index
      %get3A_773 = arith.constant 48 : index
      %get3A_774 = tpu.vector_load %arg8[%get3A_771, %get3A_772, %get3A_773] {strides = array<i32>} : memref<6x104x128xf32, #tpu.memory_space<vmem>>, vector<1x1x16xf32>,
      %get3A_775 = vector.shape_cast %get3A_774 : vector<1x1x16xf32> to vector<16xf32>
      %mul3A_776 = arith.constant 11.3137083 : f32
      %mul3A_777 = vector.broadcast %mul3A_776 : f32 to vector<16xf32>
      %mul3A_778 = arith.mulf %get3A_775, %mul3A_777 : vector<16xf32>
      %get3A_779 = arith.index_cast %add3A_708 : i32 to index
      %get3A_780 = arith.constant 48 : index
      %get3A_781 = tpu.vector_load %arg7[%get3A_779, %get3A_780] {strides = array<i32>} : memref<200x128xf32, #tpu.memory_space<vmem>>, vector<1x16xf32>,
      %get3A_782 = vector.shape_cast %get3A_781 : vector<1x16xf32> to vector<16xf32>
      %add3A_783 = arith.addf %mul3A_778, %get3A_782 : vector<16xf32>
      %swap3A_784 = arith.constant 3 : i32
      %swap3A_785 = arith.index_cast %swap3A_784 : i32 to index
      %swap3A_786 = arith.index_cast %scan3A_706 : i32 to index
      %swap3A_787 = arith.constant 48 : index
      %swap3A_788 = tpu.vector_load %arg8[%swap3A_785, %swap3A_786, %swap3A_787] {strides = array<i32>} : memref<6x104x128xf32, #tpu.memory_space<vmem>>, vector<1x1x16xf32>,
      %swap3A_789 = vector.shape_cast %swap3A_788 : vector<1x1x16xf32> to vector<16xf32>
      %swap3A_790 = vector.shape_cast %add3A_783 : vector<16xf32> to vector<1x1x16xf32>
      tpu.vector_store %arg8[%swap3A_785, %swap3A_786, %swap3A_787], %swap3A_790 {strides = array<i32>} : memref<6x104x128xf32, #tpu.memory_space<vmem>>, vector<1x1x16xf32>,
      %get3A_791 = arith.constant 3 : i32
      %get3A_792 = arith.index_cast %get3A_791 : i32 to index
      %get3A_793 = arith.index_cast %scan3A_706 : i32 to index
      %get3A_794 = arith.constant 64 : index
      %get3A_795 = tpu.vector_load %arg8[%get3A_792, %get3A_793, %get3A_794] {strides = array<i32>} : memref<6x104x128xf32, #tpu.memory_space<vmem>>, vector<1x1x16xf32>,
      %get3A_796 = vector.shape_cast %get3A_795 : vector<1x1x16xf32> to vector<16xf32>
      %mul3A_797 = arith.constant 11.3137083 : f32
      %mul3A_798 = vector.broadcast %mul3A_797 : f32 to vector<16xf32>
      %mul3A_799 = arith.mulf %get3A_796, %mul3A_798 : vector<16xf32>
      %get3A_800 = arith.index_cast %add3A_708 : i32 to index
      %get3A_801 = arith.constant 64 : index
      %get3A_802 = tpu.vector_load %arg7[%get3A_800, %get3A_801] {strides = array<i32>} : memref<200x128xf32, #tpu.memory_space<vmem>>, vector<1x16xf32>,
      %get3A_803 = vector.shape_cast %get3A_802 : vector<1x16xf32> to vector<16xf32>
      %add3A_804 = arith.addf %mul3A_799, %get3A_803 : vector<16xf32>
      %swap3A_805 = arith.constant 3 : i32
      %swap3A_806 = arith.index_cast %swap3A_805 : i32 to index
      %swap3A_807 = arith.index_cast %scan3A_706 : i32 to index
      %swap3A_808 = arith.constant 64 : index
      %swap3A_809 = tpu.vector_load %arg8[%swap3A_806, %swap3A_807, %swap3A_808] {strides = array<i32>} : memref<6x104x128xf32, #tpu.memory_space<vmem>>, vector<1x1x16xf32>,
      %swap3A_810 = vector.shape_cast %swap3A_809 : vector<1x1x16xf32> to vector<16xf32>
      %swap3A_811 = vector.shape_cast %add3A_804 : vector<16xf32> to vector<1x1x16xf32>
      tpu.vector_store %arg8[%swap3A_806, %swap3A_807, %swap3A_808], %swap3A_811 {strides = array<i32>} : memref<6x104x128xf32, #tpu.memory_space<vmem>>, vector<1x1x16xf32>,
      %get3A_812 = arith.constant 3 : i32
      %get3A_813 = arith.index_cast %get3A_812 : i32 to index
      %get3A_814 = arith.index_cast %scan3A_706 : i32 to index
      %get3A_815 = arith.constant 80 : index
      %get3A_816 = tpu.vector_load %arg8[%get3A_813, %get3A_814, %get3A_815] {strides = array<i32>} : memref<6x104x128xf32, #tpu.memory_space<vmem>>, vector<1x1x16xf32>,
      %get3A_817 = vector.shape_cast %get3A_816 : vector<1x1x16xf32> to vector<16xf32>
      %mul3A_818 = arith.constant 11.3137083 : f32
      %mul3A_819 = vector.broadcast %mul3A_818 : f32 to vector<16xf32>
      %mul3A_820 = arith.mulf %get3A_817, %mul3A_819 : vector<16xf32>
      %get3A_821 = arith.index_cast %add3A_708 : i32 to index
      %get3A_822 = arith.constant 80 : index
      %get3A_823 = tpu.vector_load %arg7[%get3A_821, %get3A_822] {strides = array<i32>} : memref<200x128xf32, #tpu.memory_space<vmem>>, vector<1x16xf32>,
      %get3A_824 = vector.shape_cast %get3A_823 : vector<1x16xf32> to vector<16xf32>
      %add3A_825 = arith.addf %mul3A_820, %get3A_824 : vector<16xf32>
      %swap3A_826 = arith.constant 3 : i32
      %swap3A_827 = arith.index_cast %swap3A_826 : i32 to index
      %swap3A_828 = arith.index_cast %scan3A_706 : i32 to index
      %swap3A_829 = arith.constant 80 : index
      %swap3A_830 = tpu.vector_load %arg8[%swap3A_827, %swap3A_828, %swap3A_829] {strides = array<i32>} : memref<6x104x128xf32, #tpu.memory_space<vmem>>, vector<1x1x16xf32>,
      %swap3A_831 = vector.shape_cast %swap3A_830 : vector<1x1x16xf32> to vector<16xf32>
      %swap3A_832 = vector.shape_cast %add3A_825 : vector<16xf32> to vector<1x1x16xf32>
      tpu.vector_store %arg8[%swap3A_827, %swap3A_828, %swap3A_829], %swap3A_832 {strides = array<i32>} : memref<6x104x128xf32, #tpu.memory_space<vmem>>, vector<1x1x16xf32>,
      %get3A_833 = arith.constant 3 : i32
      %get3A_834 = arith.index_cast %get3A_833 : i32 to index
      %get3A_835 = arith.index_cast %scan3A_706 : i32 to index
      %get3A_836 = arith.constant 96 : index
      %get3A_837 = tpu.vector_load %arg8[%get3A_834, %get3A_835, %get3A_836] {strides = array<i32>} : memref<6x104x128xf32, #tpu.memory_space<vmem>>, vector<1x1x16xf32>,
      %get3A_838 = vector.shape_cast %get3A_837 : vector<1x1x16xf32> to vector<16xf32>
      %mul3A_839 = arith.constant 11.3137083 : f32
      %mul3A_840 = vector.broadcast %mul3A_839 : f32 to vector<16xf32>
      %mul3A_841 = arith.mulf %get3A_838, %mul3A_840 : vector<16xf32>
      %get3A_842 = arith.index_cast %add3A_708 : i32 to index
      %get3A_843 = arith.constant 96 : index
      %get3A_844 = tpu.vector_load %arg7[%get3A_842, %get3A_843] {strides = array<i32>} : memref<200x128xf32, #tpu.memory_space<vmem>>, vector<1x16xf32>,
      %get3A_845 = vector.shape_cast %get3A_844 : vector<1x16xf32> to vector<16xf32>
      %add3A_846 = arith.addf %mul3A_841, %get3A_845 : vector<16xf32>
      %swap3A_847 = arith.constant 3 : i32
      %swap3A_848 = arith.index_cast %swap3A_847 : i32 to index
      %swap3A_849 = arith.index_cast %scan3A_706 : i32 to index
      %swap3A_850 = arith.constant 96 : index
      %swap3A_851 = tpu.vector_load %arg8[%swap3A_848, %swap3A_849, %swap3A_850] {strides = array<i32>} : memref<6x104x128xf32, #tpu.memory_space<vmem>>, vector<1x1x16xf32>,
      %swap3A_852 = vector.shape_cast %swap3A_851 : vector<1x1x16xf32> to vector<16xf32>
      %swap3A_853 = vector.shape_cast %add3A_846 : vector<16xf32> to vector<1x1x16xf32>
      tpu.vector_store %arg8[%swap3A_848, %swap3A_849, %swap3A_850], %swap3A_853 {strides = array<i32>} : memref<6x104x128xf32, #tpu.memory_space<vmem>>, vector<1x1x16xf32>,
      %get3A_854 = arith.constant 3 : i32
      %get3A_855 = arith.index_cast %get3A_854 : i32 to index
      %get3A_856 = arith.index_cast %scan3A_706 : i32 to index
      %get3A_857 = arith.constant 112 : index
      %get3A_858 = tpu.vector_load %arg8[%get3A_855, %get3A_856, %get3A_857] {strides = array<i32>} : memref<6x104x128xf32, #tpu.memory_space<vmem>>, vector<1x1x16xf32>,
      %get3A_859 = vector.shape_cast %get3A_858 : vector<1x1x16xf32> to vector<16xf32>
      %mul3A_860 = arith.constant 11.3137083 : f32
      %mul3A_861 = vector.broadcast %mul3A_860 : f32 to vector<16xf32>
      %mul3A_862 = arith.mulf %get3A_859, %mul3A_861 : vector<16xf32>
      %get3A_863 = arith.index_cast %add3A_708 : i32 to index
      %get3A_864 = arith.constant 112 : index
      %get3A_865 = tpu.vector_load %arg7[%get3A_863, %get3A_864] {strides = array<i32>} : memref<200x128xf32, #tpu.memory_space<vmem>>, vector<1x16xf32>,
      %get3A_866 = vector.shape_cast %get3A_865 : vector<1x16xf32> to vector<16xf32>
      %add3A_867 = arith.addf %mul3A_862, %get3A_866 : vector<16xf32>
      %swap3A_868 = arith.constant 3 : i32
      %swap3A_869 = arith.index_cast %swap3A_868 : i32 to index
      %swap3A_870 = arith.index_cast %scan3A_706 : i32 to index
      %swap3A_871 = arith.constant 112 : index
      %swap3A_872 = tpu.vector_load %arg8[%swap3A_869, %swap3A_870, %swap3A_871] {strides = array<i32>} : memref<6x104x128xf32, #tpu.memory_space<vmem>>, vector<1x1x16xf32>,
      %swap3A_873 = vector.shape_cast %swap3A_872 : vector<1x1x16xf32> to vector<16xf32>
      %swap3A_874 = vector.shape_cast %add3A_867 : vector<16xf32> to vector<1x1x16xf32>
      tpu.vector_store %arg8[%swap3A_869, %swap3A_870, %swap3A_871], %swap3A_874 {strides = array<i32>} : memref<6x104x128xf32, #tpu.memory_space<vmem>>, vector<1x1x16xf32>,
    }
    %scan3A_282 = arith.constant 96 : i32
    %add3A_283 = arith.constant 1 : i32
    %add3A_284 = arith.addi %mul3A_2, %add3A_283 : i32
    %dma_start3A_285 = arith.constant 3 : i32
    %dma_start3A_286 = arith.constant 0 : i32
    %dma_start3A_287 = arith.constant 0 : i32
    %dma_start3A_288 = tpu.memref_slice %arg8[%dma_start3A_285, %dma_start3A_286, %dma_start3A_287] : memref<6x104x128xf32, #tpu.memory_space<vmem>> -> memref<1x96x128xf32, #tpu.memory_space<vmem>>
    %dma_start3A_289 = tpu.memref_squeeze %dma_start3A_288 : memref<1x96x128xf32, #tpu.memory_space<vmem>> -> memref<96x128xf32, #tpu.memory_space<vmem>>
    %dma_start3A_290 = arith.constant 104 : i32
    %dma_start3A_291 = arith.constant 0 : i32
    %dma_start3A_292 = tpu.memref_slice %arg5[%add3A_284, %dma_start3A_290, %dma_start3A_291] : memref<1024x200x128xf32, #tpu.memory_space<hbm>> -> memref<1x96x128xf32, #tpu.memory_space<hbm>>
    %dma_start3A_293 = tpu.memref_squeeze %dma_start3A_292 : memref<1x96x128xf32, #tpu.memory_space<hbm>> -> memref<96x128xf32, #tpu.memory_space<hbm>>
    %dma_start3A_294 = arith.constant 104 : i32
    %dma_start3A_295 = arith.constant 0 : i32
    %dma_start3A_296 = tpu.memref_slice %arg5[%add3A_284, %dma_start3A_294, %dma_start3A_295] : memref<1024x200x128xf32, #tpu.memory_space<hbm>> -> memref<1x96x128xf32, #tpu.memory_space<hbm>>
    %dma_start3A_297 = tpu.memref_squeeze %dma_start3A_296 : memref<1x96x128xf32, #tpu.memory_space<hbm>> -> memref<96x128xf32, #tpu.memory_space<hbm>>
    %dma_start3A_298 = arith.constant 0 : i32
    %dma_start3A_299 = arith.constant 0 : i32
    %dma_start3A_300 = tpu.memref_slice %arg8[%dma_start3A_285, %dma_start3A_298, %dma_start3A_299] : memref<6x104x128xf32, #tpu.memory_space<vmem>> -> memref<1x96x128xf32, #tpu.memory_space<vmem>>
    %dma_start3A_301 = tpu.memref_squeeze %dma_start3A_300 : memref<1x96x128xf32, #tpu.memory_space<vmem>> -> memref<96x128xf32, #tpu.memory_space<vmem>>
    tpu.enqueue_dma source(%dma_start3A_301 : memref<96x128xf32, #tpu.memory_space<vmem>>) target(%dma_start3A_297 : memref<96x128xf32, #tpu.memory_space<hbm>>) target_semaphore(%arg18 : memref<!tpu.dma_semaphore, #tpu.memory_space<semaphore_mem>>)
    %add3A_302 = arith.constant 1 : i32
    %add3A_303 = arith.addi %mul3A_2, %add3A_302 : i32
    %dma_wait3A_304 = arith.constant 2 : i32
    %dma_wait3A_305 = arith.constant 0 : i32
    %dma_wait3A_306 = arith.constant 0 : i32
    %dma_wait3A_307 = tpu.memref_slice %arg8[%dma_wait3A_304, %dma_wait3A_305, %dma_wait3A_306] : memref<6x104x128xf32, #tpu.memory_space<vmem>> -> memref<1x104x128xf32, #tpu.memory_space<vmem>>
    %dma_wait3A_308 = tpu.memref_squeeze %dma_wait3A_307 : memref<1x104x128xf32, #tpu.memory_space<vmem>> -> memref<104x128xf32, #tpu.memory_space<vmem>>
    %dma_wait3A_309 = arith.constant 0 : i32
    %dma_wait3A_310 = arith.constant 0 : i32
    %dma_wait3A_311 = tpu.memref_slice %arg5[%add3A_303, %dma_wait3A_309, %dma_wait3A_310] : memref<1024x200x128xf32, #tpu.memory_space<hbm>> -> memref<1x104x128xf32, #tpu.memory_space<hbm>>
    %dma_wait3A_312 = tpu.memref_squeeze %dma_wait3A_311 : memref<1x104x128xf32, #tpu.memory_space<hbm>> -> memref<104x128xf32, #tpu.memory_space<hbm>>
    %dma_wait3A_313 = arith.constant 0 : i32
    %dma_wait3A_314 = arith.constant 0 : i32
    %dma_wait3A_315 = tpu.memref_slice %arg5[%add3A_303, %dma_wait3A_313, %dma_wait3A_314] : memref<1024x200x128xf32, #tpu.memory_space<hbm>> -> memref<1x104x128xf32, #tpu.memory_space<hbm>>
    %dma_wait3A_316 = tpu.memref_squeeze %dma_wait3A_315 : memref<1x104x128xf32, #tpu.memory_space<hbm>> -> memref<104x128xf32, #tpu.memory_space<hbm>>
    %dma_wait3A_317 = arith.constant 0 : i32
    %dma_wait3A_318 = arith.constant 0 : i32
    %dma_wait3A_319 = tpu.memref_slice %arg8[%dma_wait3A_304, %dma_wait3A_317, %dma_wait3A_318] : memref<6x104x128xf32, #tpu.memory_space<vmem>> -> memref<1x104x128xf32, #tpu.memory_space<vmem>>
    %dma_wait3A_320 = tpu.memref_squeeze %dma_wait3A_319 : memref<1x104x128xf32, #tpu.memory_space<vmem>> -> memref<104x128xf32, #tpu.memory_space<vmem>>
    tpu.wait_dma2 semaphore(%arg17 : memref<!tpu.dma_semaphore, #tpu.memory_space<semaphore_mem>>) src(%dma_wait3A_320 : memref<104x128xf32, #tpu.memory_space<vmem>>) dst(%dma_wait3A_316 : memref<104x128xf32, #tpu.memory_space<hbm>>)
    %add3A_321 = arith.constant 4 : i32
    %add3A_322 = arith.addi %mul3A_2, %add3A_321 : i32
    %dma_start3A_323 = arith.constant 2 : i32
    %dma_start3A_324 = arith.constant 0 : i32
    %dma_start3A_325 = arith.constant 0 : i32
    %dma_start3A_326 = tpu.memref_slice %arg8[%dma_start3A_323, %dma_start3A_324, %dma_start3A_325] : memref<6x104x128xf32, #tpu.memory_space<vmem>> -> memref<1x104x128xf32, #tpu.memory_space<vmem>>
    %dma_start3A_327 = tpu.memref_squeeze %dma_start3A_326 : memref<1x104x128xf32, #tpu.memory_space<vmem>> -> memref<104x128xf32, #tpu.memory_space<vmem>>
    %dma_start3A_328 = arith.constant 800 : i32
    %dma_start3A_329 = tpu.memref_slice %arg6[%dma_start3A_328] : memref<6400xi32, #tpu.memory_space<vmem>> -> memref<104xi32, #tpu.memory_space<vmem>>
    %dma_start3A_330 = arith.constant 0 : i32
    %dma_start3A_331 = arith.constant 0 : i32
    %dma_start3A_332 = tpu.memref_slice %arg3[%dma_start3A_330, %dma_start3A_331] : memref<100000x128xf32, #tpu.memory_space<hbm>> -> memref<100000x128xf32, #tpu.memory_space<hbm>>
    tpu.enqueue_indirect_dma source(%dma_start3A_332 : memref<100000x128xf32, #tpu.memory_space<hbm>>) target(%dma_start3A_327 : memref<104x128xf32, #tpu.memory_space<vmem>>) offsets(%dma_start3A_329 : memref<104xi32, #tpu.memory_space<vmem>>) semaphore(%arg11 : memref<!tpu.dma_semaphore, #tpu.memory_space<semaphore_mem>>)
    %add3A_333 = arith.constant 2 : i32
    %add3A_334 = arith.addi %mul3A_2, %add3A_333 : i32
    %dma_wait3A_335 = arith.constant 4 : i32
    %dma_wait3A_336 = arith.constant 0 : i32
    %dma_wait3A_337 = arith.constant 0 : i32
    %dma_wait3A_338 = tpu.memref_slice %arg8[%dma_wait3A_335, %dma_wait3A_336, %dma_wait3A_337] : memref<6x104x128xf32, #tpu.memory_space<vmem>> -> memref<1x104x128xf32, #tpu.memory_space<vmem>>
    %dma_wait3A_339 = tpu.memref_squeeze %dma_wait3A_338 : memref<1x104x128xf32, #tpu.memory_space<vmem>> -> memref<104x128xf32, #tpu.memory_space<vmem>>
    %dma_wait3A_340 = arith.constant 400 : i32
    %dma_wait3A_341 = tpu.memref_slice %arg6[%dma_wait3A_340] : memref<6400xi32, #tpu.memory_space<vmem>> -> memref<104xi32, #tpu.memory_space<vmem>>
    %dma_wait3A_342 = arith.constant 0 : i32
    %dma_wait3A_343 = arith.constant 0 : i32
    %dma_wait3A_344 = tpu.memref_slice %arg3[%dma_wait3A_342, %dma_wait3A_343] : memref<100000x128xf32, #tpu.memory_space<hbm>> -> memref<100000x128xf32, #tpu.memory_space<hbm>>
    tpu.wait_indirect_dma semaphore(%arg13 : memref<!tpu.dma_semaphore, #tpu.memory_space<semaphore_mem>>) src(%dma_wait3A_344 : memref<100000x128xf32, #tpu.memory_space<hbm>>) dst(%dma_wait3A_339 : memref<104x128xf32, #tpu.memory_space<vmem>>)
    %scan3A_345 = arith.constant 0 : i32
    %scan3A_346 = arith.constant 0 : i32
    %scan3A_347 = arith.constant 104 : i32
    %scan3A_348 = arith.addi %scan3A_346, %scan3A_347 : i32
    %scan3A_349 = arith.constant 1 : i32
    scf.for %scan3A_706 = %scan3A_346 to %scan3A_348 step %scan3A_349  : i32 {
      %add3A_707 = arith.constant 0 : i32
      %add3A_708 = arith.addi %scan3A_706, %add3A_707 : i32
      %get3A = arith.constant 4 : i32
      %get3A_709 = arith.index_cast %get3A : i32 to index
      %get3A_710 = arith.index_cast %scan3A_706 : i32 to index
      %get3A_711 = arith.constant 0 : index
      %get3A_712 = tpu.vector_load %arg8[%get3A_709, %get3A_710, %get3A_711] {strides = array<i32>} : memref<6x104x128xf32, #tpu.memory_space<vmem>>, vector<1x1x16xf32>,
      %get3A_713 = vector.shape_cast %get3A_712 : vector<1x1x16xf32> to vector<16xf32>
      %mul3A_714 = arith.constant 11.3137083 : f32
      %mul3A_715 = vector.broadcast %mul3A_714 : f32 to vector<16xf32>
      %mul3A_716 = arith.mulf %get3A_713, %mul3A_715 : vector<16xf32>
      %get3A_717 = arith.index_cast %add3A_708 : i32 to index
      %get3A_718 = arith.constant 0 : index
      %get3A_719 = tpu.vector_load %arg7[%get3A_717, %get3A_718] {strides = array<i32>} : memref<200x128xf32, #tpu.memory_space<vmem>>, vector<1x16xf32>,
      %get3A_720 = vector.shape_cast %get3A_719 : vector<1x16xf32> to vector<16xf32>
      %add3A_721 = arith.addf %mul3A_716, %get3A_720 : vector<16xf32>
      %swap3A = arith.constant 4 : i32
      %swap3A_722 = arith.index_cast %swap3A : i32 to index
      %swap3A_723 = arith.index_cast %scan3A_706 : i32 to index
      %swap3A_724 = arith.constant 0 : index
      %swap3A_725 = tpu.vector_load %arg8[%swap3A_722, %swap3A_723, %swap3A_724] {strides = array<i32>} : memref<6x104x128xf32, #tpu.memory_space<vmem>>, vector<1x1x16xf32>,
      %swap3A_726 = vector.shape_cast %swap3A_725 : vector<1x1x16xf32> to vector<16xf32>
      %swap3A_727 = vector.shape_cast %add3A_721 : vector<16xf32> to vector<1x1x16xf32>
      tpu.vector_store %arg8[%swap3A_722, %swap3A_723, %swap3A_724], %swap3A_727 {strides = array<i32>} : memref<6x104x128xf32, #tpu.memory_space<vmem>>, vector<1x1x16xf32>,
      %get3A_728 = arith.constant 4 : i32
      %get3A_729 = arith.index_cast %get3A_728 : i32 to index
      %get3A_730 = arith.index_cast %scan3A_706 : i32 to index
      %get3A_731 = arith.constant 16 : index
      %get3A_732 = tpu.vector_load %arg8[%get3A_729, %get3A_730, %get3A_731] {strides = array<i32>} : memref<6x104x128xf32, #tpu.memory_space<vmem>>, vector<1x1x16xf32>,
      %get3A_733 = vector.shape_cast %get3A_732 : vector<1x1x16xf32> to vector<16xf32>
      %mul3A_734 = arith.constant 11.3137083 : f32
      %mul3A_735 = vector.broadcast %mul3A_734 : f32 to vector<16xf32>
      %mul3A_736 = arith.mulf %get3A_733, %mul3A_735 : vector<16xf32>
      %get3A_737 = arith.index_cast %add3A_708 : i32 to index
      %get3A_738 = arith.constant 16 : index
      %get3A_739 = tpu.vector_load %arg7[%get3A_737, %get3A_738] {strides = array<i32>} : memref<200x128xf32, #tpu.memory_space<vmem>>, vector<1x16xf32>,
      %get3A_740 = vector.shape_cast %get3A_739 : vector<1x16xf32> to vector<16xf32>
      %add3A_741 = arith.addf %mul3A_736, %get3A_740 : vector<16xf32>
      %swap3A_742 = arith.constant 4 : i32
      %swap3A_743 = arith.index_cast %swap3A_742 : i32 to index
      %swap3A_744 = arith.index_cast %scan3A_706 : i32 to index
      %swap3A_745 = arith.constant 16 : index
      %swap3A_746 = tpu.vector_load %arg8[%swap3A_743, %swap3A_744, %swap3A_745] {strides = array<i32>} : memref<6x104x128xf32, #tpu.memory_space<vmem>>, vector<1x1x16xf32>,
      %swap3A_747 = vector.shape_cast %swap3A_746 : vector<1x1x16xf32> to vector<16xf32>
      %swap3A_748 = vector.shape_cast %add3A_741 : vector<16xf32> to vector<1x1x16xf32>
      tpu.vector_store %arg8[%swap3A_743, %swap3A_744, %swap3A_745], %swap3A_748 {strides = array<i32>} : memref<6x104x128xf32, #tpu.memory_space<vmem>>, vector<1x1x16xf32>,
      %get3A_749 = arith.constant 4 : i32
      %get3A_750 = arith.index_cast %get3A_749 : i32 to index
      %get3A_751 = arith.index_cast %scan3A_706 : i32 to index
      %get3A_752 = arith.constant 32 : index
      %get3A_753 = tpu.vector_load %arg8[%get3A_750, %get3A_751, %get3A_752] {strides = array<i32>} : memref<6x104x128xf32, #tpu.memory_space<vmem>>, vector<1x1x16xf32>,
      %get3A_754 = vector.shape_cast %get3A_753 : vector<1x1x16xf32> to vector<16xf32>
      %mul3A_755 = arith.constant 11.3137083 : f32
      %mul3A_756 = vector.broadcast %mul3A_755 : f32 to vector<16xf32>
      %mul3A_757 = arith.mulf %get3A_754, %mul3A_756 : vector<16xf32>
      %get3A_758 = arith.index_cast %add3A_708 : i32 to index
      %get3A_759 = arith.constant 32 : index
      %get3A_760 = tpu.vector_load %arg7[%get3A_758, %get3A_759] {strides = array<i32>} : memref<200x128xf32, #tpu.memory_space<vmem>>, vector<1x16xf32>,
      %get3A_761 = vector.shape_cast %get3A_760 : vector<1x16xf32> to vector<16xf32>
      %add3A_762 = arith.addf %mul3A_757, %get3A_761 : vector<16xf32>
      %swap3A_763 = arith.constant 4 : i32
      %swap3A_764 = arith.index_cast %swap3A_763 : i32 to index
      %swap3A_765 = arith.index_cast %scan3A_706 : i32 to index
      %swap3A_766 = arith.constant 32 : index
      %swap3A_767 = tpu.vector_load %arg8[%swap3A_764, %swap3A_765, %swap3A_766] {strides = array<i32>} : memref<6x104x128xf32, #tpu.memory_space<vmem>>, vector<1x1x16xf32>,
      %swap3A_768 = vector.shape_cast %swap3A_767 : vector<1x1x16xf32> to vector<16xf32>
      %swap3A_769 = vector.shape_cast %add3A_762 : vector<16xf32> to vector<1x1x16xf32>
      tpu.vector_store %arg8[%swap3A_764, %swap3A_765, %swap3A_766], %swap3A_769 {strides = array<i32>} : memref<6x104x128xf32, #tpu.memory_space<vmem>>, vector<1x1x16xf32>,
      %get3A_770 = arith.constant 4 : i32
      %get3A_771 = arith.index_cast %get3A_770 : i32 to index
      %get3A_772 = arith.index_cast %scan3A_706 : i32 to index
      %get3A_773 = arith.constant 48 : index
      %get3A_774 = tpu.vector_load %arg8[%get3A_771, %get3A_772, %get3A_773] {strides = array<i32>} : memref<6x104x128xf32, #tpu.memory_space<vmem>>, vector<1x1x16xf32>,
      %get3A_775 = vector.shape_cast %get3A_774 : vector<1x1x16xf32> to vector<16xf32>
      %mul3A_776 = arith.constant 11.3137083 : f32
      %mul3A_777 = vector.broadcast %mul3A_776 : f32 to vector<16xf32>
      %mul3A_778 = arith.mulf %get3A_775, %mul3A_777 : vector<16xf32>
      %get3A_779 = arith.index_cast %add3A_708 : i32 to index
      %get3A_780 = arith.constant 48 : index
      %get3A_781 = tpu.vector_load %arg7[%get3A_779, %get3A_780] {strides = array<i32>} : memref<200x128xf32, #tpu.memory_space<vmem>>, vector<1x16xf32>,
      %get3A_782 = vector.shape_cast %get3A_781 : vector<1x16xf32> to vector<16xf32>
      %add3A_783 = arith.addf %mul3A_778, %get3A_782 : vector<16xf32>
      %swap3A_784 = arith.constant 4 : i32
      %swap3A_785 = arith.index_cast %swap3A_784 : i32 to index
      %swap3A_786 = arith.index_cast %scan3A_706 : i32 to index
      %swap3A_787 = arith.constant 48 : index
      %swap3A_788 = tpu.vector_load %arg8[%swap3A_785, %swap3A_786, %swap3A_787] {strides = array<i32>} : memref<6x104x128xf32, #tpu.memory_space<vmem>>, vector<1x1x16xf32>,
      %swap3A_789 = vector.shape_cast %swap3A_788 : vector<1x1x16xf32> to vector<16xf32>
      %swap3A_790 = vector.shape_cast %add3A_783 : vector<16xf32> to vector<1x1x16xf32>
      tpu.vector_store %arg8[%swap3A_785, %swap3A_786, %swap3A_787], %swap3A_790 {strides = array<i32>} : memref<6x104x128xf32, #tpu.memory_space<vmem>>, vector<1x1x16xf32>,
      %get3A_791 = arith.constant 4 : i32
      %get3A_792 = arith.index_cast %get3A_791 : i32 to index
      %get3A_793 = arith.index_cast %scan3A_706 : i32 to index
      %get3A_794 = arith.constant 64 : index
      %get3A_795 = tpu.vector_load %arg8[%get3A_792, %get3A_793, %get3A_794] {strides = array<i32>} : memref<6x104x128xf32, #tpu.memory_space<vmem>>, vector<1x1x16xf32>,
      %get3A_796 = vector.shape_cast %get3A_795 : vector<1x1x16xf32> to vector<16xf32>
      %mul3A_797 = arith.constant 11.3137083 : f32
      %mul3A_798 = vector.broadcast %mul3A_797 : f32 to vector<16xf32>
      %mul3A_799 = arith.mulf %get3A_796, %mul3A_798 : vector<16xf32>
      %get3A_800 = arith.index_cast %add3A_708 : i32 to index
      %get3A_801 = arith.constant 64 : index
      %get3A_802 = tpu.vector_load %arg7[%get3A_800, %get3A_801] {strides = array<i32>} : memref<200x128xf32, #tpu.memory_space<vmem>>, vector<1x16xf32>,
      %get3A_803 = vector.shape_cast %get3A_802 : vector<1x16xf32> to vector<16xf32>
      %add3A_804 = arith.addf %mul3A_799, %get3A_803 : vector<16xf32>
      %swap3A_805 = arith.constant 4 : i32
      %swap3A_806 = arith.index_cast %swap3A_805 : i32 to index
      %swap3A_807 = arith.index_cast %scan3A_706 : i32 to index
      %swap3A_808 = arith.constant 64 : index
      %swap3A_809 = tpu.vector_load %arg8[%swap3A_806, %swap3A_807, %swap3A_808] {strides = array<i32>} : memref<6x104x128xf32, #tpu.memory_space<vmem>>, vector<1x1x16xf32>,
      %swap3A_810 = vector.shape_cast %swap3A_809 : vector<1x1x16xf32> to vector<16xf32>
      %swap3A_811 = vector.shape_cast %add3A_804 : vector<16xf32> to vector<1x1x16xf32>
      tpu.vector_store %arg8[%swap3A_806, %swap3A_807, %swap3A_808], %swap3A_811 {strides = array<i32>} : memref<6x104x128xf32, #tpu.memory_space<vmem>>, vector<1x1x16xf32>,
      %get3A_812 = arith.constant 4 : i32
      %get3A_813 = arith.index_cast %get3A_812 : i32 to index
      %get3A_814 = arith.index_cast %scan3A_706 : i32 to index
      %get3A_815 = arith.constant 80 : index
      %get3A_816 = tpu.vector_load %arg8[%get3A_813, %get3A_814, %get3A_815] {strides = array<i32>} : memref<6x104x128xf32, #tpu.memory_space<vmem>>, vector<1x1x16xf32>,
      %get3A_817 = vector.shape_cast %get3A_816 : vector<1x1x16xf32> to vector<16xf32>
      %mul3A_818 = arith.constant 11.3137083 : f32
      %mul3A_819 = vector.broadcast %mul3A_818 : f32 to vector<16xf32>
      %mul3A_820 = arith.mulf %get3A_817, %mul3A_819 : vector<16xf32>
      %get3A_821 = arith.index_cast %add3A_708 : i32 to index
      %get3A_822 = arith.constant 80 : index
      %get3A_823 = tpu.vector_load %arg7[%get3A_821, %get3A_822] {strides = array<i32>} : memref<200x128xf32, #tpu.memory_space<vmem>>, vector<1x16xf32>,
      %get3A_824 = vector.shape_cast %get3A_823 : vector<1x16xf32> to vector<16xf32>
      %add3A_825 = arith.addf %mul3A_820, %get3A_824 : vector<16xf32>
      %swap3A_826 = arith.constant 4 : i32
      %swap3A_827 = arith.index_cast %swap3A_826 : i32 to index
      %swap3A_828 = arith.index_cast %scan3A_706 : i32 to index
      %swap3A_829 = arith.constant 80 : index
      %swap3A_830 = tpu.vector_load %arg8[%swap3A_827, %swap3A_828, %swap3A_829] {strides = array<i32>} : memref<6x104x128xf32, #tpu.memory_space<vmem>>, vector<1x1x16xf32>,
      %swap3A_831 = vector.shape_cast %swap3A_830 : vector<1x1x16xf32> to vector<16xf32>
      %swap3A_832 = vector.shape_cast %add3A_825 : vector<16xf32> to vector<1x1x16xf32>
      tpu.vector_store %arg8[%swap3A_827, %swap3A_828, %swap3A_829], %swap3A_832 {strides = array<i32>} : memref<6x104x128xf32, #tpu.memory_space<vmem>>, vector<1x1x16xf32>,
      %get3A_833 = arith.constant 4 : i32
      %get3A_834 = arith.index_cast %get3A_833 : i32 to index
      %get3A_835 = arith.index_cast %scan3A_706 : i32 to index
      %get3A_836 = arith.constant 96 : index
      %get3A_837 = tpu.vector_load %arg8[%get3A_834, %get3A_835, %get3A_836] {strides = array<i32>} : memref<6x104x128xf32, #tpu.memory_space<vmem>>, vector<1x1x16xf32>,
      %get3A_838 = vector.shape_cast %get3A_837 : vector<1x1x16xf32> to vector<16xf32>
      %mul3A_839 = arith.constant 11.3137083 : f32
      %mul3A_840 = vector.broadcast %mul3A_839 : f32 to vector<16xf32>
      %mul3A_841 = arith.mulf %get3A_838, %mul3A_840 : vector<16xf32>
      %get3A_842 = arith.index_cast %add3A_708 : i32 to index
      %get3A_843 = arith.constant 96 : index
      %get3A_844 = tpu.vector_load %arg7[%get3A_842, %get3A_843] {strides = array<i32>} : memref<200x128xf32, #tpu.memory_space<vmem>>, vector<1x16xf32>,
      %get3A_845 = vector.shape_cast %get3A_844 : vector<1x16xf32> to vector<16xf32>
      %add3A_846 = arith.addf %mul3A_841, %get3A_845 : vector<16xf32>
      %swap3A_847 = arith.constant 4 : i32
      %swap3A_848 = arith.index_cast %swap3A_847 : i32 to index
      %swap3A_849 = arith.index_cast %scan3A_706 : i32 to index
      %swap3A_850 = arith.constant 96 : index
      %swap3A_851 = tpu.vector_load %arg8[%swap3A_848, %swap3A_849, %swap3A_850] {strides = array<i32>} : memref<6x104x128xf32, #tpu.memory_space<vmem>>, vector<1x1x16xf32>,
      %swap3A_852 = vector.shape_cast %swap3A_851 : vector<1x1x16xf32> to vector<16xf32>
      %swap3A_853 = vector.shape_cast %add3A_846 : vector<16xf32> to vector<1x1x16xf32>
      tpu.vector_store %arg8[%swap3A_848, %swap3A_849, %swap3A_850], %swap3A_853 {strides = array<i32>} : memref<6x104x128xf32, #tpu.memory_space<vmem>>, vector<1x1x16xf32>,
      %get3A_854 = arith.constant 4 : i32
      %get3A_855 = arith.index_cast %get3A_854 : i32 to index
      %get3A_856 = arith.index_cast %scan3A_706 : i32 to index
      %get3A_857 = arith.constant 112 : index
      %get3A_858 = tpu.vector_load %arg8[%get3A_855, %get3A_856, %get3A_857] {strides = array<i32>} : memref<6x104x128xf32, #tpu.memory_space<vmem>>, vector<1x1x16xf32>,
      %get3A_859 = vector.shape_cast %get3A_858 : vector<1x1x16xf32> to vector<16xf32>
      %mul3A_860 = arith.constant 11.3137083 : f32
      %mul3A_861 = vector.broadcast %mul3A_860 : f32 to vector<16xf32>
      %mul3A_862 = arith.mulf %get3A_859, %mul3A_861 : vector<16xf32>
      %get3A_863 = arith.index_cast %add3A_708 : i32 to index
      %get3A_864 = arith.constant 112 : index
      %get3A_865 = tpu.vector_load %arg7[%get3A_863, %get3A_864] {strides = array<i32>} : memref<200x128xf32, #tpu.memory_space<vmem>>, vector<1x16xf32>,
      %get3A_866 = vector.shape_cast %get3A_865 : vector<1x16xf32> to vector<16xf32>
      %add3A_867 = arith.addf %mul3A_862, %get3A_866 : vector<16xf32>
      %swap3A_868 = arith.constant 4 : i32
      %swap3A_869 = arith.index_cast %swap3A_868 : i32 to index
      %swap3A_870 = arith.index_cast %scan3A_706 : i32 to index
      %swap3A_871 = arith.constant 112 : index
      %swap3A_872 = tpu.vector_load %arg8[%swap3A_869, %swap3A_870, %swap3A_871] {strides = array<i32>} : memref<6x104x128xf32, #tpu.memory_space<vmem>>, vector<1x1x16xf32>,
      %swap3A_873 = vector.shape_cast %swap3A_872 : vector<1x1x16xf32> to vector<16xf32>
      %swap3A_874 = vector.shape_cast %add3A_867 : vector<16xf32> to vector<1x1x16xf32>
      tpu.vector_store %arg8[%swap3A_869, %swap3A_870, %swap3A_871], %swap3A_874 {strides = array<i32>} : memref<6x104x128xf32, #tpu.memory_space<vmem>>, vector<1x1x16xf32>,
    }
    %scan3A_350 = arith.constant 104 : i32
    %add3A_351 = arith.constant 2 : i32
    %add3A_352 = arith.addi %mul3A_2, %add3A_351 : i32
    %dma_start3A_353 = arith.constant 4 : i32
    %dma_start3A_354 = arith.constant 0 : i32
    %dma_start3A_355 = arith.constant 0 : i32
    %dma_start3A_356 = tpu.memref_slice %arg8[%dma_start3A_353, %dma_start3A_354, %dma_start3A_355] : memref<6x104x128xf32, #tpu.memory_space<vmem>> -> memref<1x104x128xf32, #tpu.memory_space<vmem>>
    %dma_start3A_357 = tpu.memref_squeeze %dma_start3A_356 : memref<1x104x128xf32, #tpu.memory_space<vmem>> -> memref<104x128xf32, #tpu.memory_space<vmem>>
    %dma_start3A_358 = arith.constant 0 : i32
    %dma_start3A_359 = arith.constant 0 : i32
    %dma_start3A_360 = tpu.memref_slice %arg5[%add3A_352, %dma_start3A_358, %dma_start3A_359] : memref<1024x200x128xf32, #tpu.memory_space<hbm>> -> memref<1x104x128xf32, #tpu.memory_space<hbm>>
    %dma_start3A_361 = tpu.memref_squeeze %dma_start3A_360 : memref<1x104x128xf32, #tpu.memory_space<hbm>> -> memref<104x128xf32, #tpu.memory_space<hbm>>
    %dma_start3A_362 = arith.constant 0 : i32
    %dma_start3A_363 = arith.constant 0 : i32
    %dma_start3A_364 = tpu.memref_slice %arg5[%add3A_352, %dma_start3A_362, %dma_start3A_363] : memref<1024x200x128xf32, #tpu.memory_space<hbm>> -> memref<1x104x128xf32, #tpu.memory_space<hbm>>
    %dma_start3A_365 = tpu.memref_squeeze %dma_start3A_364 : memref<1x104x128xf32, #tpu.memory_space<hbm>> -> memref<104x128xf32, #tpu.memory_space<hbm>>
    %dma_start3A_366 = arith.constant 0 : i32
    %dma_start3A_367 = arith.constant 0 : i32
    %dma_start3A_368 = tpu.memref_slice %arg8[%dma_start3A_353, %dma_start3A_366, %dma_start3A_367] : memref<6x104x128xf32, #tpu.memory_space<vmem>> -> memref<1x104x128xf32, #tpu.memory_space<vmem>>
    %dma_start3A_369 = tpu.memref_squeeze %dma_start3A_368 : memref<1x104x128xf32, #tpu.memory_space<vmem>> -> memref<104x128xf32, #tpu.memory_space<vmem>>
    tpu.enqueue_dma source(%dma_start3A_369 : memref<104x128xf32, #tpu.memory_space<vmem>>) target(%dma_start3A_365 : memref<104x128xf32, #tpu.memory_space<hbm>>) target_semaphore(%arg19 : memref<!tpu.dma_semaphore, #tpu.memory_space<semaphore_mem>>)
    %add3A_370 = arith.constant 1 : i32
    %add3A_371 = arith.addi %mul3A_2, %add3A_370 : i32
    %dma_wait3A_372 = arith.constant 3 : i32
    %dma_wait3A_373 = arith.constant 0 : i32
    %dma_wait3A_374 = arith.constant 0 : i32
    %dma_wait3A_375 = tpu.memref_slice %arg8[%dma_wait3A_372, %dma_wait3A_373, %dma_wait3A_374] : memref<6x104x128xf32, #tpu.memory_space<vmem>> -> memref<1x96x128xf32, #tpu.memory_space<vmem>>
    %dma_wait3A_376 = tpu.memref_squeeze %dma_wait3A_375 : memref<1x96x128xf32, #tpu.memory_space<vmem>> -> memref<96x128xf32, #tpu.memory_space<vmem>>
    %dma_wait3A_377 = arith.constant 104 : i32
    %dma_wait3A_378 = arith.constant 0 : i32
    %dma_wait3A_379 = tpu.memref_slice %arg5[%add3A_371, %dma_wait3A_377, %dma_wait3A_378] : memref<1024x200x128xf32, #tpu.memory_space<hbm>> -> memref<1x96x128xf32, #tpu.memory_space<hbm>>
    %dma_wait3A_380 = tpu.memref_squeeze %dma_wait3A_379 : memref<1x96x128xf32, #tpu.memory_space<hbm>> -> memref<96x128xf32, #tpu.memory_space<hbm>>
    %dma_wait3A_381 = arith.constant 104 : i32
    %dma_wait3A_382 = arith.constant 0 : i32
    %dma_wait3A_383 = tpu.memref_slice %arg5[%add3A_371, %dma_wait3A_381, %dma_wait3A_382] : memref<1024x200x128xf32, #tpu.memory_space<hbm>> -> memref<1x96x128xf32, #tpu.memory_space<hbm>>
    %dma_wait3A_384 = tpu.memref_squeeze %dma_wait3A_383 : memref<1x96x128xf32, #tpu.memory_space<hbm>> -> memref<96x128xf32, #tpu.memory_space<hbm>>
    %dma_wait3A_385 = arith.constant 0 : i32
    %dma_wait3A_386 = arith.constant 0 : i32
    %dma_wait3A_387 = tpu.memref_slice %arg8[%dma_wait3A_372, %dma_wait3A_385, %dma_wait3A_386] : memref<6x104x128xf32, #tpu.memory_space<vmem>> -> memref<1x96x128xf32, #tpu.memory_space<vmem>>
    %dma_wait3A_388 = tpu.memref_squeeze %dma_wait3A_387 : memref<1x96x128xf32, #tpu.memory_space<vmem>> -> memref<96x128xf32, #tpu.memory_space<vmem>>
    tpu.wait_dma2 semaphore(%arg18 : memref<!tpu.dma_semaphore, #tpu.memory_space<semaphore_mem>>) src(%dma_wait3A_388 : memref<96x128xf32, #tpu.memory_space<vmem>>) dst(%dma_wait3A_384 : memref<96x128xf32, #tpu.memory_space<hbm>>)
    %add3A_389 = arith.constant 4 : i32
    %add3A_390 = arith.addi %mul3A_2, %add3A_389 : i32
    %dma_start3A_391 = arith.constant 3 : i32
    %dma_start3A_392 = arith.constant 0 : i32
    %dma_start3A_393 = arith.constant 0 : i32
    %dma_start3A_394 = tpu.memref_slice %arg8[%dma_start3A_391, %dma_start3A_392, %dma_start3A_393] : memref<6x104x128xf32, #tpu.memory_space<vmem>> -> memref<1x96x128xf32, #tpu.memory_space<vmem>>
    %dma_start3A_395 = tpu.memref_squeeze %dma_start3A_394 : memref<1x96x128xf32, #tpu.memory_space<vmem>> -> memref<96x128xf32, #tpu.memory_space<vmem>>
    %dma_start3A_396 = arith.constant 904 : i32
    %dma_start3A_397 = tpu.memref_slice %arg6[%dma_start3A_396] : memref<6400xi32, #tpu.memory_space<vmem>> -> memref<96xi32, #tpu.memory_space<vmem>>
    %dma_start3A_398 = arith.constant 0 : i32
    %dma_start3A_399 = arith.constant 0 : i32
    %dma_start3A_400 = tpu.memref_slice %arg3[%dma_start3A_398, %dma_start3A_399] : memref<100000x128xf32, #tpu.memory_space<hbm>> -> memref<100000x128xf32, #tpu.memory_space<hbm>>
    tpu.enqueue_indirect_dma source(%dma_start3A_400 : memref<100000x128xf32, #tpu.memory_space<hbm>>) target(%dma_start3A_395 : memref<96x128xf32, #tpu.memory_space<vmem>>) offsets(%dma_start3A_397 : memref<96xi32, #tpu.memory_space<vmem>>) semaphore(%arg12 : memref<!tpu.dma_semaphore, #tpu.memory_space<semaphore_mem>>)
    %add3A_401 = arith.constant 2 : i32
    %add3A_402 = arith.addi %mul3A_2, %add3A_401 : i32
    %dma_wait3A_403 = arith.constant 5 : i32
    %dma_wait3A_404 = arith.constant 0 : i32
    %dma_wait3A_405 = arith.constant 0 : i32
    %dma_wait3A_406 = tpu.memref_slice %arg8[%dma_wait3A_403, %dma_wait3A_404, %dma_wait3A_405] : memref<6x104x128xf32, #tpu.memory_space<vmem>> -> memref<1x96x128xf32, #tpu.memory_space<vmem>>
    %dma_wait3A_407 = tpu.memref_squeeze %dma_wait3A_406 : memref<1x96x128xf32, #tpu.memory_space<vmem>> -> memref<96x128xf32, #tpu.memory_space<vmem>>
    %dma_wait3A_408 = arith.constant 504 : i32
    %dma_wait3A_409 = tpu.memref_slice %arg6[%dma_wait3A_408] : memref<6400xi32, #tpu.memory_space<vmem>> -> memref<96xi32, #tpu.memory_space<vmem>>
    %dma_wait3A_410 = arith.constant 0 : i32
    %dma_wait3A_411 = arith.constant 0 : i32
    %dma_wait3A_412 = tpu.memref_slice %arg3[%dma_wait3A_410, %dma_wait3A_411] : memref<100000x128xf32, #tpu.memory_space<hbm>> -> memref<100000x128xf32, #tpu.memory_space<hbm>>
    tpu.wait_indirect_dma semaphore(%arg14 : memref<!tpu.dma_semaphore, #tpu.memory_space<semaphore_mem>>) src(%dma_wait3A_412 : memref<100000x128xf32, #tpu.memory_space<hbm>>) dst(%dma_wait3A_407 : memref<96x128xf32, #tpu.memory_space<vmem>>)
    %scan3A_413 = arith.constant 0 : i32
    %scan3A_414 = arith.constant 0 : i32
    %scan3A_415 = arith.constant 96 : i32
    %scan3A_416 = arith.addi %scan3A_414, %scan3A_415 : i32
    %scan3A_417 = arith.constant 1 : i32
    scf.for %scan3A_706 = %scan3A_414 to %scan3A_416 step %scan3A_417  : i32 {
      %add3A_707 = arith.constant 104 : i32
      %add3A_708 = arith.addi %scan3A_706, %add3A_707 : i32
      %get3A = arith.constant 5 : i32
      %get3A_709 = arith.index_cast %get3A : i32 to index
      %get3A_710 = arith.index_cast %scan3A_706 : i32 to index
      %get3A_711 = arith.constant 0 : index
      %get3A_712 = tpu.vector_load %arg8[%get3A_709, %get3A_710, %get3A_711] {strides = array<i32>} : memref<6x104x128xf32, #tpu.memory_space<vmem>>, vector<1x1x16xf32>,
      %get3A_713 = vector.shape_cast %get3A_712 : vector<1x1x16xf32> to vector<16xf32>
      %mul3A_714 = arith.constant 11.3137083 : f32
      %mul3A_715 = vector.broadcast %mul3A_714 : f32 to vector<16xf32>
      %mul3A_716 = arith.mulf %get3A_713, %mul3A_715 : vector<16xf32>
      %get3A_717 = arith.index_cast %add3A_708 : i32 to index
      %get3A_718 = arith.constant 0 : index
      %get3A_719 = tpu.vector_load %arg7[%get3A_717, %get3A_718] {strides = array<i32>} : memref<200x128xf32, #tpu.memory_space<vmem>>, vector<1x16xf32>,
      %get3A_720 = vector.shape_cast %get3A_719 : vector<1x16xf32> to vector<16xf32>
      %add3A_721 = arith.addf %mul3A_716, %get3A_720 : vector<16xf32>
      %swap3A = arith.constant 5 : i32
      %swap3A_722 = arith.index_cast %swap3A : i32 to index
      %swap3A_723 = arith.index_cast %scan3A_706 : i32 to index
      %swap3A_724 = arith.constant 0 : index
      %swap3A_725 = tpu.vector_load %arg8[%swap3A_722, %swap3A_723, %swap3A_724] {strides = array<i32>} : memref<6x104x128xf32, #tpu.memory_space<vmem>>, vector<1x1x16xf32>,
      %swap3A_726 = vector.shape_cast %swap3A_725 : vector<1x1x16xf32> to vector<16xf32>
      %swap3A_727 = vector.shape_cast %add3A_721 : vector<16xf32> to vector<1x1x16xf32>
      tpu.vector_store %arg8[%swap3A_722, %swap3A_723, %swap3A_724], %swap3A_727 {strides = array<i32>} : memref<6x104x128xf32, #tpu.memory_space<vmem>>, vector<1x1x16xf32>,
      %get3A_728 = arith.constant 5 : i32
      %get3A_729 = arith.index_cast %get3A_728 : i32 to index
      %get3A_730 = arith.index_cast %scan3A_706 : i32 to index
      %get3A_731 = arith.constant 16 : index
      %get3A_732 = tpu.vector_load %arg8[%get3A_729, %get3A_730, %get3A_731] {strides = array<i32>} : memref<6x104x128xf32, #tpu.memory_space<vmem>>, vector<1x1x16xf32>,
      %get3A_733 = vector.shape_cast %get3A_732 : vector<1x1x16xf32> to vector<16xf32>
      %mul3A_734 = arith.constant 11.3137083 : f32
      %mul3A_735 = vector.broadcast %mul3A_734 : f32 to vector<16xf32>
      %mul3A_736 = arith.mulf %get3A_733, %mul3A_735 : vector<16xf32>
      %get3A_737 = arith.index_cast %add3A_708 : i32 to index
      %get3A_738 = arith.constant 16 : index
      %get3A_739 = tpu.vector_load %arg7[%get3A_737, %get3A_738] {strides = array<i32>} : memref<200x128xf32, #tpu.memory_space<vmem>>, vector<1x16xf32>,
      %get3A_740 = vector.shape_cast %get3A_739 : vector<1x16xf32> to vector<16xf32>
      %add3A_741 = arith.addf %mul3A_736, %get3A_740 : vector<16xf32>
      %swap3A_742 = arith.constant 5 : i32
      %swap3A_743 = arith.index_cast %swap3A_742 : i32 to index
      %swap3A_744 = arith.index_cast %scan3A_706 : i32 to index
      %swap3A_745 = arith.constant 16 : index
      %swap3A_746 = tpu.vector_load %arg8[%swap3A_743, %swap3A_744, %swap3A_745] {strides = array<i32>} : memref<6x104x128xf32, #tpu.memory_space<vmem>>, vector<1x1x16xf32>,
      %swap3A_747 = vector.shape_cast %swap3A_746 : vector<1x1x16xf32> to vector<16xf32>
      %swap3A_748 = vector.shape_cast %add3A_741 : vector<16xf32> to vector<1x1x16xf32>
      tpu.vector_store %arg8[%swap3A_743, %swap3A_744, %swap3A_745], %swap3A_748 {strides = array<i32>} : memref<6x104x128xf32, #tpu.memory_space<vmem>>, vector<1x1x16xf32>,
      %get3A_749 = arith.constant 5 : i32
      %get3A_750 = arith.index_cast %get3A_749 : i32 to index
      %get3A_751 = arith.index_cast %scan3A_706 : i32 to index
      %get3A_752 = arith.constant 32 : index
      %get3A_753 = tpu.vector_load %arg8[%get3A_750, %get3A_751, %get3A_752] {strides = array<i32>} : memref<6x104x128xf32, #tpu.memory_space<vmem>>, vector<1x1x16xf32>,
      %get3A_754 = vector.shape_cast %get3A_753 : vector<1x1x16xf32> to vector<16xf32>
      %mul3A_755 = arith.constant 11.3137083 : f32
      %mul3A_756 = vector.broadcast %mul3A_755 : f32 to vector<16xf32>
      %mul3A_757 = arith.mulf %get3A_754, %mul3A_756 : vector<16xf32>
      %get3A_758 = arith.index_cast %add3A_708 : i32 to index
      %get3A_759 = arith.constant 32 : index
      %get3A_760 = tpu.vector_load %arg7[%get3A_758, %get3A_759] {strides = array<i32>} : memref<200x128xf32, #tpu.memory_space<vmem>>, vector<1x16xf32>,
      %get3A_761 = vector.shape_cast %get3A_760 : vector<1x16xf32> to vector<16xf32>
      %add3A_762 = arith.addf %mul3A_757, %get3A_761 : vector<16xf32>
      %swap3A_763 = arith.constant 5 : i32
      %swap3A_764 = arith.index_cast %swap3A_763 : i32 to index
      %swap3A_765 = arith.index_cast %scan3A_706 : i32 to index
      %swap3A_766 = arith.constant 32 : index
      %swap3A_767 = tpu.vector_load %arg8[%swap3A_764, %swap3A_765, %swap3A_766] {strides = array<i32>} : memref<6x104x128xf32, #tpu.memory_space<vmem>>, vector<1x1x16xf32>,
      %swap3A_768 = vector.shape_cast %swap3A_767 : vector<1x1x16xf32> to vector<16xf32>
      %swap3A_769 = vector.shape_cast %add3A_762 : vector<16xf32> to vector<1x1x16xf32>
      tpu.vector_store %arg8[%swap3A_764, %swap3A_765, %swap3A_766], %swap3A_769 {strides = array<i32>} : memref<6x104x128xf32, #tpu.memory_space<vmem>>, vector<1x1x16xf32>,
      %get3A_770 = arith.constant 5 : i32
      %get3A_771 = arith.index_cast %get3A_770 : i32 to index
      %get3A_772 = arith.index_cast %scan3A_706 : i32 to index
      %get3A_773 = arith.constant 48 : index
      %get3A_774 = tpu.vector_load %arg8[%get3A_771, %get3A_772, %get3A_773] {strides = array<i32>} : memref<6x104x128xf32, #tpu.memory_space<vmem>>, vector<1x1x16xf32>,
      %get3A_775 = vector.shape_cast %get3A_774 : vector<1x1x16xf32> to vector<16xf32>
      %mul3A_776 = arith.constant 11.3137083 : f32
      %mul3A_777 = vector.broadcast %mul3A_776 : f32 to vector<16xf32>
      %mul3A_778 = arith.mulf %get3A_775, %mul3A_777 : vector<16xf32>
      %get3A_779 = arith.index_cast %add3A_708 : i32 to index
      %get3A_780 = arith.constant 48 : index
      %get3A_781 = tpu.vector_load %arg7[%get3A_779, %get3A_780] {strides = array<i32>} : memref<200x128xf32, #tpu.memory_space<vmem>>, vector<1x16xf32>,
      %get3A_782 = vector.shape_cast %get3A_781 : vector<1x16xf32> to vector<16xf32>
      %add3A_783 = arith.addf %mul3A_778, %get3A_782 : vector<16xf32>
      %swap3A_784 = arith.constant 5 : i32
      %swap3A_785 = arith.index_cast %swap3A_784 : i32 to index
      %swap3A_786 = arith.index_cast %scan3A_706 : i32 to index
      %swap3A_787 = arith.constant 48 : index
      %swap3A_788 = tpu.vector_load %arg8[%swap3A_785, %swap3A_786, %swap3A_787] {strides = array<i32>} : memref<6x104x128xf32, #tpu.memory_space<vmem>>, vector<1x1x16xf32>,
      %swap3A_789 = vector.shape_cast %swap3A_788 : vector<1x1x16xf32> to vector<16xf32>
      %swap3A_790 = vector.shape_cast %add3A_783 : vector<16xf32> to vector<1x1x16xf32>
      tpu.vector_store %arg8[%swap3A_785, %swap3A_786, %swap3A_787], %swap3A_790 {strides = array<i32>} : memref<6x104x128xf32, #tpu.memory_space<vmem>>, vector<1x1x16xf32>,
      %get3A_791 = arith.constant 5 : i32
      %get3A_792 = arith.index_cast %get3A_791 : i32 to index
      %get3A_793 = arith.index_cast %scan3A_706 : i32 to index
      %get3A_794 = arith.constant 64 : index
      %get3A_795 = tpu.vector_load %arg8[%get3A_792, %get3A_793, %get3A_794] {strides = array<i32>} : memref<6x104x128xf32, #tpu.memory_space<vmem>>, vector<1x1x16xf32>,
      %get3A_796 = vector.shape_cast %get3A_795 : vector<1x1x16xf32> to vector<16xf32>
      %mul3A_797 = arith.constant 11.3137083 : f32
      %mul3A_798 = vector.broadcast %mul3A_797 : f32 to vector<16xf32>
      %mul3A_799 = arith.mulf %get3A_796, %mul3A_798 : vector<16xf32>
      %get3A_800 = arith.index_cast %add3A_708 : i32 to index
      %get3A_801 = arith.constant 64 : index
      %get3A_802 = tpu.vector_load %arg7[%get3A_800, %get3A_801] {strides = array<i32>} : memref<200x128xf32, #tpu.memory_space<vmem>>, vector<1x16xf32>,
      %get3A_803 = vector.shape_cast %get3A_802 : vector<1x16xf32> to vector<16xf32>
      %add3A_804 = arith.addf %mul3A_799, %get3A_803 : vector<16xf32>
      %swap3A_805 = arith.constant 5 : i32
      %swap3A_806 = arith.index_cast %swap3A_805 : i32 to index
      %swap3A_807 = arith.index_cast %scan3A_706 : i32 to index
      %swap3A_808 = arith.constant 64 : index
      %swap3A_809 = tpu.vector_load %arg8[%swap3A_806, %swap3A_807, %swap3A_808] {strides = array<i32>} : memref<6x104x128xf32, #tpu.memory_space<vmem>>, vector<1x1x16xf32>,
      %swap3A_810 = vector.shape_cast %swap3A_809 : vector<1x1x16xf32> to vector<16xf32>
      %swap3A_811 = vector.shape_cast %add3A_804 : vector<16xf32> to vector<1x1x16xf32>
      tpu.vector_store %arg8[%swap3A_806, %swap3A_807, %swap3A_808], %swap3A_811 {strides = array<i32>} : memref<6x104x128xf32, #tpu.memory_space<vmem>>, vector<1x1x16xf32>,
      %get3A_812 = arith.constant 5 : i32
      %get3A_813 = arith.index_cast %get3A_812 : i32 to index
      %get3A_814 = arith.index_cast %scan3A_706 : i32 to index
      %get3A_815 = arith.constant 80 : index
      %get3A_816 = tpu.vector_load %arg8[%get3A_813, %get3A_814, %get3A_815] {strides = array<i32>} : memref<6x104x128xf32, #tpu.memory_space<vmem>>, vector<1x1x16xf32>,
      %get3A_817 = vector.shape_cast %get3A_816 : vector<1x1x16xf32> to vector<16xf32>
      %mul3A_818 = arith.constant 11.3137083 : f32
      %mul3A_819 = vector.broadcast %mul3A_818 : f32 to vector<16xf32>
      %mul3A_820 = arith.mulf %get3A_817, %mul3A_819 : vector<16xf32>
      %get3A_821 = arith.index_cast %add3A_708 : i32 to index
      %get3A_822 = arith.constant 80 : index
      %get3A_823 = tpu.vector_load %arg7[%get3A_821, %get3A_822] {strides = array<i32>} : memref<200x128xf32, #tpu.memory_space<vmem>>, vector<1x16xf32>,
      %get3A_824 = vector.shape_cast %get3A_823 : vector<1x16xf32> to vector<16xf32>
      %add3A_825 = arith.addf %mul3A_820, %get3A_824 : vector<16xf32>
      %swap3A_826 = arith.constant 5 : i32
      %swap3A_827 = arith.index_cast %swap3A_826 : i32 to index
      %swap3A_828 = arith.index_cast %scan3A_706 : i32 to index
      %swap3A_829 = arith.constant 80 : index
      %swap3A_830 = tpu.vector_load %arg8[%swap3A_827, %swap3A_828, %swap3A_829] {strides = array<i32>} : memref<6x104x128xf32, #tpu.memory_space<vmem>>, vector<1x1x16xf32>,
      %swap3A_831 = vector.shape_cast %swap3A_830 : vector<1x1x16xf32> to vector<16xf32>
      %swap3A_832 = vector.shape_cast %add3A_825 : vector<16xf32> to vector<1x1x16xf32>
      tpu.vector_store %arg8[%swap3A_827, %swap3A_828, %swap3A_829], %swap3A_832 {strides = array<i32>} : memref<6x104x128xf32, #tpu.memory_space<vmem>>, vector<1x1x16xf32>,
      %get3A_833 = arith.constant 5 : i32
      %get3A_834 = arith.index_cast %get3A_833 : i32 to index
      %get3A_835 = arith.index_cast %scan3A_706 : i32 to index
      %get3A_836 = arith.constant 96 : index
      %get3A_837 = tpu.vector_load %arg8[%get3A_834, %get3A_835, %get3A_836] {strides = array<i32>} : memref<6x104x128xf32, #tpu.memory_space<vmem>>, vector<1x1x16xf32>,
      %get3A_838 = vector.shape_cast %get3A_837 : vector<1x1x16xf32> to vector<16xf32>
      %mul3A_839 = arith.constant 11.3137083 : f32
      %mul3A_840 = vector.broadcast %mul3A_839 : f32 to vector<16xf32>
      %mul3A_841 = arith.mulf %get3A_838, %mul3A_840 : vector<16xf32>
      %get3A_842 = arith.index_cast %add3A_708 : i32 to index
      %get3A_843 = arith.constant 96 : index
      %get3A_844 = tpu.vector_load %arg7[%get3A_842, %get3A_843] {strides = array<i32>} : memref<200x128xf32, #tpu.memory_space<vmem>>, vector<1x16xf32>,
      %get3A_845 = vector.shape_cast %get3A_844 : vector<1x16xf32> to vector<16xf32>
      %add3A_846 = arith.addf %mul3A_841, %get3A_845 : vector<16xf32>
      %swap3A_847 = arith.constant 5 : i32
      %swap3A_848 = arith.index_cast %swap3A_847 : i32 to index
      %swap3A_849 = arith.index_cast %scan3A_706 : i32 to index
      %swap3A_850 = arith.constant 96 : index
      %swap3A_851 = tpu.vector_load %arg8[%swap3A_848, %swap3A_849, %swap3A_850] {strides = array<i32>} : memref<6x104x128xf32, #tpu.memory_space<vmem>>, vector<1x1x16xf32>,
      %swap3A_852 = vector.shape_cast %swap3A_851 : vector<1x1x16xf32> to vector<16xf32>
      %swap3A_853 = vector.shape_cast %add3A_846 : vector<16xf32> to vector<1x1x16xf32>
      tpu.vector_store %arg8[%swap3A_848, %swap3A_849, %swap3A_850], %swap3A_853 {strides = array<i32>} : memref<6x104x128xf32, #tpu.memory_space<vmem>>, vector<1x1x16xf32>,
      %get3A_854 = arith.constant 5 : i32
      %get3A_855 = arith.index_cast %get3A_854 : i32 to index
      %get3A_856 = arith.index_cast %scan3A_706 : i32 to index
      %get3A_857 = arith.constant 112 : index
      %get3A_858 = tpu.vector_load %arg8[%get3A_855, %get3A_856, %get3A_857] {strides = array<i32>} : memref<6x104x128xf32, #tpu.memory_space<vmem>>, vector<1x1x16xf32>,
      %get3A_859 = vector.shape_cast %get3A_858 : vector<1x1x16xf32> to vector<16xf32>
      %mul3A_860 = arith.constant 11.3137083 : f32
      %mul3A_861 = vector.broadcast %mul3A_860 : f32 to vector<16xf32>
      %mul3A_862 = arith.mulf %get3A_859, %mul3A_861 : vector<16xf32>
      %get3A_863 = arith.index_cast %add3A_708 : i32 to index
      %get3A_864 = arith.constant 112 : index
      %get3A_865 = tpu.vector_load %arg7[%get3A_863, %get3A_864] {strides = array<i32>} : memref<200x128xf32, #tpu.memory_space<vmem>>, vector<1x16xf32>,
      %get3A_866 = vector.shape_cast %get3A_865 : vector<1x16xf32> to vector<16xf32>
      %add3A_867 = arith.addf %mul3A_862, %get3A_866 : vector<16xf32>
      %swap3A_868 = arith.constant 5 : i32
      %swap3A_869 = arith.index_cast %swap3A_868 : i32 to index
      %swap3A_870 = arith.index_cast %scan3A_706 : i32 to index
      %swap3A_871 = arith.constant 112 : index
      %swap3A_872 = tpu.vector_load %arg8[%swap3A_869, %swap3A_870, %swap3A_871] {strides = array<i32>} : memref<6x104x128xf32, #tpu.memory_space<vmem>>, vector<1x1x16xf32>,
      %swap3A_873 = vector.shape_cast %swap3A_872 : vector<1x1x16xf32> to vector<16xf32>
      %swap3A_874 = vector.shape_cast %add3A_867 : vector<16xf32> to vector<1x1x16xf32>
      tpu.vector_store %arg8[%swap3A_869, %swap3A_870, %swap3A_871], %swap3A_874 {strides = array<i32>} : memref<6x104x128xf32, #tpu.memory_space<vmem>>, vector<1x1x16xf32>,
    }
    %scan3A_418 = arith.constant 96 : i32
    %add3A_419 = arith.constant 2 : i32
    %add3A_420 = arith.addi %mul3A_2, %add3A_419 : i32
    %dma_start3A_421 = arith.constant 5 : i32
    %dma_start3A_422 = arith.constant 0 : i32
    %dma_start3A_423 = arith.constant 0 : i32
    %dma_start3A_424 = tpu.memref_slice %arg8[%dma_start3A_421, %dma_start3A_422, %dma_start3A_423] : memref<6x104x128xf32, #tpu.memory_space<vmem>> -> memref<1x96x128xf32, #tpu.memory_space<vmem>>
    %dma_start3A_425 = tpu.memref_squeeze %dma_start3A_424 : memref<1x96x128xf32, #tpu.memory_space<vmem>> -> memref<96x128xf32, #tpu.memory_space<vmem>>
    %dma_start3A_426 = arith.constant 104 : i32
    %dma_start3A_427 = arith.constant 0 : i32
    %dma_start3A_428 = tpu.memref_slice %arg5[%add3A_420, %dma_start3A_426, %dma_start3A_427] : memref<1024x200x128xf32, #tpu.memory_space<hbm>> -> memref<1x96x128xf32, #tpu.memory_space<hbm>>
    %dma_start3A_429 = tpu.memref_squeeze %dma_start3A_428 : memref<1x96x128xf32, #tpu.memory_space<hbm>> -> memref<96x128xf32, #tpu.memory_space<hbm>>
    %dma_start3A_430 = arith.constant 104 : i32
    %dma_start3A_431 = arith.constant 0 : i32
    %dma_start3A_432 = tpu.memref_slice %arg5[%add3A_420, %dma_start3A_430, %dma_start3A_431] : memref<1024x200x128xf32, #tpu.memory_space<hbm>> -> memref<1x96x128xf32, #tpu.memory_space<hbm>>
    %dma_start3A_433 = tpu.memref_squeeze %dma_start3A_432 : memref<1x96x128xf32, #tpu.memory_space<hbm>> -> memref<96x128xf32, #tpu.memory_space<hbm>>
    %dma_start3A_434 = arith.constant 0 : i32
    %dma_start3A_435 = arith.constant 0 : i32
    %dma_start3A_436 = tpu.memref_slice %arg8[%dma_start3A_421, %dma_start3A_434, %dma_start3A_435] : memref<6x104x128xf32, #tpu.memory_space<vmem>> -> memref<1x96x128xf32, #tpu.memory_space<vmem>>
    %dma_start3A_437 = tpu.memref_squeeze %dma_start3A_436 : memref<1x96x128xf32, #tpu.memory_space<vmem>> -> memref<96x128xf32, #tpu.memory_space<vmem>>
    tpu.enqueue_dma source(%dma_start3A_437 : memref<96x128xf32, #tpu.memory_space<vmem>>) target(%dma_start3A_433 : memref<96x128xf32, #tpu.memory_space<hbm>>) target_semaphore(%arg20 : memref<!tpu.dma_semaphore, #tpu.memory_space<semaphore_mem>>)
    %scan3A_438 = arith.constant 0 : i32
    %scan3A_439 = arith.constant 1 : i32
    %scan3A_440 = arith.constant 9 : i32
    %scan3A_441 = arith.addi %scan3A_439, %scan3A_440 : i32
    %scan3A_442 = arith.constant 1 : i32
    scf.for %scan3A_706 = %scan3A_439 to %scan3A_441 step %scan3A_442  : i32 {
      %mul3A_707 = arith.constant 6 : i32
      %mul3A_708 = arith.muli %scan3A_706, %mul3A_707 : i32
      %add3A_709 = arith.constant 0 : i32
      %add3A_710 = arith.addi %mul3A_708, %add3A_709 : i32
      %sub3A = arith.constant 2 : i32
      %sub3A_711 = arith.subi %add3A_710, %sub3A : i32
      %jit3A = arith.constant 2 : i32
      %div3A = arith.divsi %sub3A_711, %jit3A : i32
      %sign3A = arith.constant 0 : i32
      %sign3A_712 = arith.cmpi sgt, %sub3A_711, %sign3A : i32
      %sign3A_713 = arith.extui %sign3A_712 : i1 to i32
      %sign3A_714 = arith.constant 0 : i32
      %sign3A_715 = arith.cmpi slt, %sub3A_711, %sign3A_714 : i32
      %sign3A_716 = arith.extui %sign3A_715 : i1 to i32
      %sign3A_717 = arith.subi %sign3A_713, %sign3A_716 : i32
      %sign3A_718 = arith.constant 0 : i32
      %sign3A_719 = arith.cmpi sgt, %jit3A, %sign3A_718 : i32
      %sign3A_720 = arith.extui %sign3A_719 : i1 to i32
      %sign3A_721 = arith.constant 0 : i32
      %sign3A_722 = arith.cmpi slt, %jit3A, %sign3A_721 : i32
      %sign3A_723 = arith.extui %sign3A_722 : i1 to i32
      %sign3A_724 = arith.subi %sign3A_720, %sign3A_723 : i32
      %ne3A = arith.cmpi ne, %sign3A_717, %sign3A_724 : i32
      %rem3A = arith.remsi %sub3A_711, %jit3A : i32
      %ne3A_725 = arith.constant 0 : i32
      %ne3A_726 = arith.cmpi ne, %rem3A, %ne3A_725 : i32
      %and3A = arith.andi %ne3A, %ne3A_726 : i1
      %sub3A_727 = arith.constant 1 : i32
      %sub3A_728 = arith.subi %div3A, %sub3A_727 : i32
      %select_n3A = arith.select %and3A, %sub3A_728, %div3A : i32
      %mul3A_729 = arith.constant 200 : i32
      %mul3A_730 = arith.muli %select_n3A, %mul3A_729 : i32
      %add3A_731 = arith.constant 0 : i32
      %add3A_732 = arith.addi %mul3A_730, %add3A_731 : i32
      %add3A_733 = arith.addi %mul3A_2, %select_n3A : i32
      %dma_wait3A_734 = arith.constant 4 : i32
      %dma_wait3A_735 = arith.constant 0 : i32
      %dma_wait3A_736 = arith.constant 0 : i32
      %dma_wait3A_737 = tpu.memref_slice %arg8[%dma_wait3A_734, %dma_wait3A_735, %dma_wait3A_736] : memref<6x104x128xf32, #tpu.memory_space<vmem>> -> memref<1x104x128xf32, #tpu.memory_space<vmem>>
      %dma_wait3A_738 = tpu.memref_squeeze %dma_wait3A_737 : memref<1x104x128xf32, #tpu.memory_space<vmem>> -> memref<104x128xf32, #tpu.memory_space<vmem>>
      %dma_wait3A_739 = arith.constant 0 : i32
      %dma_wait3A_740 = arith.constant 0 : i32
      %dma_wait3A_741 = tpu.memref_slice %arg5[%add3A_733, %dma_wait3A_739, %dma_wait3A_740] : memref<1024x200x128xf32, #tpu.memory_space<hbm>> -> memref<1x104x128xf32, #tpu.memory_space<hbm>>
      %dma_wait3A_742 = tpu.memref_squeeze %dma_wait3A_741 : memref<1x104x128xf32, #tpu.memory_space<hbm>> -> memref<104x128xf32, #tpu.memory_space<hbm>>
      %dma_wait3A_743 = arith.constant 0 : i32
      %dma_wait3A_744 = arith.constant 0 : i32
      %dma_wait3A_745 = tpu.memref_slice %arg5[%add3A_733, %dma_wait3A_743, %dma_wait3A_744] : memref<1024x200x128xf32, #tpu.memory_space<hbm>> -> memref<1x104x128xf32, #tpu.memory_space<hbm>>
      %dma_wait3A_746 = tpu.memref_squeeze %dma_wait3A_745 : memref<1x104x128xf32, #tpu.memory_space<hbm>> -> memref<104x128xf32, #tpu.memory_space<hbm>>
      %dma_wait3A_747 = arith.constant 0 : i32
      %dma_wait3A_748 = arith.constant 0 : i32
      %dma_wait3A_749 = tpu.memref_slice %arg8[%dma_wait3A_734, %dma_wait3A_747, %dma_wait3A_748] : memref<6x104x128xf32, #tpu.memory_space<vmem>> -> memref<1x104x128xf32, #tpu.memory_space<vmem>>
      %dma_wait3A_750 = tpu.memref_squeeze %dma_wait3A_749 : memref<1x104x128xf32, #tpu.memory_space<vmem>> -> memref<104x128xf32, #tpu.memory_space<vmem>>
      tpu.wait_dma2 semaphore(%arg19 : memref<!tpu.dma_semaphore, #tpu.memory_space<semaphore_mem>>) src(%dma_wait3A_750 : memref<104x128xf32, #tpu.memory_space<vmem>>) dst(%dma_wait3A_746 : memref<104x128xf32, #tpu.memory_space<hbm>>)
      %add3A_751 = arith.constant 4 : i32
      %add3A_752 = arith.addi %add3A_710, %add3A_751 : i32
      %jit3A_753 = arith.constant 2 : i32
      %div3A_754 = arith.divsi %add3A_752, %jit3A_753 : i32
      %sign3A_755 = arith.constant 0 : i32
      %sign3A_756 = arith.cmpi sgt, %add3A_752, %sign3A_755 : i32
      %sign3A_757 = arith.extui %sign3A_756 : i1 to i32
      %sign3A_758 = arith.constant 0 : i32
      %sign3A_759 = arith.cmpi slt, %add3A_752, %sign3A_758 : i32
      %sign3A_760 = arith.extui %sign3A_759 : i1 to i32
      %sign3A_761 = arith.subi %sign3A_757, %sign3A_760 : i32
      %sign3A_762 = arith.constant 0 : i32
      %sign3A_763 = arith.cmpi sgt, %jit3A_753, %sign3A_762 : i32
      %sign3A_764 = arith.extui %sign3A_763 : i1 to i32
      %sign3A_765 = arith.constant 0 : i32
      %sign3A_766 = arith.cmpi slt, %jit3A_753, %sign3A_765 : i32
      %sign3A_767 = arith.extui %sign3A_766 : i1 to i32
      %sign3A_768 = arith.subi %sign3A_764, %sign3A_767 : i32
      %ne3A_769 = arith.cmpi ne, %sign3A_761, %sign3A_768 : i32
      %rem3A_770 = arith.remsi %add3A_752, %jit3A_753 : i32
      %ne3A_771 = arith.constant 0 : i32
      %ne3A_772 = arith.cmpi ne, %rem3A_770, %ne3A_771 : i32
      %and3A_773 = arith.andi %ne3A_769, %ne3A_772 : i1
      %sub3A_774 = arith.constant 1 : i32
      %sub3A_775 = arith.subi %div3A_754, %sub3A_774 : i32
      %select_n3A_776 = arith.select %and3A_773, %sub3A_775, %div3A_754 : i32
      %mul3A_777 = arith.constant 200 : i32
      %mul3A_778 = arith.muli %select_n3A_776, %mul3A_777 : i32
      %add3A_779 = arith.constant 0 : i32
      %add3A_780 = arith.addi %mul3A_778, %add3A_779 : i32
      %add3A_781 = arith.addi %mul3A_2, %select_n3A_776 : i32
      %dma_start3A_782 = arith.constant 4 : i32
      %dma_start3A_783 = arith.constant 0 : i32
      %dma_start3A_784 = arith.constant 0 : i32
      %dma_start3A_785 = tpu.memref_slice %arg8[%dma_start3A_782, %dma_start3A_783, %dma_start3A_784] : memref<6x104x128xf32, #tpu.memory_space<vmem>> -> memref<1x104x128xf32, #tpu.memory_space<vmem>>
      %dma_start3A_786 = tpu.memref_squeeze %dma_start3A_785 : memref<1x104x128xf32, #tpu.memory_space<vmem>> -> memref<104x128xf32, #tpu.memory_space<vmem>>
      %dma_start3A_787 = tpu.memref_slice %arg6[%add3A_780] : memref<6400xi32, #tpu.memory_space<vmem>> -> memref<104xi32, #tpu.memory_space<vmem>>
      %dma_start3A_788 = arith.constant 0 : i32
      %dma_start3A_789 = arith.constant 0 : i32
      %dma_start3A_790 = tpu.memref_slice %arg3[%dma_start3A_788, %dma_start3A_789] : memref<100000x128xf32, #tpu.memory_space<hbm>> -> memref<100000x128xf32, #tpu.memory_space<hbm>>
      tpu.enqueue_indirect_dma source(%dma_start3A_790 : memref<100000x128xf32, #tpu.memory_space<hbm>>) target(%dma_start3A_786 : memref<104x128xf32, #tpu.memory_space<vmem>>) offsets(%dma_start3A_787 : memref<104xi32, #tpu.memory_space<vmem>>) semaphore(%arg13 : memref<!tpu.dma_semaphore, #tpu.memory_space<semaphore_mem>>)
      %jit3A_791 = arith.constant 2 : i32
      %div3A_792 = arith.divsi %add3A_710, %jit3A_791 : i32
      %sign3A_793 = arith.constant 0 : i32
      %sign3A_794 = arith.cmpi sgt, %add3A_710, %sign3A_793 : i32
      %sign3A_795 = arith.extui %sign3A_794 : i1 to i32
      %sign3A_796 = arith.constant 0 : i32
      %sign3A_797 = arith.cmpi slt, %add3A_710, %sign3A_796 : i32
      %sign3A_798 = arith.extui %sign3A_797 : i1 to i32
      %sign3A_799 = arith.subi %sign3A_795, %sign3A_798 : i32
      %sign3A_800 = arith.constant 0 : i32
      %sign3A_801 = arith.cmpi sgt, %jit3A_791, %sign3A_800 : i32
      %sign3A_802 = arith.extui %sign3A_801 : i1 to i32
      %sign3A_803 = arith.constant 0 : i32
      %sign3A_804 = arith.cmpi slt, %jit3A_791, %sign3A_803 : i32
      %sign3A_805 = arith.extui %sign3A_804 : i1 to i32
      %sign3A_806 = arith.subi %sign3A_802, %sign3A_805 : i32
      %ne3A_807 = arith.cmpi ne, %sign3A_799, %sign3A_806 : i32
      %rem3A_808 = arith.remsi %add3A_710, %jit3A_791 : i32
      %ne3A_809 = arith.constant 0 : i32
      %ne3A_810 = arith.cmpi ne, %rem3A_808, %ne3A_809 : i32
      %and3A_811 = arith.andi %ne3A_807, %ne3A_810 : i1
      %sub3A_812 = arith.constant 1 : i32
      %sub3A_813 = arith.subi %div3A_792, %sub3A_812 : i32
      %select_n3A_814 = arith.select %and3A_811, %sub3A_813, %div3A_792 : i32
      %mul3A_815 = arith.constant 200 : i32
      %mul3A_816 = arith.muli %select_n3A_814, %mul3A_815 : i32
      %add3A_817 = arith.constant 0 : i32
      %add3A_818 = arith.addi %mul3A_816, %add3A_817 : i32
      %add3A_819 = arith.addi %mul3A_2, %select_n3A_814 : i32
      %dma_wait3A_820 = arith.constant 0 : i32
      %dma_wait3A_821 = arith.constant 0 : i32
      %dma_wait3A_822 = arith.constant 0 : i32
      %dma_wait3A_823 = tpu.memref_slice %arg8[%dma_wait3A_820, %dma_wait3A_821, %dma_wait3A_822] : memref<6x104x128xf32, #tpu.memory_space<vmem>> -> memref<1x104x128xf32, #tpu.memory_space<vmem>>
      %dma_wait3A_824 = tpu.memref_squeeze %dma_wait3A_823 : memref<1x104x128xf32, #tpu.memory_space<vmem>> -> memref<104x128xf32, #tpu.memory_space<vmem>>
      %dma_wait3A_825 = tpu.memref_slice %arg6[%add3A_818] : memref<6400xi32, #tpu.memory_space<vmem>> -> memref<104xi32, #tpu.memory_space<vmem>>
      %dma_wait3A_826 = arith.constant 0 : i32
      %dma_wait3A_827 = arith.constant 0 : i32
      %dma_wait3A_828 = tpu.memref_slice %arg3[%dma_wait3A_826, %dma_wait3A_827] : memref<100000x128xf32, #tpu.memory_space<hbm>> -> memref<100000x128xf32, #tpu.memory_space<hbm>>
      tpu.wait_indirect_dma semaphore(%arg9 : memref<!tpu.dma_semaphore, #tpu.memory_space<semaphore_mem>>) src(%dma_wait3A_828 : memref<100000x128xf32, #tpu.memory_space<hbm>>) dst(%dma_wait3A_824 : memref<104x128xf32, #tpu.memory_space<vmem>>)
      %scan3A_829 = arith.constant 0 : i32
      %scan3A_830 = arith.constant 0 : i32
      %scan3A_831 = arith.constant 104 : i32
      %scan3A_832 = arith.addi %scan3A_830, %scan3A_831 : i32
      %scan3A_833 = arith.constant 1 : i32
      scf.for %scan3A_1791 = %scan3A_830 to %scan3A_832 step %scan3A_833  : i32 {
        %add3A_1792 = arith.constant 0 : i32
        %add3A_1793 = arith.addi %scan3A_1791, %add3A_1792 : i32
        %get3A = arith.constant 0 : i32
        %get3A_1794 = arith.index_cast %get3A : i32 to index
        %get3A_1795 = arith.index_cast %scan3A_1791 : i32 to index
        %get3A_1796 = arith.constant 0 : index
        %get3A_1797 = tpu.vector_load %arg8[%get3A_1794, %get3A_1795, %get3A_1796] {strides = array<i32>} : memref<6x104x128xf32, #tpu.memory_space<vmem>>, vector<1x1x16xf32>,
        %get3A_1798 = vector.shape_cast %get3A_1797 : vector<1x1x16xf32> to vector<16xf32>
        %mul3A_1799 = arith.constant 11.3137083 : f32
        %mul3A_1800 = vector.broadcast %mul3A_1799 : f32 to vector<16xf32>
        %mul3A_1801 = arith.mulf %get3A_1798, %mul3A_1800 : vector<16xf32>
        %get3A_1802 = arith.index_cast %add3A_1793 : i32 to index
        %get3A_1803 = arith.constant 0 : index
        %get3A_1804 = tpu.vector_load %arg7[%get3A_1802, %get3A_1803] {strides = array<i32>} : memref<200x128xf32, #tpu.memory_space<vmem>>, vector<1x16xf32>,
        %get3A_1805 = vector.shape_cast %get3A_1804 : vector<1x16xf32> to vector<16xf32>
        %add3A_1806 = arith.addf %mul3A_1801, %get3A_1805 : vector<16xf32>
        %swap3A = arith.constant 0 : i32
        %swap3A_1807 = arith.index_cast %swap3A : i32 to index
        %swap3A_1808 = arith.index_cast %scan3A_1791 : i32 to index
        %swap3A_1809 = arith.constant 0 : index
        %swap3A_1810 = tpu.vector_load %arg8[%swap3A_1807, %swap3A_1808, %swap3A_1809] {strides = array<i32>} : memref<6x104x128xf32, #tpu.memory_space<vmem>>, vector<1x1x16xf32>,
        %swap3A_1811 = vector.shape_cast %swap3A_1810 : vector<1x1x16xf32> to vector<16xf32>
        %swap3A_1812 = vector.shape_cast %add3A_1806 : vector<16xf32> to vector<1x1x16xf32>
        tpu.vector_store %arg8[%swap3A_1807, %swap3A_1808, %swap3A_1809], %swap3A_1812 {strides = array<i32>} : memref<6x104x128xf32, #tpu.memory_space<vmem>>, vector<1x1x16xf32>,
        %get3A_1813 = arith.constant 0 : i32
        %get3A_1814 = arith.index_cast %get3A_1813 : i32 to index
        %get3A_1815 = arith.index_cast %scan3A_1791 : i32 to index
        %get3A_1816 = arith.constant 16 : index
        %get3A_1817 = tpu.vector_load %arg8[%get3A_1814, %get3A_1815, %get3A_1816] {strides = array<i32>} : memref<6x104x128xf32, #tpu.memory_space<vmem>>, vector<1x1x16xf32>,
        %get3A_1818 = vector.shape_cast %get3A_1817 : vector<1x1x16xf32> to vector<16xf32>
        %mul3A_1819 = arith.constant 11.3137083 : f32
        %mul3A_1820 = vector.broadcast %mul3A_1819 : f32 to vector<16xf32>
        %mul3A_1821 = arith.mulf %get3A_1818, %mul3A_1820 : vector<16xf32>
        %get3A_1822 = arith.index_cast %add3A_1793 : i32 to index
        %get3A_1823 = arith.constant 16 : index
        %get3A_1824 = tpu.vector_load %arg7[%get3A_1822, %get3A_1823] {strides = array<i32>} : memref<200x128xf32, #tpu.memory_space<vmem>>, vector<1x16xf32>,
        %get3A_1825 = vector.shape_cast %get3A_1824 : vector<1x16xf32> to vector<16xf32>
        %add3A_1826 = arith.addf %mul3A_1821, %get3A_1825 : vector<16xf32>
        %swap3A_1827 = arith.constant 0 : i32
        %swap3A_1828 = arith.index_cast %swap3A_1827 : i32 to index
        %swap3A_1829 = arith.index_cast %scan3A_1791 : i32 to index
        %swap3A_1830 = arith.constant 16 : index
        %swap3A_1831 = tpu.vector_load %arg8[%swap3A_1828, %swap3A_1829, %swap3A_1830] {strides = array<i32>} : memref<6x104x128xf32, #tpu.memory_space<vmem>>, vector<1x1x16xf32>,
        %swap3A_1832 = vector.shape_cast %swap3A_1831 : vector<1x1x16xf32> to vector<16xf32>
        %swap3A_1833 = vector.shape_cast %add3A_1826 : vector<16xf32> to vector<1x1x16xf32>
        tpu.vector_store %arg8[%swap3A_1828, %swap3A_1829, %swap3A_1830], %swap3A_1833 {strides = array<i32>} : memref<6x104x128xf32, #tpu.memory_space<vmem>>, vector<1x1x16xf32>,
        %get3A_1834 = arith.constant 0 : i32
        %get3A_1835 = arith.index_cast %get3A_1834 : i32 to index
        %get3A_1836 = arith.index_cast %scan3A_1791 : i32 to index
        %get3A_1837 = arith.constant 32 : index
        %get3A_1838 = tpu.vector_load %arg8[%get3A_1835, %get3A_1836, %get3A_1837] {strides = array<i32>} : memref<6x104x128xf32, #tpu.memory_space<vmem>>, vector<1x1x16xf32>,
        %get3A_1839 = vector.shape_cast %get3A_1838 : vector<1x1x16xf32> to vector<16xf32>
        %mul3A_1840 = arith.constant 11.3137083 : f32
        %mul3A_1841 = vector.broadcast %mul3A_1840 : f32 to vector<16xf32>
        %mul3A_1842 = arith.mulf %get3A_1839, %mul3A_1841 : vector<16xf32>
        %get3A_1843 = arith.index_cast %add3A_1793 : i32 to index
        %get3A_1844 = arith.constant 32 : index
        %get3A_1845 = tpu.vector_load %arg7[%get3A_1843, %get3A_1844] {strides = array<i32>} : memref<200x128xf32, #tpu.memory_space<vmem>>, vector<1x16xf32>,
        %get3A_1846 = vector.shape_cast %get3A_1845 : vector<1x16xf32> to vector<16xf32>
        %add3A_1847 = arith.addf %mul3A_1842, %get3A_1846 : vector<16xf32>
        %swap3A_1848 = arith.constant 0 : i32
        %swap3A_1849 = arith.index_cast %swap3A_1848 : i32 to index
        %swap3A_1850 = arith.index_cast %scan3A_1791 : i32 to index
        %swap3A_1851 = arith.constant 32 : index
        %swap3A_1852 = tpu.vector_load %arg8[%swap3A_1849, %swap3A_1850, %swap3A_1851] {strides = array<i32>} : memref<6x104x128xf32, #tpu.memory_space<vmem>>, vector<1x1x16xf32>,
        %swap3A_1853 = vector.shape_cast %swap3A_1852 : vector<1x1x16xf32> to vector<16xf32>
        %swap3A_1854 = vector.shape_cast %add3A_1847 : vector<16xf32> to vector<1x1x16xf32>
        tpu.vector_store %arg8[%swap3A_1849, %swap3A_1850, %swap3A_1851], %swap3A_1854 {strides = array<i32>} : memref<6x104x128xf32, #tpu.memory_space<vmem>>, vector<1x1x16xf32>,
        %get3A_1855 = arith.constant 0 : i32
        %get3A_1856 = arith.index_cast %get3A_1855 : i32 to index
        %get3A_1857 = arith.index_cast %scan3A_1791 : i32 to index
        %get3A_1858 = arith.constant 48 : index
        %get3A_1859 = tpu.vector_load %arg8[%get3A_1856, %get3A_1857, %get3A_1858] {strides = array<i32>} : memref<6x104x128xf32, #tpu.memory_space<vmem>>, vector<1x1x16xf32>,
        %get3A_1860 = vector.shape_cast %get3A_1859 : vector<1x1x16xf32> to vector<16xf32>
        %mul3A_1861 = arith.constant 11.3137083 : f32
        %mul3A_1862 = vector.broadcast %mul3A_1861 : f32 to vector<16xf32>
        %mul3A_1863 = arith.mulf %get3A_1860, %mul3A_1862 : vector<16xf32>
        %get3A_1864 = arith.index_cast %add3A_1793 : i32 to index
        %get3A_1865 = arith.constant 48 : index
        %get3A_1866 = tpu.vector_load %arg7[%get3A_1864, %get3A_1865] {strides = array<i32>} : memref<200x128xf32, #tpu.memory_space<vmem>>, vector<1x16xf32>,
        %get3A_1867 = vector.shape_cast %get3A_1866 : vector<1x16xf32> to vector<16xf32>
        %add3A_1868 = arith.addf %mul3A_1863, %get3A_1867 : vector<16xf32>
        %swap3A_1869 = arith.constant 0 : i32
        %swap3A_1870 = arith.index_cast %swap3A_1869 : i32 to index
        %swap3A_1871 = arith.index_cast %scan3A_1791 : i32 to index
        %swap3A_1872 = arith.constant 48 : index
        %swap3A_1873 = tpu.vector_load %arg8[%swap3A_1870, %swap3A_1871, %swap3A_1872] {strides = array<i32>} : memref<6x104x128xf32, #tpu.memory_space<vmem>>, vector<1x1x16xf32>,
        %swap3A_1874 = vector.shape_cast %swap3A_1873 : vector<1x1x16xf32> to vector<16xf32>
        %swap3A_1875 = vector.shape_cast %add3A_1868 : vector<16xf32> to vector<1x1x16xf32>
        tpu.vector_store %arg8[%swap3A_1870, %swap3A_1871, %swap3A_1872], %swap3A_1875 {strides = array<i32>} : memref<6x104x128xf32, #tpu.memory_space<vmem>>, vector<1x1x16xf32>,
        %get3A_1876 = arith.constant 0 : i32
        %get3A_1877 = arith.index_cast %get3A_1876 : i32 to index
        %get3A_1878 = arith.index_cast %scan3A_1791 : i32 to index
        %get3A_1879 = arith.constant 64 : index
        %get3A_1880 = tpu.vector_load %arg8[%get3A_1877, %get3A_1878, %get3A_1879] {strides = array<i32>} : memref<6x104x128xf32, #tpu.memory_space<vmem>>, vector<1x1x16xf32>,
        %get3A_1881 = vector.shape_cast %get3A_1880 : vector<1x1x16xf32> to vector<16xf32>
        %mul3A_1882 = arith.constant 11.3137083 : f32
        %mul3A_1883 = vector.broadcast %mul3A_1882 : f32 to vector<16xf32>
        %mul3A_1884 = arith.mulf %get3A_1881, %mul3A_1883 : vector<16xf32>
        %get3A_1885 = arith.index_cast %add3A_1793 : i32 to index
        %get3A_1886 = arith.constant 64 : index
        %get3A_1887 = tpu.vector_load %arg7[%get3A_1885, %get3A_1886] {strides = array<i32>} : memref<200x128xf32, #tpu.memory_space<vmem>>, vector<1x16xf32>,
        %get3A_1888 = vector.shape_cast %get3A_1887 : vector<1x16xf32> to vector<16xf32>
        %add3A_1889 = arith.addf %mul3A_1884, %get3A_1888 : vector<16xf32>
        %swap3A_1890 = arith.constant 0 : i32
        %swap3A_1891 = arith.index_cast %swap3A_1890 : i32 to index
        %swap3A_1892 = arith.index_cast %scan3A_1791 : i32 to index
        %swap3A_1893 = arith.constant 64 : index
        %swap3A_1894 = tpu.vector_load %arg8[%swap3A_1891, %swap3A_1892, %swap3A_1893] {strides = array<i32>} : memref<6x104x128xf32, #tpu.memory_space<vmem>>, vector<1x1x16xf32>,
        %swap3A_1895 = vector.shape_cast %swap3A_1894 : vector<1x1x16xf32> to vector<16xf32>
        %swap3A_1896 = vector.shape_cast %add3A_1889 : vector<16xf32> to vector<1x1x16xf32>
        tpu.vector_store %arg8[%swap3A_1891, %swap3A_1892, %swap3A_1893], %swap3A_1896 {strides = array<i32>} : memref<6x104x128xf32, #tpu.memory_space<vmem>>, vector<1x1x16xf32>,
        %get3A_1897 = arith.constant 0 : i32
        %get3A_1898 = arith.index_cast %get3A_1897 : i32 to index
        %get3A_1899 = arith.index_cast %scan3A_1791 : i32 to index
        %get3A_1900 = arith.constant 80 : index
        %get3A_1901 = tpu.vector_load %arg8[%get3A_1898, %get3A_1899, %get3A_1900] {strides = array<i32>} : memref<6x104x128xf32, #tpu.memory_space<vmem>>, vector<1x1x16xf32>,
        %get3A_1902 = vector.shape_cast %get3A_1901 : vector<1x1x16xf32> to vector<16xf32>
        %mul3A_1903 = arith.constant 11.3137083 : f32
        %mul3A_1904 = vector.broadcast %mul3A_1903 : f32 to vector<16xf32>
        %mul3A_1905 = arith.mulf %get3A_1902, %mul3A_1904 : vector<16xf32>
        %get3A_1906 = arith.index_cast %add3A_1793 : i32 to index
        %get3A_1907 = arith.constant 80 : index
        %get3A_1908 = tpu.vector_load %arg7[%get3A_1906, %get3A_1907] {strides = array<i32>} : memref<200x128xf32, #tpu.memory_space<vmem>>, vector<1x16xf32>,
        %get3A_1909 = vector.shape_cast %get3A_1908 : vector<1x16xf32> to vector<16xf32>
        %add3A_1910 = arith.addf %mul3A_1905, %get3A_1909 : vector<16xf32>
        %swap3A_1911 = arith.constant 0 : i32
        %swap3A_1912 = arith.index_cast %swap3A_1911 : i32 to index
        %swap3A_1913 = arith.index_cast %scan3A_1791 : i32 to index
        %swap3A_1914 = arith.constant 80 : index
        %swap3A_1915 = tpu.vector_load %arg8[%swap3A_1912, %swap3A_1913, %swap3A_1914] {strides = array<i32>} : memref<6x104x128xf32, #tpu.memory_space<vmem>>, vector<1x1x16xf32>,
        %swap3A_1916 = vector.shape_cast %swap3A_1915 : vector<1x1x16xf32> to vector<16xf32>
        %swap3A_1917 = vector.shape_cast %add3A_1910 : vector<16xf32> to vector<1x1x16xf32>
        tpu.vector_store %arg8[%swap3A_1912, %swap3A_1913, %swap3A_1914], %swap3A_1917 {strides = array<i32>} : memref<6x104x128xf32, #tpu.memory_space<vmem>>, vector<1x1x16xf32>,
        %get3A_1918 = arith.constant 0 : i32
        %get3A_1919 = arith.index_cast %get3A_1918 : i32 to index
        %get3A_1920 = arith.index_cast %scan3A_1791 : i32 to index
        %get3A_1921 = arith.constant 96 : index
        %get3A_1922 = tpu.vector_load %arg8[%get3A_1919, %get3A_1920, %get3A_1921] {strides = array<i32>} : memref<6x104x128xf32, #tpu.memory_space<vmem>>, vector<1x1x16xf32>,
        %get3A_1923 = vector.shape_cast %get3A_1922 : vector<1x1x16xf32> to vector<16xf32>
        %mul3A_1924 = arith.constant 11.3137083 : f32
        %mul3A_1925 = vector.broadcast %mul3A_1924 : f32 to vector<16xf32>
        %mul3A_1926 = arith.mulf %get3A_1923, %mul3A_1925 : vector<16xf32>
        %get3A_1927 = arith.index_cast %add3A_1793 : i32 to index
        %get3A_1928 = arith.constant 96 : index
        %get3A_1929 = tpu.vector_load %arg7[%get3A_1927, %get3A_1928] {strides = array<i32>} : memref<200x128xf32, #tpu.memory_space<vmem>>, vector<1x16xf32>,
        %get3A_1930 = vector.shape_cast %get3A_1929 : vector<1x16xf32> to vector<16xf32>
        %add3A_1931 = arith.addf %mul3A_1926, %get3A_1930 : vector<16xf32>
        %swap3A_1932 = arith.constant 0 : i32
        %swap3A_1933 = arith.index_cast %swap3A_1932 : i32 to index
        %swap3A_1934 = arith.index_cast %scan3A_1791 : i32 to index
        %swap3A_1935 = arith.constant 96 : index
        %swap3A_1936 = tpu.vector_load %arg8[%swap3A_1933, %swap3A_1934, %swap3A_1935] {strides = array<i32>} : memref<6x104x128xf32, #tpu.memory_space<vmem>>, vector<1x1x16xf32>,
        %swap3A_1937 = vector.shape_cast %swap3A_1936 : vector<1x1x16xf32> to vector<16xf32>
        %swap3A_1938 = vector.shape_cast %add3A_1931 : vector<16xf32> to vector<1x1x16xf32>
        tpu.vector_store %arg8[%swap3A_1933, %swap3A_1934, %swap3A_1935], %swap3A_1938 {strides = array<i32>} : memref<6x104x128xf32, #tpu.memory_space<vmem>>, vector<1x1x16xf32>,
        %get3A_1939 = arith.constant 0 : i32
        %get3A_1940 = arith.index_cast %get3A_1939 : i32 to index
        %get3A_1941 = arith.index_cast %scan3A_1791 : i32 to index
        %get3A_1942 = arith.constant 112 : index
        %get3A_1943 = tpu.vector_load %arg8[%get3A_1940, %get3A_1941, %get3A_1942] {strides = array<i32>} : memref<6x104x128xf32, #tpu.memory_space<vmem>>, vector<1x1x16xf32>,
        %get3A_1944 = vector.shape_cast %get3A_1943 : vector<1x1x16xf32> to vector<16xf32>
        %mul3A_1945 = arith.constant 11.3137083 : f32
        %mul3A_1946 = vector.broadcast %mul3A_1945 : f32 to vector<16xf32>
        %mul3A_1947 = arith.mulf %get3A_1944, %mul3A_1946 : vector<16xf32>
        %get3A_1948 = arith.index_cast %add3A_1793 : i32 to index
        %get3A_1949 = arith.constant 112 : index
        %get3A_1950 = tpu.vector_load %arg7[%get3A_1948, %get3A_1949] {strides = array<i32>} : memref<200x128xf32, #tpu.memory_space<vmem>>, vector<1x16xf32>,
        %get3A_1951 = vector.shape_cast %get3A_1950 : vector<1x16xf32> to vector<16xf32>
        %add3A_1952 = arith.addf %mul3A_1947, %get3A_1951 : vector<16xf32>
        %swap3A_1953 = arith.constant 0 : i32
        %swap3A_1954 = arith.index_cast %swap3A_1953 : i32 to index
        %swap3A_1955 = arith.index_cast %scan3A_1791 : i32 to index
        %swap3A_1956 = arith.constant 112 : index
        %swap3A_1957 = tpu.vector_load %arg8[%swap3A_1954, %swap3A_1955, %swap3A_1956] {strides = array<i32>} : memref<6x104x128xf32, #tpu.memory_space<vmem>>, vector<1x1x16xf32>,
        %swap3A_1958 = vector.shape_cast %swap3A_1957 : vector<1x1x16xf32> to vector<16xf32>
        %swap3A_1959 = vector.shape_cast %add3A_1952 : vector<16xf32> to vector<1x1x16xf32>
        tpu.vector_store %arg8[%swap3A_1954, %swap3A_1955, %swap3A_1956], %swap3A_1959 {strides = array<i32>} : memref<6x104x128xf32, #tpu.memory_space<vmem>>, vector<1x1x16xf32>,
      }
      %scan3A_834 = arith.constant 104 : i32
      %jit3A_835 = arith.constant 2 : i32
      %div3A_836 = arith.divsi %add3A_710, %jit3A_835 : i32
      %sign3A_837 = arith.constant 0 : i32
      %sign3A_838 = arith.cmpi sgt, %add3A_710, %sign3A_837 : i32
      %sign3A_839 = arith.extui %sign3A_838 : i1 to i32
      %sign3A_840 = arith.constant 0 : i32
      %sign3A_841 = arith.cmpi slt, %add3A_710, %sign3A_840 : i32
      %sign3A_842 = arith.extui %sign3A_841 : i1 to i32
      %sign3A_843 = arith.subi %sign3A_839, %sign3A_842 : i32
      %sign3A_844 = arith.constant 0 : i32
      %sign3A_845 = arith.cmpi sgt, %jit3A_835, %sign3A_844 : i32
      %sign3A_846 = arith.extui %sign3A_845 : i1 to i32
      %sign3A_847 = arith.constant 0 : i32
      %sign3A_848 = arith.cmpi slt, %jit3A_835, %sign3A_847 : i32
      %sign3A_849 = arith.extui %sign3A_848 : i1 to i32
      %sign3A_850 = arith.subi %sign3A_846, %sign3A_849 : i32
      %ne3A_851 = arith.cmpi ne, %sign3A_843, %sign3A_850 : i32
      %rem3A_852 = arith.remsi %add3A_710, %jit3A_835 : i32
      %ne3A_853 = arith.constant 0 : i32
      %ne3A_854 = arith.cmpi ne, %rem3A_852, %ne3A_853 : i32
      %and3A_855 = arith.andi %ne3A_851, %ne3A_854 : i1
      %sub3A_856 = arith.constant 1 : i32
      %sub3A_857 = arith.subi %div3A_836, %sub3A_856 : i32
      %select_n3A_858 = arith.select %and3A_855, %sub3A_857, %div3A_836 : i32
      %mul3A_859 = arith.constant 200 : i32
      %mul3A_860 = arith.muli %select_n3A_858, %mul3A_859 : i32
      %add3A_861 = arith.constant 0 : i32
      %add3A_862 = arith.addi %mul3A_860, %add3A_861 : i32
      %add3A_863 = arith.addi %mul3A_2, %select_n3A_858 : i32
      %dma_start3A_864 = arith.constant 0 : i32
      %dma_start3A_865 = arith.constant 0 : i32
      %dma_start3A_866 = arith.constant 0 : i32
      %dma_start3A_867 = tpu.memref_slice %arg8[%dma_start3A_864, %dma_start3A_865, %dma_start3A_866] : memref<6x104x128xf32, #tpu.memory_space<vmem>> -> memref<1x104x128xf32, #tpu.memory_space<vmem>>
      %dma_start3A_868 = tpu.memref_squeeze %dma_start3A_867 : memref<1x104x128xf32, #tpu.memory_space<vmem>> -> memref<104x128xf32, #tpu.memory_space<vmem>>
      %dma_start3A_869 = arith.constant 0 : i32
      %dma_start3A_870 = arith.constant 0 : i32
      %dma_start3A_871 = tpu.memref_slice %arg5[%add3A_863, %dma_start3A_869, %dma_start3A_870] : memref<1024x200x128xf32, #tpu.memory_space<hbm>> -> memref<1x104x128xf32, #tpu.memory_space<hbm>>
      %dma_start3A_872 = tpu.memref_squeeze %dma_start3A_871 : memref<1x104x128xf32, #tpu.memory_space<hbm>> -> memref<104x128xf32, #tpu.memory_space<hbm>>
      %dma_start3A_873 = arith.constant 0 : i32
      %dma_start3A_874 = arith.constant 0 : i32
      %dma_start3A_875 = tpu.memref_slice %arg5[%add3A_863, %dma_start3A_873, %dma_start3A_874] : memref<1024x200x128xf32, #tpu.memory_space<hbm>> -> memref<1x104x128xf32, #tpu.memory_space<hbm>>
      %dma_start3A_876 = tpu.memref_squeeze %dma_start3A_875 : memref<1x104x128xf32, #tpu.memory_space<hbm>> -> memref<104x128xf32, #tpu.memory_space<hbm>>
      %dma_start3A_877 = arith.constant 0 : i32
      %dma_start3A_878 = arith.constant 0 : i32
      %dma_start3A_879 = tpu.memref_slice %arg8[%dma_start3A_864, %dma_start3A_877, %dma_start3A_878] : memref<6x104x128xf32, #tpu.memory_space<vmem>> -> memref<1x104x128xf32, #tpu.memory_space<vmem>>
      %dma_start3A_880 = tpu.memref_squeeze %dma_start3A_879 : memref<1x104x128xf32, #tpu.memory_space<vmem>> -> memref<104x128xf32, #tpu.memory_space<vmem>>
      tpu.enqueue_dma source(%dma_start3A_880 : memref<104x128xf32, #tpu.memory_space<vmem>>) target(%dma_start3A_876 : memref<104x128xf32, #tpu.memory_space<hbm>>) target_semaphore(%arg15 : memref<!tpu.dma_semaphore, #tpu.memory_space<semaphore_mem>>)
      %mul3A_881 = arith.constant 6 : i32
      %mul3A_882 = arith.muli %scan3A_706, %mul3A_881 : i32
      %add3A_883 = arith.constant 1 : i32
      %add3A_884 = arith.addi %mul3A_882, %add3A_883 : i32
      %sub3A_885 = arith.constant 2 : i32
      %sub3A_886 = arith.subi %add3A_884, %sub3A_885 : i32
      %jit3A_887 = arith.constant 2 : i32
      %div3A_888 = arith.divsi %sub3A_886, %jit3A_887 : i32
      %sign3A_889 = arith.constant 0 : i32
      %sign3A_890 = arith.cmpi sgt, %sub3A_886, %sign3A_889 : i32
      %sign3A_891 = arith.extui %sign3A_890 : i1 to i32
      %sign3A_892 = arith.constant 0 : i32
      %sign3A_893 = arith.cmpi slt, %sub3A_886, %sign3A_892 : i32
      %sign3A_894 = arith.extui %sign3A_893 : i1 to i32
      %sign3A_895 = arith.subi %sign3A_891, %sign3A_894 : i32
      %sign3A_896 = arith.constant 0 : i32
      %sign3A_897 = arith.cmpi sgt, %jit3A_887, %sign3A_896 : i32
      %sign3A_898 = arith.extui %sign3A_897 : i1 to i32
      %sign3A_899 = arith.constant 0 : i32
      %sign3A_900 = arith.cmpi slt, %jit3A_887, %sign3A_899 : i32
      %sign3A_901 = arith.extui %sign3A_900 : i1 to i32
      %sign3A_902 = arith.subi %sign3A_898, %sign3A_901 : i32
      %ne3A_903 = arith.cmpi ne, %sign3A_895, %sign3A_902 : i32
      %rem3A_904 = arith.remsi %sub3A_886, %jit3A_887 : i32
      %ne3A_905 = arith.constant 0 : i32
      %ne3A_906 = arith.cmpi ne, %rem3A_904, %ne3A_905 : i32
      %and3A_907 = arith.andi %ne3A_903, %ne3A_906 : i1
      %sub3A_908 = arith.constant 1 : i32
      %sub3A_909 = arith.subi %div3A_888, %sub3A_908 : i32
      %select_n3A_910 = arith.select %and3A_907, %sub3A_909, %div3A_888 : i32
      %mul3A_911 = arith.constant 200 : i32
      %mul3A_912 = arith.muli %select_n3A_910, %mul3A_911 : i32
      %add3A_913 = arith.constant 104 : i32
      %add3A_914 = arith.addi %mul3A_912, %add3A_913 : i32
      %add3A_915 = arith.addi %mul3A_2, %select_n3A_910 : i32
      %dma_wait3A_916 = arith.constant 5 : i32
      %dma_wait3A_917 = arith.constant 0 : i32
      %dma_wait3A_918 = arith.constant 0 : i32
      %dma_wait3A_919 = tpu.memref_slice %arg8[%dma_wait3A_916, %dma_wait3A_917, %dma_wait3A_918] : memref<6x104x128xf32, #tpu.memory_space<vmem>> -> memref<1x96x128xf32, #tpu.memory_space<vmem>>
      %dma_wait3A_920 = tpu.memref_squeeze %dma_wait3A_919 : memref<1x96x128xf32, #tpu.memory_space<vmem>> -> memref<96x128xf32, #tpu.memory_space<vmem>>
      %dma_wait3A_921 = arith.constant 104 : i32
      %dma_wait3A_922 = arith.constant 0 : i32
      %dma_wait3A_923 = tpu.memref_slice %arg5[%add3A_915, %dma_wait3A_921, %dma_wait3A_922] : memref<1024x200x128xf32, #tpu.memory_space<hbm>> -> memref<1x96x128xf32, #tpu.memory_space<hbm>>
      %dma_wait3A_924 = tpu.memref_squeeze %dma_wait3A_923 : memref<1x96x128xf32, #tpu.memory_space<hbm>> -> memref<96x128xf32, #tpu.memory_space<hbm>>
      %dma_wait3A_925 = arith.constant 104 : i32
      %dma_wait3A_926 = arith.constant 0 : i32
      %dma_wait3A_927 = tpu.memref_slice %arg5[%add3A_915, %dma_wait3A_925, %dma_wait3A_926] : memref<1024x200x128xf32, #tpu.memory_space<hbm>> -> memref<1x96x128xf32, #tpu.memory_space<hbm>>
      %dma_wait3A_928 = tpu.memref_squeeze %dma_wait3A_927 : memref<1x96x128xf32, #tpu.memory_space<hbm>> -> memref<96x128xf32, #tpu.memory_space<hbm>>
      %dma_wait3A_929 = arith.constant 0 : i32
      %dma_wait3A_930 = arith.constant 0 : i32
      %dma_wait3A_931 = tpu.memref_slice %arg8[%dma_wait3A_916, %dma_wait3A_929, %dma_wait3A_930] : memref<6x104x128xf32, #tpu.memory_space<vmem>> -> memref<1x96x128xf32, #tpu.memory_space<vmem>>
      %dma_wait3A_932 = tpu.memref_squeeze %dma_wait3A_931 : memref<1x96x128xf32, #tpu.memory_space<vmem>> -> memref<96x128xf32, #tpu.memory_space<vmem>>
      tpu.wait_dma2 semaphore(%arg20 : memref<!tpu.dma_semaphore, #tpu.memory_space<semaphore_mem>>) src(%dma_wait3A_932 : memref<96x128xf32, #tpu.memory_space<vmem>>) dst(%dma_wait3A_928 : memref<96x128xf32, #tpu.memory_space<hbm>>)
      %add3A_933 = arith.constant 4 : i32
      %add3A_934 = arith.addi %add3A_884, %add3A_933 : i32
      %jit3A_935 = arith.constant 2 : i32
      %div3A_936 = arith.divsi %add3A_934, %jit3A_935 : i32
      %sign3A_937 = arith.constant 0 : i32
      %sign3A_938 = arith.cmpi sgt, %add3A_934, %sign3A_937 : i32
      %sign3A_939 = arith.extui %sign3A_938 : i1 to i32
      %sign3A_940 = arith.constant 0 : i32
      %sign3A_941 = arith.cmpi slt, %add3A_934, %sign3A_940 : i32
      %sign3A_942 = arith.extui %sign3A_941 : i1 to i32
      %sign3A_943 = arith.subi %sign3A_939, %sign3A_942 : i32
      %sign3A_944 = arith.constant 0 : i32
      %sign3A_945 = arith.cmpi sgt, %jit3A_935, %sign3A_944 : i32
      %sign3A_946 = arith.extui %sign3A_945 : i1 to i32
      %sign3A_947 = arith.constant 0 : i32
      %sign3A_948 = arith.cmpi slt, %jit3A_935, %sign3A_947 : i32
      %sign3A_949 = arith.extui %sign3A_948 : i1 to i32
      %sign3A_950 = arith.subi %sign3A_946, %sign3A_949 : i32
      %ne3A_951 = arith.cmpi ne, %sign3A_943, %sign3A_950 : i32
      %rem3A_952 = arith.remsi %add3A_934, %jit3A_935 : i32
      %ne3A_953 = arith.constant 0 : i32
      %ne3A_954 = arith.cmpi ne, %rem3A_952, %ne3A_953 : i32
      %and3A_955 = arith.andi %ne3A_951, %ne3A_954 : i1
      %sub3A_956 = arith.constant 1 : i32
      %sub3A_957 = arith.subi %div3A_936, %sub3A_956 : i32
      %select_n3A_958 = arith.select %and3A_955, %sub3A_957, %div3A_936 : i32
      %mul3A_959 = arith.constant 200 : i32
      %mul3A_960 = arith.muli %select_n3A_958, %mul3A_959 : i32
      %add3A_961 = arith.constant 104 : i32
      %add3A_962 = arith.addi %mul3A_960, %add3A_961 : i32
      %add3A_963 = arith.addi %mul3A_2, %select_n3A_958 : i32
      %dma_start3A_964 = arith.constant 5 : i32
      %dma_start3A_965 = arith.constant 0 : i32
      %dma_start3A_966 = arith.constant 0 : i32
      %dma_start3A_967 = tpu.memref_slice %arg8[%dma_start3A_964, %dma_start3A_965, %dma_start3A_966] : memref<6x104x128xf32, #tpu.memory_space<vmem>> -> memref<1x96x128xf32, #tpu.memory_space<vmem>>
      %dma_start3A_968 = tpu.memref_squeeze %dma_start3A_967 : memref<1x96x128xf32, #tpu.memory_space<vmem>> -> memref<96x128xf32, #tpu.memory_space<vmem>>
      %dma_start3A_969 = tpu.memref_slice %arg6[%add3A_962] : memref<6400xi32, #tpu.memory_space<vmem>> -> memref<96xi32, #tpu.memory_space<vmem>>
      %dma_start3A_970 = arith.constant 0 : i32
      %dma_start3A_971 = arith.constant 0 : i32
      %dma_start3A_972 = tpu.memref_slice %arg3[%dma_start3A_970, %dma_start3A_971] : memref<100000x128xf32, #tpu.memory_space<hbm>> -> memref<100000x128xf32, #tpu.memory_space<hbm>>
      tpu.enqueue_indirect_dma source(%dma_start3A_972 : memref<100000x128xf32, #tpu.memory_space<hbm>>) target(%dma_start3A_968 : memref<96x128xf32, #tpu.memory_space<vmem>>) offsets(%dma_start3A_969 : memref<96xi32, #tpu.memory_space<vmem>>) semaphore(%arg14 : memref<!tpu.dma_semaphore, #tpu.memory_space<semaphore_mem>>)
      %jit3A_973 = arith.constant 2 : i32
      %div3A_974 = arith.divsi %add3A_884, %jit3A_973 : i32
      %sign3A_975 = arith.constant 0 : i32
      %sign3A_976 = arith.cmpi sgt, %add3A_884, %sign3A_975 : i32
      %sign3A_977 = arith.extui %sign3A_976 : i1 to i32
      %sign3A_978 = arith.constant 0 : i32
      %sign3A_979 = arith.cmpi slt, %add3A_884, %sign3A_978 : i32
      %sign3A_980 = arith.extui %sign3A_979 : i1 to i32
      %sign3A_981 = arith.subi %sign3A_977, %sign3A_980 : i32
      %sign3A_982 = arith.constant 0 : i32
      %sign3A_983 = arith.cmpi sgt, %jit3A_973, %sign3A_982 : i32
      %sign3A_984 = arith.extui %sign3A_983 : i1 to i32
      %sign3A_985 = arith.constant 0 : i32
      %sign3A_986 = arith.cmpi slt, %jit3A_973, %sign3A_985 : i32
      %sign3A_987 = arith.extui %sign3A_986 : i1 to i32
      %sign3A_988 = arith.subi %sign3A_984, %sign3A_987 : i32
      %ne3A_989 = arith.cmpi ne, %sign3A_981, %sign3A_988 : i32
      %rem3A_990 = arith.remsi %add3A_884, %jit3A_973 : i32
      %ne3A_991 = arith.constant 0 : i32
      %ne3A_992 = arith.cmpi ne, %rem3A_990, %ne3A_991 : i32
      %and3A_993 = arith.andi %ne3A_989, %ne3A_992 : i1
      %sub3A_994 = arith.constant 1 : i32
      %sub3A_995 = arith.subi %div3A_974, %sub3A_994 : i32
      %select_n3A_996 = arith.select %and3A_993, %sub3A_995, %div3A_974 : i32
      %mul3A_997 = arith.constant 200 : i32
      %mul3A_998 = arith.muli %select_n3A_996, %mul3A_997 : i32
      %add3A_999 = arith.constant 104 : i32
      %add3A_1000 = arith.addi %mul3A_998, %add3A_999 : i32
      %add3A_1001 = arith.addi %mul3A_2, %select_n3A_996 : i32
      %dma_wait3A_1002 = arith.constant 1 : i32
      %dma_wait3A_1003 = arith.constant 0 : i32
      %dma_wait3A_1004 = arith.constant 0 : i32
      %dma_wait3A_1005 = tpu.memref_slice %arg8[%dma_wait3A_1002, %dma_wait3A_1003, %dma_wait3A_1004] : memref<6x104x128xf32, #tpu.memory_space<vmem>> -> memref<1x96x128xf32, #tpu.memory_space<vmem>>
      %dma_wait3A_1006 = tpu.memref_squeeze %dma_wait3A_1005 : memref<1x96x128xf32, #tpu.memory_space<vmem>> -> memref<96x128xf32, #tpu.memory_space<vmem>>
      %dma_wait3A_1007 = tpu.memref_slice %arg6[%add3A_1000] : memref<6400xi32, #tpu.memory_space<vmem>> -> memref<96xi32, #tpu.memory_space<vmem>>
      %dma_wait3A_1008 = arith.constant 0 : i32
      %dma_wait3A_1009 = arith.constant 0 : i32
      %dma_wait3A_1010 = tpu.memref_slice %arg3[%dma_wait3A_1008, %dma_wait3A_1009] : memref<100000x128xf32, #tpu.memory_space<hbm>> -> memref<100000x128xf32, #tpu.memory_space<hbm>>
      tpu.wait_indirect_dma semaphore(%arg10 : memref<!tpu.dma_semaphore, #tpu.memory_space<semaphore_mem>>) src(%dma_wait3A_1010 : memref<100000x128xf32, #tpu.memory_space<hbm>>) dst(%dma_wait3A_1006 : memref<96x128xf32, #tpu.memory_space<vmem>>)
      %scan3A_1011 = arith.constant 0 : i32
      %scan3A_1012 = arith.constant 0 : i32
      %scan3A_1013 = arith.constant 96 : i32
      %scan3A_1014 = arith.addi %scan3A_1012, %scan3A_1013 : i32
      %scan3A_1015 = arith.constant 1 : i32
      scf.for %scan3A_1791 = %scan3A_1012 to %scan3A_1014 step %scan3A_1015  : i32 {
        %add3A_1792 = arith.constant 104 : i32
        %add3A_1793 = arith.addi %scan3A_1791, %add3A_1792 : i32
        %get3A = arith.constant 1 : i32
        %get3A_1794 = arith.index_cast %get3A : i32 to index
        %get3A_1795 = arith.index_cast %scan3A_1791 : i32 to index
        %get3A_1796 = arith.constant 0 : index
        %get3A_1797 = tpu.vector_load %arg8[%get3A_1794, %get3A_1795, %get3A_1796] {strides = array<i32>} : memref<6x104x128xf32, #tpu.memory_space<vmem>>, vector<1x1x16xf32>,
        %get3A_1798 = vector.shape_cast %get3A_1797 : vector<1x1x16xf32> to vector<16xf32>
        %mul3A_1799 = arith.constant 11.3137083 : f32
        %mul3A_1800 = vector.broadcast %mul3A_1799 : f32 to vector<16xf32>
        %mul3A_1801 = arith.mulf %get3A_1798, %mul3A_1800 : vector<16xf32>
        %get3A_1802 = arith.index_cast %add3A_1793 : i32 to index
        %get3A_1803 = arith.constant 0 : index
        %get3A_1804 = tpu.vector_load %arg7[%get3A_1802, %get3A_1803] {strides = array<i32>} : memref<200x128xf32, #tpu.memory_space<vmem>>, vector<1x16xf32>,
        %get3A_1805 = vector.shape_cast %get3A_1804 : vector<1x16xf32> to vector<16xf32>
        %add3A_1806 = arith.addf %mul3A_1801, %get3A_1805 : vector<16xf32>
        %swap3A = arith.constant 1 : i32
        %swap3A_1807 = arith.index_cast %swap3A : i32 to index
        %swap3A_1808 = arith.index_cast %scan3A_1791 : i32 to index
        %swap3A_1809 = arith.constant 0 : index
        %swap3A_1810 = tpu.vector_load %arg8[%swap3A_1807, %swap3A_1808, %swap3A_1809] {strides = array<i32>} : memref<6x104x128xf32, #tpu.memory_space<vmem>>, vector<1x1x16xf32>,
        %swap3A_1811 = vector.shape_cast %swap3A_1810 : vector<1x1x16xf32> to vector<16xf32>
        %swap3A_1812 = vector.shape_cast %add3A_1806 : vector<16xf32> to vector<1x1x16xf32>
        tpu.vector_store %arg8[%swap3A_1807, %swap3A_1808, %swap3A_1809], %swap3A_1812 {strides = array<i32>} : memref<6x104x128xf32, #tpu.memory_space<vmem>>, vector<1x1x16xf32>,
        %get3A_1813 = arith.constant 1 : i32
        %get3A_1814 = arith.index_cast %get3A_1813 : i32 to index
        %get3A_1815 = arith.index_cast %scan3A_1791 : i32 to index
        %get3A_1816 = arith.constant 16 : index
        %get3A_1817 = tpu.vector_load %arg8[%get3A_1814, %get3A_1815, %get3A_1816] {strides = array<i32>} : memref<6x104x128xf32, #tpu.memory_space<vmem>>, vector<1x1x16xf32>,
        %get3A_1818 = vector.shape_cast %get3A_1817 : vector<1x1x16xf32> to vector<16xf32>
        %mul3A_1819 = arith.constant 11.3137083 : f32
        %mul3A_1820 = vector.broadcast %mul3A_1819 : f32 to vector<16xf32>
        %mul3A_1821 = arith.mulf %get3A_1818, %mul3A_1820 : vector<16xf32>
        %get3A_1822 = arith.index_cast %add3A_1793 : i32 to index
        %get3A_1823 = arith.constant 16 : index
        %get3A_1824 = tpu.vector_load %arg7[%get3A_1822, %get3A_1823] {strides = array<i32>} : memref<200x128xf32, #tpu.memory_space<vmem>>, vector<1x16xf32>,
        %get3A_1825 = vector.shape_cast %get3A_1824 : vector<1x16xf32> to vector<16xf32>
        %add3A_1826 = arith.addf %mul3A_1821, %get3A_1825 : vector<16xf32>
        %swap3A_1827 = arith.constant 1 : i32
        %swap3A_1828 = arith.index_cast %swap3A_1827 : i32 to index
        %swap3A_1829 = arith.index_cast %scan3A_1791 : i32 to index
        %swap3A_1830 = arith.constant 16 : index
        %swap3A_1831 = tpu.vector_load %arg8[%swap3A_1828, %swap3A_1829, %swap3A_1830] {strides = array<i32>} : memref<6x104x128xf32, #tpu.memory_space<vmem>>, vector<1x1x16xf32>,
        %swap3A_1832 = vector.shape_cast %swap3A_1831 : vector<1x1x16xf32> to vector<16xf32>
        %swap3A_1833 = vector.shape_cast %add3A_1826 : vector<16xf32> to vector<1x1x16xf32>
        tpu.vector_store %arg8[%swap3A_1828, %swap3A_1829, %swap3A_1830], %swap3A_1833 {strides = array<i32>} : memref<6x104x128xf32, #tpu.memory_space<vmem>>, vector<1x1x16xf32>,
        %get3A_1834 = arith.constant 1 : i32
        %get3A_1835 = arith.index_cast %get3A_1834 : i32 to index
        %get3A_1836 = arith.index_cast %scan3A_1791 : i32 to index
        %get3A_1837 = arith.constant 32 : index
        %get3A_1838 = tpu.vector_load %arg8[%get3A_1835, %get3A_1836, %get3A_1837] {strides = array<i32>} : memref<6x104x128xf32, #tpu.memory_space<vmem>>, vector<1x1x16xf32>,
        %get3A_1839 = vector.shape_cast %get3A_1838 : vector<1x1x16xf32> to vector<16xf32>
        %mul3A_1840 = arith.constant 11.3137083 : f32
        %mul3A_1841 = vector.broadcast %mul3A_1840 : f32 to vector<16xf32>
        %mul3A_1842 = arith.mulf %get3A_1839, %mul3A_1841 : vector<16xf32>
        %get3A_1843 = arith.index_cast %add3A_1793 : i32 to index
        %get3A_1844 = arith.constant 32 : index
        %get3A_1845 = tpu.vector_load %arg7[%get3A_1843, %get3A_1844] {strides = array<i32>} : memref<200x128xf32, #tpu.memory_space<vmem>>, vector<1x16xf32>,
        %get3A_1846 = vector.shape_cast %get3A_1845 : vector<1x16xf32> to vector<16xf32>
        %add3A_1847 = arith.addf %mul3A_1842, %get3A_1846 : vector<16xf32>
        %swap3A_1848 = arith.constant 1 : i32
        %swap3A_1849 = arith.index_cast %swap3A_1848 : i32 to index
        %swap3A_1850 = arith.index_cast %scan3A_1791 : i32 to index
        %swap3A_1851 = arith.constant 32 : index
        %swap3A_1852 = tpu.vector_load %arg8[%swap3A_1849, %swap3A_1850, %swap3A_1851] {strides = array<i32>} : memref<6x104x128xf32, #tpu.memory_space<vmem>>, vector<1x1x16xf32>,
        %swap3A_1853 = vector.shape_cast %swap3A_1852 : vector<1x1x16xf32> to vector<16xf32>
        %swap3A_1854 = vector.shape_cast %add3A_1847 : vector<16xf32> to vector<1x1x16xf32>
        tpu.vector_store %arg8[%swap3A_1849, %swap3A_1850, %swap3A_1851], %swap3A_1854 {strides = array<i32>} : memref<6x104x128xf32, #tpu.memory_space<vmem>>, vector<1x1x16xf32>,
        %get3A_1855 = arith.constant 1 : i32
        %get3A_1856 = arith.index_cast %get3A_1855 : i32 to index
        %get3A_1857 = arith.index_cast %scan3A_1791 : i32 to index
        %get3A_1858 = arith.constant 48 : index
        %get3A_1859 = tpu.vector_load %arg8[%get3A_1856, %get3A_1857, %get3A_1858] {strides = array<i32>} : memref<6x104x128xf32, #tpu.memory_space<vmem>>, vector<1x1x16xf32>,
        %get3A_1860 = vector.shape_cast %get3A_1859 : vector<1x1x16xf32> to vector<16xf32>
        %mul3A_1861 = arith.constant 11.3137083 : f32
        %mul3A_1862 = vector.broadcast %mul3A_1861 : f32 to vector<16xf32>
        %mul3A_1863 = arith.mulf %get3A_1860, %mul3A_1862 : vector<16xf32>
        %get3A_1864 = arith.index_cast %add3A_1793 : i32 to index
        %get3A_1865 = arith.constant 48 : index
        %get3A_1866 = tpu.vector_load %arg7[%get3A_1864, %get3A_1865] {strides = array<i32>} : memref<200x128xf32, #tpu.memory_space<vmem>>, vector<1x16xf32>,
        %get3A_1867 = vector.shape_cast %get3A_1866 : vector<1x16xf32> to vector<16xf32>
        %add3A_1868 = arith.addf %mul3A_1863, %get3A_1867 : vector<16xf32>
        %swap3A_1869 = arith.constant 1 : i32
        %swap3A_1870 = arith.index_cast %swap3A_1869 : i32 to index
        %swap3A_1871 = arith.index_cast %scan3A_1791 : i32 to index
        %swap3A_1872 = arith.constant 48 : index
        %swap3A_1873 = tpu.vector_load %arg8[%swap3A_1870, %swap3A_1871, %swap3A_1872] {strides = array<i32>} : memref<6x104x128xf32, #tpu.memory_space<vmem>>, vector<1x1x16xf32>,
        %swap3A_1874 = vector.shape_cast %swap3A_1873 : vector<1x1x16xf32> to vector<16xf32>
        %swap3A_1875 = vector.shape_cast %add3A_1868 : vector<16xf32> to vector<1x1x16xf32>
        tpu.vector_store %arg8[%swap3A_1870, %swap3A_1871, %swap3A_1872], %swap3A_1875 {strides = array<i32>} : memref<6x104x128xf32, #tpu.memory_space<vmem>>, vector<1x1x16xf32>,
        %get3A_1876 = arith.constant 1 : i32
        %get3A_1877 = arith.index_cast %get3A_1876 : i32 to index
        %get3A_1878 = arith.index_cast %scan3A_1791 : i32 to index
        %get3A_1879 = arith.constant 64 : index
        %get3A_1880 = tpu.vector_load %arg8[%get3A_1877, %get3A_1878, %get3A_1879] {strides = array<i32>} : memref<6x104x128xf32, #tpu.memory_space<vmem>>, vector<1x1x16xf32>,
        %get3A_1881 = vector.shape_cast %get3A_1880 : vector<1x1x16xf32> to vector<16xf32>
        %mul3A_1882 = arith.constant 11.3137083 : f32
        %mul3A_1883 = vector.broadcast %mul3A_1882 : f32 to vector<16xf32>
        %mul3A_1884 = arith.mulf %get3A_1881, %mul3A_1883 : vector<16xf32>
        %get3A_1885 = arith.index_cast %add3A_1793 : i32 to index
        %get3A_1886 = arith.constant 64 : index
        %get3A_1887 = tpu.vector_load %arg7[%get3A_1885, %get3A_1886] {strides = array<i32>} : memref<200x128xf32, #tpu.memory_space<vmem>>, vector<1x16xf32>,
        %get3A_1888 = vector.shape_cast %get3A_1887 : vector<1x16xf32> to vector<16xf32>
        %add3A_1889 = arith.addf %mul3A_1884, %get3A_1888 : vector<16xf32>
        %swap3A_1890 = arith.constant 1 : i32
        %swap3A_1891 = arith.index_cast %swap3A_1890 : i32 to index
        %swap3A_1892 = arith.index_cast %scan3A_1791 : i32 to index
        %swap3A_1893 = arith.constant 64 : index
        %swap3A_1894 = tpu.vector_load %arg8[%swap3A_1891, %swap3A_1892, %swap3A_1893] {strides = array<i32>} : memref<6x104x128xf32, #tpu.memory_space<vmem>>, vector<1x1x16xf32>,
        %swap3A_1895 = vector.shape_cast %swap3A_1894 : vector<1x1x16xf32> to vector<16xf32>
        %swap3A_1896 = vector.shape_cast %add3A_1889 : vector<16xf32> to vector<1x1x16xf32>
        tpu.vector_store %arg8[%swap3A_1891, %swap3A_1892, %swap3A_1893], %swap3A_1896 {strides = array<i32>} : memref<6x104x128xf32, #tpu.memory_space<vmem>>, vector<1x1x16xf32>,
        %get3A_1897 = arith.constant 1 : i32
        %get3A_1898 = arith.index_cast %get3A_1897 : i32 to index
        %get3A_1899 = arith.index_cast %scan3A_1791 : i32 to index
        %get3A_1900 = arith.constant 80 : index
        %get3A_1901 = tpu.vector_load %arg8[%get3A_1898, %get3A_1899, %get3A_1900] {strides = array<i32>} : memref<6x104x128xf32, #tpu.memory_space<vmem>>, vector<1x1x16xf32>,
        %get3A_1902 = vector.shape_cast %get3A_1901 : vector<1x1x16xf32> to vector<16xf32>
        %mul3A_1903 = arith.constant 11.3137083 : f32
        %mul3A_1904 = vector.broadcast %mul3A_1903 : f32 to vector<16xf32>
        %mul3A_1905 = arith.mulf %get3A_1902, %mul3A_1904 : vector<16xf32>
        %get3A_1906 = arith.index_cast %add3A_1793 : i32 to index
        %get3A_1907 = arith.constant 80 : index
        %get3A_1908 = tpu.vector_load %arg7[%get3A_1906, %get3A_1907] {strides = array<i32>} : memref<200x128xf32, #tpu.memory_space<vmem>>, vector<1x16xf32>,
        %get3A_1909 = vector.shape_cast %get3A_1908 : vector<1x16xf32> to vector<16xf32>
        %add3A_1910 = arith.addf %mul3A_1905, %get3A_1909 : vector<16xf32>
        %swap3A_1911 = arith.constant 1 : i32
        %swap3A_1912 = arith.index_cast %swap3A_1911 : i32 to index
        %swap3A_1913 = arith.index_cast %scan3A_1791 : i32 to index
        %swap3A_1914 = arith.constant 80 : index
        %swap3A_1915 = tpu.vector_load %arg8[%swap3A_1912, %swap3A_1913, %swap3A_1914] {strides = array<i32>} : memref<6x104x128xf32, #tpu.memory_space<vmem>>, vector<1x1x16xf32>,
        %swap3A_1916 = vector.shape_cast %swap3A_1915 : vector<1x1x16xf32> to vector<16xf32>
        %swap3A_1917 = vector.shape_cast %add3A_1910 : vector<16xf32> to vector<1x1x16xf32>
        tpu.vector_store %arg8[%swap3A_1912, %swap3A_1913, %swap3A_1914], %swap3A_1917 {strides = array<i32>} : memref<6x104x128xf32, #tpu.memory_space<vmem>>, vector<1x1x16xf32>,
        %get3A_1918 = arith.constant 1 : i32
        %get3A_1919 = arith.index_cast %get3A_1918 : i32 to index
        %get3A_1920 = arith.index_cast %scan3A_1791 : i32 to index
        %get3A_1921 = arith.constant 96 : index
        %get3A_1922 = tpu.vector_load %arg8[%get3A_1919, %get3A_1920, %get3A_1921] {strides = array<i32>} : memref<6x104x128xf32, #tpu.memory_space<vmem>>, vector<1x1x16xf32>,
        %get3A_1923 = vector.shape_cast %get3A_1922 : vector<1x1x16xf32> to vector<16xf32>
        %mul3A_1924 = arith.constant 11.3137083 : f32
        %mul3A_1925 = vector.broadcast %mul3A_1924 : f32 to vector<16xf32>
        %mul3A_1926 = arith.mulf %get3A_1923, %mul3A_1925 : vector<16xf32>
        %get3A_1927 = arith.index_cast %add3A_1793 : i32 to index
        %get3A_1928 = arith.constant 96 : index
        %get3A_1929 = tpu.vector_load %arg7[%get3A_1927, %get3A_1928] {strides = array<i32>} : memref<200x128xf32, #tpu.memory_space<vmem>>, vector<1x16xf32>,
        %get3A_1930 = vector.shape_cast %get3A_1929 : vector<1x16xf32> to vector<16xf32>
        %add3A_1931 = arith.addf %mul3A_1926, %get3A_1930 : vector<16xf32>
        %swap3A_1932 = arith.constant 1 : i32
        %swap3A_1933 = arith.index_cast %swap3A_1932 : i32 to index
        %swap3A_1934 = arith.index_cast %scan3A_1791 : i32 to index
        %swap3A_1935 = arith.constant 96 : index
        %swap3A_1936 = tpu.vector_load %arg8[%swap3A_1933, %swap3A_1934, %swap3A_1935] {strides = array<i32>} : memref<6x104x128xf32, #tpu.memory_space<vmem>>, vector<1x1x16xf32>,
        %swap3A_1937 = vector.shape_cast %swap3A_1936 : vector<1x1x16xf32> to vector<16xf32>
        %swap3A_1938 = vector.shape_cast %add3A_1931 : vector<16xf32> to vector<1x1x16xf32>
        tpu.vector_store %arg8[%swap3A_1933, %swap3A_1934, %swap3A_1935], %swap3A_1938 {strides = array<i32>} : memref<6x104x128xf32, #tpu.memory_space<vmem>>, vector<1x1x16xf32>,
        %get3A_1939 = arith.constant 1 : i32
        %get3A_1940 = arith.index_cast %get3A_1939 : i32 to index
        %get3A_1941 = arith.index_cast %scan3A_1791 : i32 to index
        %get3A_1942 = arith.constant 112 : index
        %get3A_1943 = tpu.vector_load %arg8[%get3A_1940, %get3A_1941, %get3A_1942] {strides = array<i32>} : memref<6x104x128xf32, #tpu.memory_space<vmem>>, vector<1x1x16xf32>,
        %get3A_1944 = vector.shape_cast %get3A_1943 : vector<1x1x16xf32> to vector<16xf32>
        %mul3A_1945 = arith.constant 11.3137083 : f32
        %mul3A_1946 = vector.broadcast %mul3A_1945 : f32 to vector<16xf32>
        %mul3A_1947 = arith.mulf %get3A_1944, %mul3A_1946 : vector<16xf32>
        %get3A_1948 = arith.index_cast %add3A_1793 : i32 to index
        %get3A_1949 = arith.constant 112 : index
        %get3A_1950 = tpu.vector_load %arg7[%get3A_1948, %get3A_1949] {strides = array<i32>} : memref<200x128xf32, #tpu.memory_space<vmem>>, vector<1x16xf32>,
        %get3A_1951 = vector.shape_cast %get3A_1950 : vector<1x16xf32> to vector<16xf32>
        %add3A_1952 = arith.addf %mul3A_1947, %get3A_1951 : vector<16xf32>
        %swap3A_1953 = arith.constant 1 : i32
        %swap3A_1954 = arith.index_cast %swap3A_1953 : i32 to index
        %swap3A_1955 = arith.index_cast %scan3A_1791 : i32 to index
        %swap3A_1956 = arith.constant 112 : index
        %swap3A_1957 = tpu.vector_load %arg8[%swap3A_1954, %swap3A_1955, %swap3A_1956] {strides = array<i32>} : memref<6x104x128xf32, #tpu.memory_space<vmem>>, vector<1x1x16xf32>,
        %swap3A_1958 = vector.shape_cast %swap3A_1957 : vector<1x1x16xf32> to vector<16xf32>
        %swap3A_1959 = vector.shape_cast %add3A_1952 : vector<16xf32> to vector<1x1x16xf32>
        tpu.vector_store %arg8[%swap3A_1954, %swap3A_1955, %swap3A_1956], %swap3A_1959 {strides = array<i32>} : memref<6x104x128xf32, #tpu.memory_space<vmem>>, vector<1x1x16xf32>,
      }
      %scan3A_1016 = arith.constant 96 : i32
      %jit3A_1017 = arith.constant 2 : i32
      %div3A_1018 = arith.divsi %add3A_884, %jit3A_1017 : i32
      %sign3A_1019 = arith.constant 0 : i32
      %sign3A_1020 = arith.cmpi sgt, %add3A_884, %sign3A_1019 : i32
      %sign3A_1021 = arith.extui %sign3A_1020 : i1 to i32
      %sign3A_1022 = arith.constant 0 : i32
      %sign3A_1023 = arith.cmpi slt, %add3A_884, %sign3A_1022 : i32
      %sign3A_1024 = arith.extui %sign3A_1023 : i1 to i32
      %sign3A_1025 = arith.subi %sign3A_1021, %sign3A_1024 : i32
      %sign3A_1026 = arith.constant 0 : i32
      %sign3A_1027 = arith.cmpi sgt, %jit3A_1017, %sign3A_1026 : i32
      %sign3A_1028 = arith.extui %sign3A_1027 : i1 to i32
      %sign3A_1029 = arith.constant 0 : i32
      %sign3A_1030 = arith.cmpi slt, %jit3A_1017, %sign3A_1029 : i32
      %sign3A_1031 = arith.extui %sign3A_1030 : i1 to i32
      %sign3A_1032 = arith.subi %sign3A_1028, %sign3A_1031 : i32
      %ne3A_1033 = arith.cmpi ne, %sign3A_1025, %sign3A_1032 : i32
      %rem3A_1034 = arith.remsi %add3A_884, %jit3A_1017 : i32
      %ne3A_1035 = arith.constant 0 : i32
      %ne3A_1036 = arith.cmpi ne, %rem3A_1034, %ne3A_1035 : i32
      %and3A_1037 = arith.andi %ne3A_1033, %ne3A_1036 : i1
      %sub3A_1038 = arith.constant 1 : i32
      %sub3A_1039 = arith.subi %div3A_1018, %sub3A_1038 : i32
      %select_n3A_1040 = arith.select %and3A_1037, %sub3A_1039, %div3A_1018 : i32
      %mul3A_1041 = arith.constant 200 : i32
      %mul3A_1042 = arith.muli %select_n3A_1040, %mul3A_1041 : i32
      %add3A_1043 = arith.constant 104 : i32
      %add3A_1044 = arith.addi %mul3A_1042, %add3A_1043 : i32
      %add3A_1045 = arith.addi %mul3A_2, %select_n3A_1040 : i32
      %dma_start3A_1046 = arith.constant 1 : i32
      %dma_start3A_1047 = arith.constant 0 : i32
      %dma_start3A_1048 = arith.constant 0 : i32
      %dma_start3A_1049 = tpu.memref_slice %arg8[%dma_start3A_1046, %dma_start3A_1047, %dma_start3A_1048] : memref<6x104x128xf32, #tpu.memory_space<vmem>> -> memref<1x96x128xf32, #tpu.memory_space<vmem>>
      %dma_start3A_1050 = tpu.memref_squeeze %dma_start3A_1049 : memref<1x96x128xf32, #tpu.memory_space<vmem>> -> memref<96x128xf32, #tpu.memory_space<vmem>>
      %dma_start3A_1051 = arith.constant 104 : i32
      %dma_start3A_1052 = arith.constant 0 : i32
      %dma_start3A_1053 = tpu.memref_slice %arg5[%add3A_1045, %dma_start3A_1051, %dma_start3A_1052] : memref<1024x200x128xf32, #tpu.memory_space<hbm>> -> memref<1x96x128xf32, #tpu.memory_space<hbm>>
      %dma_start3A_1054 = tpu.memref_squeeze %dma_start3A_1053 : memref<1x96x128xf32, #tpu.memory_space<hbm>> -> memref<96x128xf32, #tpu.memory_space<hbm>>
      %dma_start3A_1055 = arith.constant 104 : i32
      %dma_start3A_1056 = arith.constant 0 : i32
      %dma_start3A_1057 = tpu.memref_slice %arg5[%add3A_1045, %dma_start3A_1055, %dma_start3A_1056] : memref<1024x200x128xf32, #tpu.memory_space<hbm>> -> memref<1x96x128xf32, #tpu.memory_space<hbm>>
      %dma_start3A_1058 = tpu.memref_squeeze %dma_start3A_1057 : memref<1x96x128xf32, #tpu.memory_space<hbm>> -> memref<96x128xf32, #tpu.memory_space<hbm>>
      %dma_start3A_1059 = arith.constant 0 : i32
      %dma_start3A_1060 = arith.constant 0 : i32
      %dma_start3A_1061 = tpu.memref_slice %arg8[%dma_start3A_1046, %dma_start3A_1059, %dma_start3A_1060] : memref<6x104x128xf32, #tpu.memory_space<vmem>> -> memref<1x96x128xf32, #tpu.memory_space<vmem>>
      %dma_start3A_1062 = tpu.memref_squeeze %dma_start3A_1061 : memref<1x96x128xf32, #tpu.memory_space<vmem>> -> memref<96x128xf32, #tpu.memory_space<vmem>>
      tpu.enqueue_dma source(%dma_start3A_1062 : memref<96x128xf32, #tpu.memory_space<vmem>>) target(%dma_start3A_1058 : memref<96x128xf32, #tpu.memory_space<hbm>>) target_semaphore(%arg16 : memref<!tpu.dma_semaphore, #tpu.memory_space<semaphore_mem>>)
      %mul3A_1063 = arith.constant 6 : i32
      %mul3A_1064 = arith.muli %scan3A_706, %mul3A_1063 : i32
      %add3A_1065 = arith.constant 2 : i32
      %add3A_1066 = arith.addi %mul3A_1064, %add3A_1065 : i32
      %sub3A_1067 = arith.constant 2 : i32
      %sub3A_1068 = arith.subi %add3A_1066, %sub3A_1067 : i32
      %jit3A_1069 = arith.constant 2 : i32
      %div3A_1070 = arith.divsi %sub3A_1068, %jit3A_1069 : i32
      %sign3A_1071 = arith.constant 0 : i32
      %sign3A_1072 = arith.cmpi sgt, %sub3A_1068, %sign3A_1071 : i32
      %sign3A_1073 = arith.extui %sign3A_1072 : i1 to i32
      %sign3A_1074 = arith.constant 0 : i32
      %sign3A_1075 = arith.cmpi slt, %sub3A_1068, %sign3A_1074 : i32
      %sign3A_1076 = arith.extui %sign3A_1075 : i1 to i32
      %sign3A_1077 = arith.subi %sign3A_1073, %sign3A_1076 : i32
      %sign3A_1078 = arith.constant 0 : i32
      %sign3A_1079 = arith.cmpi sgt, %jit3A_1069, %sign3A_1078 : i32
      %sign3A_1080 = arith.extui %sign3A_1079 : i1 to i32
      %sign3A_1081 = arith.constant 0 : i32
      %sign3A_1082 = arith.cmpi slt, %jit3A_1069, %sign3A_1081 : i32
      %sign3A_1083 = arith.extui %sign3A_1082 : i1 to i32
      %sign3A_1084 = arith.subi %sign3A_1080, %sign3A_1083 : i32
      %ne3A_1085 = arith.cmpi ne, %sign3A_1077, %sign3A_1084 : i32
      %rem3A_1086 = arith.remsi %sub3A_1068, %jit3A_1069 : i32
      %ne3A_1087 = arith.constant 0 : i32
      %ne3A_1088 = arith.cmpi ne, %rem3A_1086, %ne3A_1087 : i32
      %and3A_1089 = arith.andi %ne3A_1085, %ne3A_1088 : i1
      %sub3A_1090 = arith.constant 1 : i32
      %sub3A_1091 = arith.subi %div3A_1070, %sub3A_1090 : i32
      %select_n3A_1092 = arith.select %and3A_1089, %sub3A_1091, %div3A_1070 : i32
      %mul3A_1093 = arith.constant 200 : i32
      %mul3A_1094 = arith.muli %select_n3A_1092, %mul3A_1093 : i32
      %add3A_1095 = arith.constant 0 : i32
      %add3A_1096 = arith.addi %mul3A_1094, %add3A_1095 : i32
      %add3A_1097 = arith.addi %mul3A_2, %select_n3A_1092 : i32
      %dma_wait3A_1098 = arith.constant 0 : i32
      %dma_wait3A_1099 = arith.constant 0 : i32
      %dma_wait3A_1100 = arith.constant 0 : i32
      %dma_wait3A_1101 = tpu.memref_slice %arg8[%dma_wait3A_1098, %dma_wait3A_1099, %dma_wait3A_1100] : memref<6x104x128xf32, #tpu.memory_space<vmem>> -> memref<1x104x128xf32, #tpu.memory_space<vmem>>
      %dma_wait3A_1102 = tpu.memref_squeeze %dma_wait3A_1101 : memref<1x104x128xf32, #tpu.memory_space<vmem>> -> memref<104x128xf32, #tpu.memory_space<vmem>>
      %dma_wait3A_1103 = arith.constant 0 : i32
      %dma_wait3A_1104 = arith.constant 0 : i32
      %dma_wait3A_1105 = tpu.memref_slice %arg5[%add3A_1097, %dma_wait3A_1103, %dma_wait3A_1104] : memref<1024x200x128xf32, #tpu.memory_space<hbm>> -> memref<1x104x128xf32, #tpu.memory_space<hbm>>
      %dma_wait3A_1106 = tpu.memref_squeeze %dma_wait3A_1105 : memref<1x104x128xf32, #tpu.memory_space<hbm>> -> memref<104x128xf32, #tpu.memory_space<hbm>>
      %dma_wait3A_1107 = arith.constant 0 : i32
      %dma_wait3A_1108 = arith.constant 0 : i32
      %dma_wait3A_1109 = tpu.memref_slice %arg5[%add3A_1097, %dma_wait3A_1107, %dma_wait3A_1108] : memref<1024x200x128xf32, #tpu.memory_space<hbm>> -> memref<1x104x128xf32, #tpu.memory_space<hbm>>
      %dma_wait3A_1110 = tpu.memref_squeeze %dma_wait3A_1109 : memref<1x104x128xf32, #tpu.memory_space<hbm>> -> memref<104x128xf32, #tpu.memory_space<hbm>>
      %dma_wait3A_1111 = arith.constant 0 : i32
      %dma_wait3A_1112 = arith.constant 0 : i32
      %dma_wait3A_1113 = tpu.memref_slice %arg8[%dma_wait3A_1098, %dma_wait3A_1111, %dma_wait3A_1112] : memref<6x104x128xf32, #tpu.memory_space<vmem>> -> memref<1x104x128xf32, #tpu.memory_space<vmem>>
      %dma_wait3A_1114 = tpu.memref_squeeze %dma_wait3A_1113 : memref<1x104x128xf32, #tpu.memory_space<vmem>> -> memref<104x128xf32, #tpu.memory_space<vmem>>
      tpu.wait_dma2 semaphore(%arg15 : memref<!tpu.dma_semaphore, #tpu.memory_space<semaphore_mem>>) src(%dma_wait3A_1114 : memref<104x128xf32, #tpu.memory_space<vmem>>) dst(%dma_wait3A_1110 : memref<104x128xf32, #tpu.memory_space<hbm>>)
      %add3A_1115 = arith.constant 4 : i32
      %add3A_1116 = arith.addi %add3A_1066, %add3A_1115 : i32
      %jit3A_1117 = arith.constant 2 : i32
      %div3A_1118 = arith.divsi %add3A_1116, %jit3A_1117 : i32
      %sign3A_1119 = arith.constant 0 : i32
      %sign3A_1120 = arith.cmpi sgt, %add3A_1116, %sign3A_1119 : i32
      %sign3A_1121 = arith.extui %sign3A_1120 : i1 to i32
      %sign3A_1122 = arith.constant 0 : i32
      %sign3A_1123 = arith.cmpi slt, %add3A_1116, %sign3A_1122 : i32
      %sign3A_1124 = arith.extui %sign3A_1123 : i1 to i32
      %sign3A_1125 = arith.subi %sign3A_1121, %sign3A_1124 : i32
      %sign3A_1126 = arith.constant 0 : i32
      %sign3A_1127 = arith.cmpi sgt, %jit3A_1117, %sign3A_1126 : i32
      %sign3A_1128 = arith.extui %sign3A_1127 : i1 to i32
      %sign3A_1129 = arith.constant 0 : i32
      %sign3A_1130 = arith.cmpi slt, %jit3A_1117, %sign3A_1129 : i32
      %sign3A_1131 = arith.extui %sign3A_1130 : i1 to i32
      %sign3A_1132 = arith.subi %sign3A_1128, %sign3A_1131 : i32
      %ne3A_1133 = arith.cmpi ne, %sign3A_1125, %sign3A_1132 : i32
      %rem3A_1134 = arith.remsi %add3A_1116, %jit3A_1117 : i32
      %ne3A_1135 = arith.constant 0 : i32
      %ne3A_1136 = arith.cmpi ne, %rem3A_1134, %ne3A_1135 : i32
      %and3A_1137 = arith.andi %ne3A_1133, %ne3A_1136 : i1
      %sub3A_1138 = arith.constant 1 : i32
      %sub3A_1139 = arith.subi %div3A_1118, %sub3A_1138 : i32
      %select_n3A_1140 = arith.select %and3A_1137, %sub3A_1139, %div3A_1118 : i32
      %mul3A_1141 = arith.constant 200 : i32
      %mul3A_1142 = arith.muli %select_n3A_1140, %mul3A_1141 : i32
      %add3A_1143 = arith.constant 0 : i32
      %add3A_1144 = arith.addi %mul3A_1142, %add3A_1143 : i32
      %add3A_1145 = arith.addi %mul3A_2, %select_n3A_1140 : i32
      %dma_start3A_1146 = arith.constant 0 : i32
      %dma_start3A_1147 = arith.constant 0 : i32
      %dma_start3A_1148 = arith.constant 0 : i32
      %dma_start3A_1149 = tpu.memref_slice %arg8[%dma_start3A_1146, %dma_start3A_1147, %dma_start3A_1148] : memref<6x104x128xf32, #tpu.memory_space<vmem>> -> memref<1x104x128xf32, #tpu.memory_space<vmem>>
      %dma_start3A_1150 = tpu.memref_squeeze %dma_start3A_1149 : memref<1x104x128xf32, #tpu.memory_space<vmem>> -> memref<104x128xf32, #tpu.memory_space<vmem>>
      %dma_start3A_1151 = tpu.memref_slice %arg6[%add3A_1144] : memref<6400xi32, #tpu.memory_space<vmem>> -> memref<104xi32, #tpu.memory_space<vmem>>
      %dma_start3A_1152 = arith.constant 0 : i32
      %dma_start3A_1153 = arith.constant 0 : i32
      %dma_start3A_1154 = tpu.memref_slice %arg3[%dma_start3A_1152, %dma_start3A_1153] : memref<100000x128xf32, #tpu.memory_space<hbm>> -> memref<100000x128xf32, #tpu.memory_space<hbm>>
      tpu.enqueue_indirect_dma source(%dma_start3A_1154 : memref<100000x128xf32, #tpu.memory_space<hbm>>) target(%dma_start3A_1150 : memref<104x128xf32, #tpu.memory_space<vmem>>) offsets(%dma_start3A_1151 : memref<104xi32, #tpu.memory_space<vmem>>) semaphore(%arg9 : memref<!tpu.dma_semaphore, #tpu.memory_space<semaphore_mem>>)
      %jit3A_1155 = arith.constant 2 : i32
      %div3A_1156 = arith.divsi %add3A_1066, %jit3A_1155 : i32
      %sign3A_1157 = arith.constant 0 : i32
      %sign3A_1158 = arith.cmpi sgt, %add3A_1066, %sign3A_1157 : i32
      %sign3A_1159 = arith.extui %sign3A_1158 : i1 to i32
      %sign3A_1160 = arith.constant 0 : i32
      %sign3A_1161 = arith.cmpi slt, %add3A_1066, %sign3A_1160 : i32
      %sign3A_1162 = arith.extui %sign3A_1161 : i1 to i32
      %sign3A_1163 = arith.subi %sign3A_1159, %sign3A_1162 : i32
      %sign3A_1164 = arith.constant 0 : i32
      %sign3A_1165 = arith.cmpi sgt, %jit3A_1155, %sign3A_1164 : i32
      %sign3A_1166 = arith.extui %sign3A_1165 : i1 to i32
      %sign3A_1167 = arith.constant 0 : i32
      %sign3A_1168 = arith.cmpi slt, %jit3A_1155, %sign3A_1167 : i32
      %sign3A_1169 = arith.extui %sign3A_1168 : i1 to i32
      %sign3A_1170 = arith.subi %sign3A_1166, %sign3A_1169 : i32
      %ne3A_1171 = arith.cmpi ne, %sign3A_1163, %sign3A_1170 : i32
      %rem3A_1172 = arith.remsi %add3A_1066, %jit3A_1155 : i32
      %ne3A_1173 = arith.constant 0 : i32
      %ne3A_1174 = arith.cmpi ne, %rem3A_1172, %ne3A_1173 : i32
      %and3A_1175 = arith.andi %ne3A_1171, %ne3A_1174 : i1
      %sub3A_1176 = arith.constant 1 : i32
      %sub3A_1177 = arith.subi %div3A_1156, %sub3A_1176 : i32
      %select_n3A_1178 = arith.select %and3A_1175, %sub3A_1177, %div3A_1156 : i32
      %mul3A_1179 = arith.constant 200 : i32
      %mul3A_1180 = arith.muli %select_n3A_1178, %mul3A_1179 : i32
      %add3A_1181 = arith.constant 0 : i32
      %add3A_1182 = arith.addi %mul3A_1180, %add3A_1181 : i32
      %add3A_1183 = arith.addi %mul3A_2, %select_n3A_1178 : i32
      %dma_wait3A_1184 = arith.constant 2 : i32
      %dma_wait3A_1185 = arith.constant 0 : i32
      %dma_wait3A_1186 = arith.constant 0 : i32
      %dma_wait3A_1187 = tpu.memref_slice %arg8[%dma_wait3A_1184, %dma_wait3A_1185, %dma_wait3A_1186] : memref<6x104x128xf32, #tpu.memory_space<vmem>> -> memref<1x104x128xf32, #tpu.memory_space<vmem>>
      %dma_wait3A_1188 = tpu.memref_squeeze %dma_wait3A_1187 : memref<1x104x128xf32, #tpu.memory_space<vmem>> -> memref<104x128xf32, #tpu.memory_space<vmem>>
      %dma_wait3A_1189 = tpu.memref_slice %arg6[%add3A_1182] : memref<6400xi32, #tpu.memory_space<vmem>> -> memref<104xi32, #tpu.memory_space<vmem>>
      %dma_wait3A_1190 = arith.constant 0 : i32
      %dma_wait3A_1191 = arith.constant 0 : i32
      %dma_wait3A_1192 = tpu.memref_slice %arg3[%dma_wait3A_1190, %dma_wait3A_1191] : memref<100000x128xf32, #tpu.memory_space<hbm>> -> memref<100000x128xf32, #tpu.memory_space<hbm>>
      tpu.wait_indirect_dma semaphore(%arg11 : memref<!tpu.dma_semaphore, #tpu.memory_space<semaphore_mem>>) src(%dma_wait3A_1192 : memref<100000x128xf32, #tpu.memory_space<hbm>>) dst(%dma_wait3A_1188 : memref<104x128xf32, #tpu.memory_space<vmem>>)
      %scan3A_1193 = arith.constant 0 : i32
      %scan3A_1194 = arith.constant 0 : i32
      %scan3A_1195 = arith.constant 104 : i32
      %scan3A_1196 = arith.addi %scan3A_1194, %scan3A_1195 : i32
      %scan3A_1197 = arith.constant 1 : i32
      scf.for %scan3A_1791 = %scan3A_1194 to %scan3A_1196 step %scan3A_1197  : i32 {
        %add3A_1792 = arith.constant 0 : i32
        %add3A_1793 = arith.addi %scan3A_1791, %add3A_1792 : i32
        %get3A = arith.constant 2 : i32
        %get3A_1794 = arith.index_cast %get3A : i32 to index
        %get3A_1795 = arith.index_cast %scan3A_1791 : i32 to index
        %get3A_1796 = arith.constant 0 : index
        %get3A_1797 = tpu.vector_load %arg8[%get3A_1794, %get3A_1795, %get3A_1796] {strides = array<i32>} : memref<6x104x128xf32, #tpu.memory_space<vmem>>, vector<1x1x16xf32>,
        %get3A_1798 = vector.shape_cast %get3A_1797 : vector<1x1x16xf32> to vector<16xf32>
        %mul3A_1799 = arith.constant 11.3137083 : f32
        %mul3A_1800 = vector.broadcast %mul3A_1799 : f32 to vector<16xf32>
        %mul3A_1801 = arith.mulf %get3A_1798, %mul3A_1800 : vector<16xf32>
        %get3A_1802 = arith.index_cast %add3A_1793 : i32 to index
        %get3A_1803 = arith.constant 0 : index
        %get3A_1804 = tpu.vector_load %arg7[%get3A_1802, %get3A_1803] {strides = array<i32>} : memref<200x128xf32, #tpu.memory_space<vmem>>, vector<1x16xf32>,
        %get3A_1805 = vector.shape_cast %get3A_1804 : vector<1x16xf32> to vector<16xf32>
        %add3A_1806 = arith.addf %mul3A_1801, %get3A_1805 : vector<16xf32>
        %swap3A = arith.constant 2 : i32
        %swap3A_1807 = arith.index_cast %swap3A : i32 to index
        %swap3A_1808 = arith.index_cast %scan3A_1791 : i32 to index
        %swap3A_1809 = arith.constant 0 : index
        %swap3A_1810 = tpu.vector_load %arg8[%swap3A_1807, %swap3A_1808, %swap3A_1809] {strides = array<i32>} : memref<6x104x128xf32, #tpu.memory_space<vmem>>, vector<1x1x16xf32>,
        %swap3A_1811 = vector.shape_cast %swap3A_1810 : vector<1x1x16xf32> to vector<16xf32>
        %swap3A_1812 = vector.shape_cast %add3A_1806 : vector<16xf32> to vector<1x1x16xf32>
        tpu.vector_store %arg8[%swap3A_1807, %swap3A_1808, %swap3A_1809], %swap3A_1812 {strides = array<i32>} : memref<6x104x128xf32, #tpu.memory_space<vmem>>, vector<1x1x16xf32>,
        %get3A_1813 = arith.constant 2 : i32
        %get3A_1814 = arith.index_cast %get3A_1813 : i32 to index
        %get3A_1815 = arith.index_cast %scan3A_1791 : i32 to index
        %get3A_1816 = arith.constant 16 : index
        %get3A_1817 = tpu.vector_load %arg8[%get3A_1814, %get3A_1815, %get3A_1816] {strides = array<i32>} : memref<6x104x128xf32, #tpu.memory_space<vmem>>, vector<1x1x16xf32>,
        %get3A_1818 = vector.shape_cast %get3A_1817 : vector<1x1x16xf32> to vector<16xf32>
        %mul3A_1819 = arith.constant 11.3137083 : f32
        %mul3A_1820 = vector.broadcast %mul3A_1819 : f32 to vector<16xf32>
        %mul3A_1821 = arith.mulf %get3A_1818, %mul3A_1820 : vector<16xf32>
        %get3A_1822 = arith.index_cast %add3A_1793 : i32 to index
        %get3A_1823 = arith.constant 16 : index
        %get3A_1824 = tpu.vector_load %arg7[%get3A_1822, %get3A_1823] {strides = array<i32>} : memref<200x128xf32, #tpu.memory_space<vmem>>, vector<1x16xf32>,
        %get3A_1825 = vector.shape_cast %get3A_1824 : vector<1x16xf32> to vector<16xf32>
        %add3A_1826 = arith.addf %mul3A_1821, %get3A_1825 : vector<16xf32>
        %swap3A_1827 = arith.constant 2 : i32
        %swap3A_1828 = arith.index_cast %swap3A_1827 : i32 to index
        %swap3A_1829 = arith.index_cast %scan3A_1791 : i32 to index
        %swap3A_1830 = arith.constant 16 : index
        %swap3A_1831 = tpu.vector_load %arg8[%swap3A_1828, %swap3A_1829, %swap3A_1830] {strides = array<i32>} : memref<6x104x128xf32, #tpu.memory_space<vmem>>, vector<1x1x16xf32>,
        %swap3A_1832 = vector.shape_cast %swap3A_1831 : vector<1x1x16xf32> to vector<16xf32>
        %swap3A_1833 = vector.shape_cast %add3A_1826 : vector<16xf32> to vector<1x1x16xf32>
        tpu.vector_store %arg8[%swap3A_1828, %swap3A_1829, %swap3A_1830], %swap3A_1833 {strides = array<i32>} : memref<6x104x128xf32, #tpu.memory_space<vmem>>, vector<1x1x16xf32>,
        %get3A_1834 = arith.constant 2 : i32
        %get3A_1835 = arith.index_cast %get3A_1834 : i32 to index
        %get3A_1836 = arith.index_cast %scan3A_1791 : i32 to index
        %get3A_1837 = arith.constant 32 : index
        %get3A_1838 = tpu.vector_load %arg8[%get3A_1835, %get3A_1836, %get3A_1837] {strides = array<i32>} : memref<6x104x128xf32, #tpu.memory_space<vmem>>, vector<1x1x16xf32>,
        %get3A_1839 = vector.shape_cast %get3A_1838 : vector<1x1x16xf32> to vector<16xf32>
        %mul3A_1840 = arith.constant 11.3137083 : f32
        %mul3A_1841 = vector.broadcast %mul3A_1840 : f32 to vector<16xf32>
        %mul3A_1842 = arith.mulf %get3A_1839, %mul3A_1841 : vector<16xf32>
        %get3A_1843 = arith.index_cast %add3A_1793 : i32 to index
        %get3A_1844 = arith.constant 32 : index
        %get3A_1845 = tpu.vector_load %arg7[%get3A_1843, %get3A_1844] {strides = array<i32>} : memref<200x128xf32, #tpu.memory_space<vmem>>, vector<1x16xf32>,
        %get3A_1846 = vector.shape_cast %get3A_1845 : vector<1x16xf32> to vector<16xf32>
        %add3A_1847 = arith.addf %mul3A_1842, %get3A_1846 : vector<16xf32>
        %swap3A_1848 = arith.constant 2 : i32
        %swap3A_1849 = arith.index_cast %swap3A_1848 : i32 to index
        %swap3A_1850 = arith.index_cast %scan3A_1791 : i32 to index
        %swap3A_1851 = arith.constant 32 : index
        %swap3A_1852 = tpu.vector_load %arg8[%swap3A_1849, %swap3A_1850, %swap3A_1851] {strides = array<i32>} : memref<6x104x128xf32, #tpu.memory_space<vmem>>, vector<1x1x16xf32>,
        %swap3A_1853 = vector.shape_cast %swap3A_1852 : vector<1x1x16xf32> to vector<16xf32>
        %swap3A_1854 = vector.shape_cast %add3A_1847 : vector<16xf32> to vector<1x1x16xf32>
        tpu.vector_store %arg8[%swap3A_1849, %swap3A_1850, %swap3A_1851], %swap3A_1854 {strides = array<i32>} : memref<6x104x128xf32, #tpu.memory_space<vmem>>, vector<1x1x16xf32>,
        %get3A_1855 = arith.constant 2 : i32
        %get3A_1856 = arith.index_cast %get3A_1855 : i32 to index
        %get3A_1857 = arith.index_cast %scan3A_1791 : i32 to index
        %get3A_1858 = arith.constant 48 : index
        %get3A_1859 = tpu.vector_load %arg8[%get3A_1856, %get3A_1857, %get3A_1858] {strides = array<i32>} : memref<6x104x128xf32, #tpu.memory_space<vmem>>, vector<1x1x16xf32>,
        %get3A_1860 = vector.shape_cast %get3A_1859 : vector<1x1x16xf32> to vector<16xf32>
        %mul3A_1861 = arith.constant 11.3137083 : f32
        %mul3A_1862 = vector.broadcast %mul3A_1861 : f32 to vector<16xf32>
        %mul3A_1863 = arith.mulf %get3A_1860, %mul3A_1862 : vector<16xf32>
        %get3A_1864 = arith.index_cast %add3A_1793 : i32 to index
        %get3A_1865 = arith.constant 48 : index
        %get3A_1866 = tpu.vector_load %arg7[%get3A_1864, %get3A_1865] {strides = array<i32>} : memref<200x128xf32, #tpu.memory_space<vmem>>, vector<1x16xf32>,
        %get3A_1867 = vector.shape_cast %get3A_1866 : vector<1x16xf32> to vector<16xf32>
        %add3A_1868 = arith.addf %mul3A_1863, %get3A_1867 : vector<16xf32>
        %swap3A_1869 = arith.constant 2 : i32
        %swap3A_1870 = arith.index_cast %swap3A_1869 : i32 to index
        %swap3A_1871 = arith.index_cast %scan3A_1791 : i32 to index
        %swap3A_1872 = arith.constant 48 : index
        %swap3A_1873 = tpu.vector_load %arg8[%swap3A_1870, %swap3A_1871, %swap3A_1872] {strides = array<i32>} : memref<6x104x128xf32, #tpu.memory_space<vmem>>, vector<1x1x16xf32>,
        %swap3A_1874 = vector.shape_cast %swap3A_1873 : vector<1x1x16xf32> to vector<16xf32>
        %swap3A_1875 = vector.shape_cast %add3A_1868 : vector<16xf32> to vector<1x1x16xf32>
        tpu.vector_store %arg8[%swap3A_1870, %swap3A_1871, %swap3A_1872], %swap3A_1875 {strides = array<i32>} : memref<6x104x128xf32, #tpu.memory_space<vmem>>, vector<1x1x16xf32>,
        %get3A_1876 = arith.constant 2 : i32
        %get3A_1877 = arith.index_cast %get3A_1876 : i32 to index
        %get3A_1878 = arith.index_cast %scan3A_1791 : i32 to index
        %get3A_1879 = arith.constant 64 : index
        %get3A_1880 = tpu.vector_load %arg8[%get3A_1877, %get3A_1878, %get3A_1879] {strides = array<i32>} : memref<6x104x128xf32, #tpu.memory_space<vmem>>, vector<1x1x16xf32>,
        %get3A_1881 = vector.shape_cast %get3A_1880 : vector<1x1x16xf32> to vector<16xf32>
        %mul3A_1882 = arith.constant 11.3137083 : f32
        %mul3A_1883 = vector.broadcast %mul3A_1882 : f32 to vector<16xf32>
        %mul3A_1884 = arith.mulf %get3A_1881, %mul3A_1883 : vector<16xf32>
        %get3A_1885 = arith.index_cast %add3A_1793 : i32 to index
        %get3A_1886 = arith.constant 64 : index
        %get3A_1887 = tpu.vector_load %arg7[%get3A_1885, %get3A_1886] {strides = array<i32>} : memref<200x128xf32, #tpu.memory_space<vmem>>, vector<1x16xf32>,
        %get3A_1888 = vector.shape_cast %get3A_1887 : vector<1x16xf32> to vector<16xf32>
        %add3A_1889 = arith.addf %mul3A_1884, %get3A_1888 : vector<16xf32>
        %swap3A_1890 = arith.constant 2 : i32
        %swap3A_1891 = arith.index_cast %swap3A_1890 : i32 to index
        %swap3A_1892 = arith.index_cast %scan3A_1791 : i32 to index
        %swap3A_1893 = arith.constant 64 : index
        %swap3A_1894 = tpu.vector_load %arg8[%swap3A_1891, %swap3A_1892, %swap3A_1893] {strides = array<i32>} : memref<6x104x128xf32, #tpu.memory_space<vmem>>, vector<1x1x16xf32>,
        %swap3A_1895 = vector.shape_cast %swap3A_1894 : vector<1x1x16xf32> to vector<16xf32>
        %swap3A_1896 = vector.shape_cast %add3A_1889 : vector<16xf32> to vector<1x1x16xf32>
        tpu.vector_store %arg8[%swap3A_1891, %swap3A_1892, %swap3A_1893], %swap3A_1896 {strides = array<i32>} : memref<6x104x128xf32, #tpu.memory_space<vmem>>, vector<1x1x16xf32>,
        %get3A_1897 = arith.constant 2 : i32
        %get3A_1898 = arith.index_cast %get3A_1897 : i32 to index
        %get3A_1899 = arith.index_cast %scan3A_1791 : i32 to index
        %get3A_1900 = arith.constant 80 : index
        %get3A_1901 = tpu.vector_load %arg8[%get3A_1898, %get3A_1899, %get3A_1900] {strides = array<i32>} : memref<6x104x128xf32, #tpu.memory_space<vmem>>, vector<1x1x16xf32>,
        %get3A_1902 = vector.shape_cast %get3A_1901 : vector<1x1x16xf32> to vector<16xf32>
        %mul3A_1903 = arith.constant 11.3137083 : f32
        %mul3A_1904 = vector.broadcast %mul3A_1903 : f32 to vector<16xf32>
        %mul3A_1905 = arith.mulf %get3A_1902, %mul3A_1904 : vector<16xf32>
        %get3A_1906 = arith.index_cast %add3A_1793 : i32 to index
        %get3A_1907 = arith.constant 80 : index
        %get3A_1908 = tpu.vector_load %arg7[%get3A_1906, %get3A_1907] {strides = array<i32>} : memref<200x128xf32, #tpu.memory_space<vmem>>, vector<1x16xf32>,
        %get3A_1909 = vector.shape_cast %get3A_1908 : vector<1x16xf32> to vector<16xf32>
        %add3A_1910 = arith.addf %mul3A_1905, %get3A_1909 : vector<16xf32>
        %swap3A_1911 = arith.constant 2 : i32
        %swap3A_1912 = arith.index_cast %swap3A_1911 : i32 to index
        %swap3A_1913 = arith.index_cast %scan3A_1791 : i32 to index
        %swap3A_1914 = arith.constant 80 : index
        %swap3A_1915 = tpu.vector_load %arg8[%swap3A_1912, %swap3A_1913, %swap3A_1914] {strides = array<i32>} : memref<6x104x128xf32, #tpu.memory_space<vmem>>, vector<1x1x16xf32>,
        %swap3A_1916 = vector.shape_cast %swap3A_1915 : vector<1x1x16xf32> to vector<16xf32>
        %swap3A_1917 = vector.shape_cast %add3A_1910 : vector<16xf32> to vector<1x1x16xf32>
        tpu.vector_store %arg8[%swap3A_1912, %swap3A_1913, %swap3A_1914], %swap3A_1917 {strides = array<i32>} : memref<6x104x128xf32, #tpu.memory_space<vmem>>, vector<1x1x16xf32>,
        %get3A_1918 = arith.constant 2 : i32
        %get3A_1919 = arith.index_cast %get3A_1918 : i32 to index
        %get3A_1920 = arith.index_cast %scan3A_1791 : i32 to index
        %get3A_1921 = arith.constant 96 : index
        %get3A_1922 = tpu.vector_load %arg8[%get3A_1919, %get3A_1920, %get3A_1921] {strides = array<i32>} : memref<6x104x128xf32, #tpu.memory_space<vmem>>, vector<1x1x16xf32>,
        %get3A_1923 = vector.shape_cast %get3A_1922 : vector<1x1x16xf32> to vector<16xf32>
        %mul3A_1924 = arith.constant 11.3137083 : f32
        %mul3A_1925 = vector.broadcast %mul3A_1924 : f32 to vector<16xf32>
        %mul3A_1926 = arith.mulf %get3A_1923, %mul3A_1925 : vector<16xf32>
        %get3A_1927 = arith.index_cast %add3A_1793 : i32 to index
        %get3A_1928 = arith.constant 96 : index
        %get3A_1929 = tpu.vector_load %arg7[%get3A_1927, %get3A_1928] {strides = array<i32>} : memref<200x128xf32, #tpu.memory_space<vmem>>, vector<1x16xf32>,
        %get3A_1930 = vector.shape_cast %get3A_1929 : vector<1x16xf32> to vector<16xf32>
        %add3A_1931 = arith.addf %mul3A_1926, %get3A_1930 : vector<16xf32>
        %swap3A_1932 = arith.constant 2 : i32
        %swap3A_1933 = arith.index_cast %swap3A_1932 : i32 to index
        %swap3A_1934 = arith.index_cast %scan3A_1791 : i32 to index
        %swap3A_1935 = arith.constant 96 : index
        %swap3A_1936 = tpu.vector_load %arg8[%swap3A_1933, %swap3A_1934, %swap3A_1935] {strides = array<i32>} : memref<6x104x128xf32, #tpu.memory_space<vmem>>, vector<1x1x16xf32>,
        %swap3A_1937 = vector.shape_cast %swap3A_1936 : vector<1x1x16xf32> to vector<16xf32>
        %swap3A_1938 = vector.shape_cast %add3A_1931 : vector<16xf32> to vector<1x1x16xf32>
        tpu.vector_store %arg8[%swap3A_1933, %swap3A_1934, %swap3A_1935], %swap3A_1938 {strides = array<i32>} : memref<6x104x128xf32, #tpu.memory_space<vmem>>, vector<1x1x16xf32>,
        %get3A_1939 = arith.constant 2 : i32
        %get3A_1940 = arith.index_cast %get3A_1939 : i32 to index
        %get3A_1941 = arith.index_cast %scan3A_1791 : i32 to index
        %get3A_1942 = arith.constant 112 : index
        %get3A_1943 = tpu.vector_load %arg8[%get3A_1940, %get3A_1941, %get3A_1942] {strides = array<i32>} : memref<6x104x128xf32, #tpu.memory_space<vmem>>, vector<1x1x16xf32>,
        %get3A_1944 = vector.shape_cast %get3A_1943 : vector<1x1x16xf32> to vector<16xf32>
        %mul3A_1945 = arith.constant 11.3137083 : f32
        %mul3A_1946 = vector.broadcast %mul3A_1945 : f32 to vector<16xf32>
        %mul3A_1947 = arith.mulf %get3A_1944, %mul3A_1946 : vector<16xf32>
        %get3A_1948 = arith.index_cast %add3A_1793 : i32 to index
        %get3A_1949 = arith.constant 112 : index
        %get3A_1950 = tpu.vector_load %arg7[%get3A_1948, %get3A_1949] {strides = array<i32>} : memref<200x128xf32, #tpu.memory_space<vmem>>, vector<1x16xf32>,
        %get3A_1951 = vector.shape_cast %get3A_1950 : vector<1x16xf32> to vector<16xf32>
        %add3A_1952 = arith.addf %mul3A_1947, %get3A_1951 : vector<16xf32>
        %swap3A_1953 = arith.constant 2 : i32
        %swap3A_1954 = arith.index_cast %swap3A_1953 : i32 to index
        %swap3A_1955 = arith.index_cast %scan3A_1791 : i32 to index
        %swap3A_1956 = arith.constant 112 : index
        %swap3A_1957 = tpu.vector_load %arg8[%swap3A_1954, %swap3A_1955, %swap3A_1956] {strides = array<i32>} : memref<6x104x128xf32, #tpu.memory_space<vmem>>, vector<1x1x16xf32>,
        %swap3A_1958 = vector.shape_cast %swap3A_1957 : vector<1x1x16xf32> to vector<16xf32>
        %swap3A_1959 = vector.shape_cast %add3A_1952 : vector<16xf32> to vector<1x1x16xf32>
        tpu.vector_store %arg8[%swap3A_1954, %swap3A_1955, %swap3A_1956], %swap3A_1959 {strides = array<i32>} : memref<6x104x128xf32, #tpu.memory_space<vmem>>, vector<1x1x16xf32>,
      }
      %scan3A_1198 = arith.constant 104 : i32
      %jit3A_1199 = arith.constant 2 : i32
      %div3A_1200 = arith.divsi %add3A_1066, %jit3A_1199 : i32
      %sign3A_1201 = arith.constant 0 : i32
      %sign3A_1202 = arith.cmpi sgt, %add3A_1066, %sign3A_1201 : i32
      %sign3A_1203 = arith.extui %sign3A_1202 : i1 to i32
      %sign3A_1204 = arith.constant 0 : i32
      %sign3A_1205 = arith.cmpi slt, %add3A_1066, %sign3A_1204 : i32
      %sign3A_1206 = arith.extui %sign3A_1205 : i1 to i32
      %sign3A_1207 = arith.subi %sign3A_1203, %sign3A_1206 : i32
      %sign3A_1208 = arith.constant 0 : i32
      %sign3A_1209 = arith.cmpi sgt, %jit3A_1199, %sign3A_1208 : i32
      %sign3A_1210 = arith.extui %sign3A_1209 : i1 to i32
      %sign3A_1211 = arith.constant 0 : i32
      %sign3A_1212 = arith.cmpi slt, %jit3A_1199, %sign3A_1211 : i32
      %sign3A_1213 = arith.extui %sign3A_1212 : i1 to i32
      %sign3A_1214 = arith.subi %sign3A_1210, %sign3A_1213 : i32
      %ne3A_1215 = arith.cmpi ne, %sign3A_1207, %sign3A_1214 : i32
      %rem3A_1216 = arith.remsi %add3A_1066, %jit3A_1199 : i32
      %ne3A_1217 = arith.constant 0 : i32
      %ne3A_1218 = arith.cmpi ne, %rem3A_1216, %ne3A_1217 : i32
      %and3A_1219 = arith.andi %ne3A_1215, %ne3A_1218 : i1
      %sub3A_1220 = arith.constant 1 : i32
      %sub3A_1221 = arith.subi %div3A_1200, %sub3A_1220 : i32
      %select_n3A_1222 = arith.select %and3A_1219, %sub3A_1221, %div3A_1200 : i32
      %mul3A_1223 = arith.constant 200 : i32
      %mul3A_1224 = arith.muli %select_n3A_1222, %mul3A_1223 : i32
      %add3A_1225 = arith.constant 0 : i32
      %add3A_1226 = arith.addi %mul3A_1224, %add3A_1225 : i32
      %add3A_1227 = arith.addi %mul3A_2, %select_n3A_1222 : i32
      %dma_start3A_1228 = arith.constant 2 : i32
      %dma_start3A_1229 = arith.constant 0 : i32
      %dma_start3A_1230 = arith.constant 0 : i32
      %dma_start3A_1231 = tpu.memref_slice %arg8[%dma_start3A_1228, %dma_start3A_1229, %dma_start3A_1230] : memref<6x104x128xf32, #tpu.memory_space<vmem>> -> memref<1x104x128xf32, #tpu.memory_space<vmem>>
      %dma_start3A_1232 = tpu.memref_squeeze %dma_start3A_1231 : memref<1x104x128xf32, #tpu.memory_space<vmem>> -> memref<104x128xf32, #tpu.memory_space<vmem>>
      %dma_start3A_1233 = arith.constant 0 : i32
      %dma_start3A_1234 = arith.constant 0 : i32
      %dma_start3A_1235 = tpu.memref_slice %arg5[%add3A_1227, %dma_start3A_1233, %dma_start3A_1234] : memref<1024x200x128xf32, #tpu.memory_space<hbm>> -> memref<1x104x128xf32, #tpu.memory_space<hbm>>
      %dma_start3A_1236 = tpu.memref_squeeze %dma_start3A_1235 : memref<1x104x128xf32, #tpu.memory_space<hbm>> -> memref<104x128xf32, #tpu.memory_space<hbm>>
      %dma_start3A_1237 = arith.constant 0 : i32
      %dma_start3A_1238 = arith.constant 0 : i32
      %dma_start3A_1239 = tpu.memref_slice %arg5[%add3A_1227, %dma_start3A_1237, %dma_start3A_1238] : memref<1024x200x128xf32, #tpu.memory_space<hbm>> -> memref<1x104x128xf32, #tpu.memory_space<hbm>>
      %dma_start3A_1240 = tpu.memref_squeeze %dma_start3A_1239 : memref<1x104x128xf32, #tpu.memory_space<hbm>> -> memref<104x128xf32, #tpu.memory_space<hbm>>
      %dma_start3A_1241 = arith.constant 0 : i32
      %dma_start3A_1242 = arith.constant 0 : i32
      %dma_start3A_1243 = tpu.memref_slice %arg8[%dma_start3A_1228, %dma_start3A_1241, %dma_start3A_1242] : memref<6x104x128xf32, #tpu.memory_space<vmem>> -> memref<1x104x128xf32, #tpu.memory_space<vmem>>
      %dma_start3A_1244 = tpu.memref_squeeze %dma_start3A_1243 : memref<1x104x128xf32, #tpu.memory_space<vmem>> -> memref<104x128xf32, #tpu.memory_space<vmem>>
      tpu.enqueue_dma source(%dma_start3A_1244 : memref<104x128xf32, #tpu.memory_space<vmem>>) target(%dma_start3A_1240 : memref<104x128xf32, #tpu.memory_space<hbm>>) target_semaphore(%arg17 : memref<!tpu.dma_semaphore, #tpu.memory_space<semaphore_mem>>)
      %mul3A_1245 = arith.constant 6 : i32
      %mul3A_1246 = arith.muli %scan3A_706, %mul3A_1245 : i32
      %add3A_1247 = arith.constant 3 : i32
      %add3A_1248 = arith.addi %mul3A_1246, %add3A_1247 : i32
      %sub3A_1249 = arith.constant 2 : i32
      %sub3A_1250 = arith.subi %add3A_1248, %sub3A_1249 : i32
      %jit3A_1251 = arith.constant 2 : i32
      %div3A_1252 = arith.divsi %sub3A_1250, %jit3A_1251 : i32
      %sign3A_1253 = arith.constant 0 : i32
      %sign3A_1254 = arith.cmpi sgt, %sub3A_1250, %sign3A_1253 : i32
      %sign3A_1255 = arith.extui %sign3A_1254 : i1 to i32
      %sign3A_1256 = arith.constant 0 : i32
      %sign3A_1257 = arith.cmpi slt, %sub3A_1250, %sign3A_1256 : i32
      %sign3A_1258 = arith.extui %sign3A_1257 : i1 to i32
      %sign3A_1259 = arith.subi %sign3A_1255, %sign3A_1258 : i32
      %sign3A_1260 = arith.constant 0 : i32
      %sign3A_1261 = arith.cmpi sgt, %jit3A_1251, %sign3A_1260 : i32
      %sign3A_1262 = arith.extui %sign3A_1261 : i1 to i32
      %sign3A_1263 = arith.constant 0 : i32
      %sign3A_1264 = arith.cmpi slt, %jit3A_1251, %sign3A_1263 : i32
      %sign3A_1265 = arith.extui %sign3A_1264 : i1 to i32
      %sign3A_1266 = arith.subi %sign3A_1262, %sign3A_1265 : i32
      %ne3A_1267 = arith.cmpi ne, %sign3A_1259, %sign3A_1266 : i32
      %rem3A_1268 = arith.remsi %sub3A_1250, %jit3A_1251 : i32
      %ne3A_1269 = arith.constant 0 : i32
      %ne3A_1270 = arith.cmpi ne, %rem3A_1268, %ne3A_1269 : i32
      %and3A_1271 = arith.andi %ne3A_1267, %ne3A_1270 : i1
      %sub3A_1272 = arith.constant 1 : i32
      %sub3A_1273 = arith.subi %div3A_1252, %sub3A_1272 : i32
      %select_n3A_1274 = arith.select %and3A_1271, %sub3A_1273, %div3A_1252 : i32
      %mul3A_1275 = arith.constant 200 : i32
      %mul3A_1276 = arith.muli %select_n3A_1274, %mul3A_1275 : i32
      %add3A_1277 = arith.constant 104 : i32
      %add3A_1278 = arith.addi %mul3A_1276, %add3A_1277 : i32
      %add3A_1279 = arith.addi %mul3A_2, %select_n3A_1274 : i32
      %dma_wait3A_1280 = arith.constant 1 : i32
      %dma_wait3A_1281 = arith.constant 0 : i32
      %dma_wait3A_1282 = arith.constant 0 : i32
      %dma_wait3A_1283 = tpu.memref_slice %arg8[%dma_wait3A_1280, %dma_wait3A_1281, %dma_wait3A_1282] : memref<6x104x128xf32, #tpu.memory_space<vmem>> -> memref<1x96x128xf32, #tpu.memory_space<vmem>>
      %dma_wait3A_1284 = tpu.memref_squeeze %dma_wait3A_1283 : memref<1x96x128xf32, #tpu.memory_space<vmem>> -> memref<96x128xf32, #tpu.memory_space<vmem>>
      %dma_wait3A_1285 = arith.constant 104 : i32
      %dma_wait3A_1286 = arith.constant 0 : i32
      %dma_wait3A_1287 = tpu.memref_slice %arg5[%add3A_1279, %dma_wait3A_1285, %dma_wait3A_1286] : memref<1024x200x128xf32, #tpu.memory_space<hbm>> -> memref<1x96x128xf32, #tpu.memory_space<hbm>>
      %dma_wait3A_1288 = tpu.memref_squeeze %dma_wait3A_1287 : memref<1x96x128xf32, #tpu.memory_space<hbm>> -> memref<96x128xf32, #tpu.memory_space<hbm>>
      %dma_wait3A_1289 = arith.constant 104 : i32
      %dma_wait3A_1290 = arith.constant 0 : i32
      %dma_wait3A_1291 = tpu.memref_slice %arg5[%add3A_1279, %dma_wait3A_1289, %dma_wait3A_1290] : memref<1024x200x128xf32, #tpu.memory_space<hbm>> -> memref<1x96x128xf32, #tpu.memory_space<hbm>>
      %dma_wait3A_1292 = tpu.memref_squeeze %dma_wait3A_1291 : memref<1x96x128xf32, #tpu.memory_space<hbm>> -> memref<96x128xf32, #tpu.memory_space<hbm>>
      %dma_wait3A_1293 = arith.constant 0 : i32
      %dma_wait3A_1294 = arith.constant 0 : i32
      %dma_wait3A_1295 = tpu.memref_slice %arg8[%dma_wait3A_1280, %dma_wait3A_1293, %dma_wait3A_1294] : memref<6x104x128xf32, #tpu.memory_space<vmem>> -> memref<1x96x128xf32, #tpu.memory_space<vmem>>
      %dma_wait3A_1296 = tpu.memref_squeeze %dma_wait3A_1295 : memref<1x96x128xf32, #tpu.memory_space<vmem>> -> memref<96x128xf32, #tpu.memory_space<vmem>>
      tpu.wait_dma2 semaphore(%arg16 : memref<!tpu.dma_semaphore, #tpu.memory_space<semaphore_mem>>) src(%dma_wait3A_1296 : memref<96x128xf32, #tpu.memory_space<vmem>>) dst(%dma_wait3A_1292 : memref<96x128xf32, #tpu.memory_space<hbm>>)
      %add3A_1297 = arith.constant 4 : i32
      %add3A_1298 = arith.addi %add3A_1248, %add3A_1297 : i32
      %jit3A_1299 = arith.constant 2 : i32
      %div3A_1300 = arith.divsi %add3A_1298, %jit3A_1299 : i32
      %sign3A_1301 = arith.constant 0 : i32
      %sign3A_1302 = arith.cmpi sgt, %add3A_1298, %sign3A_1301 : i32
      %sign3A_1303 = arith.extui %sign3A_1302 : i1 to i32
      %sign3A_1304 = arith.constant 0 : i32
      %sign3A_1305 = arith.cmpi slt, %add3A_1298, %sign3A_1304 : i32
      %sign3A_1306 = arith.extui %sign3A_1305 : i1 to i32
      %sign3A_1307 = arith.subi %sign3A_1303, %sign3A_1306 : i32
      %sign3A_1308 = arith.constant 0 : i32
      %sign3A_1309 = arith.cmpi sgt, %jit3A_1299, %sign3A_1308 : i32
      %sign3A_1310 = arith.extui %sign3A_1309 : i1 to i32
      %sign3A_1311 = arith.constant 0 : i32
      %sign3A_1312 = arith.cmpi slt, %jit3A_1299, %sign3A_1311 : i32
      %sign3A_1313 = arith.extui %sign3A_1312 : i1 to i32
      %sign3A_1314 = arith.subi %sign3A_1310, %sign3A_1313 : i32
      %ne3A_1315 = arith.cmpi ne, %sign3A_1307, %sign3A_1314 : i32
      %rem3A_1316 = arith.remsi %add3A_1298, %jit3A_1299 : i32
      %ne3A_1317 = arith.constant 0 : i32
      %ne3A_1318 = arith.cmpi ne, %rem3A_1316, %ne3A_1317 : i32
      %and3A_1319 = arith.andi %ne3A_1315, %ne3A_1318 : i1
      %sub3A_1320 = arith.constant 1 : i32
      %sub3A_1321 = arith.subi %div3A_1300, %sub3A_1320 : i32
      %select_n3A_1322 = arith.select %and3A_1319, %sub3A_1321, %div3A_1300 : i32
      %mul3A_1323 = arith.constant 200 : i32
      %mul3A_1324 = arith.muli %select_n3A_1322, %mul3A_1323 : i32
      %add3A_1325 = arith.constant 104 : i32
      %add3A_1326 = arith.addi %mul3A_1324, %add3A_1325 : i32
      %add3A_1327 = arith.addi %mul3A_2, %select_n3A_1322 : i32
      %dma_start3A_1328 = arith.constant 1 : i32
      %dma_start3A_1329 = arith.constant 0 : i32
      %dma_start3A_1330 = arith.constant 0 : i32
      %dma_start3A_1331 = tpu.memref_slice %arg8[%dma_start3A_1328, %dma_start3A_1329, %dma_start3A_1330] : memref<6x104x128xf32, #tpu.memory_space<vmem>> -> memref<1x96x128xf32, #tpu.memory_space<vmem>>
      %dma_start3A_1332 = tpu.memref_squeeze %dma_start3A_1331 : memref<1x96x128xf32, #tpu.memory_space<vmem>> -> memref<96x128xf32, #tpu.memory_space<vmem>>
      %dma_start3A_1333 = tpu.memref_slice %arg6[%add3A_1326] : memref<6400xi32, #tpu.memory_space<vmem>> -> memref<96xi32, #tpu.memory_space<vmem>>
      %dma_start3A_1334 = arith.constant 0 : i32
      %dma_start3A_1335 = arith.constant 0 : i32
      %dma_start3A_1336 = tpu.memref_slice %arg3[%dma_start3A_1334, %dma_start3A_1335] : memref<100000x128xf32, #tpu.memory_space<hbm>> -> memref<100000x128xf32, #tpu.memory_space<hbm>>
      tpu.enqueue_indirect_dma source(%dma_start3A_1336 : memref<100000x128xf32, #tpu.memory_space<hbm>>) target(%dma_start3A_1332 : memref<96x128xf32, #tpu.memory_space<vmem>>) offsets(%dma_start3A_1333 : memref<96xi32, #tpu.memory_space<vmem>>) semaphore(%arg10 : memref<!tpu.dma_semaphore, #tpu.memory_space<semaphore_mem>>)
      %jit3A_1337 = arith.constant 2 : i32
      %div3A_1338 = arith.divsi %add3A_1248, %jit3A_1337 : i32
      %sign3A_1339 = arith.constant 0 : i32
      %sign3A_1340 = arith.cmpi sgt, %add3A_1248, %sign3A_1339 : i32
      %sign3A_1341 = arith.extui %sign3A_1340 : i1 to i32
      %sign3A_1342 = arith.constant 0 : i32
      %sign3A_1343 = arith.cmpi slt, %add3A_1248, %sign3A_1342 : i32
      %sign3A_1344 = arith.extui %sign3A_1343 : i1 to i32
      %sign3A_1345 = arith.subi %sign3A_1341, %sign3A_1344 : i32
      %sign3A_1346 = arith.constant 0 : i32
      %sign3A_1347 = arith.cmpi sgt, %jit3A_1337, %sign3A_1346 : i32
      %sign3A_1348 = arith.extui %sign3A_1347 : i1 to i32
      %sign3A_1349 = arith.constant 0 : i32
      %sign3A_1350 = arith.cmpi slt, %jit3A_1337, %sign3A_1349 : i32
      %sign3A_1351 = arith.extui %sign3A_1350 : i1 to i32
      %sign3A_1352 = arith.subi %sign3A_1348, %sign3A_1351 : i32
      %ne3A_1353 = arith.cmpi ne, %sign3A_1345, %sign3A_1352 : i32
      %rem3A_1354 = arith.remsi %add3A_1248, %jit3A_1337 : i32
      %ne3A_1355 = arith.constant 0 : i32
      %ne3A_1356 = arith.cmpi ne, %rem3A_1354, %ne3A_1355 : i32
      %and3A_1357 = arith.andi %ne3A_1353, %ne3A_1356 : i1
      %sub3A_1358 = arith.constant 1 : i32
      %sub3A_1359 = arith.subi %div3A_1338, %sub3A_1358 : i32
      %select_n3A_1360 = arith.select %and3A_1357, %sub3A_1359, %div3A_1338 : i32
      %mul3A_1361 = arith.constant 200 : i32
      %mul3A_1362 = arith.muli %select_n3A_1360, %mul3A_1361 : i32
      %add3A_1363 = arith.constant 104 : i32
      %add3A_1364 = arith.addi %mul3A_1362, %add3A_1363 : i32
      %add3A_1365 = arith.addi %mul3A_2, %select_n3A_1360 : i32
      %dma_wait3A_1366 = arith.constant 3 : i32
      %dma_wait3A_1367 = arith.constant 0 : i32
      %dma_wait3A_1368 = arith.constant 0 : i32
      %dma_wait3A_1369 = tpu.memref_slice %arg8[%dma_wait3A_1366, %dma_wait3A_1367, %dma_wait3A_1368] : memref<6x104x128xf32, #tpu.memory_space<vmem>> -> memref<1x96x128xf32, #tpu.memory_space<vmem>>
      %dma_wait3A_1370 = tpu.memref_squeeze %dma_wait3A_1369 : memref<1x96x128xf32, #tpu.memory_space<vmem>> -> memref<96x128xf32, #tpu.memory_space<vmem>>
      %dma_wait3A_1371 = tpu.memref_slice %arg6[%add3A_1364] : memref<6400xi32, #tpu.memory_space<vmem>> -> memref<96xi32, #tpu.memory_space<vmem>>
      %dma_wait3A_1372 = arith.constant 0 : i32
      %dma_wait3A_1373 = arith.constant 0 : i32
      %dma_wait3A_1374 = tpu.memref_slice %arg3[%dma_wait3A_1372, %dma_wait3A_1373] : memref<100000x128xf32, #tpu.memory_space<hbm>> -> memref<100000x128xf32, #tpu.memory_space<hbm>>
      tpu.wait_indirect_dma semaphore(%arg12 : memref<!tpu.dma_semaphore, #tpu.memory_space<semaphore_mem>>) src(%dma_wait3A_1374 : memref<100000x128xf32, #tpu.memory_space<hbm>>) dst(%dma_wait3A_1370 : memref<96x128xf32, #tpu.memory_space<vmem>>)
      %scan3A_1375 = arith.constant 0 : i32
      %scan3A_1376 = arith.constant 0 : i32
      %scan3A_1377 = arith.constant 96 : i32
      %scan3A_1378 = arith.addi %scan3A_1376, %scan3A_1377 : i32
      %scan3A_1379 = arith.constant 1 : i32
      scf.for %scan3A_1791 = %scan3A_1376 to %scan3A_1378 step %scan3A_1379  : i32 {
        %add3A_1792 = arith.constant 104 : i32
        %add3A_1793 = arith.addi %scan3A_1791, %add3A_1792 : i32
        %get3A = arith.constant 3 : i32
        %get3A_1794 = arith.index_cast %get3A : i32 to index
        %get3A_1795 = arith.index_cast %scan3A_1791 : i32 to index
        %get3A_1796 = arith.constant 0 : index
        %get3A_1797 = tpu.vector_load %arg8[%get3A_1794, %get3A_1795, %get3A_1796] {strides = array<i32>} : memref<6x104x128xf32, #tpu.memory_space<vmem>>, vector<1x1x16xf32>,
        %get3A_1798 = vector.shape_cast %get3A_1797 : vector<1x1x16xf32> to vector<16xf32>
        %mul3A_1799 = arith.constant 11.3137083 : f32
        %mul3A_1800 = vector.broadcast %mul3A_1799 : f32 to vector<16xf32>
        %mul3A_1801 = arith.mulf %get3A_1798, %mul3A_1800 : vector<16xf32>
        %get3A_1802 = arith.index_cast %add3A_1793 : i32 to index
        %get3A_1803 = arith.constant 0 : index
        %get3A_1804 = tpu.vector_load %arg7[%get3A_1802, %get3A_1803] {strides = array<i32>} : memref<200x128xf32, #tpu.memory_space<vmem>>, vector<1x16xf32>,
        %get3A_1805 = vector.shape_cast %get3A_1804 : vector<1x16xf32> to vector<16xf32>
        %add3A_1806 = arith.addf %mul3A_1801, %get3A_1805 : vector<16xf32>
        %swap3A = arith.constant 3 : i32
        %swap3A_1807 = arith.index_cast %swap3A : i32 to index
        %swap3A_1808 = arith.index_cast %scan3A_1791 : i32 to index
        %swap3A_1809 = arith.constant 0 : index
        %swap3A_1810 = tpu.vector_load %arg8[%swap3A_1807, %swap3A_1808, %swap3A_1809] {strides = array<i32>} : memref<6x104x128xf32, #tpu.memory_space<vmem>>, vector<1x1x16xf32>,
        %swap3A_1811 = vector.shape_cast %swap3A_1810 : vector<1x1x16xf32> to vector<16xf32>
        %swap3A_1812 = vector.shape_cast %add3A_1806 : vector<16xf32> to vector<1x1x16xf32>
        tpu.vector_store %arg8[%swap3A_1807, %swap3A_1808, %swap3A_1809], %swap3A_1812 {strides = array<i32>} : memref<6x104x128xf32, #tpu.memory_space<vmem>>, vector<1x1x16xf32>,
        %get3A_1813 = arith.constant 3 : i32
        %get3A_1814 = arith.index_cast %get3A_1813 : i32 to index
        %get3A_1815 = arith.index_cast %scan3A_1791 : i32 to index
        %get3A_1816 = arith.constant 16 : index
        %get3A_1817 = tpu.vector_load %arg8[%get3A_1814, %get3A_1815, %get3A_1816] {strides = array<i32>} : memref<6x104x128xf32, #tpu.memory_space<vmem>>, vector<1x1x16xf32>,
        %get3A_1818 = vector.shape_cast %get3A_1817 : vector<1x1x16xf32> to vector<16xf32>
        %mul3A_1819 = arith.constant 11.3137083 : f32
        %mul3A_1820 = vector.broadcast %mul3A_1819 : f32 to vector<16xf32>
        %mul3A_1821 = arith.mulf %get3A_1818, %mul3A_1820 : vector<16xf32>
        %get3A_1822 = arith.index_cast %add3A_1793 : i32 to index
        %get3A_1823 = arith.constant 16 : index
        %get3A_1824 = tpu.vector_load %arg7[%get3A_1822, %get3A_1823] {strides = array<i32>} : memref<200x128xf32, #tpu.memory_space<vmem>>, vector<1x16xf32>,
        %get3A_1825 = vector.shape_cast %get3A_1824 : vector<1x16xf32> to vector<16xf32>
        %add3A_1826 = arith.addf %mul3A_1821, %get3A_1825 : vector<16xf32>
        %swap3A_1827 = arith.constant 3 : i32
        %swap3A_1828 = arith.index_cast %swap3A_1827 : i32 to index
        %swap3A_1829 = arith.index_cast %scan3A_1791 : i32 to index
        %swap3A_1830 = arith.constant 16 : index
        %swap3A_1831 = tpu.vector_load %arg8[%swap3A_1828, %swap3A_1829, %swap3A_1830] {strides = array<i32>} : memref<6x104x128xf32, #tpu.memory_space<vmem>>, vector<1x1x16xf32>,
        %swap3A_1832 = vector.shape_cast %swap3A_1831 : vector<1x1x16xf32> to vector<16xf32>
        %swap3A_1833 = vector.shape_cast %add3A_1826 : vector<16xf32> to vector<1x1x16xf32>
        tpu.vector_store %arg8[%swap3A_1828, %swap3A_1829, %swap3A_1830], %swap3A_1833 {strides = array<i32>} : memref<6x104x128xf32, #tpu.memory_space<vmem>>, vector<1x1x16xf32>,
        %get3A_1834 = arith.constant 3 : i32
        %get3A_1835 = arith.index_cast %get3A_1834 : i32 to index
        %get3A_1836 = arith.index_cast %scan3A_1791 : i32 to index
        %get3A_1837 = arith.constant 32 : index
        %get3A_1838 = tpu.vector_load %arg8[%get3A_1835, %get3A_1836, %get3A_1837] {strides = array<i32>} : memref<6x104x128xf32, #tpu.memory_space<vmem>>, vector<1x1x16xf32>,
        %get3A_1839 = vector.shape_cast %get3A_1838 : vector<1x1x16xf32> to vector<16xf32>
        %mul3A_1840 = arith.constant 11.3137083 : f32
        %mul3A_1841 = vector.broadcast %mul3A_1840 : f32 to vector<16xf32>
        %mul3A_1842 = arith.mulf %get3A_1839, %mul3A_1841 : vector<16xf32>
        %get3A_1843 = arith.index_cast %add3A_1793 : i32 to index
        %get3A_1844 = arith.constant 32 : index
        %get3A_1845 = tpu.vector_load %arg7[%get3A_1843, %get3A_1844] {strides = array<i32>} : memref<200x128xf32, #tpu.memory_space<vmem>>, vector<1x16xf32>,
        %get3A_1846 = vector.shape_cast %get3A_1845 : vector<1x16xf32> to vector<16xf32>
        %add3A_1847 = arith.addf %mul3A_1842, %get3A_1846 : vector<16xf32>
        %swap3A_1848 = arith.constant 3 : i32
        %swap3A_1849 = arith.index_cast %swap3A_1848 : i32 to index
        %swap3A_1850 = arith.index_cast %scan3A_1791 : i32 to index
        %swap3A_1851 = arith.constant 32 : index
        %swap3A_1852 = tpu.vector_load %arg8[%swap3A_1849, %swap3A_1850, %swap3A_1851] {strides = array<i32>} : memref<6x104x128xf32, #tpu.memory_space<vmem>>, vector<1x1x16xf32>,
        %swap3A_1853 = vector.shape_cast %swap3A_1852 : vector<1x1x16xf32> to vector<16xf32>
        %swap3A_1854 = vector.shape_cast %add3A_1847 : vector<16xf32> to vector<1x1x16xf32>
        tpu.vector_store %arg8[%swap3A_1849, %swap3A_1850, %swap3A_1851], %swap3A_1854 {strides = array<i32>} : memref<6x104x128xf32, #tpu.memory_space<vmem>>, vector<1x1x16xf32>,
        %get3A_1855 = arith.constant 3 : i32
        %get3A_1856 = arith.index_cast %get3A_1855 : i32 to index
        %get3A_1857 = arith.index_cast %scan3A_1791 : i32 to index
        %get3A_1858 = arith.constant 48 : index
        %get3A_1859 = tpu.vector_load %arg8[%get3A_1856, %get3A_1857, %get3A_1858] {strides = array<i32>} : memref<6x104x128xf32, #tpu.memory_space<vmem>>, vector<1x1x16xf32>,
        %get3A_1860 = vector.shape_cast %get3A_1859 : vector<1x1x16xf32> to vector<16xf32>
        %mul3A_1861 = arith.constant 11.3137083 : f32
        %mul3A_1862 = vector.broadcast %mul3A_1861 : f32 to vector<16xf32>
        %mul3A_1863 = arith.mulf %get3A_1860, %mul3A_1862 : vector<16xf32>
        %get3A_1864 = arith.index_cast %add3A_1793 : i32 to index
        %get3A_1865 = arith.constant 48 : index
        %get3A_1866 = tpu.vector_load %arg7[%get3A_1864, %get3A_1865] {strides = array<i32>} : memref<200x128xf32, #tpu.memory_space<vmem>>, vector<1x16xf32>,
        %get3A_1867 = vector.shape_cast %get3A_1866 : vector<1x16xf32> to vector<16xf32>
        %add3A_1868 = arith.addf %mul3A_1863, %get3A_1867 : vector<16xf32>
        %swap3A_1869 = arith.constant 3 : i32
        %swap3A_1870 = arith.index_cast %swap3A_1869 : i32 to index
        %swap3A_1871 = arith.index_cast %scan3A_1791 : i32 to index
        %swap3A_1872 = arith.constant 48 : index
        %swap3A_1873 = tpu.vector_load %arg8[%swap3A_1870, %swap3A_1871, %swap3A_1872] {strides = array<i32>} : memref<6x104x128xf32, #tpu.memory_space<vmem>>, vector<1x1x16xf32>,
        %swap3A_1874 = vector.shape_cast %swap3A_1873 : vector<1x1x16xf32> to vector<16xf32>
        %swap3A_1875 = vector.shape_cast %add3A_1868 : vector<16xf32> to vector<1x1x16xf32>
        tpu.vector_store %arg8[%swap3A_1870, %swap3A_1871, %swap3A_1872], %swap3A_1875 {strides = array<i32>} : memref<6x104x128xf32, #tpu.memory_space<vmem>>, vector<1x1x16xf32>,
        %get3A_1876 = arith.constant 3 : i32
        %get3A_1877 = arith.index_cast %get3A_1876 : i32 to index
        %get3A_1878 = arith.index_cast %scan3A_1791 : i32 to index
        %get3A_1879 = arith.constant 64 : index
        %get3A_1880 = tpu.vector_load %arg8[%get3A_1877, %get3A_1878, %get3A_1879] {strides = array<i32>} : memref<6x104x128xf32, #tpu.memory_space<vmem>>, vector<1x1x16xf32>,
        %get3A_1881 = vector.shape_cast %get3A_1880 : vector<1x1x16xf32> to vector<16xf32>
        %mul3A_1882 = arith.constant 11.3137083 : f32
        %mul3A_1883 = vector.broadcast %mul3A_1882 : f32 to vector<16xf32>
        %mul3A_1884 = arith.mulf %get3A_1881, %mul3A_1883 : vector<16xf32>
        %get3A_1885 = arith.index_cast %add3A_1793 : i32 to index
        %get3A_1886 = arith.constant 64 : index
        %get3A_1887 = tpu.vector_load %arg7[%get3A_1885, %get3A_1886] {strides = array<i32>} : memref<200x128xf32, #tpu.memory_space<vmem>>, vector<1x16xf32>,
        %get3A_1888 = vector.shape_cast %get3A_1887 : vector<1x16xf32> to vector<16xf32>
        %add3A_1889 = arith.addf %mul3A_1884, %get3A_1888 : vector<16xf32>
        %swap3A_1890 = arith.constant 3 : i32
        %swap3A_1891 = arith.index_cast %swap3A_1890 : i32 to index
        %swap3A_1892 = arith.index_cast %scan3A_1791 : i32 to index
        %swap3A_1893 = arith.constant 64 : index
        %swap3A_1894 = tpu.vector_load %arg8[%swap3A_1891, %swap3A_1892, %swap3A_1893] {strides = array<i32>} : memref<6x104x128xf32, #tpu.memory_space<vmem>>, vector<1x1x16xf32>,
        %swap3A_1895 = vector.shape_cast %swap3A_1894 : vector<1x1x16xf32> to vector<16xf32>
        %swap3A_1896 = vector.shape_cast %add3A_1889 : vector<16xf32> to vector<1x1x16xf32>
        tpu.vector_store %arg8[%swap3A_1891, %swap3A_1892, %swap3A_1893], %swap3A_1896 {strides = array<i32>} : memref<6x104x128xf32, #tpu.memory_space<vmem>>, vector<1x1x16xf32>,
        %get3A_1897 = arith.constant 3 : i32
        %get3A_1898 = arith.index_cast %get3A_1897 : i32 to index
        %get3A_1899 = arith.index_cast %scan3A_1791 : i32 to index
        %get3A_1900 = arith.constant 80 : index
        %get3A_1901 = tpu.vector_load %arg8[%get3A_1898, %get3A_1899, %get3A_1900] {strides = array<i32>} : memref<6x104x128xf32, #tpu.memory_space<vmem>>, vector<1x1x16xf32>,
        %get3A_1902 = vector.shape_cast %get3A_1901 : vector<1x1x16xf32> to vector<16xf32>
        %mul3A_1903 = arith.constant 11.3137083 : f32
        %mul3A_1904 = vector.broadcast %mul3A_1903 : f32 to vector<16xf32>
        %mul3A_1905 = arith.mulf %get3A_1902, %mul3A_1904 : vector<16xf32>
        %get3A_1906 = arith.index_cast %add3A_1793 : i32 to index
        %get3A_1907 = arith.constant 80 : index
        %get3A_1908 = tpu.vector_load %arg7[%get3A_1906, %get3A_1907] {strides = array<i32>} : memref<200x128xf32, #tpu.memory_space<vmem>>, vector<1x16xf32>,
        %get3A_1909 = vector.shape_cast %get3A_1908 : vector<1x16xf32> to vector<16xf32>
        %add3A_1910 = arith.addf %mul3A_1905, %get3A_1909 : vector<16xf32>
        %swap3A_1911 = arith.constant 3 : i32
        %swap3A_1912 = arith.index_cast %swap3A_1911 : i32 to index
        %swap3A_1913 = arith.index_cast %scan3A_1791 : i32 to index
        %swap3A_1914 = arith.constant 80 : index
        %swap3A_1915 = tpu.vector_load %arg8[%swap3A_1912, %swap3A_1913, %swap3A_1914] {strides = array<i32>} : memref<6x104x128xf32, #tpu.memory_space<vmem>>, vector<1x1x16xf32>,
        %swap3A_1916 = vector.shape_cast %swap3A_1915 : vector<1x1x16xf32> to vector<16xf32>
        %swap3A_1917 = vector.shape_cast %add3A_1910 : vector<16xf32> to vector<1x1x16xf32>
        tpu.vector_store %arg8[%swap3A_1912, %swap3A_1913, %swap3A_1914], %swap3A_1917 {strides = array<i32>} : memref<6x104x128xf32, #tpu.memory_space<vmem>>, vector<1x1x16xf32>,
        %get3A_1918 = arith.constant 3 : i32
        %get3A_1919 = arith.index_cast %get3A_1918 : i32 to index
        %get3A_1920 = arith.index_cast %scan3A_1791 : i32 to index
        %get3A_1921 = arith.constant 96 : index
        %get3A_1922 = tpu.vector_load %arg8[%get3A_1919, %get3A_1920, %get3A_1921] {strides = array<i32>} : memref<6x104x128xf32, #tpu.memory_space<vmem>>, vector<1x1x16xf32>,
        %get3A_1923 = vector.shape_cast %get3A_1922 : vector<1x1x16xf32> to vector<16xf32>
        %mul3A_1924 = arith.constant 11.3137083 : f32
        %mul3A_1925 = vector.broadcast %mul3A_1924 : f32 to vector<16xf32>
        %mul3A_1926 = arith.mulf %get3A_1923, %mul3A_1925 : vector<16xf32>
        %get3A_1927 = arith.index_cast %add3A_1793 : i32 to index
        %get3A_1928 = arith.constant 96 : index
        %get3A_1929 = tpu.vector_load %arg7[%get3A_1927, %get3A_1928] {strides = array<i32>} : memref<200x128xf32, #tpu.memory_space<vmem>>, vector<1x16xf32>,
        %get3A_1930 = vector.shape_cast %get3A_1929 : vector<1x16xf32> to vector<16xf32>
        %add3A_1931 = arith.addf %mul3A_1926, %get3A_1930 : vector<16xf32>
        %swap3A_1932 = arith.constant 3 : i32
        %swap3A_1933 = arith.index_cast %swap3A_1932 : i32 to index
        %swap3A_1934 = arith.index_cast %scan3A_1791 : i32 to index
        %swap3A_1935 = arith.constant 96 : index
        %swap3A_1936 = tpu.vector_load %arg8[%swap3A_1933, %swap3A_1934, %swap3A_1935] {strides = array<i32>} : memref<6x104x128xf32, #tpu.memory_space<vmem>>, vector<1x1x16xf32>,
        %swap3A_1937 = vector.shape_cast %swap3A_1936 : vector<1x1x16xf32> to vector<16xf32>
        %swap3A_1938 = vector.shape_cast %add3A_1931 : vector<16xf32> to vector<1x1x16xf32>
        tpu.vector_store %arg8[%swap3A_1933, %swap3A_1934, %swap3A_1935], %swap3A_1938 {strides = array<i32>} : memref<6x104x128xf32, #tpu.memory_space<vmem>>, vector<1x1x16xf32>,
        %get3A_1939 = arith.constant 3 : i32
        %get3A_1940 = arith.index_cast %get3A_1939 : i32 to index
        %get3A_1941 = arith.index_cast %scan3A_1791 : i32 to index
        %get3A_1942 = arith.constant 112 : index
        %get3A_1943 = tpu.vector_load %arg8[%get3A_1940, %get3A_1941, %get3A_1942] {strides = array<i32>} : memref<6x104x128xf32, #tpu.memory_space<vmem>>, vector<1x1x16xf32>,
        %get3A_1944 = vector.shape_cast %get3A_1943 : vector<1x1x16xf32> to vector<16xf32>
        %mul3A_1945 = arith.constant 11.3137083 : f32
        %mul3A_1946 = vector.broadcast %mul3A_1945 : f32 to vector<16xf32>
        %mul3A_1947 = arith.mulf %get3A_1944, %mul3A_1946 : vector<16xf32>
        %get3A_1948 = arith.index_cast %add3A_1793 : i32 to index
        %get3A_1949 = arith.constant 112 : index
        %get3A_1950 = tpu.vector_load %arg7[%get3A_1948, %get3A_1949] {strides = array<i32>} : memref<200x128xf32, #tpu.memory_space<vmem>>, vector<1x16xf32>,
        %get3A_1951 = vector.shape_cast %get3A_1950 : vector<1x16xf32> to vector<16xf32>
        %add3A_1952 = arith.addf %mul3A_1947, %get3A_1951 : vector<16xf32>
        %swap3A_1953 = arith.constant 3 : i32
        %swap3A_1954 = arith.index_cast %swap3A_1953 : i32 to index
        %swap3A_1955 = arith.index_cast %scan3A_1791 : i32 to index
        %swap3A_1956 = arith.constant 112 : index
        %swap3A_1957 = tpu.vector_load %arg8[%swap3A_1954, %swap3A_1955, %swap3A_1956] {strides = array<i32>} : memref<6x104x128xf32, #tpu.memory_space<vmem>>, vector<1x1x16xf32>,
        %swap3A_1958 = vector.shape_cast %swap3A_1957 : vector<1x1x16xf32> to vector<16xf32>
        %swap3A_1959 = vector.shape_cast %add3A_1952 : vector<16xf32> to vector<1x1x16xf32>
        tpu.vector_store %arg8[%swap3A_1954, %swap3A_1955, %swap3A_1956], %swap3A_1959 {strides = array<i32>} : memref<6x104x128xf32, #tpu.memory_space<vmem>>, vector<1x1x16xf32>,
      }
      %scan3A_1380 = arith.constant 96 : i32
      %jit3A_1381 = arith.constant 2 : i32
      %div3A_1382 = arith.divsi %add3A_1248, %jit3A_1381 : i32
      %sign3A_1383 = arith.constant 0 : i32
      %sign3A_1384 = arith.cmpi sgt, %add3A_1248, %sign3A_1383 : i32
      %sign3A_1385 = arith.extui %sign3A_1384 : i1 to i32
      %sign3A_1386 = arith.constant 0 : i32
      %sign3A_1387 = arith.cmpi slt, %add3A_1248, %sign3A_1386 : i32
      %sign3A_1388 = arith.extui %sign3A_1387 : i1 to i32
      %sign3A_1389 = arith.subi %sign3A_1385, %sign3A_1388 : i32
      %sign3A_1390 = arith.constant 0 : i32
      %sign3A_1391 = arith.cmpi sgt, %jit3A_1381, %sign3A_1390 : i32
      %sign3A_1392 = arith.extui %sign3A_1391 : i1 to i32
      %sign3A_1393 = arith.constant 0 : i32
      %sign3A_1394 = arith.cmpi slt, %jit3A_1381, %sign3A_1393 : i32
      %sign3A_1395 = arith.extui %sign3A_1394 : i1 to i32
      %sign3A_1396 = arith.subi %sign3A_1392, %sign3A_1395 : i32
      %ne3A_1397 = arith.cmpi ne, %sign3A_1389, %sign3A_1396 : i32
      %rem3A_1398 = arith.remsi %add3A_1248, %jit3A_1381 : i32
      %ne3A_1399 = arith.constant 0 : i32
      %ne3A_1400 = arith.cmpi ne, %rem3A_1398, %ne3A_1399 : i32
      %and3A_1401 = arith.andi %ne3A_1397, %ne3A_1400 : i1
      %sub3A_1402 = arith.constant 1 : i32
      %sub3A_1403 = arith.subi %div3A_1382, %sub3A_1402 : i32
      %select_n3A_1404 = arith.select %and3A_1401, %sub3A_1403, %div3A_1382 : i32
      %mul3A_1405 = arith.constant 200 : i32
      %mul3A_1406 = arith.muli %select_n3A_1404, %mul3A_1405 : i32
      %add3A_1407 = arith.constant 104 : i32
      %add3A_1408 = arith.addi %mul3A_1406, %add3A_1407 : i32
      %add3A_1409 = arith.addi %mul3A_2, %select_n3A_1404 : i32
      %dma_start3A_1410 = arith.constant 3 : i32
      %dma_start3A_1411 = arith.constant 0 : i32
      %dma_start3A_1412 = arith.constant 0 : i32
      %dma_start3A_1413 = tpu.memref_slice %arg8[%dma_start3A_1410, %dma_start3A_1411, %dma_start3A_1412] : memref<6x104x128xf32, #tpu.memory_space<vmem>> -> memref<1x96x128xf32, #tpu.memory_space<vmem>>
      %dma_start3A_1414 = tpu.memref_squeeze %dma_start3A_1413 : memref<1x96x128xf32, #tpu.memory_space<vmem>> -> memref<96x128xf32, #tpu.memory_space<vmem>>
      %dma_start3A_1415 = arith.constant 104 : i32
      %dma_start3A_1416 = arith.constant 0 : i32
      %dma_start3A_1417 = tpu.memref_slice %arg5[%add3A_1409, %dma_start3A_1415, %dma_start3A_1416] : memref<1024x200x128xf32, #tpu.memory_space<hbm>> -> memref<1x96x128xf32, #tpu.memory_space<hbm>>
      %dma_start3A_1418 = tpu.memref_squeeze %dma_start3A_1417 : memref<1x96x128xf32, #tpu.memory_space<hbm>> -> memref<96x128xf32, #tpu.memory_space<hbm>>
      %dma_start3A_1419 = arith.constant 104 : i32
      %dma_start3A_1420 = arith.constant 0 : i32
      %dma_start3A_1421 = tpu.memref_slice %arg5[%add3A_1409, %dma_start3A_1419, %dma_start3A_1420] : memref<1024x200x128xf32, #tpu.memory_space<hbm>> -> memref<1x96x128xf32, #tpu.memory_space<hbm>>
      %dma_start3A_1422 = tpu.memref_squeeze %dma_start3A_1421 : memref<1x96x128xf32, #tpu.memory_space<hbm>> -> memref<96x128xf32, #tpu.memory_space<hbm>>
      %dma_start3A_1423 = arith.constant 0 : i32
      %dma_start3A_1424 = arith.constant 0 : i32
      %dma_start3A_1425 = tpu.memref_slice %arg8[%dma_start3A_1410, %dma_start3A_1423, %dma_start3A_1424] : memref<6x104x128xf32, #tpu.memory_space<vmem>> -> memref<1x96x128xf32, #tpu.memory_space<vmem>>
      %dma_start3A_1426 = tpu.memref_squeeze %dma_start3A_1425 : memref<1x96x128xf32, #tpu.memory_space<vmem>> -> memref<96x128xf32, #tpu.memory_space<vmem>>
      tpu.enqueue_dma source(%dma_start3A_1426 : memref<96x128xf32, #tpu.memory_space<vmem>>) target(%dma_start3A_1422 : memref<96x128xf32, #tpu.memory_space<hbm>>) target_semaphore(%arg18 : memref<!tpu.dma_semaphore, #tpu.memory_space<semaphore_mem>>)
      %mul3A_1427 = arith.constant 6 : i32
      %mul3A_1428 = arith.muli %scan3A_706, %mul3A_1427 : i32
      %add3A_1429 = arith.constant 4 : i32
      %add3A_1430 = arith.addi %mul3A_1428, %add3A_1429 : i32
      %sub3A_1431 = arith.constant 2 : i32
      %sub3A_1432 = arith.subi %add3A_1430, %sub3A_1431 : i32
      %jit3A_1433 = arith.constant 2 : i32
      %div3A_1434 = arith.divsi %sub3A_1432, %jit3A_1433 : i32
      %sign3A_1435 = arith.constant 0 : i32
      %sign3A_1436 = arith.cmpi sgt, %sub3A_1432, %sign3A_1435 : i32
      %sign3A_1437 = arith.extui %sign3A_1436 : i1 to i32
      %sign3A_1438 = arith.constant 0 : i32
      %sign3A_1439 = arith.cmpi slt, %sub3A_1432, %sign3A_1438 : i32
      %sign3A_1440 = arith.extui %sign3A_1439 : i1 to i32
      %sign3A_1441 = arith.subi %sign3A_1437, %sign3A_1440 : i32
      %sign3A_1442 = arith.constant 0 : i32
      %sign3A_1443 = arith.cmpi sgt, %jit3A_1433, %sign3A_1442 : i32
      %sign3A_1444 = arith.extui %sign3A_1443 : i1 to i32
      %sign3A_1445 = arith.constant 0 : i32
      %sign3A_1446 = arith.cmpi slt, %jit3A_1433, %sign3A_1445 : i32
      %sign3A_1447 = arith.extui %sign3A_1446 : i1 to i32
      %sign3A_1448 = arith.subi %sign3A_1444, %sign3A_1447 : i32
      %ne3A_1449 = arith.cmpi ne, %sign3A_1441, %sign3A_1448 : i32
      %rem3A_1450 = arith.remsi %sub3A_1432, %jit3A_1433 : i32
      %ne3A_1451 = arith.constant 0 : i32
      %ne3A_1452 = arith.cmpi ne, %rem3A_1450, %ne3A_1451 : i32
      %and3A_1453 = arith.andi %ne3A_1449, %ne3A_1452 : i1
      %sub3A_1454 = arith.constant 1 : i32
      %sub3A_1455 = arith.subi %div3A_1434, %sub3A_1454 : i32
      %select_n3A_1456 = arith.select %and3A_1453, %sub3A_1455, %div3A_1434 : i32
      %mul3A_1457 = arith.constant 200 : i32
      %mul3A_1458 = arith.muli %select_n3A_1456, %mul3A_1457 : i32
      %add3A_1459 = arith.constant 0 : i32
      %add3A_1460 = arith.addi %mul3A_1458, %add3A_1459 : i32
      %add3A_1461 = arith.addi %mul3A_2, %select_n3A_1456 : i32
      %dma_wait3A_1462 = arith.constant 2 : i32
      %dma_wait3A_1463 = arith.constant 0 : i32
      %dma_wait3A_1464 = arith.constant 0 : i32
      %dma_wait3A_1465 = tpu.memref_slice %arg8[%dma_wait3A_1462, %dma_wait3A_1463, %dma_wait3A_1464] : memref<6x104x128xf32, #tpu.memory_space<vmem>> -> memref<1x104x128xf32, #tpu.memory_space<vmem>>
      %dma_wait3A_1466 = tpu.memref_squeeze %dma_wait3A_1465 : memref<1x104x128xf32, #tpu.memory_space<vmem>> -> memref<104x128xf32, #tpu.memory_space<vmem>>
      %dma_wait3A_1467 = arith.constant 0 : i32
      %dma_wait3A_1468 = arith.constant 0 : i32
      %dma_wait3A_1469 = tpu.memref_slice %arg5[%add3A_1461, %dma_wait3A_1467, %dma_wait3A_1468] : memref<1024x200x128xf32, #tpu.memory_space<hbm>> -> memref<1x104x128xf32, #tpu.memory_space<hbm>>
      %dma_wait3A_1470 = tpu.memref_squeeze %dma_wait3A_1469 : memref<1x104x128xf32, #tpu.memory_space<hbm>> -> memref<104x128xf32, #tpu.memory_space<hbm>>
      %dma_wait3A_1471 = arith.constant 0 : i32
      %dma_wait3A_1472 = arith.constant 0 : i32
      %dma_wait3A_1473 = tpu.memref_slice %arg5[%add3A_1461, %dma_wait3A_1471, %dma_wait3A_1472] : memref<1024x200x128xf32, #tpu.memory_space<hbm>> -> memref<1x104x128xf32, #tpu.memory_space<hbm>>
      %dma_wait3A_1474 = tpu.memref_squeeze %dma_wait3A_1473 : memref<1x104x128xf32, #tpu.memory_space<hbm>> -> memref<104x128xf32, #tpu.memory_space<hbm>>
      %dma_wait3A_1475 = arith.constant 0 : i32
      %dma_wait3A_1476 = arith.constant 0 : i32
      %dma_wait3A_1477 = tpu.memref_slice %arg8[%dma_wait3A_1462, %dma_wait3A_1475, %dma_wait3A_1476] : memref<6x104x128xf32, #tpu.memory_space<vmem>> -> memref<1x104x128xf32, #tpu.memory_space<vmem>>
      %dma_wait3A_1478 = tpu.memref_squeeze %dma_wait3A_1477 : memref<1x104x128xf32, #tpu.memory_space<vmem>> -> memref<104x128xf32, #tpu.memory_space<vmem>>
      tpu.wait_dma2 semaphore(%arg17 : memref<!tpu.dma_semaphore, #tpu.memory_space<semaphore_mem>>) src(%dma_wait3A_1478 : memref<104x128xf32, #tpu.memory_space<vmem>>) dst(%dma_wait3A_1474 : memref<104x128xf32, #tpu.memory_space<hbm>>)
      %add3A_1479 = arith.constant 4 : i32
      %add3A_1480 = arith.addi %add3A_1430, %add3A_1479 : i32
      %jit3A_1481 = arith.constant 2 : i32
      %div3A_1482 = arith.divsi %add3A_1480, %jit3A_1481 : i32
      %sign3A_1483 = arith.constant 0 : i32
      %sign3A_1484 = arith.cmpi sgt, %add3A_1480, %sign3A_1483 : i32
      %sign3A_1485 = arith.extui %sign3A_1484 : i1 to i32
      %sign3A_1486 = arith.constant 0 : i32
      %sign3A_1487 = arith.cmpi slt, %add3A_1480, %sign3A_1486 : i32
      %sign3A_1488 = arith.extui %sign3A_1487 : i1 to i32
      %sign3A_1489 = arith.subi %sign3A_1485, %sign3A_1488 : i32
      %sign3A_1490 = arith.constant 0 : i32
      %sign3A_1491 = arith.cmpi sgt, %jit3A_1481, %sign3A_1490 : i32
      %sign3A_1492 = arith.extui %sign3A_1491 : i1 to i32
      %sign3A_1493 = arith.constant 0 : i32
      %sign3A_1494 = arith.cmpi slt, %jit3A_1481, %sign3A_1493 : i32
      %sign3A_1495 = arith.extui %sign3A_1494 : i1 to i32
      %sign3A_1496 = arith.subi %sign3A_1492, %sign3A_1495 : i32
      %ne3A_1497 = arith.cmpi ne, %sign3A_1489, %sign3A_1496 : i32
      %rem3A_1498 = arith.remsi %add3A_1480, %jit3A_1481 : i32
      %ne3A_1499 = arith.constant 0 : i32
      %ne3A_1500 = arith.cmpi ne, %rem3A_1498, %ne3A_1499 : i32
      %and3A_1501 = arith.andi %ne3A_1497, %ne3A_1500 : i1
      %sub3A_1502 = arith.constant 1 : i32
      %sub3A_1503 = arith.subi %div3A_1482, %sub3A_1502 : i32
      %select_n3A_1504 = arith.select %and3A_1501, %sub3A_1503, %div3A_1482 : i32
      %mul3A_1505 = arith.constant 200 : i32
      %mul3A_1506 = arith.muli %select_n3A_1504, %mul3A_1505 : i32
      %add3A_1507 = arith.constant 0 : i32
      %add3A_1508 = arith.addi %mul3A_1506, %add3A_1507 : i32
      %add3A_1509 = arith.addi %mul3A_2, %select_n3A_1504 : i32
      %dma_start3A_1510 = arith.constant 2 : i32
      %dma_start3A_1511 = arith.constant 0 : i32
      %dma_start3A_1512 = arith.constant 0 : i32
      %dma_start3A_1513 = tpu.memref_slice %arg8[%dma_start3A_1510, %dma_start3A_1511, %dma_start3A_1512] : memref<6x104x128xf32, #tpu.memory_space<vmem>> -> memref<1x104x128xf32, #tpu.memory_space<vmem>>
      %dma_start3A_1514 = tpu.memref_squeeze %dma_start3A_1513 : memref<1x104x128xf32, #tpu.memory_space<vmem>> -> memref<104x128xf32, #tpu.memory_space<vmem>>
      %dma_start3A_1515 = tpu.memref_slice %arg6[%add3A_1508] : memref<6400xi32, #tpu.memory_space<vmem>> -> memref<104xi32, #tpu.memory_space<vmem>>
      %dma_start3A_1516 = arith.constant 0 : i32
      %dma_start3A_1517 = arith.constant 0 : i32
      %dma_start3A_1518 = tpu.memref_slice %arg3[%dma_start3A_1516, %dma_start3A_1517] : memref<100000x128xf32, #tpu.memory_space<hbm>> -> memref<100000x128xf32, #tpu.memory_space<hbm>>
      tpu.enqueue_indirect_dma source(%dma_start3A_1518 : memref<100000x128xf32, #tpu.memory_space<hbm>>) target(%dma_start3A_1514 : memref<104x128xf32, #tpu.memory_space<vmem>>) offsets(%dma_start3A_1515 : memref<104xi32, #tpu.memory_space<vmem>>) semaphore(%arg11 : memref<!tpu.dma_semaphore, #tpu.memory_space<semaphore_mem>>)
      %jit3A_1519 = arith.constant 2 : i32
      %div3A_1520 = arith.divsi %add3A_1430, %jit3A_1519 : i32
      %sign3A_1521 = arith.constant 0 : i32
      %sign3A_1522 = arith.cmpi sgt, %add3A_1430, %sign3A_1521 : i32
      %sign3A_1523 = arith.extui %sign3A_1522 : i1 to i32
      %sign3A_1524 = arith.constant 0 : i32
      %sign3A_1525 = arith.cmpi slt, %add3A_1430, %sign3A_1524 : i32
      %sign3A_1526 = arith.extui %sign3A_1525 : i1 to i32
      %sign3A_1527 = arith.subi %sign3A_1523, %sign3A_1526 : i32
      %sign3A_1528 = arith.constant 0 : i32
      %sign3A_1529 = arith.cmpi sgt, %jit3A_1519, %sign3A_1528 : i32
      %sign3A_1530 = arith.extui %sign3A_1529 : i1 to i32
      %sign3A_1531 = arith.constant 0 : i32
      %sign3A_1532 = arith.cmpi slt, %jit3A_1519, %sign3A_1531 : i32
      %sign3A_1533 = arith.extui %sign3A_1532 : i1 to i32
      %sign3A_1534 = arith.subi %sign3A_1530, %sign3A_1533 : i32
      %ne3A_1535 = arith.cmpi ne, %sign3A_1527, %sign3A_1534 : i32
      %rem3A_1536 = arith.remsi %add3A_1430, %jit3A_1519 : i32
      %ne3A_1537 = arith.constant 0 : i32
      %ne3A_1538 = arith.cmpi ne, %rem3A_1536, %ne3A_1537 : i32
      %and3A_1539 = arith.andi %ne3A_1535, %ne3A_1538 : i1
      %sub3A_1540 = arith.constant 1 : i32
      %sub3A_1541 = arith.subi %div3A_1520, %sub3A_1540 : i32
      %select_n3A_1542 = arith.select %and3A_1539, %sub3A_1541, %div3A_1520 : i32
      %mul3A_1543 = arith.constant 200 : i32
      %mul3A_1544 = arith.muli %select_n3A_1542, %mul3A_1543 : i32
      %add3A_1545 = arith.constant 0 : i32
      %add3A_1546 = arith.addi %mul3A_1544, %add3A_1545 : i32
      %add3A_1547 = arith.addi %mul3A_2, %select_n3A_1542 : i32
      %dma_wait3A_1548 = arith.constant 4 : i32
      %dma_wait3A_1549 = arith.constant 0 : i32
      %dma_wait3A_1550 = arith.constant 0 : i32
      %dma_wait3A_1551 = tpu.memref_slice %arg8[%dma_wait3A_1548, %dma_wait3A_1549, %dma_wait3A_1550] : memref<6x104x128xf32, #tpu.memory_space<vmem>> -> memref<1x104x128xf32, #tpu.memory_space<vmem>>
      %dma_wait3A_1552 = tpu.memref_squeeze %dma_wait3A_1551 : memref<1x104x128xf32, #tpu.memory_space<vmem>> -> memref<104x128xf32, #tpu.memory_space<vmem>>
      %dma_wait3A_1553 = tpu.memref_slice %arg6[%add3A_1546] : memref<6400xi32, #tpu.memory_space<vmem>> -> memref<104xi32, #tpu.memory_space<vmem>>
      %dma_wait3A_1554 = arith.constant 0 : i32
      %dma_wait3A_1555 = arith.constant 0 : i32
      %dma_wait3A_1556 = tpu.memref_slice %arg3[%dma_wait3A_1554, %dma_wait3A_1555] : memref<100000x128xf32, #tpu.memory_space<hbm>> -> memref<100000x128xf32, #tpu.memory_space<hbm>>
      tpu.wait_indirect_dma semaphore(%arg13 : memref<!tpu.dma_semaphore, #tpu.memory_space<semaphore_mem>>) src(%dma_wait3A_1556 : memref<100000x128xf32, #tpu.memory_space<hbm>>) dst(%dma_wait3A_1552 : memref<104x128xf32, #tpu.memory_space<vmem>>)
      %scan3A_1557 = arith.constant 0 : i32
      %scan3A_1558 = arith.constant 0 : i32
      %scan3A_1559 = arith.constant 104 : i32
      %scan3A_1560 = arith.addi %scan3A_1558, %scan3A_1559 : i32
      %scan3A_1561 = arith.constant 1 : i32
      scf.for %scan3A_1791 = %scan3A_1558 to %scan3A_1560 step %scan3A_1561  : i32 {
        %add3A_1792 = arith.constant 0 : i32
        %add3A_1793 = arith.addi %scan3A_1791, %add3A_1792 : i32
        %get3A = arith.constant 4 : i32
        %get3A_1794 = arith.index_cast %get3A : i32 to index
        %get3A_1795 = arith.index_cast %scan3A_1791 : i32 to index
        %get3A_1796 = arith.constant 0 : index
        %get3A_1797 = tpu.vector_load %arg8[%get3A_1794, %get3A_1795, %get3A_1796] {strides = array<i32>} : memref<6x104x128xf32, #tpu.memory_space<vmem>>, vector<1x1x16xf32>,
        %get3A_1798 = vector.shape_cast %get3A_1797 : vector<1x1x16xf32> to vector<16xf32>
        %mul3A_1799 = arith.constant 11.3137083 : f32
        %mul3A_1800 = vector.broadcast %mul3A_1799 : f32 to vector<16xf32>
        %mul3A_1801 = arith.mulf %get3A_1798, %mul3A_1800 : vector<16xf32>
        %get3A_1802 = arith.index_cast %add3A_1793 : i32 to index
        %get3A_1803 = arith.constant 0 : index
        %get3A_1804 = tpu.vector_load %arg7[%get3A_1802, %get3A_1803] {strides = array<i32>} : memref<200x128xf32, #tpu.memory_space<vmem>>, vector<1x16xf32>,
        %get3A_1805 = vector.shape_cast %get3A_1804 : vector<1x16xf32> to vector<16xf32>
        %add3A_1806 = arith.addf %mul3A_1801, %get3A_1805 : vector<16xf32>
        %swap3A = arith.constant 4 : i32
        %swap3A_1807 = arith.index_cast %swap3A : i32 to index
        %swap3A_1808 = arith.index_cast %scan3A_1791 : i32 to index
        %swap3A_1809 = arith.constant 0 : index
        %swap3A_1810 = tpu.vector_load %arg8[%swap3A_1807, %swap3A_1808, %swap3A_1809] {strides = array<i32>} : memref<6x104x128xf32, #tpu.memory_space<vmem>>, vector<1x1x16xf32>,
        %swap3A_1811 = vector.shape_cast %swap3A_1810 : vector<1x1x16xf32> to vector<16xf32>
        %swap3A_1812 = vector.shape_cast %add3A_1806 : vector<16xf32> to vector<1x1x16xf32>
        tpu.vector_store %arg8[%swap3A_1807, %swap3A_1808, %swap3A_1809], %swap3A_1812 {strides = array<i32>} : memref<6x104x128xf32, #tpu.memory_space<vmem>>, vector<1x1x16xf32>,
        %get3A_1813 = arith.constant 4 : i32
        %get3A_1814 = arith.index_cast %get3A_1813 : i32 to index
        %get3A_1815 = arith.index_cast %scan3A_1791 : i32 to index
        %get3A_1816 = arith.constant 16 : index
        %get3A_1817 = tpu.vector_load %arg8[%get3A_1814, %get3A_1815, %get3A_1816] {strides = array<i32>} : memref<6x104x128xf32, #tpu.memory_space<vmem>>, vector<1x1x16xf32>,
        %get3A_1818 = vector.shape_cast %get3A_1817 : vector<1x1x16xf32> to vector<16xf32>
        %mul3A_1819 = arith.constant 11.3137083 : f32
        %mul3A_1820 = vector.broadcast %mul3A_1819 : f32 to vector<16xf32>
        %mul3A_1821 = arith.mulf %get3A_1818, %mul3A_1820 : vector<16xf32>
        %get3A_1822 = arith.index_cast %add3A_1793 : i32 to index
        %get3A_1823 = arith.constant 16 : index
        %get3A_1824 = tpu.vector_load %arg7[%get3A_1822, %get3A_1823] {strides = array<i32>} : memref<200x128xf32, #tpu.memory_space<vmem>>, vector<1x16xf32>,
        %get3A_1825 = vector.shape_cast %get3A_1824 : vector<1x16xf32> to vector<16xf32>
        %add3A_1826 = arith.addf %mul3A_1821, %get3A_1825 : vector<16xf32>
        %swap3A_1827 = arith.constant 4 : i32
        %swap3A_1828 = arith.index_cast %swap3A_1827 : i32 to index
        %swap3A_1829 = arith.index_cast %scan3A_1791 : i32 to index
        %swap3A_1830 = arith.constant 16 : index
        %swap3A_1831 = tpu.vector_load %arg8[%swap3A_1828, %swap3A_1829, %swap3A_1830] {strides = array<i32>} : memref<6x104x128xf32, #tpu.memory_space<vmem>>, vector<1x1x16xf32>,
        %swap3A_1832 = vector.shape_cast %swap3A_1831 : vector<1x1x16xf32> to vector<16xf32>
        %swap3A_1833 = vector.shape_cast %add3A_1826 : vector<16xf32> to vector<1x1x16xf32>
        tpu.vector_store %arg8[%swap3A_1828, %swap3A_1829, %swap3A_1830], %swap3A_1833 {strides = array<i32>} : memref<6x104x128xf32, #tpu.memory_space<vmem>>, vector<1x1x16xf32>,
        %get3A_1834 = arith.constant 4 : i32
        %get3A_1835 = arith.index_cast %get3A_1834 : i32 to index
        %get3A_1836 = arith.index_cast %scan3A_1791 : i32 to index
        %get3A_1837 = arith.constant 32 : index
        %get3A_1838 = tpu.vector_load %arg8[%get3A_1835, %get3A_1836, %get3A_1837] {strides = array<i32>} : memref<6x104x128xf32, #tpu.memory_space<vmem>>, vector<1x1x16xf32>,
        %get3A_1839 = vector.shape_cast %get3A_1838 : vector<1x1x16xf32> to vector<16xf32>
        %mul3A_1840 = arith.constant 11.3137083 : f32
        %mul3A_1841 = vector.broadcast %mul3A_1840 : f32 to vector<16xf32>
        %mul3A_1842 = arith.mulf %get3A_1839, %mul3A_1841 : vector<16xf32>
        %get3A_1843 = arith.index_cast %add3A_1793 : i32 to index
        %get3A_1844 = arith.constant 32 : index
        %get3A_1845 = tpu.vector_load %arg7[%get3A_1843, %get3A_1844] {strides = array<i32>} : memref<200x128xf32, #tpu.memory_space<vmem>>, vector<1x16xf32>,
        %get3A_1846 = vector.shape_cast %get3A_1845 : vector<1x16xf32> to vector<16xf32>
        %add3A_1847 = arith.addf %mul3A_1842, %get3A_1846 : vector<16xf32>
        %swap3A_1848 = arith.constant 4 : i32
        %swap3A_1849 = arith.index_cast %swap3A_1848 : i32 to index
        %swap3A_1850 = arith.index_cast %scan3A_1791 : i32 to index
        %swap3A_1851 = arith.constant 32 : index
        %swap3A_1852 = tpu.vector_load %arg8[%swap3A_1849, %swap3A_1850, %swap3A_1851] {strides = array<i32>} : memref<6x104x128xf32, #tpu.memory_space<vmem>>, vector<1x1x16xf32>,
        %swap3A_1853 = vector.shape_cast %swap3A_1852 : vector<1x1x16xf32> to vector<16xf32>
        %swap3A_1854 = vector.shape_cast %add3A_1847 : vector<16xf32> to vector<1x1x16xf32>
        tpu.vector_store %arg8[%swap3A_1849, %swap3A_1850, %swap3A_1851], %swap3A_1854 {strides = array<i32>} : memref<6x104x128xf32, #tpu.memory_space<vmem>>, vector<1x1x16xf32>,
        %get3A_1855 = arith.constant 4 : i32
        %get3A_1856 = arith.index_cast %get3A_1855 : i32 to index
        %get3A_1857 = arith.index_cast %scan3A_1791 : i32 to index
        %get3A_1858 = arith.constant 48 : index
        %get3A_1859 = tpu.vector_load %arg8[%get3A_1856, %get3A_1857, %get3A_1858] {strides = array<i32>} : memref<6x104x128xf32, #tpu.memory_space<vmem>>, vector<1x1x16xf32>,
        %get3A_1860 = vector.shape_cast %get3A_1859 : vector<1x1x16xf32> to vector<16xf32>
        %mul3A_1861 = arith.constant 11.3137083 : f32
        %mul3A_1862 = vector.broadcast %mul3A_1861 : f32 to vector<16xf32>
        %mul3A_1863 = arith.mulf %get3A_1860, %mul3A_1862 : vector<16xf32>
        %get3A_1864 = arith.index_cast %add3A_1793 : i32 to index
        %get3A_1865 = arith.constant 48 : index
        %get3A_1866 = tpu.vector_load %arg7[%get3A_1864, %get3A_1865] {strides = array<i32>} : memref<200x128xf32, #tpu.memory_space<vmem>>, vector<1x16xf32>,
        %get3A_1867 = vector.shape_cast %get3A_1866 : vector<1x16xf32> to vector<16xf32>
        %add3A_1868 = arith.addf %mul3A_1863, %get3A_1867 : vector<16xf32>
        %swap3A_1869 = arith.constant 4 : i32
        %swap3A_1870 = arith.index_cast %swap3A_1869 : i32 to index
        %swap3A_1871 = arith.index_cast %scan3A_1791 : i32 to index
        %swap3A_1872 = arith.constant 48 : index
        %swap3A_1873 = tpu.vector_load %arg8[%swap3A_1870, %swap3A_1871, %swap3A_1872] {strides = array<i32>} : memref<6x104x128xf32, #tpu.memory_space<vmem>>, vector<1x1x16xf32>,
        %swap3A_1874 = vector.shape_cast %swap3A_1873 : vector<1x1x16xf32> to vector<16xf32>
        %swap3A_1875 = vector.shape_cast %add3A_1868 : vector<16xf32> to vector<1x1x16xf32>
        tpu.vector_store %arg8[%swap3A_1870, %swap3A_1871, %swap3A_1872], %swap3A_1875 {strides = array<i32>} : memref<6x104x128xf32, #tpu.memory_space<vmem>>, vector<1x1x16xf32>,
        %get3A_1876 = arith.constant 4 : i32
        %get3A_1877 = arith.index_cast %get3A_1876 : i32 to index
        %get3A_1878 = arith.index_cast %scan3A_1791 : i32 to index
        %get3A_1879 = arith.constant 64 : index
        %get3A_1880 = tpu.vector_load %arg8[%get3A_1877, %get3A_1878, %get3A_1879] {strides = array<i32>} : memref<6x104x128xf32, #tpu.memory_space<vmem>>, vector<1x1x16xf32>,
        %get3A_1881 = vector.shape_cast %get3A_1880 : vector<1x1x16xf32> to vector<16xf32>
        %mul3A_1882 = arith.constant 11.3137083 : f32
        %mul3A_1883 = vector.broadcast %mul3A_1882 : f32 to vector<16xf32>
        %mul3A_1884 = arith.mulf %get3A_1881, %mul3A_1883 : vector<16xf32>
        %get3A_1885 = arith.index_cast %add3A_1793 : i32 to index
        %get3A_1886 = arith.constant 64 : index
        %get3A_1887 = tpu.vector_load %arg7[%get3A_1885, %get3A_1886] {strides = array<i32>} : memref<200x128xf32, #tpu.memory_space<vmem>>, vector<1x16xf32>,
        %get3A_1888 = vector.shape_cast %get3A_1887 : vector<1x16xf32> to vector<16xf32>
        %add3A_1889 = arith.addf %mul3A_1884, %get3A_1888 : vector<16xf32>
        %swap3A_1890 = arith.constant 4 : i32
        %swap3A_1891 = arith.index_cast %swap3A_1890 : i32 to index
        %swap3A_1892 = arith.index_cast %scan3A_1791 : i32 to index
        %swap3A_1893 = arith.constant 64 : index
        %swap3A_1894 = tpu.vector_load %arg8[%swap3A_1891, %swap3A_1892, %swap3A_1893] {strides = array<i32>} : memref<6x104x128xf32, #tpu.memory_space<vmem>>, vector<1x1x16xf32>,
        %swap3A_1895 = vector.shape_cast %swap3A_1894 : vector<1x1x16xf32> to vector<16xf32>
        %swap3A_1896 = vector.shape_cast %add3A_1889 : vector<16xf32> to vector<1x1x16xf32>
        tpu.vector_store %arg8[%swap3A_1891, %swap3A_1892, %swap3A_1893], %swap3A_1896 {strides = array<i32>} : memref<6x104x128xf32, #tpu.memory_space<vmem>>, vector<1x1x16xf32>,
        %get3A_1897 = arith.constant 4 : i32
        %get3A_1898 = arith.index_cast %get3A_1897 : i32 to index
        %get3A_1899 = arith.index_cast %scan3A_1791 : i32 to index
        %get3A_1900 = arith.constant 80 : index
        %get3A_1901 = tpu.vector_load %arg8[%get3A_1898, %get3A_1899, %get3A_1900] {strides = array<i32>} : memref<6x104x128xf32, #tpu.memory_space<vmem>>, vector<1x1x16xf32>,
        %get3A_1902 = vector.shape_cast %get3A_1901 : vector<1x1x16xf32> to vector<16xf32>
        %mul3A_1903 = arith.constant 11.3137083 : f32
        %mul3A_1904 = vector.broadcast %mul3A_1903 : f32 to vector<16xf32>
        %mul3A_1905 = arith.mulf %get3A_1902, %mul3A_1904 : vector<16xf32>
        %get3A_1906 = arith.index_cast %add3A_1793 : i32 to index
        %get3A_1907 = arith.constant 80 : index
        %get3A_1908 = tpu.vector_load %arg7[%get3A_1906, %get3A_1907] {strides = array<i32>} : memref<200x128xf32, #tpu.memory_space<vmem>>, vector<1x16xf32>,
        %get3A_1909 = vector.shape_cast %get3A_1908 : vector<1x16xf32> to vector<16xf32>
        %add3A_1910 = arith.addf %mul3A_1905, %get3A_1909 : vector<16xf32>
        %swap3A_1911 = arith.constant 4 : i32
        %swap3A_1912 = arith.index_cast %swap3A_1911 : i32 to index
        %swap3A_1913 = arith.index_cast %scan3A_1791 : i32 to index
        %swap3A_1914 = arith.constant 80 : index
        %swap3A_1915 = tpu.vector_load %arg8[%swap3A_1912, %swap3A_1913, %swap3A_1914] {strides = array<i32>} : memref<6x104x128xf32, #tpu.memory_space<vmem>>, vector<1x1x16xf32>,
        %swap3A_1916 = vector.shape_cast %swap3A_1915 : vector<1x1x16xf32> to vector<16xf32>
        %swap3A_1917 = vector.shape_cast %add3A_1910 : vector<16xf32> to vector<1x1x16xf32>
        tpu.vector_store %arg8[%swap3A_1912, %swap3A_1913, %swap3A_1914], %swap3A_1917 {strides = array<i32>} : memref<6x104x128xf32, #tpu.memory_space<vmem>>, vector<1x1x16xf32>,
        %get3A_1918 = arith.constant 4 : i32
        %get3A_1919 = arith.index_cast %get3A_1918 : i32 to index
        %get3A_1920 = arith.index_cast %scan3A_1791 : i32 to index
        %get3A_1921 = arith.constant 96 : index
        %get3A_1922 = tpu.vector_load %arg8[%get3A_1919, %get3A_1920, %get3A_1921] {strides = array<i32>} : memref<6x104x128xf32, #tpu.memory_space<vmem>>, vector<1x1x16xf32>,
        %get3A_1923 = vector.shape_cast %get3A_1922 : vector<1x1x16xf32> to vector<16xf32>
        %mul3A_1924 = arith.constant 11.3137083 : f32
        %mul3A_1925 = vector.broadcast %mul3A_1924 : f32 to vector<16xf32>
        %mul3A_1926 = arith.mulf %get3A_1923, %mul3A_1925 : vector<16xf32>
        %get3A_1927 = arith.index_cast %add3A_1793 : i32 to index
        %get3A_1928 = arith.constant 96 : index
        %get3A_1929 = tpu.vector_load %arg7[%get3A_1927, %get3A_1928] {strides = array<i32>} : memref<200x128xf32, #tpu.memory_space<vmem>>, vector<1x16xf32>,
        %get3A_1930 = vector.shape_cast %get3A_1929 : vector<1x16xf32> to vector<16xf32>
        %add3A_1931 = arith.addf %mul3A_1926, %get3A_1930 : vector<16xf32>
        %swap3A_1932 = arith.constant 4 : i32
        %swap3A_1933 = arith.index_cast %swap3A_1932 : i32 to index
        %swap3A_1934 = arith.index_cast %scan3A_1791 : i32 to index
        %swap3A_1935 = arith.constant 96 : index
        %swap3A_1936 = tpu.vector_load %arg8[%swap3A_1933, %swap3A_1934, %swap3A_1935] {strides = array<i32>} : memref<6x104x128xf32, #tpu.memory_space<vmem>>, vector<1x1x16xf32>,
        %swap3A_1937 = vector.shape_cast %swap3A_1936 : vector<1x1x16xf32> to vector<16xf32>
        %swap3A_1938 = vector.shape_cast %add3A_1931 : vector<16xf32> to vector<1x1x16xf32>
        tpu.vector_store %arg8[%swap3A_1933, %swap3A_1934, %swap3A_1935], %swap3A_1938 {strides = array<i32>} : memref<6x104x128xf32, #tpu.memory_space<vmem>>, vector<1x1x16xf32>,
        %get3A_1939 = arith.constant 4 : i32
        %get3A_1940 = arith.index_cast %get3A_1939 : i32 to index
        %get3A_1941 = arith.index_cast %scan3A_1791 : i32 to index
        %get3A_1942 = arith.constant 112 : index
        %get3A_1943 = tpu.vector_load %arg8[%get3A_1940, %get3A_1941, %get3A_1942] {strides = array<i32>} : memref<6x104x128xf32, #tpu.memory_space<vmem>>, vector<1x1x16xf32>,
        %get3A_1944 = vector.shape_cast %get3A_1943 : vector<1x1x16xf32> to vector<16xf32>
        %mul3A_1945 = arith.constant 11.3137083 : f32
        %mul3A_1946 = vector.broadcast %mul3A_1945 : f32 to vector<16xf32>
        %mul3A_1947 = arith.mulf %get3A_1944, %mul3A_1946 : vector<16xf32>
        %get3A_1948 = arith.index_cast %add3A_1793 : i32 to index
        %get3A_1949 = arith.constant 112 : index
        %get3A_1950 = tpu.vector_load %arg7[%get3A_1948, %get3A_1949] {strides = array<i32>} : memref<200x128xf32, #tpu.memory_space<vmem>>, vector<1x16xf32>,
        %get3A_1951 = vector.shape_cast %get3A_1950 : vector<1x16xf32> to vector<16xf32>
        %add3A_1952 = arith.addf %mul3A_1947, %get3A_1951 : vector<16xf32>
        %swap3A_1953 = arith.constant 4 : i32
        %swap3A_1954 = arith.index_cast %swap3A_1953 : i32 to index
        %swap3A_1955 = arith.index_cast %scan3A_1791 : i32 to index
        %swap3A_1956 = arith.constant 112 : index
        %swap3A_1957 = tpu.vector_load %arg8[%swap3A_1954, %swap3A_1955, %swap3A_1956] {strides = array<i32>} : memref<6x104x128xf32, #tpu.memory_space<vmem>>, vector<1x1x16xf32>,
        %swap3A_1958 = vector.shape_cast %swap3A_1957 : vector<1x1x16xf32> to vector<16xf32>
        %swap3A_1959 = vector.shape_cast %add3A_1952 : vector<16xf32> to vector<1x1x16xf32>
        tpu.vector_store %arg8[%swap3A_1954, %swap3A_1955, %swap3A_1956], %swap3A_1959 {strides = array<i32>} : memref<6x104x128xf32, #tpu.memory_space<vmem>>, vector<1x1x16xf32>,
      }
      %scan3A_1562 = arith.constant 104 : i32
      %jit3A_1563 = arith.constant 2 : i32
      %div3A_1564 = arith.divsi %add3A_1430, %jit3A_1563 : i32
      %sign3A_1565 = arith.constant 0 : i32
      %sign3A_1566 = arith.cmpi sgt, %add3A_1430, %sign3A_1565 : i32
      %sign3A_1567 = arith.extui %sign3A_1566 : i1 to i32
      %sign3A_1568 = arith.constant 0 : i32
      %sign3A_1569 = arith.cmpi slt, %add3A_1430, %sign3A_1568 : i32
      %sign3A_1570 = arith.extui %sign3A_1569 : i1 to i32
      %sign3A_1571 = arith.subi %sign3A_1567, %sign3A_1570 : i32
      %sign3A_1572 = arith.constant 0 : i32
      %sign3A_1573 = arith.cmpi sgt, %jit3A_1563, %sign3A_1572 : i32
      %sign3A_1574 = arith.extui %sign3A_1573 : i1 to i32
      %sign3A_1575 = arith.constant 0 : i32
      %sign3A_1576 = arith.cmpi slt, %jit3A_1563, %sign3A_1575 : i32
      %sign3A_1577 = arith.extui %sign3A_1576 : i1 to i32
      %sign3A_1578 = arith.subi %sign3A_1574, %sign3A_1577 : i32
      %ne3A_1579 = arith.cmpi ne, %sign3A_1571, %sign3A_1578 : i32
      %rem3A_1580 = arith.remsi %add3A_1430, %jit3A_1563 : i32
      %ne3A_1581 = arith.constant 0 : i32
      %ne3A_1582 = arith.cmpi ne, %rem3A_1580, %ne3A_1581 : i32
      %and3A_1583 = arith.andi %ne3A_1579, %ne3A_1582 : i1
      %sub3A_1584 = arith.constant 1 : i32
      %sub3A_1585 = arith.subi %div3A_1564, %sub3A_1584 : i32
      %select_n3A_1586 = arith.select %and3A_1583, %sub3A_1585, %div3A_1564 : i32
      %mul3A_1587 = arith.constant 200 : i32
      %mul3A_1588 = arith.muli %select_n3A_1586, %mul3A_1587 : i32
      %add3A_1589 = arith.constant 0 : i32
      %add3A_1590 = arith.addi %mul3A_1588, %add3A_1589 : i32
      %add3A_1591 = arith.addi %mul3A_2, %select_n3A_1586 : i32
      %dma_start3A_1592 = arith.constant 4 : i32
      %dma_start3A_1593 = arith.constant 0 : i32
      %dma_start3A_1594 = arith.constant 0 : i32
      %dma_start3A_1595 = tpu.memref_slice %arg8[%dma_start3A_1592, %dma_start3A_1593, %dma_start3A_1594] : memref<6x104x128xf32, #tpu.memory_space<vmem>> -> memref<1x104x128xf32, #tpu.memory_space<vmem>>
      %dma_start3A_1596 = tpu.memref_squeeze %dma_start3A_1595 : memref<1x104x128xf32, #tpu.memory_space<vmem>> -> memref<104x128xf32, #tpu.memory_space<vmem>>
      %dma_start3A_1597 = arith.constant 0 : i32
      %dma_start3A_1598 = arith.constant 0 : i32
      %dma_start3A_1599 = tpu.memref_slice %arg5[%add3A_1591, %dma_start3A_1597, %dma_start3A_1598] : memref<1024x200x128xf32, #tpu.memory_space<hbm>> -> memref<1x104x128xf32, #tpu.memory_space<hbm>>
      %dma_start3A_1600 = tpu.memref_squeeze %dma_start3A_1599 : memref<1x104x128xf32, #tpu.memory_space<hbm>> -> memref<104x128xf32, #tpu.memory_space<hbm>>
      %dma_start3A_1601 = arith.constant 0 : i32
      %dma_start3A_1602 = arith.constant 0 : i32
      %dma_start3A_1603 = tpu.memref_slice %arg5[%add3A_1591, %dma_start3A_1601, %dma_start3A_1602] : memref<1024x200x128xf32, #tpu.memory_space<hbm>> -> memref<1x104x128xf32, #tpu.memory_space<hbm>>
      %dma_start3A_1604 = tpu.memref_squeeze %dma_start3A_1603 : memref<1x104x128xf32, #tpu.memory_space<hbm>> -> memref<104x128xf32, #tpu.memory_space<hbm>>
      %dma_start3A_1605 = arith.constant 0 : i32
      %dma_start3A_1606 = arith.constant 0 : i32
      %dma_start3A_1607 = tpu.memref_slice %arg8[%dma_start3A_1592, %dma_start3A_1605, %dma_start3A_1606] : memref<6x104x128xf32, #tpu.memory_space<vmem>> -> memref<1x104x128xf32, #tpu.memory_space<vmem>>
      %dma_start3A_1608 = tpu.memref_squeeze %dma_start3A_1607 : memref<1x104x128xf32, #tpu.memory_space<vmem>> -> memref<104x128xf32, #tpu.memory_space<vmem>>
      tpu.enqueue_dma source(%dma_start3A_1608 : memref<104x128xf32, #tpu.memory_space<vmem>>) target(%dma_start3A_1604 : memref<104x128xf32, #tpu.memory_space<hbm>>) target_semaphore(%arg19 : memref<!tpu.dma_semaphore, #tpu.memory_space<semaphore_mem>>)
      %mul3A_1609 = arith.constant 6 : i32
      %mul3A_1610 = arith.muli %scan3A_706, %mul3A_1609 : i32
      %add3A_1611 = arith.constant 5 : i32
      %add3A_1612 = arith.addi %mul3A_1610, %add3A_1611 : i32
      %sub3A_1613 = arith.constant 2 : i32
      %sub3A_1614 = arith.subi %add3A_1612, %sub3A_1613 : i32
      %jit3A_1615 = arith.constant 2 : i32
      %div3A_1616 = arith.divsi %sub3A_1614, %jit3A_1615 : i32
      %sign3A_1617 = arith.constant 0 : i32
      %sign3A_1618 = arith.cmpi sgt, %sub3A_1614, %sign3A_1617 : i32
      %sign3A_1619 = arith.extui %sign3A_1618 : i1 to i32
      %sign3A_1620 = arith.constant 0 : i32
      %sign3A_1621 = arith.cmpi slt, %sub3A_1614, %sign3A_1620 : i32
      %sign3A_1622 = arith.extui %sign3A_1621 : i1 to i32
      %sign3A_1623 = arith.subi %sign3A_1619, %sign3A_1622 : i32
      %sign3A_1624 = arith.constant 0 : i32
      %sign3A_1625 = arith.cmpi sgt, %jit3A_1615, %sign3A_1624 : i32
      %sign3A_1626 = arith.extui %sign3A_1625 : i1 to i32
      %sign3A_1627 = arith.constant 0 : i32
      %sign3A_1628 = arith.cmpi slt, %jit3A_1615, %sign3A_1627 : i32
      %sign3A_1629 = arith.extui %sign3A_1628 : i1 to i32
      %sign3A_1630 = arith.subi %sign3A_1626, %sign3A_1629 : i32
      %ne3A_1631 = arith.cmpi ne, %sign3A_1623, %sign3A_1630 : i32
      %rem3A_1632 = arith.remsi %sub3A_1614, %jit3A_1615 : i32
      %ne3A_1633 = arith.constant 0 : i32
      %ne3A_1634 = arith.cmpi ne, %rem3A_1632, %ne3A_1633 : i32
      %and3A_1635 = arith.andi %ne3A_1631, %ne3A_1634 : i1
      %sub3A_1636 = arith.constant 1 : i32
      %sub3A_1637 = arith.subi %div3A_1616, %sub3A_1636 : i32
      %select_n3A_1638 = arith.select %and3A_1635, %sub3A_1637, %div3A_1616 : i32
      %mul3A_1639 = arith.constant 200 : i32
      %mul3A_1640 = arith.muli %select_n3A_1638, %mul3A_1639 : i32
      %add3A_1641 = arith.constant 104 : i32
      %add3A_1642 = arith.addi %mul3A_1640, %add3A_1641 : i32
      %add3A_1643 = arith.addi %mul3A_2, %select_n3A_1638 : i32
      %dma_wait3A_1644 = arith.constant 3 : i32
      %dma_wait3A_1645 = arith.constant 0 : i32
      %dma_wait3A_1646 = arith.constant 0 : i32
      %dma_wait3A_1647 = tpu.memref_slice %arg8[%dma_wait3A_1644, %dma_wait3A_1645, %dma_wait3A_1646] : memref<6x104x128xf32, #tpu.memory_space<vmem>> -> memref<1x96x128xf32, #tpu.memory_space<vmem>>
      %dma_wait3A_1648 = tpu.memref_squeeze %dma_wait3A_1647 : memref<1x96x128xf32, #tpu.memory_space<vmem>> -> memref<96x128xf32, #tpu.memory_space<vmem>>
      %dma_wait3A_1649 = arith.constant 104 : i32
      %dma_wait3A_1650 = arith.constant 0 : i32
      %dma_wait3A_1651 = tpu.memref_slice %arg5[%add3A_1643, %dma_wait3A_1649, %dma_wait3A_1650] : memref<1024x200x128xf32, #tpu.memory_space<hbm>> -> memref<1x96x128xf32, #tpu.memory_space<hbm>>
      %dma_wait3A_1652 = tpu.memref_squeeze %dma_wait3A_1651 : memref<1x96x128xf32, #tpu.memory_space<hbm>> -> memref<96x128xf32, #tpu.memory_space<hbm>>
      %dma_wait3A_1653 = arith.constant 104 : i32
      %dma_wait3A_1654 = arith.constant 0 : i32
      %dma_wait3A_1655 = tpu.memref_slice %arg5[%add3A_1643, %dma_wait3A_1653, %dma_wait3A_1654] : memref<1024x200x128xf32, #tpu.memory_space<hbm>> -> memref<1x96x128xf32, #tpu.memory_space<hbm>>
      %dma_wait3A_1656 = tpu.memref_squeeze %dma_wait3A_1655 : memref<1x96x128xf32, #tpu.memory_space<hbm>> -> memref<96x128xf32, #tpu.memory_space<hbm>>
      %dma_wait3A_1657 = arith.constant 0 : i32
      %dma_wait3A_1658 = arith.constant 0 : i32
      %dma_wait3A_1659 = tpu.memref_slice %arg8[%dma_wait3A_1644, %dma_wait3A_1657, %dma_wait3A_1658] : memref<6x104x128xf32, #tpu.memory_space<vmem>> -> memref<1x96x128xf32, #tpu.memory_space<vmem>>
      %dma_wait3A_1660 = tpu.memref_squeeze %dma_wait3A_1659 : memref<1x96x128xf32, #tpu.memory_space<vmem>> -> memref<96x128xf32, #tpu.memory_space<vmem>>
      tpu.wait_dma2 semaphore(%arg18 : memref<!tpu.dma_semaphore, #tpu.memory_space<semaphore_mem>>) src(%dma_wait3A_1660 : memref<96x128xf32, #tpu.memory_space<vmem>>) dst(%dma_wait3A_1656 : memref<96x128xf32, #tpu.memory_space<hbm>>)
      %add3A_1661 = arith.constant 4 : i32
      %add3A_1662 = arith.addi %add3A_1612, %add3A_1661 : i32
      %jit3A_1663 = arith.constant 2 : i32
      %div3A_1664 = arith.divsi %add3A_1662, %jit3A_1663 : i32
      %sign3A_1665 = arith.constant 0 : i32
      %sign3A_1666 = arith.cmpi sgt, %add3A_1662, %sign3A_1665 : i32
      %sign3A_1667 = arith.extui %sign3A_1666 : i1 to i32
      %sign3A_1668 = arith.constant 0 : i32
      %sign3A_1669 = arith.cmpi slt, %add3A_1662, %sign3A_1668 : i32
      %sign3A_1670 = arith.extui %sign3A_1669 : i1 to i32
      %sign3A_1671 = arith.subi %sign3A_1667, %sign3A_1670 : i32
      %sign3A_1672 = arith.constant 0 : i32
      %sign3A_1673 = arith.cmpi sgt, %jit3A_1663, %sign3A_1672 : i32
      %sign3A_1674 = arith.extui %sign3A_1673 : i1 to i32
      %sign3A_1675 = arith.constant 0 : i32
      %sign3A_1676 = arith.cmpi slt, %jit3A_1663, %sign3A_1675 : i32
      %sign3A_1677 = arith.extui %sign3A_1676 : i1 to i32
      %sign3A_1678 = arith.subi %sign3A_1674, %sign3A_1677 : i32
      %ne3A_1679 = arith.cmpi ne, %sign3A_1671, %sign3A_1678 : i32
      %rem3A_1680 = arith.remsi %add3A_1662, %jit3A_1663 : i32
      %ne3A_1681 = arith.constant 0 : i32
      %ne3A_1682 = arith.cmpi ne, %rem3A_1680, %ne3A_1681 : i32
      %and3A_1683 = arith.andi %ne3A_1679, %ne3A_1682 : i1
      %sub3A_1684 = arith.constant 1 : i32
      %sub3A_1685 = arith.subi %div3A_1664, %sub3A_1684 : i32
      %select_n3A_1686 = arith.select %and3A_1683, %sub3A_1685, %div3A_1664 : i32
      %mul3A_1687 = arith.constant 200 : i32
      %mul3A_1688 = arith.muli %select_n3A_1686, %mul3A_1687 : i32
      %add3A_1689 = arith.constant 104 : i32
      %add3A_1690 = arith.addi %mul3A_1688, %add3A_1689 : i32
      %add3A_1691 = arith.addi %mul3A_2, %select_n3A_1686 : i32
      %dma_start3A_1692 = arith.constant 3 : i32
      %dma_start3A_1693 = arith.constant 0 : i32
      %dma_start3A_1694 = arith.constant 0 : i32
      %dma_start3A_1695 = tpu.memref_slice %arg8[%dma_start3A_1692, %dma_start3A_1693, %dma_start3A_1694] : memref<6x104x128xf32, #tpu.memory_space<vmem>> -> memref<1x96x128xf32, #tpu.memory_space<vmem>>
      %dma_start3A_1696 = tpu.memref_squeeze %dma_start3A_1695 : memref<1x96x128xf32, #tpu.memory_space<vmem>> -> memref<96x128xf32, #tpu.memory_space<vmem>>
      %dma_start3A_1697 = tpu.memref_slice %arg6[%add3A_1690] : memref<6400xi32, #tpu.memory_space<vmem>> -> memref<96xi32, #tpu.memory_space<vmem>>
      %dma_start3A_1698 = arith.constant 0 : i32
      %dma_start3A_1699 = arith.constant 0 : i32
      %dma_start3A_1700 = tpu.memref_slice %arg3[%dma_start3A_1698, %dma_start3A_1699] : memref<100000x128xf32, #tpu.memory_space<hbm>> -> memref<100000x128xf32, #tpu.memory_space<hbm>>
      tpu.enqueue_indirect_dma source(%dma_start3A_1700 : memref<100000x128xf32, #tpu.memory_space<hbm>>) target(%dma_start3A_1696 : memref<96x128xf32, #tpu.memory_space<vmem>>) offsets(%dma_start3A_1697 : memref<96xi32, #tpu.memory_space<vmem>>) semaphore(%arg12 : memref<!tpu.dma_semaphore, #tpu.memory_space<semaphore_mem>>)
      %jit3A_1701 = arith.constant 2 : i32
      %div3A_1702 = arith.divsi %add3A_1612, %jit3A_1701 : i32
      %sign3A_1703 = arith.constant 0 : i32
      %sign3A_1704 = arith.cmpi sgt, %add3A_1612, %sign3A_1703 : i32
      %sign3A_1705 = arith.extui %sign3A_1704 : i1 to i32
      %sign3A_1706 = arith.constant 0 : i32
      %sign3A_1707 = arith.cmpi slt, %add3A_1612, %sign3A_1706 : i32
      %sign3A_1708 = arith.extui %sign3A_1707 : i1 to i32
      %sign3A_1709 = arith.subi %sign3A_1705, %sign3A_1708 : i32
      %sign3A_1710 = arith.constant 0 : i32
      %sign3A_1711 = arith.cmpi sgt, %jit3A_1701, %sign3A_1710 : i32
      %sign3A_1712 = arith.extui %sign3A_1711 : i1 to i32
      %sign3A_1713 = arith.constant 0 : i32
      %sign3A_1714 = arith.cmpi slt, %jit3A_1701, %sign3A_1713 : i32
      %sign3A_1715 = arith.extui %sign3A_1714 : i1 to i32
      %sign3A_1716 = arith.subi %sign3A_1712, %sign3A_1715 : i32
      %ne3A_1717 = arith.cmpi ne, %sign3A_1709, %sign3A_1716 : i32
      %rem3A_1718 = arith.remsi %add3A_1612, %jit3A_1701 : i32
      %ne3A_1719 = arith.constant 0 : i32
      %ne3A_1720 = arith.cmpi ne, %rem3A_1718, %ne3A_1719 : i32
      %and3A_1721 = arith.andi %ne3A_1717, %ne3A_1720 : i1
      %sub3A_1722 = arith.constant 1 : i32
      %sub3A_1723 = arith.subi %div3A_1702, %sub3A_1722 : i32
      %select_n3A_1724 = arith.select %and3A_1721, %sub3A_1723, %div3A_1702 : i32
      %mul3A_1725 = arith.constant 200 : i32
      %mul3A_1726 = arith.muli %select_n3A_1724, %mul3A_1725 : i32
      %add3A_1727 = arith.constant 104 : i32
      %add3A_1728 = arith.addi %mul3A_1726, %add3A_1727 : i32
      %add3A_1729 = arith.addi %mul3A_2, %select_n3A_1724 : i32
      %dma_wait3A_1730 = arith.constant 5 : i32
      %dma_wait3A_1731 = arith.constant 0 : i32
      %dma_wait3A_1732 = arith.constant 0 : i32
      %dma_wait3A_1733 = tpu.memref_slice %arg8[%dma_wait3A_1730, %dma_wait3A_1731, %dma_wait3A_1732] : memref<6x104x128xf32, #tpu.memory_space<vmem>> -> memref<1x96x128xf32, #tpu.memory_space<vmem>>
      %dma_wait3A_1734 = tpu.memref_squeeze %dma_wait3A_1733 : memref<1x96x128xf32, #tpu.memory_space<vmem>> -> memref<96x128xf32, #tpu.memory_space<vmem>>
      %dma_wait3A_1735 = tpu.memref_slice %arg6[%add3A_1728] : memref<6400xi32, #tpu.memory_space<vmem>> -> memref<96xi32, #tpu.memory_space<vmem>>
      %dma_wait3A_1736 = arith.constant 0 : i32
      %dma_wait3A_1737 = arith.constant 0 : i32
      %dma_wait3A_1738 = tpu.memref_slice %arg3[%dma_wait3A_1736, %dma_wait3A_1737] : memref<100000x128xf32, #tpu.memory_space<hbm>> -> memref<100000x128xf32, #tpu.memory_space<hbm>>
      tpu.wait_indirect_dma semaphore(%arg14 : memref<!tpu.dma_semaphore, #tpu.memory_space<semaphore_mem>>) src(%dma_wait3A_1738 : memref<100000x128xf32, #tpu.memory_space<hbm>>) dst(%dma_wait3A_1734 : memref<96x128xf32, #tpu.memory_space<vmem>>)
      %scan3A_1739 = arith.constant 0 : i32
      %scan3A_1740 = arith.constant 0 : i32
      %scan3A_1741 = arith.constant 96 : i32
      %scan3A_1742 = arith.addi %scan3A_1740, %scan3A_1741 : i32
      %scan3A_1743 = arith.constant 1 : i32
      scf.for %scan3A_1791 = %scan3A_1740 to %scan3A_1742 step %scan3A_1743  : i32 {
        %add3A_1792 = arith.constant 104 : i32
        %add3A_1793 = arith.addi %scan3A_1791, %add3A_1792 : i32
        %get3A = arith.constant 5 : i32
        %get3A_1794 = arith.index_cast %get3A : i32 to index
        %get3A_1795 = arith.index_cast %scan3A_1791 : i32 to index
        %get3A_1796 = arith.constant 0 : index
        %get3A_1797 = tpu.vector_load %arg8[%get3A_1794, %get3A_1795, %get3A_1796] {strides = array<i32>} : memref<6x104x128xf32, #tpu.memory_space<vmem>>, vector<1x1x16xf32>,
        %get3A_1798 = vector.shape_cast %get3A_1797 : vector<1x1x16xf32> to vector<16xf32>
        %mul3A_1799 = arith.constant 11.3137083 : f32
        %mul3A_1800 = vector.broadcast %mul3A_1799 : f32 to vector<16xf32>
        %mul3A_1801 = arith.mulf %get3A_1798, %mul3A_1800 : vector<16xf32>
        %get3A_1802 = arith.index_cast %add3A_1793 : i32 to index
        %get3A_1803 = arith.constant 0 : index
        %get3A_1804 = tpu.vector_load %arg7[%get3A_1802, %get3A_1803] {strides = array<i32>} : memref<200x128xf32, #tpu.memory_space<vmem>>, vector<1x16xf32>,
        %get3A_1805 = vector.shape_cast %get3A_1804 : vector<1x16xf32> to vector<16xf32>
        %add3A_1806 = arith.addf %mul3A_1801, %get3A_1805 : vector<16xf32>
        %swap3A = arith.constant 5 : i32
        %swap3A_1807 = arith.index_cast %swap3A : i32 to index
        %swap3A_1808 = arith.index_cast %scan3A_1791 : i32 to index
        %swap3A_1809 = arith.constant 0 : index
        %swap3A_1810 = tpu.vector_load %arg8[%swap3A_1807, %swap3A_1808, %swap3A_1809] {strides = array<i32>} : memref<6x104x128xf32, #tpu.memory_space<vmem>>, vector<1x1x16xf32>,
        %swap3A_1811 = vector.shape_cast %swap3A_1810 : vector<1x1x16xf32> to vector<16xf32>
        %swap3A_1812 = vector.shape_cast %add3A_1806 : vector<16xf32> to vector<1x1x16xf32>
        tpu.vector_store %arg8[%swap3A_1807, %swap3A_1808, %swap3A_1809], %swap3A_1812 {strides = array<i32>} : memref<6x104x128xf32, #tpu.memory_space<vmem>>, vector<1x1x16xf32>,
        %get3A_1813 = arith.constant 5 : i32
        %get3A_1814 = arith.index_cast %get3A_1813 : i32 to index
        %get3A_1815 = arith.index_cast %scan3A_1791 : i32 to index
        %get3A_1816 = arith.constant 16 : index
        %get3A_1817 = tpu.vector_load %arg8[%get3A_1814, %get3A_1815, %get3A_1816] {strides = array<i32>} : memref<6x104x128xf32, #tpu.memory_space<vmem>>, vector<1x1x16xf32>,
        %get3A_1818 = vector.shape_cast %get3A_1817 : vector<1x1x16xf32> to vector<16xf32>
        %mul3A_1819 = arith.constant 11.3137083 : f32
        %mul3A_1820 = vector.broadcast %mul3A_1819 : f32 to vector<16xf32>
        %mul3A_1821 = arith.mulf %get3A_1818, %mul3A_1820 : vector<16xf32>
        %get3A_1822 = arith.index_cast %add3A_1793 : i32 to index
        %get3A_1823 = arith.constant 16 : index
        %get3A_1824 = tpu.vector_load %arg7[%get3A_1822, %get3A_1823] {strides = array<i32>} : memref<200x128xf32, #tpu.memory_space<vmem>>, vector<1x16xf32>,
        %get3A_1825 = vector.shape_cast %get3A_1824 : vector<1x16xf32> to vector<16xf32>
        %add3A_1826 = arith.addf %mul3A_1821, %get3A_1825 : vector<16xf32>
        %swap3A_1827 = arith.constant 5 : i32
        %swap3A_1828 = arith.index_cast %swap3A_1827 : i32 to index
        %swap3A_1829 = arith.index_cast %scan3A_1791 : i32 to index
        %swap3A_1830 = arith.constant 16 : index
        %swap3A_1831 = tpu.vector_load %arg8[%swap3A_1828, %swap3A_1829, %swap3A_1830] {strides = array<i32>} : memref<6x104x128xf32, #tpu.memory_space<vmem>>, vector<1x1x16xf32>,
        %swap3A_1832 = vector.shape_cast %swap3A_1831 : vector<1x1x16xf32> to vector<16xf32>
        %swap3A_1833 = vector.shape_cast %add3A_1826 : vector<16xf32> to vector<1x1x16xf32>
        tpu.vector_store %arg8[%swap3A_1828, %swap3A_1829, %swap3A_1830], %swap3A_1833 {strides = array<i32>} : memref<6x104x128xf32, #tpu.memory_space<vmem>>, vector<1x1x16xf32>,
        %get3A_1834 = arith.constant 5 : i32
        %get3A_1835 = arith.index_cast %get3A_1834 : i32 to index
        %get3A_1836 = arith.index_cast %scan3A_1791 : i32 to index
        %get3A_1837 = arith.constant 32 : index
        %get3A_1838 = tpu.vector_load %arg8[%get3A_1835, %get3A_1836, %get3A_1837] {strides = array<i32>} : memref<6x104x128xf32, #tpu.memory_space<vmem>>, vector<1x1x16xf32>,
        %get3A_1839 = vector.shape_cast %get3A_1838 : vector<1x1x16xf32> to vector<16xf32>
        %mul3A_1840 = arith.constant 11.3137083 : f32
        %mul3A_1841 = vector.broadcast %mul3A_1840 : f32 to vector<16xf32>
        %mul3A_1842 = arith.mulf %get3A_1839, %mul3A_1841 : vector<16xf32>
        %get3A_1843 = arith.index_cast %add3A_1793 : i32 to index
        %get3A_1844 = arith.constant 32 : index
        %get3A_1845 = tpu.vector_load %arg7[%get3A_1843, %get3A_1844] {strides = array<i32>} : memref<200x128xf32, #tpu.memory_space<vmem>>, vector<1x16xf32>,
        %get3A_1846 = vector.shape_cast %get3A_1845 : vector<1x16xf32> to vector<16xf32>
        %add3A_1847 = arith.addf %mul3A_1842, %get3A_1846 : vector<16xf32>
        %swap3A_1848 = arith.constant 5 : i32
        %swap3A_1849 = arith.index_cast %swap3A_1848 : i32 to index
        %swap3A_1850 = arith.index_cast %scan3A_1791 : i32 to index
        %swap3A_1851 = arith.constant 32 : index
        %swap3A_1852 = tpu.vector_load %arg8[%swap3A_1849, %swap3A_1850, %swap3A_1851] {strides = array<i32>} : memref<6x104x128xf32, #tpu.memory_space<vmem>>, vector<1x1x16xf32>,
        %swap3A_1853 = vector.shape_cast %swap3A_1852 : vector<1x1x16xf32> to vector<16xf32>
        %swap3A_1854 = vector.shape_cast %add3A_1847 : vector<16xf32> to vector<1x1x16xf32>
        tpu.vector_store %arg8[%swap3A_1849, %swap3A_1850, %swap3A_1851], %swap3A_1854 {strides = array<i32>} : memref<6x104x128xf32, #tpu.memory_space<vmem>>, vector<1x1x16xf32>,
        %get3A_1855 = arith.constant 5 : i32
        %get3A_1856 = arith.index_cast %get3A_1855 : i32 to index
        %get3A_1857 = arith.index_cast %scan3A_1791 : i32 to index
        %get3A_1858 = arith.constant 48 : index
        %get3A_1859 = tpu.vector_load %arg8[%get3A_1856, %get3A_1857, %get3A_1858] {strides = array<i32>} : memref<6x104x128xf32, #tpu.memory_space<vmem>>, vector<1x1x16xf32>,
        %get3A_1860 = vector.shape_cast %get3A_1859 : vector<1x1x16xf32> to vector<16xf32>
        %mul3A_1861 = arith.constant 11.3137083 : f32
        %mul3A_1862 = vector.broadcast %mul3A_1861 : f32 to vector<16xf32>
        %mul3A_1863 = arith.mulf %get3A_1860, %mul3A_1862 : vector<16xf32>
        %get3A_1864 = arith.index_cast %add3A_1793 : i32 to index
        %get3A_1865 = arith.constant 48 : index
        %get3A_1866 = tpu.vector_load %arg7[%get3A_1864, %get3A_1865] {strides = array<i32>} : memref<200x128xf32, #tpu.memory_space<vmem>>, vector<1x16xf32>,
        %get3A_1867 = vector.shape_cast %get3A_1866 : vector<1x16xf32> to vector<16xf32>
        %add3A_1868 = arith.addf %mul3A_1863, %get3A_1867 : vector<16xf32>
        %swap3A_1869 = arith.constant 5 : i32
        %swap3A_1870 = arith.index_cast %swap3A_1869 : i32 to index
        %swap3A_1871 = arith.index_cast %scan3A_1791 : i32 to index
        %swap3A_1872 = arith.constant 48 : index
        %swap3A_1873 = tpu.vector_load %arg8[%swap3A_1870, %swap3A_1871, %swap3A_1872] {strides = array<i32>} : memref<6x104x128xf32, #tpu.memory_space<vmem>>, vector<1x1x16xf32>,
        %swap3A_1874 = vector.shape_cast %swap3A_1873 : vector<1x1x16xf32> to vector<16xf32>
        %swap3A_1875 = vector.shape_cast %add3A_1868 : vector<16xf32> to vector<1x1x16xf32>
        tpu.vector_store %arg8[%swap3A_1870, %swap3A_1871, %swap3A_1872], %swap3A_1875 {strides = array<i32>} : memref<6x104x128xf32, #tpu.memory_space<vmem>>, vector<1x1x16xf32>,
        %get3A_1876 = arith.constant 5 : i32
        %get3A_1877 = arith.index_cast %get3A_1876 : i32 to index
        %get3A_1878 = arith.index_cast %scan3A_1791 : i32 to index
        %get3A_1879 = arith.constant 64 : index
        %get3A_1880 = tpu.vector_load %arg8[%get3A_1877, %get3A_1878, %get3A_1879] {strides = array<i32>} : memref<6x104x128xf32, #tpu.memory_space<vmem>>, vector<1x1x16xf32>,
        %get3A_1881 = vector.shape_cast %get3A_1880 : vector<1x1x16xf32> to vector<16xf32>
        %mul3A_1882 = arith.constant 11.3137083 : f32
        %mul3A_1883 = vector.broadcast %mul3A_1882 : f32 to vector<16xf32>
        %mul3A_1884 = arith.mulf %get3A_1881, %mul3A_1883 : vector<16xf32>
        %get3A_1885 = arith.index_cast %add3A_1793 : i32 to index
        %get3A_1886 = arith.constant 64 : index
        %get3A_1887 = tpu.vector_load %arg7[%get3A_1885, %get3A_1886] {strides = array<i32>} : memref<200x128xf32, #tpu.memory_space<vmem>>, vector<1x16xf32>,
        %get3A_1888 = vector.shape_cast %get3A_1887 : vector<1x16xf32> to vector<16xf32>
        %add3A_1889 = arith.addf %mul3A_1884, %get3A_1888 : vector<16xf32>
        %swap3A_1890 = arith.constant 5 : i32
        %swap3A_1891 = arith.index_cast %swap3A_1890 : i32 to index
        %swap3A_1892 = arith.index_cast %scan3A_1791 : i32 to index
        %swap3A_1893 = arith.constant 64 : index
        %swap3A_1894 = tpu.vector_load %arg8[%swap3A_1891, %swap3A_1892, %swap3A_1893] {strides = array<i32>} : memref<6x104x128xf32, #tpu.memory_space<vmem>>, vector<1x1x16xf32>,
        %swap3A_1895 = vector.shape_cast %swap3A_1894 : vector<1x1x16xf32> to vector<16xf32>
        %swap3A_1896 = vector.shape_cast %add3A_1889 : vector<16xf32> to vector<1x1x16xf32>
        tpu.vector_store %arg8[%swap3A_1891, %swap3A_1892, %swap3A_1893], %swap3A_1896 {strides = array<i32>} : memref<6x104x128xf32, #tpu.memory_space<vmem>>, vector<1x1x16xf32>,
        %get3A_1897 = arith.constant 5 : i32
        %get3A_1898 = arith.index_cast %get3A_1897 : i32 to index
        %get3A_1899 = arith.index_cast %scan3A_1791 : i32 to index
        %get3A_1900 = arith.constant 80 : index
        %get3A_1901 = tpu.vector_load %arg8[%get3A_1898, %get3A_1899, %get3A_1900] {strides = array<i32>} : memref<6x104x128xf32, #tpu.memory_space<vmem>>, vector<1x1x16xf32>,
        %get3A_1902 = vector.shape_cast %get3A_1901 : vector<1x1x16xf32> to vector<16xf32>
        %mul3A_1903 = arith.constant 11.3137083 : f32
        %mul3A_1904 = vector.broadcast %mul3A_1903 : f32 to vector<16xf32>
        %mul3A_1905 = arith.mulf %get3A_1902, %mul3A_1904 : vector<16xf32>
        %get3A_1906 = arith.index_cast %add3A_1793 : i32 to index
        %get3A_1907 = arith.constant 80 : index
        %get3A_1908 = tpu.vector_load %arg7[%get3A_1906, %get3A_1907] {strides = array<i32>} : memref<200x128xf32, #tpu.memory_space<vmem>>, vector<1x16xf32>,
        %get3A_1909 = vector.shape_cast %get3A_1908 : vector<1x16xf32> to vector<16xf32>
        %add3A_1910 = arith.addf %mul3A_1905, %get3A_1909 : vector<16xf32>
        %swap3A_1911 = arith.constant 5 : i32
        %swap3A_1912 = arith.index_cast %swap3A_1911 : i32 to index
        %swap3A_1913 = arith.index_cast %scan3A_1791 : i32 to index
        %swap3A_1914 = arith.constant 80 : index
        %swap3A_1915 = tpu.vector_load %arg8[%swap3A_1912, %swap3A_1913, %swap3A_1914] {strides = array<i32>} : memref<6x104x128xf32, #tpu.memory_space<vmem>>, vector<1x1x16xf32>,
        %swap3A_1916 = vector.shape_cast %swap3A_1915 : vector<1x1x16xf32> to vector<16xf32>
        %swap3A_1917 = vector.shape_cast %add3A_1910 : vector<16xf32> to vector<1x1x16xf32>
        tpu.vector_store %arg8[%swap3A_1912, %swap3A_1913, %swap3A_1914], %swap3A_1917 {strides = array<i32>} : memref<6x104x128xf32, #tpu.memory_space<vmem>>, vector<1x1x16xf32>,
        %get3A_1918 = arith.constant 5 : i32
        %get3A_1919 = arith.index_cast %get3A_1918 : i32 to index
        %get3A_1920 = arith.index_cast %scan3A_1791 : i32 to index
        %get3A_1921 = arith.constant 96 : index
        %get3A_1922 = tpu.vector_load %arg8[%get3A_1919, %get3A_1920, %get3A_1921] {strides = array<i32>} : memref<6x104x128xf32, #tpu.memory_space<vmem>>, vector<1x1x16xf32>,
        %get3A_1923 = vector.shape_cast %get3A_1922 : vector<1x1x16xf32> to vector<16xf32>
        %mul3A_1924 = arith.constant 11.3137083 : f32
        %mul3A_1925 = vector.broadcast %mul3A_1924 : f32 to vector<16xf32>
        %mul3A_1926 = arith.mulf %get3A_1923, %mul3A_1925 : vector<16xf32>
        %get3A_1927 = arith.index_cast %add3A_1793 : i32 to index
        %get3A_1928 = arith.constant 96 : index
        %get3A_1929 = tpu.vector_load %arg7[%get3A_1927, %get3A_1928] {strides = array<i32>} : memref<200x128xf32, #tpu.memory_space<vmem>>, vector<1x16xf32>,
        %get3A_1930 = vector.shape_cast %get3A_1929 : vector<1x16xf32> to vector<16xf32>
        %add3A_1931 = arith.addf %mul3A_1926, %get3A_1930 : vector<16xf32>
        %swap3A_1932 = arith.constant 5 : i32
        %swap3A_1933 = arith.index_cast %swap3A_1932 : i32 to index
        %swap3A_1934 = arith.index_cast %scan3A_1791 : i32 to index
        %swap3A_1935 = arith.constant 96 : index
        %swap3A_1936 = tpu.vector_load %arg8[%swap3A_1933, %swap3A_1934, %swap3A_1935] {strides = array<i32>} : memref<6x104x128xf32, #tpu.memory_space<vmem>>, vector<1x1x16xf32>,
        %swap3A_1937 = vector.shape_cast %swap3A_1936 : vector<1x1x16xf32> to vector<16xf32>
        %swap3A_1938 = vector.shape_cast %add3A_1931 : vector<16xf32> to vector<1x1x16xf32>
        tpu.vector_store %arg8[%swap3A_1933, %swap3A_1934, %swap3A_1935], %swap3A_1938 {strides = array<i32>} : memref<6x104x128xf32, #tpu.memory_space<vmem>>, vector<1x1x16xf32>,
        %get3A_1939 = arith.constant 5 : i32
        %get3A_1940 = arith.index_cast %get3A_1939 : i32 to index
        %get3A_1941 = arith.index_cast %scan3A_1791 : i32 to index
        %get3A_1942 = arith.constant 112 : index
        %get3A_1943 = tpu.vector_load %arg8[%get3A_1940, %get3A_1941, %get3A_1942] {strides = array<i32>} : memref<6x104x128xf32, #tpu.memory_space<vmem>>, vector<1x1x16xf32>,
        %get3A_1944 = vector.shape_cast %get3A_1943 : vector<1x1x16xf32> to vector<16xf32>
        %mul3A_1945 = arith.constant 11.3137083 : f32
        %mul3A_1946 = vector.broadcast %mul3A_1945 : f32 to vector<16xf32>
        %mul3A_1947 = arith.mulf %get3A_1944, %mul3A_1946 : vector<16xf32>
        %get3A_1948 = arith.index_cast %add3A_1793 : i32 to index
        %get3A_1949 = arith.constant 112 : index
        %get3A_1950 = tpu.vector_load %arg7[%get3A_1948, %get3A_1949] {strides = array<i32>} : memref<200x128xf32, #tpu.memory_space<vmem>>, vector<1x16xf32>,
        %get3A_1951 = vector.shape_cast %get3A_1950 : vector<1x16xf32> to vector<16xf32>
        %add3A_1952 = arith.addf %mul3A_1947, %get3A_1951 : vector<16xf32>
        %swap3A_1953 = arith.constant 5 : i32
        %swap3A_1954 = arith.index_cast %swap3A_1953 : i32 to index
        %swap3A_1955 = arith.index_cast %scan3A_1791 : i32 to index
        %swap3A_1956 = arith.constant 112 : index
        %swap3A_1957 = tpu.vector_load %arg8[%swap3A_1954, %swap3A_1955, %swap3A_1956] {strides = array<i32>} : memref<6x104x128xf32, #tpu.memory_space<vmem>>, vector<1x1x16xf32>,
        %swap3A_1958 = vector.shape_cast %swap3A_1957 : vector<1x1x16xf32> to vector<16xf32>
        %swap3A_1959 = vector.shape_cast %add3A_1952 : vector<16xf32> to vector<1x1x16xf32>
        tpu.vector_store %arg8[%swap3A_1954, %swap3A_1955, %swap3A_1956], %swap3A_1959 {strides = array<i32>} : memref<6x104x128xf32, #tpu.memory_space<vmem>>, vector<1x1x16xf32>,
      }
      %scan3A_1744 = arith.constant 96 : i32
      %jit3A_1745 = arith.constant 2 : i32
      %div3A_1746 = arith.divsi %add3A_1612, %jit3A_1745 : i32
      %sign3A_1747 = arith.constant 0 : i32
      %sign3A_1748 = arith.cmpi sgt, %add3A_1612, %sign3A_1747 : i32
      %sign3A_1749 = arith.extui %sign3A_1748 : i1 to i32
      %sign3A_1750 = arith.constant 0 : i32
      %sign3A_1751 = arith.cmpi slt, %add3A_1612, %sign3A_1750 : i32
      %sign3A_1752 = arith.extui %sign3A_1751 : i1 to i32
      %sign3A_1753 = arith.subi %sign3A_1749, %sign3A_1752 : i32
      %sign3A_1754 = arith.constant 0 : i32
      %sign3A_1755 = arith.cmpi sgt, %jit3A_1745, %sign3A_1754 : i32
      %sign3A_1756 = arith.extui %sign3A_1755 : i1 to i32
      %sign3A_1757 = arith.constant 0 : i32
      %sign3A_1758 = arith.cmpi slt, %jit3A_1745, %sign3A_1757 : i32
      %sign3A_1759 = arith.extui %sign3A_1758 : i1 to i32
      %sign3A_1760 = arith.subi %sign3A_1756, %sign3A_1759 : i32
      %ne3A_1761 = arith.cmpi ne, %sign3A_1753, %sign3A_1760 : i32
      %rem3A_1762 = arith.remsi %add3A_1612, %jit3A_1745 : i32
      %ne3A_1763 = arith.constant 0 : i32
      %ne3A_1764 = arith.cmpi ne, %rem3A_1762, %ne3A_1763 : i32
      %and3A_1765 = arith.andi %ne3A_1761, %ne3A_1764 : i1
      %sub3A_1766 = arith.constant 1 : i32
      %sub3A_1767 = arith.subi %div3A_1746, %sub3A_1766 : i32
      %select_n3A_1768 = arith.select %and3A_1765, %sub3A_1767, %div3A_1746 : i32
      %mul3A_1769 = arith.constant 200 : i32
      %mul3A_1770 = arith.muli %select_n3A_1768, %mul3A_1769 : i32
      %add3A_1771 = arith.constant 104 : i32
      %add3A_1772 = arith.addi %mul3A_1770, %add3A_1771 : i32
      %add3A_1773 = arith.addi %mul3A_2, %select_n3A_1768 : i32
      %dma_start3A_1774 = arith.constant 5 : i32
      %dma_start3A_1775 = arith.constant 0 : i32
      %dma_start3A_1776 = arith.constant 0 : i32
      %dma_start3A_1777 = tpu.memref_slice %arg8[%dma_start3A_1774, %dma_start3A_1775, %dma_start3A_1776] : memref<6x104x128xf32, #tpu.memory_space<vmem>> -> memref<1x96x128xf32, #tpu.memory_space<vmem>>
      %dma_start3A_1778 = tpu.memref_squeeze %dma_start3A_1777 : memref<1x96x128xf32, #tpu.memory_space<vmem>> -> memref<96x128xf32, #tpu.memory_space<vmem>>
      %dma_start3A_1779 = arith.constant 104 : i32
      %dma_start3A_1780 = arith.constant 0 : i32
      %dma_start3A_1781 = tpu.memref_slice %arg5[%add3A_1773, %dma_start3A_1779, %dma_start3A_1780] : memref<1024x200x128xf32, #tpu.memory_space<hbm>> -> memref<1x96x128xf32, #tpu.memory_space<hbm>>
      %dma_start3A_1782 = tpu.memref_squeeze %dma_start3A_1781 : memref<1x96x128xf32, #tpu.memory_space<hbm>> -> memref<96x128xf32, #tpu.memory_space<hbm>>
      %dma_start3A_1783 = arith.constant 104 : i32
      %dma_start3A_1784 = arith.constant 0 : i32
      %dma_start3A_1785 = tpu.memref_slice %arg5[%add3A_1773, %dma_start3A_1783, %dma_start3A_1784] : memref<1024x200x128xf32, #tpu.memory_space<hbm>> -> memref<1x96x128xf32, #tpu.memory_space<hbm>>
      %dma_start3A_1786 = tpu.memref_squeeze %dma_start3A_1785 : memref<1x96x128xf32, #tpu.memory_space<hbm>> -> memref<96x128xf32, #tpu.memory_space<hbm>>
      %dma_start3A_1787 = arith.constant 0 : i32
      %dma_start3A_1788 = arith.constant 0 : i32
      %dma_start3A_1789 = tpu.memref_slice %arg8[%dma_start3A_1774, %dma_start3A_1787, %dma_start3A_1788] : memref<6x104x128xf32, #tpu.memory_space<vmem>> -> memref<1x96x128xf32, #tpu.memory_space<vmem>>
      %dma_start3A_1790 = tpu.memref_squeeze %dma_start3A_1789 : memref<1x96x128xf32, #tpu.memory_space<vmem>> -> memref<96x128xf32, #tpu.memory_space<vmem>>
      tpu.enqueue_dma source(%dma_start3A_1790 : memref<96x128xf32, #tpu.memory_space<vmem>>) target(%dma_start3A_1786 : memref<96x128xf32, #tpu.memory_space<hbm>>) target_semaphore(%arg20 : memref<!tpu.dma_semaphore, #tpu.memory_space<semaphore_mem>>)
    }
    %scan3A_443 = arith.constant 9 : i32
    %add3A_444 = arith.constant 29 : i32
    %add3A_445 = arith.addi %mul3A_2, %add3A_444 : i32
    %dma_wait3A_446 = arith.constant 4 : i32
    %dma_wait3A_447 = arith.constant 0 : i32
    %dma_wait3A_448 = arith.constant 0 : i32
    %dma_wait3A_449 = tpu.memref_slice %arg8[%dma_wait3A_446, %dma_wait3A_447, %dma_wait3A_448] : memref<6x104x128xf32, #tpu.memory_space<vmem>> -> memref<1x104x128xf32, #tpu.memory_space<vmem>>
    %dma_wait3A_450 = tpu.memref_squeeze %dma_wait3A_449 : memref<1x104x128xf32, #tpu.memory_space<vmem>> -> memref<104x128xf32, #tpu.memory_space<vmem>>
    %dma_wait3A_451 = arith.constant 0 : i32
    %dma_wait3A_452 = arith.constant 0 : i32
    %dma_wait3A_453 = tpu.memref_slice %arg5[%add3A_445, %dma_wait3A_451, %dma_wait3A_452] : memref<1024x200x128xf32, #tpu.memory_space<hbm>> -> memref<1x104x128xf32, #tpu.memory_space<hbm>>
    %dma_wait3A_454 = tpu.memref_squeeze %dma_wait3A_453 : memref<1x104x128xf32, #tpu.memory_space<hbm>> -> memref<104x128xf32, #tpu.memory_space<hbm>>
    %dma_wait3A_455 = arith.constant 0 : i32
    %dma_wait3A_456 = arith.constant 0 : i32
    %dma_wait3A_457 = tpu.memref_slice %arg5[%add3A_445, %dma_wait3A_455, %dma_wait3A_456] : memref<1024x200x128xf32, #tpu.memory_space<hbm>> -> memref<1x104x128xf32, #tpu.memory_space<hbm>>
    %dma_wait3A_458 = tpu.memref_squeeze %dma_wait3A_457 : memref<1x104x128xf32, #tpu.memory_space<hbm>> -> memref<104x128xf32, #tpu.memory_space<hbm>>
    %dma_wait3A_459 = arith.constant 0 : i32
    %dma_wait3A_460 = arith.constant 0 : i32
    %dma_wait3A_461 = tpu.memref_slice %arg8[%dma_wait3A_446, %dma_wait3A_459, %dma_wait3A_460] : memref<6x104x128xf32, #tpu.memory_space<vmem>> -> memref<1x104x128xf32, #tpu.memory_space<vmem>>
    %dma_wait3A_462 = tpu.memref_squeeze %dma_wait3A_461 : memref<1x104x128xf32, #tpu.memory_space<vmem>> -> memref<104x128xf32, #tpu.memory_space<vmem>>
    tpu.wait_dma2 semaphore(%arg19 : memref<!tpu.dma_semaphore, #tpu.memory_space<semaphore_mem>>) src(%dma_wait3A_462 : memref<104x128xf32, #tpu.memory_space<vmem>>) dst(%dma_wait3A_458 : memref<104x128xf32, #tpu.memory_space<hbm>>)
    %add3A_463 = arith.constant 30 : i32
    %add3A_464 = arith.addi %mul3A_2, %add3A_463 : i32
    %dma_wait3A_465 = arith.constant 0 : i32
    %dma_wait3A_466 = arith.constant 0 : i32
    %dma_wait3A_467 = arith.constant 0 : i32
    %dma_wait3A_468 = tpu.memref_slice %arg8[%dma_wait3A_465, %dma_wait3A_466, %dma_wait3A_467] : memref<6x104x128xf32, #tpu.memory_space<vmem>> -> memref<1x104x128xf32, #tpu.memory_space<vmem>>
    %dma_wait3A_469 = tpu.memref_squeeze %dma_wait3A_468 : memref<1x104x128xf32, #tpu.memory_space<vmem>> -> memref<104x128xf32, #tpu.memory_space<vmem>>
    %dma_wait3A_470 = arith.constant 6000 : i32
    %dma_wait3A_471 = tpu.memref_slice %arg6[%dma_wait3A_470] : memref<6400xi32, #tpu.memory_space<vmem>> -> memref<104xi32, #tpu.memory_space<vmem>>
    %dma_wait3A_472 = arith.constant 0 : i32
    %dma_wait3A_473 = arith.constant 0 : i32
    %dma_wait3A_474 = tpu.memref_slice %arg3[%dma_wait3A_472, %dma_wait3A_473] : memref<100000x128xf32, #tpu.memory_space<hbm>> -> memref<100000x128xf32, #tpu.memory_space<hbm>>
    tpu.wait_indirect_dma semaphore(%arg9 : memref<!tpu.dma_semaphore, #tpu.memory_space<semaphore_mem>>) src(%dma_wait3A_474 : memref<100000x128xf32, #tpu.memory_space<hbm>>) dst(%dma_wait3A_469 : memref<104x128xf32, #tpu.memory_space<vmem>>)
    %scan3A_475 = arith.constant 0 : i32
    %scan3A_476 = arith.constant 0 : i32
    %scan3A_477 = arith.constant 104 : i32
    %scan3A_478 = arith.addi %scan3A_476, %scan3A_477 : i32
    %scan3A_479 = arith.constant 1 : i32
    scf.for %scan3A_706 = %scan3A_476 to %scan3A_478 step %scan3A_479  : i32 {
      %add3A_707 = arith.constant 0 : i32
      %add3A_708 = arith.addi %scan3A_706, %add3A_707 : i32
      %get3A = arith.constant 0 : i32
      %get3A_709 = arith.index_cast %get3A : i32 to index
      %get3A_710 = arith.index_cast %scan3A_706 : i32 to index
      %get3A_711 = arith.constant 0 : index
      %get3A_712 = tpu.vector_load %arg8[%get3A_709, %get3A_710, %get3A_711] {strides = array<i32>} : memref<6x104x128xf32, #tpu.memory_space<vmem>>, vector<1x1x16xf32>,
      %get3A_713 = vector.shape_cast %get3A_712 : vector<1x1x16xf32> to vector<16xf32>
      %mul3A_714 = arith.constant 11.3137083 : f32
      %mul3A_715 = vector.broadcast %mul3A_714 : f32 to vector<16xf32>
      %mul3A_716 = arith.mulf %get3A_713, %mul3A_715 : vector<16xf32>
      %get3A_717 = arith.index_cast %add3A_708 : i32 to index
      %get3A_718 = arith.constant 0 : index
      %get3A_719 = tpu.vector_load %arg7[%get3A_717, %get3A_718] {strides = array<i32>} : memref<200x128xf32, #tpu.memory_space<vmem>>, vector<1x16xf32>,
      %get3A_720 = vector.shape_cast %get3A_719 : vector<1x16xf32> to vector<16xf32>
      %add3A_721 = arith.addf %mul3A_716, %get3A_720 : vector<16xf32>
      %swap3A = arith.constant 0 : i32
      %swap3A_722 = arith.index_cast %swap3A : i32 to index
      %swap3A_723 = arith.index_cast %scan3A_706 : i32 to index
      %swap3A_724 = arith.constant 0 : index
      %swap3A_725 = tpu.vector_load %arg8[%swap3A_722, %swap3A_723, %swap3A_724] {strides = array<i32>} : memref<6x104x128xf32, #tpu.memory_space<vmem>>, vector<1x1x16xf32>,
      %swap3A_726 = vector.shape_cast %swap3A_725 : vector<1x1x16xf32> to vector<16xf32>
      %swap3A_727 = vector.shape_cast %add3A_721 : vector<16xf32> to vector<1x1x16xf32>
      tpu.vector_store %arg8[%swap3A_722, %swap3A_723, %swap3A_724], %swap3A_727 {strides = array<i32>} : memref<6x104x128xf32, #tpu.memory_space<vmem>>, vector<1x1x16xf32>,
      %get3A_728 = arith.constant 0 : i32
      %get3A_729 = arith.index_cast %get3A_728 : i32 to index
      %get3A_730 = arith.index_cast %scan3A_706 : i32 to index
      %get3A_731 = arith.constant 16 : index
      %get3A_732 = tpu.vector_load %arg8[%get3A_729, %get3A_730, %get3A_731] {strides = array<i32>} : memref<6x104x128xf32, #tpu.memory_space<vmem>>, vector<1x1x16xf32>,
      %get3A_733 = vector.shape_cast %get3A_732 : vector<1x1x16xf32> to vector<16xf32>
      %mul3A_734 = arith.constant 11.3137083 : f32
      %mul3A_735 = vector.broadcast %mul3A_734 : f32 to vector<16xf32>
      %mul3A_736 = arith.mulf %get3A_733, %mul3A_735 : vector<16xf32>
      %get3A_737 = arith.index_cast %add3A_708 : i32 to index
      %get3A_738 = arith.constant 16 : index
      %get3A_739 = tpu.vector_load %arg7[%get3A_737, %get3A_738] {strides = array<i32>} : memref<200x128xf32, #tpu.memory_space<vmem>>, vector<1x16xf32>,
      %get3A_740 = vector.shape_cast %get3A_739 : vector<1x16xf32> to vector<16xf32>
      %add3A_741 = arith.addf %mul3A_736, %get3A_740 : vector<16xf32>
      %swap3A_742 = arith.constant 0 : i32
      %swap3A_743 = arith.index_cast %swap3A_742 : i32 to index
      %swap3A_744 = arith.index_cast %scan3A_706 : i32 to index
      %swap3A_745 = arith.constant 16 : index
      %swap3A_746 = tpu.vector_load %arg8[%swap3A_743, %swap3A_744, %swap3A_745] {strides = array<i32>} : memref<6x104x128xf32, #tpu.memory_space<vmem>>, vector<1x1x16xf32>,
      %swap3A_747 = vector.shape_cast %swap3A_746 : vector<1x1x16xf32> to vector<16xf32>
      %swap3A_748 = vector.shape_cast %add3A_741 : vector<16xf32> to vector<1x1x16xf32>
      tpu.vector_store %arg8[%swap3A_743, %swap3A_744, %swap3A_745], %swap3A_748 {strides = array<i32>} : memref<6x104x128xf32, #tpu.memory_space<vmem>>, vector<1x1x16xf32>,
      %get3A_749 = arith.constant 0 : i32
      %get3A_750 = arith.index_cast %get3A_749 : i32 to index
      %get3A_751 = arith.index_cast %scan3A_706 : i32 to index
      %get3A_752 = arith.constant 32 : index
      %get3A_753 = tpu.vector_load %arg8[%get3A_750, %get3A_751, %get3A_752] {strides = array<i32>} : memref<6x104x128xf32, #tpu.memory_space<vmem>>, vector<1x1x16xf32>,
      %get3A_754 = vector.shape_cast %get3A_753 : vector<1x1x16xf32> to vector<16xf32>
      %mul3A_755 = arith.constant 11.3137083 : f32
      %mul3A_756 = vector.broadcast %mul3A_755 : f32 to vector<16xf32>
      %mul3A_757 = arith.mulf %get3A_754, %mul3A_756 : vector<16xf32>
      %get3A_758 = arith.index_cast %add3A_708 : i32 to index
      %get3A_759 = arith.constant 32 : index
      %get3A_760 = tpu.vector_load %arg7[%get3A_758, %get3A_759] {strides = array<i32>} : memref<200x128xf32, #tpu.memory_space<vmem>>, vector<1x16xf32>,
      %get3A_761 = vector.shape_cast %get3A_760 : vector<1x16xf32> to vector<16xf32>
      %add3A_762 = arith.addf %mul3A_757, %get3A_761 : vector<16xf32>
      %swap3A_763 = arith.constant 0 : i32
      %swap3A_764 = arith.index_cast %swap3A_763 : i32 to index
      %swap3A_765 = arith.index_cast %scan3A_706 : i32 to index
      %swap3A_766 = arith.constant 32 : index
      %swap3A_767 = tpu.vector_load %arg8[%swap3A_764, %swap3A_765, %swap3A_766] {strides = array<i32>} : memref<6x104x128xf32, #tpu.memory_space<vmem>>, vector<1x1x16xf32>,
      %swap3A_768 = vector.shape_cast %swap3A_767 : vector<1x1x16xf32> to vector<16xf32>
      %swap3A_769 = vector.shape_cast %add3A_762 : vector<16xf32> to vector<1x1x16xf32>
      tpu.vector_store %arg8[%swap3A_764, %swap3A_765, %swap3A_766], %swap3A_769 {strides = array<i32>} : memref<6x104x128xf32, #tpu.memory_space<vmem>>, vector<1x1x16xf32>,
      %get3A_770 = arith.constant 0 : i32
      %get3A_771 = arith.index_cast %get3A_770 : i32 to index
      %get3A_772 = arith.index_cast %scan3A_706 : i32 to index
      %get3A_773 = arith.constant 48 : index
      %get3A_774 = tpu.vector_load %arg8[%get3A_771, %get3A_772, %get3A_773] {strides = array<i32>} : memref<6x104x128xf32, #tpu.memory_space<vmem>>, vector<1x1x16xf32>,
      %get3A_775 = vector.shape_cast %get3A_774 : vector<1x1x16xf32> to vector<16xf32>
      %mul3A_776 = arith.constant 11.3137083 : f32
      %mul3A_777 = vector.broadcast %mul3A_776 : f32 to vector<16xf32>
      %mul3A_778 = arith.mulf %get3A_775, %mul3A_777 : vector<16xf32>
      %get3A_779 = arith.index_cast %add3A_708 : i32 to index
      %get3A_780 = arith.constant 48 : index
      %get3A_781 = tpu.vector_load %arg7[%get3A_779, %get3A_780] {strides = array<i32>} : memref<200x128xf32, #tpu.memory_space<vmem>>, vector<1x16xf32>,
      %get3A_782 = vector.shape_cast %get3A_781 : vector<1x16xf32> to vector<16xf32>
      %add3A_783 = arith.addf %mul3A_778, %get3A_782 : vector<16xf32>
      %swap3A_784 = arith.constant 0 : i32
      %swap3A_785 = arith.index_cast %swap3A_784 : i32 to index
      %swap3A_786 = arith.index_cast %scan3A_706 : i32 to index
      %swap3A_787 = arith.constant 48 : index
      %swap3A_788 = tpu.vector_load %arg8[%swap3A_785, %swap3A_786, %swap3A_787] {strides = array<i32>} : memref<6x104x128xf32, #tpu.memory_space<vmem>>, vector<1x1x16xf32>,
      %swap3A_789 = vector.shape_cast %swap3A_788 : vector<1x1x16xf32> to vector<16xf32>
      %swap3A_790 = vector.shape_cast %add3A_783 : vector<16xf32> to vector<1x1x16xf32>
      tpu.vector_store %arg8[%swap3A_785, %swap3A_786, %swap3A_787], %swap3A_790 {strides = array<i32>} : memref<6x104x128xf32, #tpu.memory_space<vmem>>, vector<1x1x16xf32>,
      %get3A_791 = arith.constant 0 : i32
      %get3A_792 = arith.index_cast %get3A_791 : i32 to index
      %get3A_793 = arith.index_cast %scan3A_706 : i32 to index
      %get3A_794 = arith.constant 64 : index
      %get3A_795 = tpu.vector_load %arg8[%get3A_792, %get3A_793, %get3A_794] {strides = array<i32>} : memref<6x104x128xf32, #tpu.memory_space<vmem>>, vector<1x1x16xf32>,
      %get3A_796 = vector.shape_cast %get3A_795 : vector<1x1x16xf32> to vector<16xf32>
      %mul3A_797 = arith.constant 11.3137083 : f32
      %mul3A_798 = vector.broadcast %mul3A_797 : f32 to vector<16xf32>
      %mul3A_799 = arith.mulf %get3A_796, %mul3A_798 : vector<16xf32>
      %get3A_800 = arith.index_cast %add3A_708 : i32 to index
      %get3A_801 = arith.constant 64 : index
      %get3A_802 = tpu.vector_load %arg7[%get3A_800, %get3A_801] {strides = array<i32>} : memref<200x128xf32, #tpu.memory_space<vmem>>, vector<1x16xf32>,
      %get3A_803 = vector.shape_cast %get3A_802 : vector<1x16xf32> to vector<16xf32>
      %add3A_804 = arith.addf %mul3A_799, %get3A_803 : vector<16xf32>
      %swap3A_805 = arith.constant 0 : i32
      %swap3A_806 = arith.index_cast %swap3A_805 : i32 to index
      %swap3A_807 = arith.index_cast %scan3A_706 : i32 to index
      %swap3A_808 = arith.constant 64 : index
      %swap3A_809 = tpu.vector_load %arg8[%swap3A_806, %swap3A_807, %swap3A_808] {strides = array<i32>} : memref<6x104x128xf32, #tpu.memory_space<vmem>>, vector<1x1x16xf32>,
      %swap3A_810 = vector.shape_cast %swap3A_809 : vector<1x1x16xf32> to vector<16xf32>
      %swap3A_811 = vector.shape_cast %add3A_804 : vector<16xf32> to vector<1x1x16xf32>
      tpu.vector_store %arg8[%swap3A_806, %swap3A_807, %swap3A_808], %swap3A_811 {strides = array<i32>} : memref<6x104x128xf32, #tpu.memory_space<vmem>>, vector<1x1x16xf32>,
      %get3A_812 = arith.constant 0 : i32
      %get3A_813 = arith.index_cast %get3A_812 : i32 to index
      %get3A_814 = arith.index_cast %scan3A_706 : i32 to index
      %get3A_815 = arith.constant 80 : index
      %get3A_816 = tpu.vector_load %arg8[%get3A_813, %get3A_814, %get3A_815] {strides = array<i32>} : memref<6x104x128xf32, #tpu.memory_space<vmem>>, vector<1x1x16xf32>,
      %get3A_817 = vector.shape_cast %get3A_816 : vector<1x1x16xf32> to vector<16xf32>
      %mul3A_818 = arith.constant 11.3137083 : f32
      %mul3A_819 = vector.broadcast %mul3A_818 : f32 to vector<16xf32>
      %mul3A_820 = arith.mulf %get3A_817, %mul3A_819 : vector<16xf32>
      %get3A_821 = arith.index_cast %add3A_708 : i32 to index
      %get3A_822 = arith.constant 80 : index
      %get3A_823 = tpu.vector_load %arg7[%get3A_821, %get3A_822] {strides = array<i32>} : memref<200x128xf32, #tpu.memory_space<vmem>>, vector<1x16xf32>,
      %get3A_824 = vector.shape_cast %get3A_823 : vector<1x16xf32> to vector<16xf32>
      %add3A_825 = arith.addf %mul3A_820, %get3A_824 : vector<16xf32>
      %swap3A_826 = arith.constant 0 : i32
      %swap3A_827 = arith.index_cast %swap3A_826 : i32 to index
      %swap3A_828 = arith.index_cast %scan3A_706 : i32 to index
      %swap3A_829 = arith.constant 80 : index
      %swap3A_830 = tpu.vector_load %arg8[%swap3A_827, %swap3A_828, %swap3A_829] {strides = array<i32>} : memref<6x104x128xf32, #tpu.memory_space<vmem>>, vector<1x1x16xf32>,
      %swap3A_831 = vector.shape_cast %swap3A_830 : vector<1x1x16xf32> to vector<16xf32>
      %swap3A_832 = vector.shape_cast %add3A_825 : vector<16xf32> to vector<1x1x16xf32>
      tpu.vector_store %arg8[%swap3A_827, %swap3A_828, %swap3A_829], %swap3A_832 {strides = array<i32>} : memref<6x104x128xf32, #tpu.memory_space<vmem>>, vector<1x1x16xf32>,
      %get3A_833 = arith.constant 0 : i32
      %get3A_834 = arith.index_cast %get3A_833 : i32 to index
      %get3A_835 = arith.index_cast %scan3A_706 : i32 to index
      %get3A_836 = arith.constant 96 : index
      %get3A_837 = tpu.vector_load %arg8[%get3A_834, %get3A_835, %get3A_836] {strides = array<i32>} : memref<6x104x128xf32, #tpu.memory_space<vmem>>, vector<1x1x16xf32>,
      %get3A_838 = vector.shape_cast %get3A_837 : vector<1x1x16xf32> to vector<16xf32>
      %mul3A_839 = arith.constant 11.3137083 : f32
      %mul3A_840 = vector.broadcast %mul3A_839 : f32 to vector<16xf32>
      %mul3A_841 = arith.mulf %get3A_838, %mul3A_840 : vector<16xf32>
      %get3A_842 = arith.index_cast %add3A_708 : i32 to index
      %get3A_843 = arith.constant 96 : index
      %get3A_844 = tpu.vector_load %arg7[%get3A_842, %get3A_843] {strides = array<i32>} : memref<200x128xf32, #tpu.memory_space<vmem>>, vector<1x16xf32>,
      %get3A_845 = vector.shape_cast %get3A_844 : vector<1x16xf32> to vector<16xf32>
      %add3A_846 = arith.addf %mul3A_841, %get3A_845 : vector<16xf32>
      %swap3A_847 = arith.constant 0 : i32
      %swap3A_848 = arith.index_cast %swap3A_847 : i32 to index
      %swap3A_849 = arith.index_cast %scan3A_706 : i32 to index
      %swap3A_850 = arith.constant 96 : index
      %swap3A_851 = tpu.vector_load %arg8[%swap3A_848, %swap3A_849, %swap3A_850] {strides = array<i32>} : memref<6x104x128xf32, #tpu.memory_space<vmem>>, vector<1x1x16xf32>,
      %swap3A_852 = vector.shape_cast %swap3A_851 : vector<1x1x16xf32> to vector<16xf32>
      %swap3A_853 = vector.shape_cast %add3A_846 : vector<16xf32> to vector<1x1x16xf32>
      tpu.vector_store %arg8[%swap3A_848, %swap3A_849, %swap3A_850], %swap3A_853 {strides = array<i32>} : memref<6x104x128xf32, #tpu.memory_space<vmem>>, vector<1x1x16xf32>,
      %get3A_854 = arith.constant 0 : i32
      %get3A_855 = arith.index_cast %get3A_854 : i32 to index
      %get3A_856 = arith.index_cast %scan3A_706 : i32 to index
      %get3A_857 = arith.constant 112 : index
      %get3A_858 = tpu.vector_load %arg8[%get3A_855, %get3A_856, %get3A_857] {strides = array<i32>} : memref<6x104x128xf32, #tpu.memory_space<vmem>>, vector<1x1x16xf32>,
      %get3A_859 = vector.shape_cast %get3A_858 : vector<1x1x16xf32> to vector<16xf32>
      %mul3A_860 = arith.constant 11.3137083 : f32
      %mul3A_861 = vector.broadcast %mul3A_860 : f32 to vector<16xf32>
      %mul3A_862 = arith.mulf %get3A_859, %mul3A_861 : vector<16xf32>
      %get3A_863 = arith.index_cast %add3A_708 : i32 to index
      %get3A_864 = arith.constant 112 : index
      %get3A_865 = tpu.vector_load %arg7[%get3A_863, %get3A_864] {strides = array<i32>} : memref<200x128xf32, #tpu.memory_space<vmem>>, vector<1x16xf32>,
      %get3A_866 = vector.shape_cast %get3A_865 : vector<1x16xf32> to vector<16xf32>
      %add3A_867 = arith.addf %mul3A_862, %get3A_866 : vector<16xf32>
      %swap3A_868 = arith.constant 0 : i32
      %swap3A_869 = arith.index_cast %swap3A_868 : i32 to index
      %swap3A_870 = arith.index_cast %scan3A_706 : i32 to index
      %swap3A_871 = arith.constant 112 : index
      %swap3A_872 = tpu.vector_load %arg8[%swap3A_869, %swap3A_870, %swap3A_871] {strides = array<i32>} : memref<6x104x128xf32, #tpu.memory_space<vmem>>, vector<1x1x16xf32>,
      %swap3A_873 = vector.shape_cast %swap3A_872 : vector<1x1x16xf32> to vector<16xf32>
      %swap3A_874 = vector.shape_cast %add3A_867 : vector<16xf32> to vector<1x1x16xf32>
      tpu.vector_store %arg8[%swap3A_869, %swap3A_870, %swap3A_871], %swap3A_874 {strides = array<i32>} : memref<6x104x128xf32, #tpu.memory_space<vmem>>, vector<1x1x16xf32>,
    }
    %scan3A_480 = arith.constant 104 : i32
    %add3A_481 = arith.constant 30 : i32
    %add3A_482 = arith.addi %mul3A_2, %add3A_481 : i32
    %dma_start3A_483 = arith.constant 0 : i32
    %dma_start3A_484 = arith.constant 0 : i32
    %dma_start3A_485 = arith.constant 0 : i32
    %dma_start3A_486 = tpu.memref_slice %arg8[%dma_start3A_483, %dma_start3A_484, %dma_start3A_485] : memref<6x104x128xf32, #tpu.memory_space<vmem>> -> memref<1x104x128xf32, #tpu.memory_space<vmem>>
    %dma_start3A_487 = tpu.memref_squeeze %dma_start3A_486 : memref<1x104x128xf32, #tpu.memory_space<vmem>> -> memref<104x128xf32, #tpu.memory_space<vmem>>
    %dma_start3A_488 = arith.constant 0 : i32
    %dma_start3A_489 = arith.constant 0 : i32
    %dma_start3A_490 = tpu.memref_slice %arg5[%add3A_482, %dma_start3A_488, %dma_start3A_489] : memref<1024x200x128xf32, #tpu.memory_space<hbm>> -> memref<1x104x128xf32, #tpu.memory_space<hbm>>
    %dma_start3A_491 = tpu.memref_squeeze %dma_start3A_490 : memref<1x104x128xf32, #tpu.memory_space<hbm>> -> memref<104x128xf32, #tpu.memory_space<hbm>>
    %dma_start3A_492 = arith.constant 0 : i32
    %dma_start3A_493 = arith.constant 0 : i32
    %dma_start3A_494 = tpu.memref_slice %arg5[%add3A_482, %dma_start3A_492, %dma_start3A_493] : memref<1024x200x128xf32, #tpu.memory_space<hbm>> -> memref<1x104x128xf32, #tpu.memory_space<hbm>>
    %dma_start3A_495 = tpu.memref_squeeze %dma_start3A_494 : memref<1x104x128xf32, #tpu.memory_space<hbm>> -> memref<104x128xf32, #tpu.memory_space<hbm>>
    %dma_start3A_496 = arith.constant 0 : i32
    %dma_start3A_497 = arith.constant 0 : i32
    %dma_start3A_498 = tpu.memref_slice %arg8[%dma_start3A_483, %dma_start3A_496, %dma_start3A_497] : memref<6x104x128xf32, #tpu.memory_space<vmem>> -> memref<1x104x128xf32, #tpu.memory_space<vmem>>
    %dma_start3A_499 = tpu.memref_squeeze %dma_start3A_498 : memref<1x104x128xf32, #tpu.memory_space<vmem>> -> memref<104x128xf32, #tpu.memory_space<vmem>>
    tpu.enqueue_dma source(%dma_start3A_499 : memref<104x128xf32, #tpu.memory_space<vmem>>) target(%dma_start3A_495 : memref<104x128xf32, #tpu.memory_space<hbm>>) target_semaphore(%arg15 : memref<!tpu.dma_semaphore, #tpu.memory_space<semaphore_mem>>)
    %add3A_500 = arith.constant 29 : i32
    %add3A_501 = arith.addi %mul3A_2, %add3A_500 : i32
    %dma_wait3A_502 = arith.constant 5 : i32
    %dma_wait3A_503 = arith.constant 0 : i32
    %dma_wait3A_504 = arith.constant 0 : i32
    %dma_wait3A_505 = tpu.memref_slice %arg8[%dma_wait3A_502, %dma_wait3A_503, %dma_wait3A_504] : memref<6x104x128xf32, #tpu.memory_space<vmem>> -> memref<1x96x128xf32, #tpu.memory_space<vmem>>
    %dma_wait3A_506 = tpu.memref_squeeze %dma_wait3A_505 : memref<1x96x128xf32, #tpu.memory_space<vmem>> -> memref<96x128xf32, #tpu.memory_space<vmem>>
    %dma_wait3A_507 = arith.constant 104 : i32
    %dma_wait3A_508 = arith.constant 0 : i32
    %dma_wait3A_509 = tpu.memref_slice %arg5[%add3A_501, %dma_wait3A_507, %dma_wait3A_508] : memref<1024x200x128xf32, #tpu.memory_space<hbm>> -> memref<1x96x128xf32, #tpu.memory_space<hbm>>
    %dma_wait3A_510 = tpu.memref_squeeze %dma_wait3A_509 : memref<1x96x128xf32, #tpu.memory_space<hbm>> -> memref<96x128xf32, #tpu.memory_space<hbm>>
    %dma_wait3A_511 = arith.constant 104 : i32
    %dma_wait3A_512 = arith.constant 0 : i32
    %dma_wait3A_513 = tpu.memref_slice %arg5[%add3A_501, %dma_wait3A_511, %dma_wait3A_512] : memref<1024x200x128xf32, #tpu.memory_space<hbm>> -> memref<1x96x128xf32, #tpu.memory_space<hbm>>
    %dma_wait3A_514 = tpu.memref_squeeze %dma_wait3A_513 : memref<1x96x128xf32, #tpu.memory_space<hbm>> -> memref<96x128xf32, #tpu.memory_space<hbm>>
    %dma_wait3A_515 = arith.constant 0 : i32
    %dma_wait3A_516 = arith.constant 0 : i32
    %dma_wait3A_517 = tpu.memref_slice %arg8[%dma_wait3A_502, %dma_wait3A_515, %dma_wait3A_516] : memref<6x104x128xf32, #tpu.memory_space<vmem>> -> memref<1x96x128xf32, #tpu.memory_space<vmem>>
    %dma_wait3A_518 = tpu.memref_squeeze %dma_wait3A_517 : memref<1x96x128xf32, #tpu.memory_space<vmem>> -> memref<96x128xf32, #tpu.memory_space<vmem>>
    tpu.wait_dma2 semaphore(%arg20 : memref<!tpu.dma_semaphore, #tpu.memory_space<semaphore_mem>>) src(%dma_wait3A_518 : memref<96x128xf32, #tpu.memory_space<vmem>>) dst(%dma_wait3A_514 : memref<96x128xf32, #tpu.memory_space<hbm>>)
    %add3A_519 = arith.constant 30 : i32
    %add3A_520 = arith.addi %mul3A_2, %add3A_519 : i32
    %dma_wait3A_521 = arith.constant 1 : i32
    %dma_wait3A_522 = arith.constant 0 : i32
    %dma_wait3A_523 = arith.constant 0 : i32
    %dma_wait3A_524 = tpu.memref_slice %arg8[%dma_wait3A_521, %dma_wait3A_522, %dma_wait3A_523] : memref<6x104x128xf32, #tpu.memory_space<vmem>> -> memref<1x96x128xf32, #tpu.memory_space<vmem>>
    %dma_wait3A_525 = tpu.memref_squeeze %dma_wait3A_524 : memref<1x96x128xf32, #tpu.memory_space<vmem>> -> memref<96x128xf32, #tpu.memory_space<vmem>>
    %dma_wait3A_526 = arith.constant 6104 : i32
    %dma_wait3A_527 = tpu.memref_slice %arg6[%dma_wait3A_526] : memref<6400xi32, #tpu.memory_space<vmem>> -> memref<96xi32, #tpu.memory_space<vmem>>
    %dma_wait3A_528 = arith.constant 0 : i32
    %dma_wait3A_529 = arith.constant 0 : i32
    %dma_wait3A_530 = tpu.memref_slice %arg3[%dma_wait3A_528, %dma_wait3A_529] : memref<100000x128xf32, #tpu.memory_space<hbm>> -> memref<100000x128xf32, #tpu.memory_space<hbm>>
    tpu.wait_indirect_dma semaphore(%arg10 : memref<!tpu.dma_semaphore, #tpu.memory_space<semaphore_mem>>) src(%dma_wait3A_530 : memref<100000x128xf32, #tpu.memory_space<hbm>>) dst(%dma_wait3A_525 : memref<96x128xf32, #tpu.memory_space<vmem>>)
    %scan3A_531 = arith.constant 0 : i32
    %scan3A_532 = arith.constant 0 : i32
    %scan3A_533 = arith.constant 96 : i32
    %scan3A_534 = arith.addi %scan3A_532, %scan3A_533 : i32
    %scan3A_535 = arith.constant 1 : i32
    scf.for %scan3A_706 = %scan3A_532 to %scan3A_534 step %scan3A_535  : i32 {
      %add3A_707 = arith.constant 104 : i32
      %add3A_708 = arith.addi %scan3A_706, %add3A_707 : i32
      %get3A = arith.constant 1 : i32
      %get3A_709 = arith.index_cast %get3A : i32 to index
      %get3A_710 = arith.index_cast %scan3A_706 : i32 to index
      %get3A_711 = arith.constant 0 : index
      %get3A_712 = tpu.vector_load %arg8[%get3A_709, %get3A_710, %get3A_711] {strides = array<i32>} : memref<6x104x128xf32, #tpu.memory_space<vmem>>, vector<1x1x16xf32>,
      %get3A_713 = vector.shape_cast %get3A_712 : vector<1x1x16xf32> to vector<16xf32>
      %mul3A_714 = arith.constant 11.3137083 : f32
      %mul3A_715 = vector.broadcast %mul3A_714 : f32 to vector<16xf32>
      %mul3A_716 = arith.mulf %get3A_713, %mul3A_715 : vector<16xf32>
      %get3A_717 = arith.index_cast %add3A_708 : i32 to index
      %get3A_718 = arith.constant 0 : index
      %get3A_719 = tpu.vector_load %arg7[%get3A_717, %get3A_718] {strides = array<i32>} : memref<200x128xf32, #tpu.memory_space<vmem>>, vector<1x16xf32>,
      %get3A_720 = vector.shape_cast %get3A_719 : vector<1x16xf32> to vector<16xf32>
      %add3A_721 = arith.addf %mul3A_716, %get3A_720 : vector<16xf32>
      %swap3A = arith.constant 1 : i32
      %swap3A_722 = arith.index_cast %swap3A : i32 to index
      %swap3A_723 = arith.index_cast %scan3A_706 : i32 to index
      %swap3A_724 = arith.constant 0 : index
      %swap3A_725 = tpu.vector_load %arg8[%swap3A_722, %swap3A_723, %swap3A_724] {strides = array<i32>} : memref<6x104x128xf32, #tpu.memory_space<vmem>>, vector<1x1x16xf32>,
      %swap3A_726 = vector.shape_cast %swap3A_725 : vector<1x1x16xf32> to vector<16xf32>
      %swap3A_727 = vector.shape_cast %add3A_721 : vector<16xf32> to vector<1x1x16xf32>
      tpu.vector_store %arg8[%swap3A_722, %swap3A_723, %swap3A_724], %swap3A_727 {strides = array<i32>} : memref<6x104x128xf32, #tpu.memory_space<vmem>>, vector<1x1x16xf32>,
      %get3A_728 = arith.constant 1 : i32
      %get3A_729 = arith.index_cast %get3A_728 : i32 to index
      %get3A_730 = arith.index_cast %scan3A_706 : i32 to index
      %get3A_731 = arith.constant 16 : index
      %get3A_732 = tpu.vector_load %arg8[%get3A_729, %get3A_730, %get3A_731] {strides = array<i32>} : memref<6x104x128xf32, #tpu.memory_space<vmem>>, vector<1x1x16xf32>,
      %get3A_733 = vector.shape_cast %get3A_732 : vector<1x1x16xf32> to vector<16xf32>
      %mul3A_734 = arith.constant 11.3137083 : f32
      %mul3A_735 = vector.broadcast %mul3A_734 : f32 to vector<16xf32>
      %mul3A_736 = arith.mulf %get3A_733, %mul3A_735 : vector<16xf32>
      %get3A_737 = arith.index_cast %add3A_708 : i32 to index
      %get3A_738 = arith.constant 16 : index
      %get3A_739 = tpu.vector_load %arg7[%get3A_737, %get3A_738] {strides = array<i32>} : memref<200x128xf32, #tpu.memory_space<vmem>>, vector<1x16xf32>,
      %get3A_740 = vector.shape_cast %get3A_739 : vector<1x16xf32> to vector<16xf32>
      %add3A_741 = arith.addf %mul3A_736, %get3A_740 : vector<16xf32>
      %swap3A_742 = arith.constant 1 : i32
      %swap3A_743 = arith.index_cast %swap3A_742 : i32 to index
      %swap3A_744 = arith.index_cast %scan3A_706 : i32 to index
      %swap3A_745 = arith.constant 16 : index
      %swap3A_746 = tpu.vector_load %arg8[%swap3A_743, %swap3A_744, %swap3A_745] {strides = array<i32>} : memref<6x104x128xf32, #tpu.memory_space<vmem>>, vector<1x1x16xf32>,
      %swap3A_747 = vector.shape_cast %swap3A_746 : vector<1x1x16xf32> to vector<16xf32>
      %swap3A_748 = vector.shape_cast %add3A_741 : vector<16xf32> to vector<1x1x16xf32>
      tpu.vector_store %arg8[%swap3A_743, %swap3A_744, %swap3A_745], %swap3A_748 {strides = array<i32>} : memref<6x104x128xf32, #tpu.memory_space<vmem>>, vector<1x1x16xf32>,
      %get3A_749 = arith.constant 1 : i32
      %get3A_750 = arith.index_cast %get3A_749 : i32 to index
      %get3A_751 = arith.index_cast %scan3A_706 : i32 to index
      %get3A_752 = arith.constant 32 : index
      %get3A_753 = tpu.vector_load %arg8[%get3A_750, %get3A_751, %get3A_752] {strides = array<i32>} : memref<6x104x128xf32, #tpu.memory_space<vmem>>, vector<1x1x16xf32>,
      %get3A_754 = vector.shape_cast %get3A_753 : vector<1x1x16xf32> to vector<16xf32>
      %mul3A_755 = arith.constant 11.3137083 : f32
      %mul3A_756 = vector.broadcast %mul3A_755 : f32 to vector<16xf32>
      %mul3A_757 = arith.mulf %get3A_754, %mul3A_756 : vector<16xf32>
      %get3A_758 = arith.index_cast %add3A_708 : i32 to index
      %get3A_759 = arith.constant 32 : index
      %get3A_760 = tpu.vector_load %arg7[%get3A_758, %get3A_759] {strides = array<i32>} : memref<200x128xf32, #tpu.memory_space<vmem>>, vector<1x16xf32>,
      %get3A_761 = vector.shape_cast %get3A_760 : vector<1x16xf32> to vector<16xf32>
      %add3A_762 = arith.addf %mul3A_757, %get3A_761 : vector<16xf32>
      %swap3A_763 = arith.constant 1 : i32
      %swap3A_764 = arith.index_cast %swap3A_763 : i32 to index
      %swap3A_765 = arith.index_cast %scan3A_706 : i32 to index
      %swap3A_766 = arith.constant 32 : index
      %swap3A_767 = tpu.vector_load %arg8[%swap3A_764, %swap3A_765, %swap3A_766] {strides = array<i32>} : memref<6x104x128xf32, #tpu.memory_space<vmem>>, vector<1x1x16xf32>,
      %swap3A_768 = vector.shape_cast %swap3A_767 : vector<1x1x16xf32> to vector<16xf32>
      %swap3A_769 = vector.shape_cast %add3A_762 : vector<16xf32> to vector<1x1x16xf32>
      tpu.vector_store %arg8[%swap3A_764, %swap3A_765, %swap3A_766], %swap3A_769 {strides = array<i32>} : memref<6x104x128xf32, #tpu.memory_space<vmem>>, vector<1x1x16xf32>,
      %get3A_770 = arith.constant 1 : i32
      %get3A_771 = arith.index_cast %get3A_770 : i32 to index
      %get3A_772 = arith.index_cast %scan3A_706 : i32 to index
      %get3A_773 = arith.constant 48 : index
      %get3A_774 = tpu.vector_load %arg8[%get3A_771, %get3A_772, %get3A_773] {strides = array<i32>} : memref<6x104x128xf32, #tpu.memory_space<vmem>>, vector<1x1x16xf32>,
      %get3A_775 = vector.shape_cast %get3A_774 : vector<1x1x16xf32> to vector<16xf32>
      %mul3A_776 = arith.constant 11.3137083 : f32
      %mul3A_777 = vector.broadcast %mul3A_776 : f32 to vector<16xf32>
      %mul3A_778 = arith.mulf %get3A_775, %mul3A_777 : vector<16xf32>
      %get3A_779 = arith.index_cast %add3A_708 : i32 to index
      %get3A_780 = arith.constant 48 : index
      %get3A_781 = tpu.vector_load %arg7[%get3A_779, %get3A_780] {strides = array<i32>} : memref<200x128xf32, #tpu.memory_space<vmem>>, vector<1x16xf32>,
      %get3A_782 = vector.shape_cast %get3A_781 : vector<1x16xf32> to vector<16xf32>
      %add3A_783 = arith.addf %mul3A_778, %get3A_782 : vector<16xf32>
      %swap3A_784 = arith.constant 1 : i32
      %swap3A_785 = arith.index_cast %swap3A_784 : i32 to index
      %swap3A_786 = arith.index_cast %scan3A_706 : i32 to index
      %swap3A_787 = arith.constant 48 : index
      %swap3A_788 = tpu.vector_load %arg8[%swap3A_785, %swap3A_786, %swap3A_787] {strides = array<i32>} : memref<6x104x128xf32, #tpu.memory_space<vmem>>, vector<1x1x16xf32>,
      %swap3A_789 = vector.shape_cast %swap3A_788 : vector<1x1x16xf32> to vector<16xf32>
      %swap3A_790 = vector.shape_cast %add3A_783 : vector<16xf32> to vector<1x1x16xf32>
      tpu.vector_store %arg8[%swap3A_785, %swap3A_786, %swap3A_787], %swap3A_790 {strides = array<i32>} : memref<6x104x128xf32, #tpu.memory_space<vmem>>, vector<1x1x16xf32>,
      %get3A_791 = arith.constant 1 : i32
      %get3A_792 = arith.index_cast %get3A_791 : i32 to index
      %get3A_793 = arith.index_cast %scan3A_706 : i32 to index
      %get3A_794 = arith.constant 64 : index
      %get3A_795 = tpu.vector_load %arg8[%get3A_792, %get3A_793, %get3A_794] {strides = array<i32>} : memref<6x104x128xf32, #tpu.memory_space<vmem>>, vector<1x1x16xf32>,
      %get3A_796 = vector.shape_cast %get3A_795 : vector<1x1x16xf32> to vector<16xf32>
      %mul3A_797 = arith.constant 11.3137083 : f32
      %mul3A_798 = vector.broadcast %mul3A_797 : f32 to vector<16xf32>
      %mul3A_799 = arith.mulf %get3A_796, %mul3A_798 : vector<16xf32>
      %get3A_800 = arith.index_cast %add3A_708 : i32 to index
      %get3A_801 = arith.constant 64 : index
      %get3A_802 = tpu.vector_load %arg7[%get3A_800, %get3A_801] {strides = array<i32>} : memref<200x128xf32, #tpu.memory_space<vmem>>, vector<1x16xf32>,
      %get3A_803 = vector.shape_cast %get3A_802 : vector<1x16xf32> to vector<16xf32>
      %add3A_804 = arith.addf %mul3A_799, %get3A_803 : vector<16xf32>
      %swap3A_805 = arith.constant 1 : i32
      %swap3A_806 = arith.index_cast %swap3A_805 : i32 to index
      %swap3A_807 = arith.index_cast %scan3A_706 : i32 to index
      %swap3A_808 = arith.constant 64 : index
      %swap3A_809 = tpu.vector_load %arg8[%swap3A_806, %swap3A_807, %swap3A_808] {strides = array<i32>} : memref<6x104x128xf32, #tpu.memory_space<vmem>>, vector<1x1x16xf32>,
      %swap3A_810 = vector.shape_cast %swap3A_809 : vector<1x1x16xf32> to vector<16xf32>
      %swap3A_811 = vector.shape_cast %add3A_804 : vector<16xf32> to vector<1x1x16xf32>
      tpu.vector_store %arg8[%swap3A_806, %swap3A_807, %swap3A_808], %swap3A_811 {strides = array<i32>} : memref<6x104x128xf32, #tpu.memory_space<vmem>>, vector<1x1x16xf32>,
      %get3A_812 = arith.constant 1 : i32
      %get3A_813 = arith.index_cast %get3A_812 : i32 to index
      %get3A_814 = arith.index_cast %scan3A_706 : i32 to index
      %get3A_815 = arith.constant 80 : index
      %get3A_816 = tpu.vector_load %arg8[%get3A_813, %get3A_814, %get3A_815] {strides = array<i32>} : memref<6x104x128xf32, #tpu.memory_space<vmem>>, vector<1x1x16xf32>,
      %get3A_817 = vector.shape_cast %get3A_816 : vector<1x1x16xf32> to vector<16xf32>
      %mul3A_818 = arith.constant 11.3137083 : f32
      %mul3A_819 = vector.broadcast %mul3A_818 : f32 to vector<16xf32>
      %mul3A_820 = arith.mulf %get3A_817, %mul3A_819 : vector<16xf32>
      %get3A_821 = arith.index_cast %add3A_708 : i32 to index
      %get3A_822 = arith.constant 80 : index
      %get3A_823 = tpu.vector_load %arg7[%get3A_821, %get3A_822] {strides = array<i32>} : memref<200x128xf32, #tpu.memory_space<vmem>>, vector<1x16xf32>,
      %get3A_824 = vector.shape_cast %get3A_823 : vector<1x16xf32> to vector<16xf32>
      %add3A_825 = arith.addf %mul3A_820, %get3A_824 : vector<16xf32>
      %swap3A_826 = arith.constant 1 : i32
      %swap3A_827 = arith.index_cast %swap3A_826 : i32 to index
      %swap3A_828 = arith.index_cast %scan3A_706 : i32 to index
      %swap3A_829 = arith.constant 80 : index
      %swap3A_830 = tpu.vector_load %arg8[%swap3A_827, %swap3A_828, %swap3A_829] {strides = array<i32>} : memref<6x104x128xf32, #tpu.memory_space<vmem>>, vector<1x1x16xf32>,
      %swap3A_831 = vector.shape_cast %swap3A_830 : vector<1x1x16xf32> to vector<16xf32>
      %swap3A_832 = vector.shape_cast %add3A_825 : vector<16xf32> to vector<1x1x16xf32>
      tpu.vector_store %arg8[%swap3A_827, %swap3A_828, %swap3A_829], %swap3A_832 {strides = array<i32>} : memref<6x104x128xf32, #tpu.memory_space<vmem>>, vector<1x1x16xf32>,
      %get3A_833 = arith.constant 1 : i32
      %get3A_834 = arith.index_cast %get3A_833 : i32 to index
      %get3A_835 = arith.index_cast %scan3A_706 : i32 to index
      %get3A_836 = arith.constant 96 : index
      %get3A_837 = tpu.vector_load %arg8[%get3A_834, %get3A_835, %get3A_836] {strides = array<i32>} : memref<6x104x128xf32, #tpu.memory_space<vmem>>, vector<1x1x16xf32>,
      %get3A_838 = vector.shape_cast %get3A_837 : vector<1x1x16xf32> to vector<16xf32>
      %mul3A_839 = arith.constant 11.3137083 : f32
      %mul3A_840 = vector.broadcast %mul3A_839 : f32 to vector<16xf32>
      %mul3A_841 = arith.mulf %get3A_838, %mul3A_840 : vector<16xf32>
      %get3A_842 = arith.index_cast %add3A_708 : i32 to index
      %get3A_843 = arith.constant 96 : index
      %get3A_844 = tpu.vector_load %arg7[%get3A_842, %get3A_843] {strides = array<i32>} : memref<200x128xf32, #tpu.memory_space<vmem>>, vector<1x16xf32>,
      %get3A_845 = vector.shape_cast %get3A_844 : vector<1x16xf32> to vector<16xf32>
      %add3A_846 = arith.addf %mul3A_841, %get3A_845 : vector<16xf32>
      %swap3A_847 = arith.constant 1 : i32
      %swap3A_848 = arith.index_cast %swap3A_847 : i32 to index
      %swap3A_849 = arith.index_cast %scan3A_706 : i32 to index
      %swap3A_850 = arith.constant 96 : index
      %swap3A_851 = tpu.vector_load %arg8[%swap3A_848, %swap3A_849, %swap3A_850] {strides = array<i32>} : memref<6x104x128xf32, #tpu.memory_space<vmem>>, vector<1x1x16xf32>,
      %swap3A_852 = vector.shape_cast %swap3A_851 : vector<1x1x16xf32> to vector<16xf32>
      %swap3A_853 = vector.shape_cast %add3A_846 : vector<16xf32> to vector<1x1x16xf32>
      tpu.vector_store %arg8[%swap3A_848, %swap3A_849, %swap3A_850], %swap3A_853 {strides = array<i32>} : memref<6x104x128xf32, #tpu.memory_space<vmem>>, vector<1x1x16xf32>,
      %get3A_854 = arith.constant 1 : i32
      %get3A_855 = arith.index_cast %get3A_854 : i32 to index
      %get3A_856 = arith.index_cast %scan3A_706 : i32 to index
      %get3A_857 = arith.constant 112 : index
      %get3A_858 = tpu.vector_load %arg8[%get3A_855, %get3A_856, %get3A_857] {strides = array<i32>} : memref<6x104x128xf32, #tpu.memory_space<vmem>>, vector<1x1x16xf32>,
      %get3A_859 = vector.shape_cast %get3A_858 : vector<1x1x16xf32> to vector<16xf32>
      %mul3A_860 = arith.constant 11.3137083 : f32
      %mul3A_861 = vector.broadcast %mul3A_860 : f32 to vector<16xf32>
      %mul3A_862 = arith.mulf %get3A_859, %mul3A_861 : vector<16xf32>
      %get3A_863 = arith.index_cast %add3A_708 : i32 to index
      %get3A_864 = arith.constant 112 : index
      %get3A_865 = tpu.vector_load %arg7[%get3A_863, %get3A_864] {strides = array<i32>} : memref<200x128xf32, #tpu.memory_space<vmem>>, vector<1x16xf32>,
      %get3A_866 = vector.shape_cast %get3A_865 : vector<1x16xf32> to vector<16xf32>
      %add3A_867 = arith.addf %mul3A_862, %get3A_866 : vector<16xf32>
      %swap3A_868 = arith.constant 1 : i32
      %swap3A_869 = arith.index_cast %swap3A_868 : i32 to index
      %swap3A_870 = arith.index_cast %scan3A_706 : i32 to index
      %swap3A_871 = arith.constant 112 : index
      %swap3A_872 = tpu.vector_load %arg8[%swap3A_869, %swap3A_870, %swap3A_871] {strides = array<i32>} : memref<6x104x128xf32, #tpu.memory_space<vmem>>, vector<1x1x16xf32>,
      %swap3A_873 = vector.shape_cast %swap3A_872 : vector<1x1x16xf32> to vector<16xf32>
      %swap3A_874 = vector.shape_cast %add3A_867 : vector<16xf32> to vector<1x1x16xf32>
      tpu.vector_store %arg8[%swap3A_869, %swap3A_870, %swap3A_871], %swap3A_874 {strides = array<i32>} : memref<6x104x128xf32, #tpu.memory_space<vmem>>, vector<1x1x16xf32>,
    }
    %scan3A_536 = arith.constant 96 : i32
    %add3A_537 = arith.constant 30 : i32
    %add3A_538 = arith.addi %mul3A_2, %add3A_537 : i32
    %dma_start3A_539 = arith.constant 1 : i32
    %dma_start3A_540 = arith.constant 0 : i32
    %dma_start3A_541 = arith.constant 0 : i32
    %dma_start3A_542 = tpu.memref_slice %arg8[%dma_start3A_539, %dma_start3A_540, %dma_start3A_541] : memref<6x104x128xf32, #tpu.memory_space<vmem>> -> memref<1x96x128xf32, #tpu.memory_space<vmem>>
    %dma_start3A_543 = tpu.memref_squeeze %dma_start3A_542 : memref<1x96x128xf32, #tpu.memory_space<vmem>> -> memref<96x128xf32, #tpu.memory_space<vmem>>
    %dma_start3A_544 = arith.constant 104 : i32
    %dma_start3A_545 = arith.constant 0 : i32
    %dma_start3A_546 = tpu.memref_slice %arg5[%add3A_538, %dma_start3A_544, %dma_start3A_545] : memref<1024x200x128xf32, #tpu.memory_space<hbm>> -> memref<1x96x128xf32, #tpu.memory_space<hbm>>
    %dma_start3A_547 = tpu.memref_squeeze %dma_start3A_546 : memref<1x96x128xf32, #tpu.memory_space<hbm>> -> memref<96x128xf32, #tpu.memory_space<hbm>>
    %dma_start3A_548 = arith.constant 104 : i32
    %dma_start3A_549 = arith.constant 0 : i32
    %dma_start3A_550 = tpu.memref_slice %arg5[%add3A_538, %dma_start3A_548, %dma_start3A_549] : memref<1024x200x128xf32, #tpu.memory_space<hbm>> -> memref<1x96x128xf32, #tpu.memory_space<hbm>>
    %dma_start3A_551 = tpu.memref_squeeze %dma_start3A_550 : memref<1x96x128xf32, #tpu.memory_space<hbm>> -> memref<96x128xf32, #tpu.memory_space<hbm>>
    %dma_start3A_552 = arith.constant 0 : i32
    %dma_start3A_553 = arith.constant 0 : i32
    %dma_start3A_554 = tpu.memref_slice %arg8[%dma_start3A_539, %dma_start3A_552, %dma_start3A_553] : memref<6x104x128xf32, #tpu.memory_space<vmem>> -> memref<1x96x128xf32, #tpu.memory_space<vmem>>
    %dma_start3A_555 = tpu.memref_squeeze %dma_start3A_554 : memref<1x96x128xf32, #tpu.memory_space<vmem>> -> memref<96x128xf32, #tpu.memory_space<vmem>>
    tpu.enqueue_dma source(%dma_start3A_555 : memref<96x128xf32, #tpu.memory_space<vmem>>) target(%dma_start3A_551 : memref<96x128xf32, #tpu.memory_space<hbm>>) target_semaphore(%arg16 : memref<!tpu.dma_semaphore, #tpu.memory_space<semaphore_mem>>)
    %add3A_556 = arith.constant 30 : i32
    %add3A_557 = arith.addi %mul3A_2, %add3A_556 : i32
    %dma_wait3A_558 = arith.constant 0 : i32
    %dma_wait3A_559 = arith.constant 0 : i32
    %dma_wait3A_560 = arith.constant 0 : i32
    %dma_wait3A_561 = tpu.memref_slice %arg8[%dma_wait3A_558, %dma_wait3A_559, %dma_wait3A_560] : memref<6x104x128xf32, #tpu.memory_space<vmem>> -> memref<1x104x128xf32, #tpu.memory_space<vmem>>
    %dma_wait3A_562 = tpu.memref_squeeze %dma_wait3A_561 : memref<1x104x128xf32, #tpu.memory_space<vmem>> -> memref<104x128xf32, #tpu.memory_space<vmem>>
    %dma_wait3A_563 = arith.constant 0 : i32
    %dma_wait3A_564 = arith.constant 0 : i32
    %dma_wait3A_565 = tpu.memref_slice %arg5[%add3A_557, %dma_wait3A_563, %dma_wait3A_564] : memref<1024x200x128xf32, #tpu.memory_space<hbm>> -> memref<1x104x128xf32, #tpu.memory_space<hbm>>
    %dma_wait3A_566 = tpu.memref_squeeze %dma_wait3A_565 : memref<1x104x128xf32, #tpu.memory_space<hbm>> -> memref<104x128xf32, #tpu.memory_space<hbm>>
    %dma_wait3A_567 = arith.constant 0 : i32
    %dma_wait3A_568 = arith.constant 0 : i32
    %dma_wait3A_569 = tpu.memref_slice %arg5[%add3A_557, %dma_wait3A_567, %dma_wait3A_568] : memref<1024x200x128xf32, #tpu.memory_space<hbm>> -> memref<1x104x128xf32, #tpu.memory_space<hbm>>
    %dma_wait3A_570 = tpu.memref_squeeze %dma_wait3A_569 : memref<1x104x128xf32, #tpu.memory_space<hbm>> -> memref<104x128xf32, #tpu.memory_space<hbm>>
    %dma_wait3A_571 = arith.constant 0 : i32
    %dma_wait3A_572 = arith.constant 0 : i32
    %dma_wait3A_573 = tpu.memref_slice %arg8[%dma_wait3A_558, %dma_wait3A_571, %dma_wait3A_572] : memref<6x104x128xf32, #tpu.memory_space<vmem>> -> memref<1x104x128xf32, #tpu.memory_space<vmem>>
    %dma_wait3A_574 = tpu.memref_squeeze %dma_wait3A_573 : memref<1x104x128xf32, #tpu.memory_space<vmem>> -> memref<104x128xf32, #tpu.memory_space<vmem>>
    tpu.wait_dma2 semaphore(%arg15 : memref<!tpu.dma_semaphore, #tpu.memory_space<semaphore_mem>>) src(%dma_wait3A_574 : memref<104x128xf32, #tpu.memory_space<vmem>>) dst(%dma_wait3A_570 : memref<104x128xf32, #tpu.memory_space<hbm>>)
    %add3A_575 = arith.constant 31 : i32
    %add3A_576 = arith.addi %mul3A_2, %add3A_575 : i32
    %dma_wait3A_577 = arith.constant 2 : i32
    %dma_wait3A_578 = arith.constant 0 : i32
    %dma_wait3A_579 = arith.constant 0 : i32
    %dma_wait3A_580 = tpu.memref_slice %arg8[%dma_wait3A_577, %dma_wait3A_578, %dma_wait3A_579] : memref<6x104x128xf32, #tpu.memory_space<vmem>> -> memref<1x104x128xf32, #tpu.memory_space<vmem>>
    %dma_wait3A_581 = tpu.memref_squeeze %dma_wait3A_580 : memref<1x104x128xf32, #tpu.memory_space<vmem>> -> memref<104x128xf32, #tpu.memory_space<vmem>>
    %dma_wait3A_582 = arith.constant 6200 : i32
    %dma_wait3A_583 = tpu.memref_slice %arg6[%dma_wait3A_582] : memref<6400xi32, #tpu.memory_space<vmem>> -> memref<104xi32, #tpu.memory_space<vmem>>
    %dma_wait3A_584 = arith.constant 0 : i32
    %dma_wait3A_585 = arith.constant 0 : i32
    %dma_wait3A_586 = tpu.memref_slice %arg3[%dma_wait3A_584, %dma_wait3A_585] : memref<100000x128xf32, #tpu.memory_space<hbm>> -> memref<100000x128xf32, #tpu.memory_space<hbm>>
    tpu.wait_indirect_dma semaphore(%arg11 : memref<!tpu.dma_semaphore, #tpu.memory_space<semaphore_mem>>) src(%dma_wait3A_586 : memref<100000x128xf32, #tpu.memory_space<hbm>>) dst(%dma_wait3A_581 : memref<104x128xf32, #tpu.memory_space<vmem>>)
    %scan3A_587 = arith.constant 0 : i32
    %scan3A_588 = arith.constant 0 : i32
    %scan3A_589 = arith.constant 104 : i32
    %scan3A_590 = arith.addi %scan3A_588, %scan3A_589 : i32
    %scan3A_591 = arith.constant 1 : i32
    scf.for %scan3A_706 = %scan3A_588 to %scan3A_590 step %scan3A_591  : i32 {
      %add3A_707 = arith.constant 0 : i32
      %add3A_708 = arith.addi %scan3A_706, %add3A_707 : i32
      %get3A = arith.constant 2 : i32
      %get3A_709 = arith.index_cast %get3A : i32 to index
      %get3A_710 = arith.index_cast %scan3A_706 : i32 to index
      %get3A_711 = arith.constant 0 : index
      %get3A_712 = tpu.vector_load %arg8[%get3A_709, %get3A_710, %get3A_711] {strides = array<i32>} : memref<6x104x128xf32, #tpu.memory_space<vmem>>, vector<1x1x16xf32>,
      %get3A_713 = vector.shape_cast %get3A_712 : vector<1x1x16xf32> to vector<16xf32>
      %mul3A_714 = arith.constant 11.3137083 : f32
      %mul3A_715 = vector.broadcast %mul3A_714 : f32 to vector<16xf32>
      %mul3A_716 = arith.mulf %get3A_713, %mul3A_715 : vector<16xf32>
      %get3A_717 = arith.index_cast %add3A_708 : i32 to index
      %get3A_718 = arith.constant 0 : index
      %get3A_719 = tpu.vector_load %arg7[%get3A_717, %get3A_718] {strides = array<i32>} : memref<200x128xf32, #tpu.memory_space<vmem>>, vector<1x16xf32>,
      %get3A_720 = vector.shape_cast %get3A_719 : vector<1x16xf32> to vector<16xf32>
      %add3A_721 = arith.addf %mul3A_716, %get3A_720 : vector<16xf32>
      %swap3A = arith.constant 2 : i32
      %swap3A_722 = arith.index_cast %swap3A : i32 to index
      %swap3A_723 = arith.index_cast %scan3A_706 : i32 to index
      %swap3A_724 = arith.constant 0 : index
      %swap3A_725 = tpu.vector_load %arg8[%swap3A_722, %swap3A_723, %swap3A_724] {strides = array<i32>} : memref<6x104x128xf32, #tpu.memory_space<vmem>>, vector<1x1x16xf32>,
      %swap3A_726 = vector.shape_cast %swap3A_725 : vector<1x1x16xf32> to vector<16xf32>
      %swap3A_727 = vector.shape_cast %add3A_721 : vector<16xf32> to vector<1x1x16xf32>
      tpu.vector_store %arg8[%swap3A_722, %swap3A_723, %swap3A_724], %swap3A_727 {strides = array<i32>} : memref<6x104x128xf32, #tpu.memory_space<vmem>>, vector<1x1x16xf32>,
      %get3A_728 = arith.constant 2 : i32
      %get3A_729 = arith.index_cast %get3A_728 : i32 to index
      %get3A_730 = arith.index_cast %scan3A_706 : i32 to index
      %get3A_731 = arith.constant 16 : index
      %get3A_732 = tpu.vector_load %arg8[%get3A_729, %get3A_730, %get3A_731] {strides = array<i32>} : memref<6x104x128xf32, #tpu.memory_space<vmem>>, vector<1x1x16xf32>,
      %get3A_733 = vector.shape_cast %get3A_732 : vector<1x1x16xf32> to vector<16xf32>
      %mul3A_734 = arith.constant 11.3137083 : f32
      %mul3A_735 = vector.broadcast %mul3A_734 : f32 to vector<16xf32>
      %mul3A_736 = arith.mulf %get3A_733, %mul3A_735 : vector<16xf32>
      %get3A_737 = arith.index_cast %add3A_708 : i32 to index
      %get3A_738 = arith.constant 16 : index
      %get3A_739 = tpu.vector_load %arg7[%get3A_737, %get3A_738] {strides = array<i32>} : memref<200x128xf32, #tpu.memory_space<vmem>>, vector<1x16xf32>,
      %get3A_740 = vector.shape_cast %get3A_739 : vector<1x16xf32> to vector<16xf32>
      %add3A_741 = arith.addf %mul3A_736, %get3A_740 : vector<16xf32>
      %swap3A_742 = arith.constant 2 : i32
      %swap3A_743 = arith.index_cast %swap3A_742 : i32 to index
      %swap3A_744 = arith.index_cast %scan3A_706 : i32 to index
      %swap3A_745 = arith.constant 16 : index
      %swap3A_746 = tpu.vector_load %arg8[%swap3A_743, %swap3A_744, %swap3A_745] {strides = array<i32>} : memref<6x104x128xf32, #tpu.memory_space<vmem>>, vector<1x1x16xf32>,
      %swap3A_747 = vector.shape_cast %swap3A_746 : vector<1x1x16xf32> to vector<16xf32>
      %swap3A_748 = vector.shape_cast %add3A_741 : vector<16xf32> to vector<1x1x16xf32>
      tpu.vector_store %arg8[%swap3A_743, %swap3A_744, %swap3A_745], %swap3A_748 {strides = array<i32>} : memref<6x104x128xf32, #tpu.memory_space<vmem>>, vector<1x1x16xf32>,
      %get3A_749 = arith.constant 2 : i32
      %get3A_750 = arith.index_cast %get3A_749 : i32 to index
      %get3A_751 = arith.index_cast %scan3A_706 : i32 to index
      %get3A_752 = arith.constant 32 : index
      %get3A_753 = tpu.vector_load %arg8[%get3A_750, %get3A_751, %get3A_752] {strides = array<i32>} : memref<6x104x128xf32, #tpu.memory_space<vmem>>, vector<1x1x16xf32>,
      %get3A_754 = vector.shape_cast %get3A_753 : vector<1x1x16xf32> to vector<16xf32>
      %mul3A_755 = arith.constant 11.3137083 : f32
      %mul3A_756 = vector.broadcast %mul3A_755 : f32 to vector<16xf32>
      %mul3A_757 = arith.mulf %get3A_754, %mul3A_756 : vector<16xf32>
      %get3A_758 = arith.index_cast %add3A_708 : i32 to index
      %get3A_759 = arith.constant 32 : index
      %get3A_760 = tpu.vector_load %arg7[%get3A_758, %get3A_759] {strides = array<i32>} : memref<200x128xf32, #tpu.memory_space<vmem>>, vector<1x16xf32>,
      %get3A_761 = vector.shape_cast %get3A_760 : vector<1x16xf32> to vector<16xf32>
      %add3A_762 = arith.addf %mul3A_757, %get3A_761 : vector<16xf32>
      %swap3A_763 = arith.constant 2 : i32
      %swap3A_764 = arith.index_cast %swap3A_763 : i32 to index
      %swap3A_765 = arith.index_cast %scan3A_706 : i32 to index
      %swap3A_766 = arith.constant 32 : index
      %swap3A_767 = tpu.vector_load %arg8[%swap3A_764, %swap3A_765, %swap3A_766] {strides = array<i32>} : memref<6x104x128xf32, #tpu.memory_space<vmem>>, vector<1x1x16xf32>,
      %swap3A_768 = vector.shape_cast %swap3A_767 : vector<1x1x16xf32> to vector<16xf32>
      %swap3A_769 = vector.shape_cast %add3A_762 : vector<16xf32> to vector<1x1x16xf32>
      tpu.vector_store %arg8[%swap3A_764, %swap3A_765, %swap3A_766], %swap3A_769 {strides = array<i32>} : memref<6x104x128xf32, #tpu.memory_space<vmem>>, vector<1x1x16xf32>,
      %get3A_770 = arith.constant 2 : i32
      %get3A_771 = arith.index_cast %get3A_770 : i32 to index
      %get3A_772 = arith.index_cast %scan3A_706 : i32 to index
      %get3A_773 = arith.constant 48 : index
      %get3A_774 = tpu.vector_load %arg8[%get3A_771, %get3A_772, %get3A_773] {strides = array<i32>} : memref<6x104x128xf32, #tpu.memory_space<vmem>>, vector<1x1x16xf32>,
      %get3A_775 = vector.shape_cast %get3A_774 : vector<1x1x16xf32> to vector<16xf32>
      %mul3A_776 = arith.constant 11.3137083 : f32
      %mul3A_777 = vector.broadcast %mul3A_776 : f32 to vector<16xf32>
      %mul3A_778 = arith.mulf %get3A_775, %mul3A_777 : vector<16xf32>
      %get3A_779 = arith.index_cast %add3A_708 : i32 to index
      %get3A_780 = arith.constant 48 : index
      %get3A_781 = tpu.vector_load %arg7[%get3A_779, %get3A_780] {strides = array<i32>} : memref<200x128xf32, #tpu.memory_space<vmem>>, vector<1x16xf32>,
      %get3A_782 = vector.shape_cast %get3A_781 : vector<1x16xf32> to vector<16xf32>
      %add3A_783 = arith.addf %mul3A_778, %get3A_782 : vector<16xf32>
      %swap3A_784 = arith.constant 2 : i32
      %swap3A_785 = arith.index_cast %swap3A_784 : i32 to index
      %swap3A_786 = arith.index_cast %scan3A_706 : i32 to index
      %swap3A_787 = arith.constant 48 : index
      %swap3A_788 = tpu.vector_load %arg8[%swap3A_785, %swap3A_786, %swap3A_787] {strides = array<i32>} : memref<6x104x128xf32, #tpu.memory_space<vmem>>, vector<1x1x16xf32>,
      %swap3A_789 = vector.shape_cast %swap3A_788 : vector<1x1x16xf32> to vector<16xf32>
      %swap3A_790 = vector.shape_cast %add3A_783 : vector<16xf32> to vector<1x1x16xf32>
      tpu.vector_store %arg8[%swap3A_785, %swap3A_786, %swap3A_787], %swap3A_790 {strides = array<i32>} : memref<6x104x128xf32, #tpu.memory_space<vmem>>, vector<1x1x16xf32>,
      %get3A_791 = arith.constant 2 : i32
      %get3A_792 = arith.index_cast %get3A_791 : i32 to index
      %get3A_793 = arith.index_cast %scan3A_706 : i32 to index
      %get3A_794 = arith.constant 64 : index
      %get3A_795 = tpu.vector_load %arg8[%get3A_792, %get3A_793, %get3A_794] {strides = array<i32>} : memref<6x104x128xf32, #tpu.memory_space<vmem>>, vector<1x1x16xf32>,
      %get3A_796 = vector.shape_cast %get3A_795 : vector<1x1x16xf32> to vector<16xf32>
      %mul3A_797 = arith.constant 11.3137083 : f32
      %mul3A_798 = vector.broadcast %mul3A_797 : f32 to vector<16xf32>
      %mul3A_799 = arith.mulf %get3A_796, %mul3A_798 : vector<16xf32>
      %get3A_800 = arith.index_cast %add3A_708 : i32 to index
      %get3A_801 = arith.constant 64 : index
      %get3A_802 = tpu.vector_load %arg7[%get3A_800, %get3A_801] {strides = array<i32>} : memref<200x128xf32, #tpu.memory_space<vmem>>, vector<1x16xf32>,
      %get3A_803 = vector.shape_cast %get3A_802 : vector<1x16xf32> to vector<16xf32>
      %add3A_804 = arith.addf %mul3A_799, %get3A_803 : vector<16xf32>
      %swap3A_805 = arith.constant 2 : i32
      %swap3A_806 = arith.index_cast %swap3A_805 : i32 to index
      %swap3A_807 = arith.index_cast %scan3A_706 : i32 to index
      %swap3A_808 = arith.constant 64 : index
      %swap3A_809 = tpu.vector_load %arg8[%swap3A_806, %swap3A_807, %swap3A_808] {strides = array<i32>} : memref<6x104x128xf32, #tpu.memory_space<vmem>>, vector<1x1x16xf32>,
      %swap3A_810 = vector.shape_cast %swap3A_809 : vector<1x1x16xf32> to vector<16xf32>
      %swap3A_811 = vector.shape_cast %add3A_804 : vector<16xf32> to vector<1x1x16xf32>
      tpu.vector_store %arg8[%swap3A_806, %swap3A_807, %swap3A_808], %swap3A_811 {strides = array<i32>} : memref<6x104x128xf32, #tpu.memory_space<vmem>>, vector<1x1x16xf32>,
      %get3A_812 = arith.constant 2 : i32
      %get3A_813 = arith.index_cast %get3A_812 : i32 to index
      %get3A_814 = arith.index_cast %scan3A_706 : i32 to index
      %get3A_815 = arith.constant 80 : index
      %get3A_816 = tpu.vector_load %arg8[%get3A_813, %get3A_814, %get3A_815] {strides = array<i32>} : memref<6x104x128xf32, #tpu.memory_space<vmem>>, vector<1x1x16xf32>,
      %get3A_817 = vector.shape_cast %get3A_816 : vector<1x1x16xf32> to vector<16xf32>
      %mul3A_818 = arith.constant 11.3137083 : f32
      %mul3A_819 = vector.broadcast %mul3A_818 : f32 to vector<16xf32>
      %mul3A_820 = arith.mulf %get3A_817, %mul3A_819 : vector<16xf32>
      %get3A_821 = arith.index_cast %add3A_708 : i32 to index
      %get3A_822 = arith.constant 80 : index
      %get3A_823 = tpu.vector_load %arg7[%get3A_821, %get3A_822] {strides = array<i32>} : memref<200x128xf32, #tpu.memory_space<vmem>>, vector<1x16xf32>,
      %get3A_824 = vector.shape_cast %get3A_823 : vector<1x16xf32> to vector<16xf32>
      %add3A_825 = arith.addf %mul3A_820, %get3A_824 : vector<16xf32>
      %swap3A_826 = arith.constant 2 : i32
      %swap3A_827 = arith.index_cast %swap3A_826 : i32 to index
      %swap3A_828 = arith.index_cast %scan3A_706 : i32 to index
      %swap3A_829 = arith.constant 80 : index
      %swap3A_830 = tpu.vector_load %arg8[%swap3A_827, %swap3A_828, %swap3A_829] {strides = array<i32>} : memref<6x104x128xf32, #tpu.memory_space<vmem>>, vector<1x1x16xf32>,
      %swap3A_831 = vector.shape_cast %swap3A_830 : vector<1x1x16xf32> to vector<16xf32>
      %swap3A_832 = vector.shape_cast %add3A_825 : vector<16xf32> to vector<1x1x16xf32>
      tpu.vector_store %arg8[%swap3A_827, %swap3A_828, %swap3A_829], %swap3A_832 {strides = array<i32>} : memref<6x104x128xf32, #tpu.memory_space<vmem>>, vector<1x1x16xf32>,
      %get3A_833 = arith.constant 2 : i32
      %get3A_834 = arith.index_cast %get3A_833 : i32 to index
      %get3A_835 = arith.index_cast %scan3A_706 : i32 to index
      %get3A_836 = arith.constant 96 : index
      %get3A_837 = tpu.vector_load %arg8[%get3A_834, %get3A_835, %get3A_836] {strides = array<i32>} : memref<6x104x128xf32, #tpu.memory_space<vmem>>, vector<1x1x16xf32>,
      %get3A_838 = vector.shape_cast %get3A_837 : vector<1x1x16xf32> to vector<16xf32>
      %mul3A_839 = arith.constant 11.3137083 : f32
      %mul3A_840 = vector.broadcast %mul3A_839 : f32 to vector<16xf32>
      %mul3A_841 = arith.mulf %get3A_838, %mul3A_840 : vector<16xf32>
      %get3A_842 = arith.index_cast %add3A_708 : i32 to index
      %get3A_843 = arith.constant 96 : index
      %get3A_844 = tpu.vector_load %arg7[%get3A_842, %get3A_843] {strides = array<i32>} : memref<200x128xf32, #tpu.memory_space<vmem>>, vector<1x16xf32>,
      %get3A_845 = vector.shape_cast %get3A_844 : vector<1x16xf32> to vector<16xf32>
      %add3A_846 = arith.addf %mul3A_841, %get3A_845 : vector<16xf32>
      %swap3A_847 = arith.constant 2 : i32
      %swap3A_848 = arith.index_cast %swap3A_847 : i32 to index
      %swap3A_849 = arith.index_cast %scan3A_706 : i32 to index
      %swap3A_850 = arith.constant 96 : index
      %swap3A_851 = tpu.vector_load %arg8[%swap3A_848, %swap3A_849, %swap3A_850] {strides = array<i32>} : memref<6x104x128xf32, #tpu.memory_space<vmem>>, vector<1x1x16xf32>,
      %swap3A_852 = vector.shape_cast %swap3A_851 : vector<1x1x16xf32> to vector<16xf32>
      %swap3A_853 = vector.shape_cast %add3A_846 : vector<16xf32> to vector<1x1x16xf32>
      tpu.vector_store %arg8[%swap3A_848, %swap3A_849, %swap3A_850], %swap3A_853 {strides = array<i32>} : memref<6x104x128xf32, #tpu.memory_space<vmem>>, vector<1x1x16xf32>,
      %get3A_854 = arith.constant 2 : i32
      %get3A_855 = arith.index_cast %get3A_854 : i32 to index
      %get3A_856 = arith.index_cast %scan3A_706 : i32 to index
      %get3A_857 = arith.constant 112 : index
      %get3A_858 = tpu.vector_load %arg8[%get3A_855, %get3A_856, %get3A_857] {strides = array<i32>} : memref<6x104x128xf32, #tpu.memory_space<vmem>>, vector<1x1x16xf32>,
      %get3A_859 = vector.shape_cast %get3A_858 : vector<1x1x16xf32> to vector<16xf32>
      %mul3A_860 = arith.constant 11.3137083 : f32
      %mul3A_861 = vector.broadcast %mul3A_860 : f32 to vector<16xf32>
      %mul3A_862 = arith.mulf %get3A_859, %mul3A_861 : vector<16xf32>
      %get3A_863 = arith.index_cast %add3A_708 : i32 to index
      %get3A_864 = arith.constant 112 : index
      %get3A_865 = tpu.vector_load %arg7[%get3A_863, %get3A_864] {strides = array<i32>} : memref<200x128xf32, #tpu.memory_space<vmem>>, vector<1x16xf32>,
      %get3A_866 = vector.shape_cast %get3A_865 : vector<1x16xf32> to vector<16xf32>
      %add3A_867 = arith.addf %mul3A_862, %get3A_866 : vector<16xf32>
      %swap3A_868 = arith.constant 2 : i32
      %swap3A_869 = arith.index_cast %swap3A_868 : i32 to index
      %swap3A_870 = arith.index_cast %scan3A_706 : i32 to index
      %swap3A_871 = arith.constant 112 : index
      %swap3A_872 = tpu.vector_load %arg8[%swap3A_869, %swap3A_870, %swap3A_871] {strides = array<i32>} : memref<6x104x128xf32, #tpu.memory_space<vmem>>, vector<1x1x16xf32>,
      %swap3A_873 = vector.shape_cast %swap3A_872 : vector<1x1x16xf32> to vector<16xf32>
      %swap3A_874 = vector.shape_cast %add3A_867 : vector<16xf32> to vector<1x1x16xf32>
      tpu.vector_store %arg8[%swap3A_869, %swap3A_870, %swap3A_871], %swap3A_874 {strides = array<i32>} : memref<6x104x128xf32, #tpu.memory_space<vmem>>, vector<1x1x16xf32>,
    }
    %scan3A_592 = arith.constant 104 : i32
    %add3A_593 = arith.constant 31 : i32
    %add3A_594 = arith.addi %mul3A_2, %add3A_593 : i32
    %dma_start3A_595 = arith.constant 2 : i32
    %dma_start3A_596 = arith.constant 0 : i32
    %dma_start3A_597 = arith.constant 0 : i32
    %dma_start3A_598 = tpu.memref_slice %arg8[%dma_start3A_595, %dma_start3A_596, %dma_start3A_597] : memref<6x104x128xf32, #tpu.memory_space<vmem>> -> memref<1x104x128xf32, #tpu.memory_space<vmem>>
    %dma_start3A_599 = tpu.memref_squeeze %dma_start3A_598 : memref<1x104x128xf32, #tpu.memory_space<vmem>> -> memref<104x128xf32, #tpu.memory_space<vmem>>
    %dma_start3A_600 = arith.constant 0 : i32
    %dma_start3A_601 = arith.constant 0 : i32
    %dma_start3A_602 = tpu.memref_slice %arg5[%add3A_594, %dma_start3A_600, %dma_start3A_601] : memref<1024x200x128xf32, #tpu.memory_space<hbm>> -> memref<1x104x128xf32, #tpu.memory_space<hbm>>
    %dma_start3A_603 = tpu.memref_squeeze %dma_start3A_602 : memref<1x104x128xf32, #tpu.memory_space<hbm>> -> memref<104x128xf32, #tpu.memory_space<hbm>>
    %dma_start3A_604 = arith.constant 0 : i32
    %dma_start3A_605 = arith.constant 0 : i32
    %dma_start3A_606 = tpu.memref_slice %arg5[%add3A_594, %dma_start3A_604, %dma_start3A_605] : memref<1024x200x128xf32, #tpu.memory_space<hbm>> -> memref<1x104x128xf32, #tpu.memory_space<hbm>>
    %dma_start3A_607 = tpu.memref_squeeze %dma_start3A_606 : memref<1x104x128xf32, #tpu.memory_space<hbm>> -> memref<104x128xf32, #tpu.memory_space<hbm>>
    %dma_start3A_608 = arith.constant 0 : i32
    %dma_start3A_609 = arith.constant 0 : i32
    %dma_start3A_610 = tpu.memref_slice %arg8[%dma_start3A_595, %dma_start3A_608, %dma_start3A_609] : memref<6x104x128xf32, #tpu.memory_space<vmem>> -> memref<1x104x128xf32, #tpu.memory_space<vmem>>
    %dma_start3A_611 = tpu.memref_squeeze %dma_start3A_610 : memref<1x104x128xf32, #tpu.memory_space<vmem>> -> memref<104x128xf32, #tpu.memory_space<vmem>>
    tpu.enqueue_dma source(%dma_start3A_611 : memref<104x128xf32, #tpu.memory_space<vmem>>) target(%dma_start3A_607 : memref<104x128xf32, #tpu.memory_space<hbm>>) target_semaphore(%arg17 : memref<!tpu.dma_semaphore, #tpu.memory_space<semaphore_mem>>)
    %add3A_612 = arith.constant 30 : i32
    %add3A_613 = arith.addi %mul3A_2, %add3A_612 : i32
    %dma_wait3A_614 = arith.constant 1 : i32
    %dma_wait3A_615 = arith.constant 0 : i32
    %dma_wait3A_616 = arith.constant 0 : i32
    %dma_wait3A_617 = tpu.memref_slice %arg8[%dma_wait3A_614, %dma_wait3A_615, %dma_wait3A_616] : memref<6x104x128xf32, #tpu.memory_space<vmem>> -> memref<1x96x128xf32, #tpu.memory_space<vmem>>
    %dma_wait3A_618 = tpu.memref_squeeze %dma_wait3A_617 : memref<1x96x128xf32, #tpu.memory_space<vmem>> -> memref<96x128xf32, #tpu.memory_space<vmem>>
    %dma_wait3A_619 = arith.constant 104 : i32
    %dma_wait3A_620 = arith.constant 0 : i32
    %dma_wait3A_621 = tpu.memref_slice %arg5[%add3A_613, %dma_wait3A_619, %dma_wait3A_620] : memref<1024x200x128xf32, #tpu.memory_space<hbm>> -> memref<1x96x128xf32, #tpu.memory_space<hbm>>
    %dma_wait3A_622 = tpu.memref_squeeze %dma_wait3A_621 : memref<1x96x128xf32, #tpu.memory_space<hbm>> -> memref<96x128xf32, #tpu.memory_space<hbm>>
    %dma_wait3A_623 = arith.constant 104 : i32
    %dma_wait3A_624 = arith.constant 0 : i32
    %dma_wait3A_625 = tpu.memref_slice %arg5[%add3A_613, %dma_wait3A_623, %dma_wait3A_624] : memref<1024x200x128xf32, #tpu.memory_space<hbm>> -> memref<1x96x128xf32, #tpu.memory_space<hbm>>
    %dma_wait3A_626 = tpu.memref_squeeze %dma_wait3A_625 : memref<1x96x128xf32, #tpu.memory_space<hbm>> -> memref<96x128xf32, #tpu.memory_space<hbm>>
    %dma_wait3A_627 = arith.constant 0 : i32
    %dma_wait3A_628 = arith.constant 0 : i32
    %dma_wait3A_629 = tpu.memref_slice %arg8[%dma_wait3A_614, %dma_wait3A_627, %dma_wait3A_628] : memref<6x104x128xf32, #tpu.memory_space<vmem>> -> memref<1x96x128xf32, #tpu.memory_space<vmem>>
    %dma_wait3A_630 = tpu.memref_squeeze %dma_wait3A_629 : memref<1x96x128xf32, #tpu.memory_space<vmem>> -> memref<96x128xf32, #tpu.memory_space<vmem>>
    tpu.wait_dma2 semaphore(%arg16 : memref<!tpu.dma_semaphore, #tpu.memory_space<semaphore_mem>>) src(%dma_wait3A_630 : memref<96x128xf32, #tpu.memory_space<vmem>>) dst(%dma_wait3A_626 : memref<96x128xf32, #tpu.memory_space<hbm>>)
    %add3A_631 = arith.constant 31 : i32
    %add3A_632 = arith.addi %mul3A_2, %add3A_631 : i32
    %dma_wait3A_633 = arith.constant 3 : i32
    %dma_wait3A_634 = arith.constant 0 : i32
    %dma_wait3A_635 = arith.constant 0 : i32
    %dma_wait3A_636 = tpu.memref_slice %arg8[%dma_wait3A_633, %dma_wait3A_634, %dma_wait3A_635] : memref<6x104x128xf32, #tpu.memory_space<vmem>> -> memref<1x96x128xf32, #tpu.memory_space<vmem>>
    %dma_wait3A_637 = tpu.memref_squeeze %dma_wait3A_636 : memref<1x96x128xf32, #tpu.memory_space<vmem>> -> memref<96x128xf32, #tpu.memory_space<vmem>>
    %dma_wait3A_638 = arith.constant 6304 : i32
    %dma_wait3A_639 = tpu.memref_slice %arg6[%dma_wait3A_638] : memref<6400xi32, #tpu.memory_space<vmem>> -> memref<96xi32, #tpu.memory_space<vmem>>
    %dma_wait3A_640 = arith.constant 0 : i32
    %dma_wait3A_641 = arith.constant 0 : i32
    %dma_wait3A_642 = tpu.memref_slice %arg3[%dma_wait3A_640, %dma_wait3A_641] : memref<100000x128xf32, #tpu.memory_space<hbm>> -> memref<100000x128xf32, #tpu.memory_space<hbm>>
    tpu.wait_indirect_dma semaphore(%arg12 : memref<!tpu.dma_semaphore, #tpu.memory_space<semaphore_mem>>) src(%dma_wait3A_642 : memref<100000x128xf32, #tpu.memory_space<hbm>>) dst(%dma_wait3A_637 : memref<96x128xf32, #tpu.memory_space<vmem>>)
    %scan3A_643 = arith.constant 0 : i32
    %scan3A_644 = arith.constant 0 : i32
    %scan3A_645 = arith.constant 96 : i32
    %scan3A_646 = arith.addi %scan3A_644, %scan3A_645 : i32
    %scan3A_647 = arith.constant 1 : i32
    scf.for %scan3A_706 = %scan3A_644 to %scan3A_646 step %scan3A_647  : i32 {
      %add3A_707 = arith.constant 104 : i32
      %add3A_708 = arith.addi %scan3A_706, %add3A_707 : i32
      %get3A = arith.constant 3 : i32
      %get3A_709 = arith.index_cast %get3A : i32 to index
      %get3A_710 = arith.index_cast %scan3A_706 : i32 to index
      %get3A_711 = arith.constant 0 : index
      %get3A_712 = tpu.vector_load %arg8[%get3A_709, %get3A_710, %get3A_711] {strides = array<i32>} : memref<6x104x128xf32, #tpu.memory_space<vmem>>, vector<1x1x16xf32>,
      %get3A_713 = vector.shape_cast %get3A_712 : vector<1x1x16xf32> to vector<16xf32>
      %mul3A_714 = arith.constant 11.3137083 : f32
      %mul3A_715 = vector.broadcast %mul3A_714 : f32 to vector<16xf32>
      %mul3A_716 = arith.mulf %get3A_713, %mul3A_715 : vector<16xf32>
      %get3A_717 = arith.index_cast %add3A_708 : i32 to index
      %get3A_718 = arith.constant 0 : index
      %get3A_719 = tpu.vector_load %arg7[%get3A_717, %get3A_718] {strides = array<i32>} : memref<200x128xf32, #tpu.memory_space<vmem>>, vector<1x16xf32>,
      %get3A_720 = vector.shape_cast %get3A_719 : vector<1x16xf32> to vector<16xf32>
      %add3A_721 = arith.addf %mul3A_716, %get3A_720 : vector<16xf32>
      %swap3A = arith.constant 3 : i32
      %swap3A_722 = arith.index_cast %swap3A : i32 to index
      %swap3A_723 = arith.index_cast %scan3A_706 : i32 to index
      %swap3A_724 = arith.constant 0 : index
      %swap3A_725 = tpu.vector_load %arg8[%swap3A_722, %swap3A_723, %swap3A_724] {strides = array<i32>} : memref<6x104x128xf32, #tpu.memory_space<vmem>>, vector<1x1x16xf32>,
      %swap3A_726 = vector.shape_cast %swap3A_725 : vector<1x1x16xf32> to vector<16xf32>
      %swap3A_727 = vector.shape_cast %add3A_721 : vector<16xf32> to vector<1x1x16xf32>
      tpu.vector_store %arg8[%swap3A_722, %swap3A_723, %swap3A_724], %swap3A_727 {strides = array<i32>} : memref<6x104x128xf32, #tpu.memory_space<vmem>>, vector<1x1x16xf32>,
      %get3A_728 = arith.constant 3 : i32
      %get3A_729 = arith.index_cast %get3A_728 : i32 to index
      %get3A_730 = arith.index_cast %scan3A_706 : i32 to index
      %get3A_731 = arith.constant 16 : index
      %get3A_732 = tpu.vector_load %arg8[%get3A_729, %get3A_730, %get3A_731] {strides = array<i32>} : memref<6x104x128xf32, #tpu.memory_space<vmem>>, vector<1x1x16xf32>,
      %get3A_733 = vector.shape_cast %get3A_732 : vector<1x1x16xf32> to vector<16xf32>
      %mul3A_734 = arith.constant 11.3137083 : f32
      %mul3A_735 = vector.broadcast %mul3A_734 : f32 to vector<16xf32>
      %mul3A_736 = arith.mulf %get3A_733, %mul3A_735 : vector<16xf32>
      %get3A_737 = arith.index_cast %add3A_708 : i32 to index
      %get3A_738 = arith.constant 16 : index
      %get3A_739 = tpu.vector_load %arg7[%get3A_737, %get3A_738] {strides = array<i32>} : memref<200x128xf32, #tpu.memory_space<vmem>>, vector<1x16xf32>,
      %get3A_740 = vector.shape_cast %get3A_739 : vector<1x16xf32> to vector<16xf32>
      %add3A_741 = arith.addf %mul3A_736, %get3A_740 : vector<16xf32>
      %swap3A_742 = arith.constant 3 : i32
      %swap3A_743 = arith.index_cast %swap3A_742 : i32 to index
      %swap3A_744 = arith.index_cast %scan3A_706 : i32 to index
      %swap3A_745 = arith.constant 16 : index
      %swap3A_746 = tpu.vector_load %arg8[%swap3A_743, %swap3A_744, %swap3A_745] {strides = array<i32>} : memref<6x104x128xf32, #tpu.memory_space<vmem>>, vector<1x1x16xf32>,
      %swap3A_747 = vector.shape_cast %swap3A_746 : vector<1x1x16xf32> to vector<16xf32>
      %swap3A_748 = vector.shape_cast %add3A_741 : vector<16xf32> to vector<1x1x16xf32>
      tpu.vector_store %arg8[%swap3A_743, %swap3A_744, %swap3A_745], %swap3A_748 {strides = array<i32>} : memref<6x104x128xf32, #tpu.memory_space<vmem>>, vector<1x1x16xf32>,
      %get3A_749 = arith.constant 3 : i32
      %get3A_750 = arith.index_cast %get3A_749 : i32 to index
      %get3A_751 = arith.index_cast %scan3A_706 : i32 to index
      %get3A_752 = arith.constant 32 : index
      %get3A_753 = tpu.vector_load %arg8[%get3A_750, %get3A_751, %get3A_752] {strides = array<i32>} : memref<6x104x128xf32, #tpu.memory_space<vmem>>, vector<1x1x16xf32>,
      %get3A_754 = vector.shape_cast %get3A_753 : vector<1x1x16xf32> to vector<16xf32>
      %mul3A_755 = arith.constant 11.3137083 : f32
      %mul3A_756 = vector.broadcast %mul3A_755 : f32 to vector<16xf32>
      %mul3A_757 = arith.mulf %get3A_754, %mul3A_756 : vector<16xf32>
      %get3A_758 = arith.index_cast %add3A_708 : i32 to index
      %get3A_759 = arith.constant 32 : index
      %get3A_760 = tpu.vector_load %arg7[%get3A_758, %get3A_759] {strides = array<i32>} : memref<200x128xf32, #tpu.memory_space<vmem>>, vector<1x16xf32>,
      %get3A_761 = vector.shape_cast %get3A_760 : vector<1x16xf32> to vector<16xf32>
      %add3A_762 = arith.addf %mul3A_757, %get3A_761 : vector<16xf32>
      %swap3A_763 = arith.constant 3 : i32
      %swap3A_764 = arith.index_cast %swap3A_763 : i32 to index
      %swap3A_765 = arith.index_cast %scan3A_706 : i32 to index
      %swap3A_766 = arith.constant 32 : index
      %swap3A_767 = tpu.vector_load %arg8[%swap3A_764, %swap3A_765, %swap3A_766] {strides = array<i32>} : memref<6x104x128xf32, #tpu.memory_space<vmem>>, vector<1x1x16xf32>,
      %swap3A_768 = vector.shape_cast %swap3A_767 : vector<1x1x16xf32> to vector<16xf32>
      %swap3A_769 = vector.shape_cast %add3A_762 : vector<16xf32> to vector<1x1x16xf32>
      tpu.vector_store %arg8[%swap3A_764, %swap3A_765, %swap3A_766], %swap3A_769 {strides = array<i32>} : memref<6x104x128xf32, #tpu.memory_space<vmem>>, vector<1x1x16xf32>,
      %get3A_770 = arith.constant 3 : i32
      %get3A_771 = arith.index_cast %get3A_770 : i32 to index
      %get3A_772 = arith.index_cast %scan3A_706 : i32 to index
      %get3A_773 = arith.constant 48 : index
      %get3A_774 = tpu.vector_load %arg8[%get3A_771, %get3A_772, %get3A_773] {strides = array<i32>} : memref<6x104x128xf32, #tpu.memory_space<vmem>>, vector<1x1x16xf32>,
      %get3A_775 = vector.shape_cast %get3A_774 : vector<1x1x16xf32> to vector<16xf32>
      %mul3A_776 = arith.constant 11.3137083 : f32
      %mul3A_777 = vector.broadcast %mul3A_776 : f32 to vector<16xf32>
      %mul3A_778 = arith.mulf %get3A_775, %mul3A_777 : vector<16xf32>
      %get3A_779 = arith.index_cast %add3A_708 : i32 to index
      %get3A_780 = arith.constant 48 : index
      %get3A_781 = tpu.vector_load %arg7[%get3A_779, %get3A_780] {strides = array<i32>} : memref<200x128xf32, #tpu.memory_space<vmem>>, vector<1x16xf32>,
      %get3A_782 = vector.shape_cast %get3A_781 : vector<1x16xf32> to vector<16xf32>
      %add3A_783 = arith.addf %mul3A_778, %get3A_782 : vector<16xf32>
      %swap3A_784 = arith.constant 3 : i32
      %swap3A_785 = arith.index_cast %swap3A_784 : i32 to index
      %swap3A_786 = arith.index_cast %scan3A_706 : i32 to index
      %swap3A_787 = arith.constant 48 : index
      %swap3A_788 = tpu.vector_load %arg8[%swap3A_785, %swap3A_786, %swap3A_787] {strides = array<i32>} : memref<6x104x128xf32, #tpu.memory_space<vmem>>, vector<1x1x16xf32>,
      %swap3A_789 = vector.shape_cast %swap3A_788 : vector<1x1x16xf32> to vector<16xf32>
      %swap3A_790 = vector.shape_cast %add3A_783 : vector<16xf32> to vector<1x1x16xf32>
      tpu.vector_store %arg8[%swap3A_785, %swap3A_786, %swap3A_787], %swap3A_790 {strides = array<i32>} : memref<6x104x128xf32, #tpu.memory_space<vmem>>, vector<1x1x16xf32>,
      %get3A_791 = arith.constant 3 : i32
      %get3A_792 = arith.index_cast %get3A_791 : i32 to index
      %get3A_793 = arith.index_cast %scan3A_706 : i32 to index
      %get3A_794 = arith.constant 64 : index
      %get3A_795 = tpu.vector_load %arg8[%get3A_792, %get3A_793, %get3A_794] {strides = array<i32>} : memref<6x104x128xf32, #tpu.memory_space<vmem>>, vector<1x1x16xf32>,
      %get3A_796 = vector.shape_cast %get3A_795 : vector<1x1x16xf32> to vector<16xf32>
      %mul3A_797 = arith.constant 11.3137083 : f32
      %mul3A_798 = vector.broadcast %mul3A_797 : f32 to vector<16xf32>
      %mul3A_799 = arith.mulf %get3A_796, %mul3A_798 : vector<16xf32>
      %get3A_800 = arith.index_cast %add3A_708 : i32 to index
      %get3A_801 = arith.constant 64 : index
      %get3A_802 = tpu.vector_load %arg7[%get3A_800, %get3A_801] {strides = array<i32>} : memref<200x128xf32, #tpu.memory_space<vmem>>, vector<1x16xf32>,
      %get3A_803 = vector.shape_cast %get3A_802 : vector<1x16xf32> to vector<16xf32>
      %add3A_804 = arith.addf %mul3A_799, %get3A_803 : vector<16xf32>
      %swap3A_805 = arith.constant 3 : i32
      %swap3A_806 = arith.index_cast %swap3A_805 : i32 to index
      %swap3A_807 = arith.index_cast %scan3A_706 : i32 to index
      %swap3A_808 = arith.constant 64 : index
      %swap3A_809 = tpu.vector_load %arg8[%swap3A_806, %swap3A_807, %swap3A_808] {strides = array<i32>} : memref<6x104x128xf32, #tpu.memory_space<vmem>>, vector<1x1x16xf32>,
      %swap3A_810 = vector.shape_cast %swap3A_809 : vector<1x1x16xf32> to vector<16xf32>
      %swap3A_811 = vector.shape_cast %add3A_804 : vector<16xf32> to vector<1x1x16xf32>
      tpu.vector_store %arg8[%swap3A_806, %swap3A_807, %swap3A_808], %swap3A_811 {strides = array<i32>} : memref<6x104x128xf32, #tpu.memory_space<vmem>>, vector<1x1x16xf32>,
      %get3A_812 = arith.constant 3 : i32
      %get3A_813 = arith.index_cast %get3A_812 : i32 to index
      %get3A_814 = arith.index_cast %scan3A_706 : i32 to index
      %get3A_815 = arith.constant 80 : index
      %get3A_816 = tpu.vector_load %arg8[%get3A_813, %get3A_814, %get3A_815] {strides = array<i32>} : memref<6x104x128xf32, #tpu.memory_space<vmem>>, vector<1x1x16xf32>,
      %get3A_817 = vector.shape_cast %get3A_816 : vector<1x1x16xf32> to vector<16xf32>
      %mul3A_818 = arith.constant 11.3137083 : f32
      %mul3A_819 = vector.broadcast %mul3A_818 : f32 to vector<16xf32>
      %mul3A_820 = arith.mulf %get3A_817, %mul3A_819 : vector<16xf32>
      %get3A_821 = arith.index_cast %add3A_708 : i32 to index
      %get3A_822 = arith.constant 80 : index
      %get3A_823 = tpu.vector_load %arg7[%get3A_821, %get3A_822] {strides = array<i32>} : memref<200x128xf32, #tpu.memory_space<vmem>>, vector<1x16xf32>,
      %get3A_824 = vector.shape_cast %get3A_823 : vector<1x16xf32> to vector<16xf32>
      %add3A_825 = arith.addf %mul3A_820, %get3A_824 : vector<16xf32>
      %swap3A_826 = arith.constant 3 : i32
      %swap3A_827 = arith.index_cast %swap3A_826 : i32 to index
      %swap3A_828 = arith.index_cast %scan3A_706 : i32 to index
      %swap3A_829 = arith.constant 80 : index
      %swap3A_830 = tpu.vector_load %arg8[%swap3A_827, %swap3A_828, %swap3A_829] {strides = array<i32>} : memref<6x104x128xf32, #tpu.memory_space<vmem>>, vector<1x1x16xf32>,
      %swap3A_831 = vector.shape_cast %swap3A_830 : vector<1x1x16xf32> to vector<16xf32>
      %swap3A_832 = vector.shape_cast %add3A_825 : vector<16xf32> to vector<1x1x16xf32>
      tpu.vector_store %arg8[%swap3A_827, %swap3A_828, %swap3A_829], %swap3A_832 {strides = array<i32>} : memref<6x104x128xf32, #tpu.memory_space<vmem>>, vector<1x1x16xf32>,
      %get3A_833 = arith.constant 3 : i32
      %get3A_834 = arith.index_cast %get3A_833 : i32 to index
      %get3A_835 = arith.index_cast %scan3A_706 : i32 to index
      %get3A_836 = arith.constant 96 : index
      %get3A_837 = tpu.vector_load %arg8[%get3A_834, %get3A_835, %get3A_836] {strides = array<i32>} : memref<6x104x128xf32, #tpu.memory_space<vmem>>, vector<1x1x16xf32>,
      %get3A_838 = vector.shape_cast %get3A_837 : vector<1x1x16xf32> to vector<16xf32>
      %mul3A_839 = arith.constant 11.3137083 : f32
      %mul3A_840 = vector.broadcast %mul3A_839 : f32 to vector<16xf32>
      %mul3A_841 = arith.mulf %get3A_838, %mul3A_840 : vector<16xf32>
      %get3A_842 = arith.index_cast %add3A_708 : i32 to index
      %get3A_843 = arith.constant 96 : index
      %get3A_844 = tpu.vector_load %arg7[%get3A_842, %get3A_843] {strides = array<i32>} : memref<200x128xf32, #tpu.memory_space<vmem>>, vector<1x16xf32>,
      %get3A_845 = vector.shape_cast %get3A_844 : vector<1x16xf32> to vector<16xf32>
      %add3A_846 = arith.addf %mul3A_841, %get3A_845 : vector<16xf32>
      %swap3A_847 = arith.constant 3 : i32
      %swap3A_848 = arith.index_cast %swap3A_847 : i32 to index
      %swap3A_849 = arith.index_cast %scan3A_706 : i32 to index
      %swap3A_850 = arith.constant 96 : index
      %swap3A_851 = tpu.vector_load %arg8[%swap3A_848, %swap3A_849, %swap3A_850] {strides = array<i32>} : memref<6x104x128xf32, #tpu.memory_space<vmem>>, vector<1x1x16xf32>,
      %swap3A_852 = vector.shape_cast %swap3A_851 : vector<1x1x16xf32> to vector<16xf32>
      %swap3A_853 = vector.shape_cast %add3A_846 : vector<16xf32> to vector<1x1x16xf32>
      tpu.vector_store %arg8[%swap3A_848, %swap3A_849, %swap3A_850], %swap3A_853 {strides = array<i32>} : memref<6x104x128xf32, #tpu.memory_space<vmem>>, vector<1x1x16xf32>,
      %get3A_854 = arith.constant 3 : i32
      %get3A_855 = arith.index_cast %get3A_854 : i32 to index
      %get3A_856 = arith.index_cast %scan3A_706 : i32 to index
      %get3A_857 = arith.constant 112 : index
      %get3A_858 = tpu.vector_load %arg8[%get3A_855, %get3A_856, %get3A_857] {strides = array<i32>} : memref<6x104x128xf32, #tpu.memory_space<vmem>>, vector<1x1x16xf32>,
      %get3A_859 = vector.shape_cast %get3A_858 : vector<1x1x16xf32> to vector<16xf32>
      %mul3A_860 = arith.constant 11.3137083 : f32
      %mul3A_861 = vector.broadcast %mul3A_860 : f32 to vector<16xf32>
      %mul3A_862 = arith.mulf %get3A_859, %mul3A_861 : vector<16xf32>
      %get3A_863 = arith.index_cast %add3A_708 : i32 to index
      %get3A_864 = arith.constant 112 : index
      %get3A_865 = tpu.vector_load %arg7[%get3A_863, %get3A_864] {strides = array<i32>} : memref<200x128xf32, #tpu.memory_space<vmem>>, vector<1x16xf32>,
      %get3A_866 = vector.shape_cast %get3A_865 : vector<1x16xf32> to vector<16xf32>
      %add3A_867 = arith.addf %mul3A_862, %get3A_866 : vector<16xf32>
      %swap3A_868 = arith.constant 3 : i32
      %swap3A_869 = arith.index_cast %swap3A_868 : i32 to index
      %swap3A_870 = arith.index_cast %scan3A_706 : i32 to index
      %swap3A_871 = arith.constant 112 : index
      %swap3A_872 = tpu.vector_load %arg8[%swap3A_869, %swap3A_870, %swap3A_871] {strides = array<i32>} : memref<6x104x128xf32, #tpu.memory_space<vmem>>, vector<1x1x16xf32>,
      %swap3A_873 = vector.shape_cast %swap3A_872 : vector<1x1x16xf32> to vector<16xf32>
      %swap3A_874 = vector.shape_cast %add3A_867 : vector<16xf32> to vector<1x1x16xf32>
      tpu.vector_store %arg8[%swap3A_869, %swap3A_870, %swap3A_871], %swap3A_874 {strides = array<i32>} : memref<6x104x128xf32, #tpu.memory_space<vmem>>, vector<1x1x16xf32>,
    }
    %scan3A_648 = arith.constant 96 : i32
    %add3A_649 = arith.constant 31 : i32
    %add3A_650 = arith.addi %mul3A_2, %add3A_649 : i32
    %dma_start3A_651 = arith.constant 3 : i32
    %dma_start3A_652 = arith.constant 0 : i32
    %dma_start3A_653 = arith.constant 0 : i32
    %dma_start3A_654 = tpu.memref_slice %arg8[%dma_start3A_651, %dma_start3A_652, %dma_start3A_653] : memref<6x104x128xf32, #tpu.memory_space<vmem>> -> memref<1x96x128xf32, #tpu.memory_space<vmem>>
    %dma_start3A_655 = tpu.memref_squeeze %dma_start3A_654 : memref<1x96x128xf32, #tpu.memory_space<vmem>> -> memref<96x128xf32, #tpu.memory_space<vmem>>
    %dma_start3A_656 = arith.constant 104 : i32
    %dma_start3A_657 = arith.constant 0 : i32
    %dma_start3A_658 = tpu.memref_slice %arg5[%add3A_650, %dma_start3A_656, %dma_start3A_657] : memref<1024x200x128xf32, #tpu.memory_space<hbm>> -> memref<1x96x128xf32, #tpu.memory_space<hbm>>
    %dma_start3A_659 = tpu.memref_squeeze %dma_start3A_658 : memref<1x96x128xf32, #tpu.memory_space<hbm>> -> memref<96x128xf32, #tpu.memory_space<hbm>>
    %dma_start3A_660 = arith.constant 104 : i32
    %dma_start3A_661 = arith.constant 0 : i32
    %dma_start3A_662 = tpu.memref_slice %arg5[%add3A_650, %dma_start3A_660, %dma_start3A_661] : memref<1024x200x128xf32, #tpu.memory_space<hbm>> -> memref<1x96x128xf32, #tpu.memory_space<hbm>>
    %dma_start3A_663 = tpu.memref_squeeze %dma_start3A_662 : memref<1x96x128xf32, #tpu.memory_space<hbm>> -> memref<96x128xf32, #tpu.memory_space<hbm>>
    %dma_start3A_664 = arith.constant 0 : i32
    %dma_start3A_665 = arith.constant 0 : i32
    %dma_start3A_666 = tpu.memref_slice %arg8[%dma_start3A_651, %dma_start3A_664, %dma_start3A_665] : memref<6x104x128xf32, #tpu.memory_space<vmem>> -> memref<1x96x128xf32, #tpu.memory_space<vmem>>
    %dma_start3A_667 = tpu.memref_squeeze %dma_start3A_666 : memref<1x96x128xf32, #tpu.memory_space<vmem>> -> memref<96x128xf32, #tpu.memory_space<vmem>>
    tpu.enqueue_dma source(%dma_start3A_667 : memref<96x128xf32, #tpu.memory_space<vmem>>) target(%dma_start3A_663 : memref<96x128xf32, #tpu.memory_space<hbm>>) target_semaphore(%arg18 : memref<!tpu.dma_semaphore, #tpu.memory_space<semaphore_mem>>)
    %add3A_668 = arith.constant 31 : i32
    %add3A_669 = arith.addi %mul3A_2, %add3A_668 : i32
    %dma_wait3A_670 = arith.constant 2 : i32
    %dma_wait3A_671 = arith.constant 0 : i32
    %dma_wait3A_672 = arith.constant 0 : i32
    %dma_wait3A_673 = tpu.memref_slice %arg8[%dma_wait3A_670, %dma_wait3A_671, %dma_wait3A_672] : memref<6x104x128xf32, #tpu.memory_space<vmem>> -> memref<1x104x128xf32, #tpu.memory_space<vmem>>
    %dma_wait3A_674 = tpu.memref_squeeze %dma_wait3A_673 : memref<1x104x128xf32, #tpu.memory_space<vmem>> -> memref<104x128xf32, #tpu.memory_space<vmem>>
    %dma_wait3A_675 = arith.constant 0 : i32
    %dma_wait3A_676 = arith.constant 0 : i32
    %dma_wait3A_677 = tpu.memref_slice %arg5[%add3A_669, %dma_wait3A_675, %dma_wait3A_676] : memref<1024x200x128xf32, #tpu.memory_space<hbm>> -> memref<1x104x128xf32, #tpu.memory_space<hbm>>
    %dma_wait3A_678 = tpu.memref_squeeze %dma_wait3A_677 : memref<1x104x128xf32, #tpu.memory_space<hbm>> -> memref<104x128xf32, #tpu.memory_space<hbm>>
    %dma_wait3A_679 = arith.constant 0 : i32
    %dma_wait3A_680 = arith.constant 0 : i32
    %dma_wait3A_681 = tpu.memref_slice %arg5[%add3A_669, %dma_wait3A_679, %dma_wait3A_680] : memref<1024x200x128xf32, #tpu.memory_space<hbm>> -> memref<1x104x128xf32, #tpu.memory_space<hbm>>
    %dma_wait3A_682 = tpu.memref_squeeze %dma_wait3A_681 : memref<1x104x128xf32, #tpu.memory_space<hbm>> -> memref<104x128xf32, #tpu.memory_space<hbm>>
    %dma_wait3A_683 = arith.constant 0 : i32
    %dma_wait3A_684 = arith.constant 0 : i32
    %dma_wait3A_685 = tpu.memref_slice %arg8[%dma_wait3A_670, %dma_wait3A_683, %dma_wait3A_684] : memref<6x104x128xf32, #tpu.memory_space<vmem>> -> memref<1x104x128xf32, #tpu.memory_space<vmem>>
    %dma_wait3A_686 = tpu.memref_squeeze %dma_wait3A_685 : memref<1x104x128xf32, #tpu.memory_space<vmem>> -> memref<104x128xf32, #tpu.memory_space<vmem>>
    tpu.wait_dma2 semaphore(%arg17 : memref<!tpu.dma_semaphore, #tpu.memory_space<semaphore_mem>>) src(%dma_wait3A_686 : memref<104x128xf32, #tpu.memory_space<vmem>>) dst(%dma_wait3A_682 : memref<104x128xf32, #tpu.memory_space<hbm>>)
    %add3A_687 = arith.constant 31 : i32
    %add3A_688 = arith.addi %mul3A_2, %add3A_687 : i32
    %dma_wait3A_689 = arith.constant 3 : i32
    %dma_wait3A_690 = arith.constant 0 : i32
    %dma_wait3A_691 = arith.constant 0 : i32
    %dma_wait3A_692 = tpu.memref_slice %arg8[%dma_wait3A_689, %dma_wait3A_690, %dma_wait3A_691] : memref<6x104x128xf32, #tpu.memory_space<vmem>> -> memref<1x96x128xf32, #tpu.memory_space<vmem>>
    %dma_wait3A_693 = tpu.memref_squeeze %dma_wait3A_692 : memref<1x96x128xf32, #tpu.memory_space<vmem>> -> memref<96x128xf32, #tpu.memory_space<vmem>>
    %dma_wait3A_694 = arith.constant 104 : i32
    %dma_wait3A_695 = arith.constant 0 : i32
    %dma_wait3A_696 = tpu.memref_slice %arg5[%add3A_688, %dma_wait3A_694, %dma_wait3A_695] : memref<1024x200x128xf32, #tpu.memory_space<hbm>> -> memref<1x96x128xf32, #tpu.memory_space<hbm>>
    %dma_wait3A_697 = tpu.memref_squeeze %dma_wait3A_696 : memref<1x96x128xf32, #tpu.memory_space<hbm>> -> memref<96x128xf32, #tpu.memory_space<hbm>>
    %dma_wait3A_698 = arith.constant 104 : i32
    %dma_wait3A_699 = arith.constant 0 : i32
    %dma_wait3A_700 = tpu.memref_slice %arg5[%add3A_688, %dma_wait3A_698, %dma_wait3A_699] : memref<1024x200x128xf32, #tpu.memory_space<hbm>> -> memref<1x96x128xf32, #tpu.memory_space<hbm>>
    %dma_wait3A_701 = tpu.memref_squeeze %dma_wait3A_700 : memref<1x96x128xf32, #tpu.memory_space<hbm>> -> memref<96x128xf32, #tpu.memory_space<hbm>>
    %dma_wait3A_702 = arith.constant 0 : i32
    %dma_wait3A_703 = arith.constant 0 : i32
    %dma_wait3A_704 = tpu.memref_slice %arg8[%dma_wait3A_689, %dma_wait3A_702, %dma_wait3A_703] : memref<6x104x128xf32, #tpu.memory_space<vmem>> -> memref<1x96x128xf32, #tpu.memory_space<vmem>>
    %dma_wait3A_705 = tpu.memref_squeeze %dma_wait3A_704 : memref<1x96x128xf32, #tpu.memory_space<vmem>> -> memref<96x128xf32, #tpu.memory_space<vmem>>
    tpu.wait_dma2 semaphore(%arg18 : memref<!tpu.dma_semaphore, #tpu.memory_space<semaphore_mem>>) src(%dma_wait3A_705 : memref<96x128xf32, #tpu.memory_space<vmem>>) dst(%dma_wait3A_701 : memref<96x128xf32, #tpu.memory_space<hbm>>)
    return
  }
}

</mosaic_0001>

<sc_bundles>
// kernel: _pre_process.3.cloned.1.call-start
scs
__scs_entry_jumppad:
0x0: {  	(pc) =	sbr.rel $0x88, $3  }
0x1: {  	(tag) =	ssettag $0x0;
	lr =	simm.s32 $0x1  }
0x2: {  	[smem:$0x3F9E] =	sst lr;
	_ =	strace $0xD0000000  }
0x3: {  	_ = 	snop  }
0x4: {  	_ = 	snop  }
0x5: {  	_ = 	snop  }
0x6: {  	_ = 	snop  }
0x7: {  	_ = 	snop  }
__scs_overlays_trampoline_lowered:
0x8: {  	[smem:$0x3FAD] =	sst s0  }
0x9: {  	[smem:$0x3FAE] =	sst s1  }
0xa: {  	[smem:$0x3FAF] =	sst s2  }
0xb: {  	[smem:$0x3FB0] =	sst s3  }
0xc: {  	[smem:$0x3FB1] =	sst s4  }
0xd: {  	[smem:$0x3FB2] =	sst s5  }
0xe: {  	[smem:$0x3FB3] =	sst s6  }
0xf: {  	[smem:$0x3FB4] =	sst s7  }
0x10: {  	[smem:$0x3FB5] =	sst s8  }
0x11: {  	[smem:$0x3FB6] =	sst s9;
	s0 =	simm.s32 @!p0 $0x0  }
0x12: {  	s1 =	sld [smem:$0x3F9C];
	s0 =	simm.s32 @p0 $0x1  }
0x13: {  	[smem:$0x3FB7] =	sst s0;
	s0 =	simm.s32 @!p1 $0x0  }
0x14: {  	s2 =	sld [smem:$0x3F9B];
	s0 =	simm.s32 @p1 $0x1  }
0x15: {  	[smem:$0x3FB8] =	sst s0;
	s0 =	simm.s32 @!p2 $0x0  }
0x16: {  	s3 =	sld [smem:$0x3FDB];
	s0 =	simm.s32 @p2 $0x1  }
0x17: {  	s4 =	simm.s32 $0x1BF5;
	[smem:$0x3FBA] =	sst s0  }
0x18: {  	s0 =	sld [smem:$0x3F9D];
	_ =	swait.ge [sflag:s4], $0x0  }
0x19: {  	s7 =	sld [smem:$0x3F9E]  }
0x1a: {  	s8 =	sadd.s32 $0xFFFFE003, lr  }
0x1b: {  	s9 =	sadd.s32 $0xFFFFFEF7, lr;
	s5 =	simm.s32 $0xFFFFFFFF;
	p2 =	slt.u32 s8, $0xFFFFF086  }
0x1c: {  	p1 =	slt.u32 s9, $0xF7A;
	s5 =	simm.s32 @!p2 $0x0  }
0x1d: {  	s5 =	simm.s32 @p1 $0x1;
	p0 =	seq.s32 s7, s2  }
0x1e: {  	s7 =	smul.u32 @!p0 $0xF7A, s2;
	p2 =	seq.s32 @!p0 s5, $0x0  }
0x1f: {  	s9 =	smul.u32 $0xF7A, s1;
	s8 =	simm.s32 @!p0 $0x1BF5;
	p2 =	por !p2, p0  }
0x20: {  	[sflag:s8] =	ssyncset.s32 @!p0 $0xFFFFF086;
	s6 =	sadd.s32 @!p0 s3, s7;
	s7 =	simm.s32 @!p0 $0x108  }
0x21: {  	s3 =	sadd.s32 s3, s9;
	s6 =	sadd.s32 @!p0 $0x88, s6;
	s7 =	simm.s32 @p2 $0x1082  }
0x22: {  	[simem:s7], [sflag:s8] =	dma.local @!p0 [hbm:s6], $0xF7A  }
0x23: {  	s9 =	sor.u32 $0xD0000000, s2;
	s6 =	simm.s32 $0x108;
	_ =	swait.ge @!p0 [sflag:s8], $0x0  }
0x24: {  	s3 =	sadd.s32 $0x88, s3;
	s6 =	simm.s32 @!p1 $0x1082;
	[sflag:s4] =	ssyncset.s32 $0xFFFFF086  }
0x25: {  	[simem:s6], [sflag:s4] =	dma.local [hbm:s3], $0xF7A  }
0x26: {  	[smem:$0x3F9E] =	sst s1;
	(tag) =	ssettag s2;
	_ =	strace s9  }
0x27: {  	s1 =	sld [smem:$0x3FAE]  }
0x28: {  	s2 =	sld [smem:$0x3FAF]  }
0x29: {  	s4 =	sld [smem:$0x3FB1]  }
0x2a: {  	p0 =	seq.s32 s5, $0x0;
	s5 =	sld [smem:$0x3FB2]  }
0x2b: {  	s6 =	sld [smem:$0x3FB3]  }
0x2c: {  	s7 =	sld [smem:$0x3FB4]  }
0x2d: {  	s3 =	simm.s32 $0x108;
	s8 =	sld [smem:$0x3FB5]  }
0x2e: {  	s3 =	simm.s32 @!p0 $0x1082;
	s9 =	sld [smem:$0x3FB6]  }
0x2f: {  	lr =	sadd.s32 s0, s3;
	s0 =	sld [smem:$0x3FAD]  }
0x30: {  	s3 =	sld [smem:$0x3FB0]  }
0x31: {  	[smem:$0x3FB9] =	sst s10  }
0x32: {  	s10 =	sld [smem:$0x3FB7];
	_ =	sdelay $0x3  }
0x33: {  	p0 =	seq.s32 s10, $0x1;
	s10 =	sld [smem:$0x3FB9];
	_ =	sdelay $0x3  }
0x34: {  	[smem:$0x3FB9] =	sst s10  }
0x35: {  	s10 =	sld [smem:$0x3FB8];
	_ =	sdelay $0x3  }
0x36: {  	p1 =	seq.s32 s10, $0x1;
	s10 =	sld [smem:$0x3FB9];
	_ =	sdelay $0x3  }
0x37: {  	[smem:$0x3FB9] =	sst s10  }
0x38: {  	s10 =	sld [smem:$0x3FBA]  }
0x39: {  	_ = 	snop;
	(pc) =	sbr.ind lr, $3  }
0x3a: {  	_ = 	snop  }
0x3b: {  	_ = 	snop  }
0x3c: {  	p2 =	seq.s32 s10, $0x1;
	s10 =	sld [smem:$0x3FB9]  }
0x3d: {  	_ =	shalt  }
0x3e: {  	_ =	shalt  }
0x3f: {  	_ =	shalt  }
0x40: {  	_ =	shalt  }
0x41: {  	_ =	shalt  }
0x42: {  	_ =	shalt  }
0x43: {  	_ =	shalt  }
0x44: {  	_ =	shalt  }
0x45: {  	_ =	shalt  }
0x46: {  	_ =	shalt  }
0x47: {  	_ =	shalt  }
0x48: {  	_ =	shalt  }
0x49: {  	_ =	shalt  }
0x4a: {  	_ =	shalt  }
0x4b: {  	_ =	shalt  }
0x4c: {  	_ =	shalt  }
0x4d: {  	_ =	shalt  }
0x4e: {  	_ =	shalt  }
0x4f: {  	_ =	shalt  }
0x50: {  	_ =	shalt  }
0x51: {  	_ =	shalt  }
0x52: {  	_ =	shalt  }
0x53: {  	_ =	shalt  }
0x54: {  	_ =	shalt  }
0x55: {  	_ =	shalt  }
0x56: {  	_ =	shalt  }
0x57: {  	_ =	shalt  }
0x58: {  	_ =	shalt  }
0x59: {  	_ =	shalt  }
0x5a: {  	_ =	shalt  }
0x5b: {  	_ =	shalt  }
0x5c: {  	_ =	shalt  }
0x5d: {  	_ =	shalt  }
0x5e: {  	_ =	shalt  }
0x5f: {  	_ =	shalt  }
0x60: {  	_ =	shalt  }
0x61: {  	_ =	shalt  }
0x62: {  	_ =	shalt  }
0x63: {  	_ =	shalt  }
0x64: {  	_ =	shalt  }
0x65: {  	_ =	shalt  }
0x66: {  	_ =	shalt  }
0x67: {  	_ =	shalt  }
0x68: {  	_ =	shalt  }
0x69: {  	_ =	shalt  }
0x6a: {  	_ =	shalt  }
0x6b: {  	_ =	shalt  }
0x6c: {  	_ =	shalt  }
0x6d: {  	_ =	shalt  }
0x6e: {  	_ =	shalt  }
0x6f: {  	_ =	shalt  }
0x70: {  	_ =	shalt  }
0x71: {  	_ =	shalt  }
0x72: {  	_ =	shalt  }
0x73: {  	_ =	shalt  }
0x74: {  	_ =	shalt  }
0x75: {  	_ =	shalt  }
0x76: {  	_ =	shalt  }
0x77: {  	_ =	shalt  }
0x78: {  	_ =	shalt  }
0x79: {  	_ =	shalt  }
0x7a: {  	_ =	shalt  }
0x7b: {  	_ =	shalt  }
0x7c: {  	_ =	shalt  }
0x7d: {  	_ =	shalt  }
0x7e: {  	_ =	shalt  }
0x7f: {  	_ =	shalt  }
0x80: {  	_ =	shalt  }
0x81: {  	_ =	shalt  }
0x82: {  	_ =	shalt  }
0x83: {  	_ =	shalt  }
0x84: {  	_ =	shalt  }
0x85: {  	_ =	shalt  }
0x86: {  	_ =	shalt  }
0x87: {  	_ =	shalt  }
.Lfunc_end0:
.L_simem_size_0:
called_computation_lowered:
.L_overlay_start_0:
0x88: {  	s2 =	sld [smem:$0x3FD9]  }
0x89: {  	s3 =	sld [smem:$0x3FFE];
	_ =	sdelay $0x1  }
0x8a: {  	s1 =	srdreg.scid  }
0x8b: {  	s0 =	sand.u32 $0x1, s1  }
0x8c: {  	s18 =	sshll.u32 s0, $0xA;
	s2 =	sadd.s32 s3, s2  }
0x8d: {  	s2 =	sadd.s32 s2, s18  }
0x8e: {  	[smem:$0x3FC5] =	sst s2  }
0x8f: {  	_ = 	snop  }
0x90: {  	s2 =	sld [smem:$0x3FC9]  }
0x91: {  	s19 =	sld [smem:$0x3FC8]  }
0x92: {  	s4 =	sld [smem:$0x3FC7]  }
0x93: {  	s5 =	sld [smem:$0x3FD0];
	(tm) =	ssettm $0x1  }
0x94: {  	s6 =	sld [smem:$0x3FFB];
	_ =	sdelay $0x3  }
0x95: {  	_ =	strace s6  }
0x96: {  	s6 =	sld [smem:$0x3FFC];
	_ =	sdelay $0x3  }
0x97: {  	_ =	strace s6  }
0x98: {  	s6 =	sld [smem:$0x3FFD];
	_ =	sdelay $0x3  }
0x99: {  	_ =	strace s6  }
0x9a: {  	_ =	strace $0x8FFFFFFF  }
0x9b: {  	s20 =	sld [smem:$0x3FDB];
	_ =	sdelay $0x1  }
0x9c: {  	s7 =	simm.s32 $_scs_section_size  }
0x9d: {  	s8 =	simm.s32 $_size__tile_overlayer_lowered;
	s9 =	simm.s32 $_tile_overlayer_lowered  }
0x9e: {  	s23 =	simm.s32 $0x1BFF;
	s22 =	sshll.u32 s9, $0x1;
	s6 =	sadd.s32 s7, s20  }
0x9f: {  	s10 =	simm.s32 $0x0;
	s21 =	sshll.u32 s8, $0x1;
	s8 =	sadd.s32 s22, s6  }
0xa0: {  	[timem:s10], [sflag:s23] =	dma.local [hbm:s8], s21  }
0xa1: {  	_ =	swait.ge [sflag:s23], s21  }
0xa2: {  	s7 =	ssub.s32 $0x0, s21;
	[sflag:s23] =	ssyncset.done $0x0  }
0xa3: {  	[sflag:s23] =	ssyncadd.s32 s7;
	_ =	sdelay $0x1  }
0xa4: {  	s24 =	simm.s32 $0x1B8B  }
0xa5: {  	_ =	swait.ge [sflag:s24], $0x1  }
0xa6: {  	[sflag:s24] =	ssyncset.done $0x0  }
0xa7: {  	s25 =	simm.s32 $0x1B8E;
	[sflag:s24] =	ssyncadd.s32 $0xFFFFFFFF  }
0xa8: {  	s26 =	simm.s32 $execute0_lowered;
	[smem:$0x3FD2] =	sst s25  }
0xa9: {  	s7 =	sshll.u32 s26, $0x1;
	_ =	strace $0x80000046;
	[dreg:$0x1] =	wrdreg $0xFFFFFFFF  }
0xaa: {  	s28 =	simm.s32 $_size_execute0_lowered;
	s6 =	sadd.s32 s6, s7;
	[dreg:$0x0] =	wrdreg $0x0  }
0xab: {  	s7 =	sshll.u32 s28, $0x1;
	[dreg:$0x2] =	wrdreg s6  }
0xac: {  	[dreg:$0x3] =	wrdreg s7  }
0xad: {  	[dreg:$0x4] =	wrdreg $0xC0  }
0xae: {  	_ =	task [dreg:s10], $0x5FFFF  }
0xaf: {  	[dreg:$0x1] =	wrdreg $0xFFFFFFFF  }
0xb0: {  	[dreg:$0x0] =	wrdreg $0x60  }
0xb1: {  	[dreg:$0x2] =	wrdreg s2  }
0xb2: {  	[dreg:$0x3] =	wrdreg s19  }
0xb3: {  	[dreg:$0x4] =	wrdreg s4  }
0xb4: {  	[dreg:$0x5] =	wrdreg s5  }
0xb5: {  	[dreg:$0x6] =	wrdreg $0x9  }
0xb6: {  	_ =	task.clear_ibuf [dreg:s10], $0x7FFFF;
	_ =	strace $0x90000046  }
0xb7: {  	s29 =	simm.s32 $0x9;
	_ =	strace $0x80000048  }
0xb8: {  	_ =	swait.ge [sflag:s29], $0x1  }
0xb9: {  	[sflag:s29] =	ssyncadd.s32 $0xFFFFFFFF  }
0xba: {  	_ =	strace $0x90000048  }
0xbb: {  	_ =	sfence  }
0xbc: {  	s30 =	sld [smem:$0x0];
	_ =	sdelay $0x2  }
0xbd: {  	s31 =	sshll.u32 s1, $0xD;
	s1 =	sshrl.u32 s1, $0x2  }
0xbe: {  	s3 =	sand.u32 $0x4000, s31;
	s1 =	sadd.s32 s1, s30  }
0xbf: {  	s0 =	sor.u32 s3, s0;
	s1 =	sshll.u32 s1, $0x11  }
0xc0: {  	s0 =	sor.u32 s1, s0  }
0xc1: {  	s0 =	sadd.s32 $0x8F2B, s0  }
0xc2: {  	[sflag:s0] =	ssyncadd.remote.s32 $0x1  }
0xc3: {  	_ =	sfence.sel $0xFFFF  }
0xc4: {  	[dreg:$0x0] =	wrdreg $0xFFFFFFFF;
	(pc) =	sbr.abs _section_cstart, $3  }
0xc5: {  	[dreg:$0x1] =	wrdreg $0xFFFFFFFF  }
0xc6: {  	_ =	task.clear_ibuf [dreg:s10], $0x2FFFF;
	_ =	strace $0x9FFFFFFF  }
0xc7: {  	(tm) =	ssettm $0x7FFFFFFF  }
tec
execute0_lowered:
.L_overlay_start_1:
0x0: {  	(tag) =	ssettag $0x1  }
0x1: {  	s0 =	rddreg [dreg:$0x0]  }
0x2: {  	s1 =	rddreg [dreg:$0x1];
	s2 =	srdreg.scid  }
0x3: {  	s3 =	stileid.u32;
	s4 =	rddreg [dreg:$0x3];
	s17 =	simm.s32 $0x0  }
0x4: {  	s28 =	simm.s32 $0x11900;
	s2 =	sand.u32 $0x1, s2;
	s3 =	sshll.u32 s3, $0x1  }
0x5: {  	s29 =	simm.s32 $0x7;
	s31 =	simm.s32 $0x8;
	s3 =	sor.u32 s2, s3  }
0x6: {  	s9 =	simm.s32 $0x9;
	s2 =	ssub.s32 $0x2, s2;
	s8 =	smul.u32 $0x320, s3  }
0x7: {  	[smem:$0x7FF] =	sst s17;
	s6 =	smul.u32 $0xC8000, s3;
	s7 =	sshrl.u32 s2, $0x1  }
0x8: {  	_ =	strace $0x80000047;
	s2 =	ssub.s32 s2, s7;
	s0 =	sadd.s32 s0, s8  }
0x9: {  	s16 =	sshrl.u32 s6, $0x3;
	s30 =	smax.u32 s2, $0x1;
	[dreg:$0x5] =	wrdreg s0  }
0xa: {  	s10 =	simm.s32 $0x5;
	s18 =	sadd.s32 s4, s16;
	[dreg:$0x10] =	wrdreg s30  }
0xb: {  	s11 =	simm.s32 $0xA;
	s19 =	sadd.s32 $0x680, s18;
	[dreg:$0x6] =	wrdreg s18  }
0xc: {  	s12 =	simm.s32 $0x6;
	s20 =	sadd.s32 $0xC80, s18;
	[dreg:$0x7] =	wrdreg s19  }
0xd: {  	s13 =	simm.s32 $0xB;
	s21 =	sadd.s32 $0x1300, s18;
	[dreg:$0x8] =	wrdreg s20  }
0xe: {  	s14 =	simm.s32 $0xC;
	s22 =	sadd.s32 $0x1900, s18;
	[dreg:$0x9] =	wrdreg s21  }
0xf: {  	s7 =	simm.s32 $0x4;
	s23 =	sadd.s32 $0x1F80, s18;
	[dreg:$0xa] =	wrdreg s22  }
0x10: {  	s6 =	sshll.u32 s3, $0x5;
	s24 =	sadd.s32 $0x17700, s18;
	[dreg:$0xb] =	wrdreg s23  }
0x11: {  	s2 =	simm.s32 $0x14D00;
	s25 =	sadd.s32 $0x17D80, s18;
	[dreg:$0xc] =	wrdreg s24  }
0x12: {  	s3 =	simm.s32 $0x3;
	s26 =	sadd.s32 $0x18380, s18;
	[dreg:$0xd] =	wrdreg s25  }
0x13: {  	s8 =	simm.s32 $0x0;
	s0 =	sadd.s32 $0x18A00, s18;
	[dreg:$0xe] =	wrdreg s26  }
0x14: {  	[dreg:$0xf] =	wrdreg s0;
	s20 =	simm.s32 $0x68;
	s21 =	simm.s32 $0x7D00  }
0x15: {  	s22 =	simm.s32 $0x60;
	s23 =	simm.s32 $0xB100;
	s25 =	simm.s32 $0xE500  }
0x16: {  	s0 =	simm.s32 $0x1;
	s24 =	simm.s32 $0x18100;
	s26 =	simm.s32 $0x2  }
.LBB2_1:
0x17: {  	[dreg:$0x11] =	wrdreg s8  }
0x18: {  	s5 =	rddreg [dreg:$0x5];
	s30 =	simm.s32 $0xE  }
0x19: {  	[tilespmem:s17], [sflag:$0xE] =	stream.linear.gather [hbm4b:s5+s17], $0x1900, $0x38;
	[tilespmem:$0x1B500] =	vst v63  }
0x1a: {  	_ =	swait.ge [sflag:s30], $0x1900  }
0x1b: {  	[sflag:s30] =	ssyncset.done $0x0  }
0x1c: {  	[sflag:s30] =	ssyncadd.s32 $0xFFFFE700  }
0x1d: {  	[tilespmem:s21], [sflag:$0x1] =	stream.indirect.gather [hbm4b:s1+s20], $0x80, s17, s20, $0xb8;
	[tilespmem:$0x1B500] =	vst v63  }
0x1e: {  	_ = 	snop  }
0x1f: {  	[tilespmem:s23], [sflag:$0x2] =	stream.indirect.gather [hbm4b:s1+s22], $0x80, s20, s22, $0xb8;
	[tilespmem:$0x1B500] =	vst v63  }
0x20: {  	s8 =	simm.s32 $0xC8  }
0x21: {  	[tilespmem:s25], [sflag:$0x3] =	stream.indirect.gather [hbm4b:s1+s20], $0x80, s8, s20, $0xb8;
	[tilespmem:$0x1B500] =	vst v63  }
0x22: {  	s15 =	simm.s32 $0x130  }
0x23: {  	[tilespmem:s28], [sflag:$0x4] =	stream.indirect.gather [hbm4b:s1+s22], $0x80, s15, s22, $0xb8;
	[tilespmem:$0x1B500] =	vst v63  }
0x24: {  	s18 =	simm.s32 $0x1900;
	s19 =	simm.s32 $0xD;
	s16 =	rddreg [dreg:$0x2]  }
0x25: {  	[tilespmem:s18], [sflag:$0xD] =	stream.linear.gather [hbm4b:s16+s17], $0x6400, $0x38;
	[tilespmem:$0x1B500] =	vst v63  }
0x26: {  	_ =	swait.ge [sflag:s19], $0x6400  }
0x27: {  	[sflag:s19] =	ssyncset.done $0x0  }
0x28: {  	s30 =	simm.s32 $0x190;
	[sflag:s19] =	ssyncadd.s32 $0xFFFF9C00  }
0x29: {  	[tilespmem:s2], [sflag:$0x5] =	stream.indirect.gather [hbm4b:s1+s20], $0x80, s30, s20, $0xb8;
	[tilespmem:$0x1B500] =	vst v63  }
0x2a: {  	_ =	swait.ge [sflag:s0], $0x3400  }
0x2b: {  	[sflag:s0] =	ssyncset.done $0x0  }
0x2c: {  	s8 =	simm.s32 $0x0;
	[sflag:s0] =	ssyncadd.s32 $0xFFFFCC00  }
0x2d: {  	v5 =	vld [tilespmem:s8+$0x1900]  }
0x2e: {  	v4 =	vld [tilespmem:s8+$0x1910]  }
0x2f: {  	v3 =	vld [tilespmem:s8+$0x1920]  }
0x30: {  	v2 =	vld [tilespmem:s8+$0x1930]  }
0x31: {  	v1 =	vld [tilespmem:s8+$0x1940]  }
0x32: {  	v0 =	vld [tilespmem:s8+$0x1950]  }
0x33: {  	v6 =	vld [tilespmem:s8+$0x7D00]  }
0x34: {  	v11 =	vld [tilespmem:s8+$0x7D10]  }
0x35: {  	v10 =	vld [tilespmem:s8+$0x7D20]  }
0x36: {  	v9 =	vld [tilespmem:s8+$0x7D30]  }
0x37: {  	v8 =	vld [tilespmem:s8+$0x7D40]  }
0x38: {  	v7 =	vld [tilespmem:s8+$0x7D50];
	v12 =	vmul.f32 $1.131370830e+01, v6  }
0x39: {  	s16 =	simm.s32 $0x200;
	v11 =	vmul.f32 $1.131370830e+01, v11;
	v6 =	vld [tilespmem:s8+$0x7D60]  }
.LBB2_2:
0x3a: {  	p0 =	sne.s32 s16, $0xCE00;
	v5 =	vadd.f32 v5, v12;
	v10 =	vmul.f32 $1.131370830e+01, v10;
	v12 =	vld [tilespmem:s8+$0x7D70]  }
0x3b: {  	v4 =	vadd.f32 v4, v11;
	v9 =	vmul.f32 $1.131370830e+01, v9;
	v11 =	vld [tilespmem:s8+$0x1960]  }
0x3c: {  	s15 =	sshra.s32 s16, $0x2;
	[tilespmem:s8+$0x7D00] =	vst v5;
	v3 =	vadd.f32 v3, v10;
	v8 =	vmul.f32 $1.131370830e+01, v8;
	v10 =	vld [tilespmem:s8+$0x1970]  }
0x3d: {  	v5 =	vld [tilespmem:s15+$0x1900];
	[tilespmem:s8+$0x7D10] =	vst v4;
	v2 =	vadd.f32 v2, v9;
	v7 =	vmul.f32 $1.131370830e+01, v7  }
0x3e: {  	v4 =	vld [tilespmem:s15+$0x1910];
	[tilespmem:s8+$0x7D20] =	vst v3;
	v1 =	vadd.f32 v1, v8;
	v6 =	vmul.f32 $1.131370830e+01, v6  }
0x3f: {  	v3 =	vld [tilespmem:s15+$0x1920];
	[tilespmem:s8+$0x7D30] =	vst v2;
	v0 =	vadd.f32 v0, v7;
	v7 =	vmul.f32 $1.131370830e+01, v12  }
0x40: {  	v2 =	vld [tilespmem:s15+$0x1930];
	[tilespmem:s8+$0x7D40] =	vst v1;
	v6 =	vadd.f32 v11, v6  }
0x41: {  	v1 =	vld [tilespmem:s15+$0x1940];
	[tilespmem:s8+$0x7D50] =	vst v0;
	v7 =	vadd.f32 v10, v7  }
0x42: {  	v0 =	vld [tilespmem:s15+$0x1950];
	[tilespmem:s8+$0x7D60] =	vst v6  }
0x43: {  	v6 =	vld [tilespmem:s15+$0x7D00];
	[tilespmem:s8+$0x7D70] =	vst v7;
	s8 =	smov.u32 s15  }
0x44: {  	v11 =	vld [tilespmem:s8+$0x7D10]  }
.Ltmp0:
0x45: {  	v10 =	vld [tilespmem:s8+$0x7D20];
	(pc) =	sbr.rel @p0 .LBB2_2-.Ltmp0, $4  }
0x46: {  	v9 =	vld [tilespmem:s8+$0x7D30]  }
0x47: {  	v8 =	vld [tilespmem:s8+$0x7D40]  }
0x48: {  	v12 =	vmul.f32 $1.131370830e+01, v6;
	v7 =	vld [tilespmem:s8+$0x7D50]  }
0x49: {  	s16 =	sadd.s32 $0x200, s16;
	v11 =	vmul.f32 $1.131370830e+01, v11;
	v6 =	vld [tilespmem:s8+$0x7D60]  }
0x4a: {  	v5 =	vadd.f32 v5, v12;
	v12 =	vld [tilespmem:s8+$0x7D70];
	v10 =	vmul.f32 $1.131370830e+01, v10  }
0x4b: {  	v13 =	vld [tilespmem:s8+$0x1960];
	v4 =	vadd.f32 v4, v11;
	v9 =	vmul.f32 $1.131370830e+01, v9  }
0x4c: {  	[tilespmem:s8+$0x7D00] =	vst v5;
	v3 =	vadd.f32 v3, v10;
	v5 =	vmul.f32 $1.131370830e+01, v8;
	v8 =	vld [tilespmem:s8+$0x1970]  }
0x4d: {  	[tilespmem:s8+$0x7D10] =	vst v4;
	v2 =	vadd.f32 v2, v9;
	v4 =	vmul.f32 $1.131370830e+01, v7  }
0x4e: {  	[tilespmem:s8+$0x7D20] =	vst v3;
	v1 =	vadd.f32 v1, v5;
	v3 =	vmul.f32 $1.131370830e+01, v6  }
0x4f: {  	[tilespmem:s8+$0x7D30] =	vst v2;
	v0 =	vadd.f32 v0, v4;
	v2 =	vmul.f32 $1.131370830e+01, v12  }
0x50: {  	[tilespmem:s8+$0x7D40] =	vst v1;
	v1 =	vadd.f32 v13, v3  }
0x51: {  	[tilespmem:s8+$0x7D50] =	vst v0;
	v0 =	vadd.f32 v8, v2  }
0x52: {  	[tilespmem:s8+$0x7D60] =	vst v1  }
0x53: {  	s19 =	simm.s32 $0x0;
	s5 =	rddreg [dreg:$0x6];
	[tilespmem:s8+$0x7D70] =	vst v0  }
0x54: {  	[hbm4b:s5+s19] =	stream.linear.scatter [tilespmem:s21], [sflag:$0x7], $0x3400, $0x38;
	[tilespmem:$0x1B500] =	vst v63  }
0x55: {  	s30 =	simm.s32 $0x1F8  }
0x56: {  	[tilespmem:s24], [sflag:$0x6] =	stream.indirect.gather [hbm4b:s1+s22], $0x80, s30, s22, $0xb8;
	[tilespmem:$0x1B500] =	vst v63  }
0x57: {  	_ =	swait.ge [sflag:s26], $0x3000  }
0x58: {  	[sflag:s26] =	ssyncset.done $0x0  }
0x59: {  	s8 =	simm.s32 $0x0;
	[sflag:s26] =	ssyncadd.s32 $0xFFFFD000  }
0x5a: {  	v5 =	vld [tilespmem:s8+$0x4D00]  }
0x5b: {  	v4 =	vld [tilespmem:s8+$0x4D10]  }
0x5c: {  	v3 =	vld [tilespmem:s8+$0x4D20]  }
0x5d: {  	v2 =	vld [tilespmem:s8+$0x4D30]  }
0x5e: {  	v1 =	vld [tilespmem:s8+$0x4D40]  }
0x5f: {  	v0 =	vld [tilespmem:s8+$0x4D50]  }
0x60: {  	v6 =	vld [tilespmem:s8+$0xB100]  }
0x61: {  	v11 =	vld [tilespmem:s8+$0xB110]  }
0x62: {  	v10 =	vld [tilespmem:s8+$0xB120]  }
0x63: {  	v9 =	vld [tilespmem:s8+$0xB130]  }
0x64: {  	v8 =	vld [tilespmem:s8+$0xB140]  }
0x65: {  	v7 =	vld [tilespmem:s8+$0xB150];
	v12 =	vmul.f32 $1.131370830e+01, v6  }
0x66: {  	s16 =	simm.s32 $0x200;
	v11 =	vmul.f32 $1.131370830e+01, v11;
	v6 =	vld [tilespmem:s8+$0xB160]  }
.LBB2_4:
0x67: {  	p0 =	sne.s32 s16, $0xBE00;
	v5 =	vadd.f32 v5, v12;
	v10 =	vmul.f32 $1.131370830e+01, v10;
	v12 =	vld [tilespmem:s8+$0xB170]  }
0x68: {  	v4 =	vadd.f32 v4, v11;
	v9 =	vmul.f32 $1.131370830e+01, v9;
	v11 =	vld [tilespmem:s8+$0x4D60]  }
0x69: {  	s15 =	sshra.s32 s16, $0x2;
	[tilespmem:s8+$0xB100] =	vst v5;
	v3 =	vadd.f32 v3, v10;
	v8 =	vmul.f32 $1.131370830e+01, v8;
	v10 =	vld [tilespmem:s8+$0x4D70]  }
0x6a: {  	v5 =	vld [tilespmem:s15+$0x4D00];
	[tilespmem:s8+$0xB110] =	vst v4;
	v2 =	vadd.f32 v2, v9;
	v7 =	vmul.f32 $1.131370830e+01, v7  }
0x6b: {  	v4 =	vld [tilespmem:s15+$0x4D10];
	[tilespmem:s8+$0xB120] =	vst v3;
	v1 =	vadd.f32 v1, v8;
	v6 =	vmul.f32 $1.131370830e+01, v6  }
0x6c: {  	v3 =	vld [tilespmem:s15+$0x4D20];
	[tilespmem:s8+$0xB130] =	vst v2;
	v0 =	vadd.f32 v0, v7;
	v7 =	vmul.f32 $1.131370830e+01, v12  }
0x6d: {  	v2 =	vld [tilespmem:s15+$0x4D30];
	[tilespmem:s8+$0xB140] =	vst v1;
	v6 =	vadd.f32 v11, v6  }
0x6e: {  	v1 =	vld [tilespmem:s15+$0x4D40];
	[tilespmem:s8+$0xB150] =	vst v0;
	v7 =	vadd.f32 v10, v7  }
0x6f: {  	v0 =	vld [tilespmem:s15+$0x4D50];
	[tilespmem:s8+$0xB160] =	vst v6  }
0x70: {  	v6 =	vld [tilespmem:s15+$0xB100];
	[tilespmem:s8+$0xB170] =	vst v7;
	s8 =	smov.u32 s15  }
0x71: {  	v11 =	vld [tilespmem:s8+$0xB110]  }
.Ltmp1:
0x72: {  	v10 =	vld [tilespmem:s8+$0xB120];
	(pc) =	sbr.rel @p0 .LBB2_4-.Ltmp1, $4  }
0x73: {  	v9 =	vld [tilespmem:s8+$0xB130]  }
0x74: {  	v8 =	vld [tilespmem:s8+$0xB140]  }
0x75: {  	v12 =	vmul.f32 $1.131370830e+01, v6;
	v7 =	vld [tilespmem:s8+$0xB150]  }
0x76: {  	s16 =	sadd.s32 $0x200, s16;
	v11 =	vmul.f32 $1.131370830e+01, v11;
	v6 =	vld [tilespmem:s8+$0xB160]  }
0x77: {  	v5 =	vadd.f32 v5, v12;
	v12 =	vld [tilespmem:s8+$0xB170];
	v10 =	vmul.f32 $1.131370830e+01, v10  }
0x78: {  	v13 =	vld [tilespmem:s8+$0x4D60];
	v4 =	vadd.f32 v4, v11;
	v9 =	vmul.f32 $1.131370830e+01, v9  }
0x79: {  	[tilespmem:s8+$0xB100] =	vst v5;
	v3 =	vadd.f32 v3, v10;
	v5 =	vmul.f32 $1.131370830e+01, v8;
	v8 =	vld [tilespmem:s8+$0x4D70]  }
0x7a: {  	[tilespmem:s8+$0xB110] =	vst v4;
	v2 =	vadd.f32 v2, v9;
	v4 =	vmul.f32 $1.131370830e+01, v7  }
0x7b: {  	[tilespmem:s8+$0xB120] =	vst v3;
	v1 =	vadd.f32 v1, v5;
	v3 =	vmul.f32 $1.131370830e+01, v6  }
0x7c: {  	[tilespmem:s8+$0xB130] =	vst v2;
	v0 =	vadd.f32 v0, v4;
	v2 =	vmul.f32 $1.131370830e+01, v12  }
0x7d: {  	[tilespmem:s8+$0xB140] =	vst v1;
	v1 =	vadd.f32 v13, v3  }
0x7e: {  	[tilespmem:s8+$0xB150] =	vst v0;
	v0 =	vadd.f32 v8, v2  }
0x7f: {  	[tilespmem:s8+$0xB160] =	vst v1  }
0x80: {  	s19 =	simm.s32 $0x0;
	s5 =	rddreg [dreg:$0x7];
	[tilespmem:s8+$0xB170] =	vst v0  }
0x81: {  	[hbm4b:s5+s19] =	stream.linear.scatter [tilespmem:s23], [sflag:$0x8], $0x3000, $0x38;
	[tilespmem:$0x1B500] =	vst v63  }
0x82: {  	_ =	swait.ge [sflag:s29], $0x3400  }
0x83: {  	[sflag:s29] =	ssyncset.done $0x0  }
0x84: {  	s30 =	simm.s32 $0x258;
	[sflag:s29] =	ssyncadd.s32 $0xFFFFCC00  }
0x85: {  	[tilespmem:s21], [sflag:$0x1] =	stream.indirect.gather [hbm4b:s1+s20], $0x80, s30, s20, $0xb8;
	[tilespmem:$0x1B500] =	vst v63  }
0x86: {  	_ =	swait.ge [sflag:s3], $0x3400  }
0x87: {  	[sflag:s3] =	ssyncset.done $0x0  }
0x88: {  	s8 =	simm.s32 $0x0;
	[sflag:s3] =	ssyncadd.s32 $0xFFFFCC00  }
0x89: {  	v5 =	vld [tilespmem:s8+$0x1900]  }
0x8a: {  	v4 =	vld [tilespmem:s8+$0x1910]  }
0x8b: {  	v3 =	vld [tilespmem:s8+$0x1920]  }
0x8c: {  	v2 =	vld [tilespmem:s8+$0x1930]  }
0x8d: {  	v1 =	vld [tilespmem:s8+$0x1940]  }
0x8e: {  	v0 =	vld [tilespmem:s8+$0x1950]  }
0x8f: {  	v6 =	vld [tilespmem:s8+$0xE500]  }
0x90: {  	v11 =	vld [tilespmem:s8+$0xE510]  }
0x91: {  	v10 =	vld [tilespmem:s8+$0xE520]  }
0x92: {  	v9 =	vld [tilespmem:s8+$0xE530]  }
0x93: {  	v8 =	vld [tilespmem:s8+$0xE540]  }
0x94: {  	v7 =	vld [tilespmem:s8+$0xE550];
	v12 =	vmul.f32 $1.131370830e+01, v6  }
0x95: {  	s16 =	simm.s32 $0x200;
	v11 =	vmul.f32 $1.131370830e+01, v11;
	v6 =	vld [tilespmem:s8+$0xE560]  }
.LBB2_6:
0x96: {  	p0 =	sne.s32 s16, $0xCE00;
	v5 =	vadd.f32 v5, v12;
	v10 =	vmul.f32 $1.131370830e+01, v10;
	v12 =	vld [tilespmem:s8+$0xE570]  }
0x97: {  	v4 =	vadd.f32 v4, v11;
	v9 =	vmul.f32 $1.131370830e+01, v9;
	v11 =	vld [tilespmem:s8+$0x1960]  }
0x98: {  	s15 =	sshra.s32 s16, $0x2;
	[tilespmem:s8+$0xE500] =	vst v5;
	v3 =	vadd.f32 v3, v10;
	v8 =	vmul.f32 $1.131370830e+01, v8;
	v10 =	vld [tilespmem:s8+$0x1970]  }
0x99: {  	v5 =	vld [tilespmem:s15+$0x1900];
	[tilespmem:s8+$0xE510] =	vst v4;
	v2 =	vadd.f32 v2, v9;
	v7 =	vmul.f32 $1.131370830e+01, v7  }
0x9a: {  	v4 =	vld [tilespmem:s15+$0x1910];
	[tilespmem:s8+$0xE520] =	vst v3;
	v1 =	vadd.f32 v1, v8;
	v6 =	vmul.f32 $1.131370830e+01, v6  }
0x9b: {  	v3 =	vld [tilespmem:s15+$0x1920];
	[tilespmem:s8+$0xE530] =	vst v2;
	v0 =	vadd.f32 v0, v7;
	v7 =	vmul.f32 $1.131370830e+01, v12  }
0x9c: {  	v2 =	vld [tilespmem:s15+$0x1930];
	[tilespmem:s8+$0xE540] =	vst v1;
	v6 =	vadd.f32 v11, v6  }
0x9d: {  	v1 =	vld [tilespmem:s15+$0x1940];
	[tilespmem:s8+$0xE550] =	vst v0;
	v7 =	vadd.f32 v10, v7  }
0x9e: {  	v0 =	vld [tilespmem:s15+$0x1950];
	[tilespmem:s8+$0xE560] =	vst v6  }
0x9f: {  	v6 =	vld [tilespmem:s15+$0xE500];
	[tilespmem:s8+$0xE570] =	vst v7;
	s8 =	smov.u32 s15  }
0xa0: {  	v11 =	vld [tilespmem:s8+$0xE510]  }
.Ltmp2:
0xa1: {  	v10 =	vld [tilespmem:s8+$0xE520];
	(pc) =	sbr.rel @p0 .LBB2_6-.Ltmp2, $4  }
0xa2: {  	v9 =	vld [tilespmem:s8+$0xE530]  }
0xa3: {  	v8 =	vld [tilespmem:s8+$0xE540]  }
0xa4: {  	v12 =	vmul.f32 $1.131370830e+01, v6;
	v7 =	vld [tilespmem:s8+$0xE550]  }
0xa5: {  	s16 =	sadd.s32 $0x200, s16;
	v11 =	vmul.f32 $1.131370830e+01, v11;
	v6 =	vld [tilespmem:s8+$0xE560]  }
0xa6: {  	v5 =	vadd.f32 v5, v12;
	v12 =	vld [tilespmem:s8+$0xE570];
	v10 =	vmul.f32 $1.131370830e+01, v10  }
0xa7: {  	v13 =	vld [tilespmem:s8+$0x1960];
	v4 =	vadd.f32 v4, v11;
	v9 =	vmul.f32 $1.131370830e+01, v9  }
0xa8: {  	[tilespmem:s8+$0xE500] =	vst v5;
	v3 =	vadd.f32 v3, v10;
	v5 =	vmul.f32 $1.131370830e+01, v8;
	v8 =	vld [tilespmem:s8+$0x1970]  }
0xa9: {  	[tilespmem:s8+$0xE510] =	vst v4;
	v2 =	vadd.f32 v2, v9;
	v4 =	vmul.f32 $1.131370830e+01, v7  }
0xaa: {  	[tilespmem:s8+$0xE520] =	vst v3;
	v1 =	vadd.f32 v1, v5;
	v3 =	vmul.f32 $1.131370830e+01, v6  }
0xab: {  	[tilespmem:s8+$0xE530] =	vst v2;
	v0 =	vadd.f32 v0, v4;
	v2 =	vmul.f32 $1.131370830e+01, v12  }
0xac: {  	[tilespmem:s8+$0xE540] =	vst v1;
	v1 =	vadd.f32 v13, v3  }
0xad: {  	[tilespmem:s8+$0xE550] =	vst v0;
	v0 =	vadd.f32 v8, v2  }
0xae: {  	[tilespmem:s8+$0xE560] =	vst v1  }
0xaf: {  	s19 =	simm.s32 $0x0;
	s5 =	rddreg [dreg:$0x8];
	[tilespmem:s8+$0xE570] =	vst v0  }
0xb0: {  	[hbm4b:s5+s19] =	stream.linear.scatter [tilespmem:s25], [sflag:$0x9], $0x3400, $0x38;
	[tilespmem:$0x1B500] =	vst v63  }
0xb1: {  	_ =	swait.ge [sflag:s31], $0x3000  }
0xb2: {  	[sflag:s31] =	ssyncset.done $0x0  }
0xb3: {  	s30 =	simm.s32 $0x2C0;
	[sflag:s31] =	ssyncadd.s32 $0xFFFFD000  }
0xb4: {  	[tilespmem:s23], [sflag:$0x2] =	stream.indirect.gather [hbm4b:s1+s22], $0x80, s30, s22, $0xb8;
	[tilespmem:$0x1B500] =	vst v63  }
0xb5: {  	_ =	swait.ge [sflag:s7], $0x3000  }
0xb6: {  	[sflag:s7] =	ssyncset.done $0x0  }
0xb7: {  	s8 =	simm.s32 $0x0;
	[sflag:s7] =	ssyncadd.s32 $0xFFFFD000  }
0xb8: {  	v5 =	vld [tilespmem:s8+$0x4D00]  }
0xb9: {  	v4 =	vld [tilespmem:s8+$0x4D10]  }
0xba: {  	v3 =	vld [tilespmem:s8+$0x4D20]  }
0xbb: {  	v2 =	vld [tilespmem:s8+$0x4D30]  }
0xbc: {  	v1 =	vld [tilespmem:s8+$0x4D40]  }
0xbd: {  	v0 =	vld [tilespmem:s8+$0x4D50]  }
0xbe: {  	v6 =	vld [tilespmem:s8+$0x11900]  }
0xbf: {  	v11 =	vld [tilespmem:s8+$0x11910]  }
0xc0: {  	v10 =	vld [tilespmem:s8+$0x11920]  }
0xc1: {  	v9 =	vld [tilespmem:s8+$0x11930]  }
0xc2: {  	v8 =	vld [tilespmem:s8+$0x11940]  }
0xc3: {  	v7 =	vld [tilespmem:s8+$0x11950];
	v12 =	vmul.f32 $1.131370830e+01, v6  }
0xc4: {  	s16 =	simm.s32 $0x200;
	v11 =	vmul.f32 $1.131370830e+01, v11;
	v6 =	vld [tilespmem:s8+$0x11960]  }
.LBB2_8:
0xc5: {  	p0 =	sne.s32 s16, $0xBE00;
	v5 =	vadd.f32 v5, v12;
	v10 =	vmul.f32 $1.131370830e+01, v10;
	v12 =	vld [tilespmem:s8+$0x11970]  }
0xc6: {  	v4 =	vadd.f32 v4, v11;
	v9 =	vmul.f32 $1.131370830e+01, v9;
	v11 =	vld [tilespmem:s8+$0x4D60]  }
0xc7: {  	s15 =	sshra.s32 s16, $0x2;
	[tilespmem:s8+$0x11900] =	vst v5;
	v3 =	vadd.f32 v3, v10;
	v8 =	vmul.f32 $1.131370830e+01, v8;
	v10 =	vld [tilespmem:s8+$0x4D70]  }
0xc8: {  	v5 =	vld [tilespmem:s15+$0x4D00];
	[tilespmem:s8+$0x11910] =	vst v4;
	v2 =	vadd.f32 v2, v9;
	v7 =	vmul.f32 $1.131370830e+01, v7  }
0xc9: {  	v4 =	vld [tilespmem:s15+$0x4D10];
	[tilespmem:s8+$0x11920] =	vst v3;
	v1 =	vadd.f32 v1, v8;
	v6 =	vmul.f32 $1.131370830e+01, v6  }
0xca: {  	v3 =	vld [tilespmem:s15+$0x4D20];
	[tilespmem:s8+$0x11930] =	vst v2;
	v0 =	vadd.f32 v0, v7;
	v7 =	vmul.f32 $1.131370830e+01, v12  }
0xcb: {  	v2 =	vld [tilespmem:s15+$0x4D30];
	[tilespmem:s8+$0x11940] =	vst v1;
	v6 =	vadd.f32 v11, v6  }
0xcc: {  	v1 =	vld [tilespmem:s15+$0x4D40];
	[tilespmem:s8+$0x11950] =	vst v0;
	v7 =	vadd.f32 v10, v7  }
0xcd: {  	v0 =	vld [tilespmem:s15+$0x4D50];
	[tilespmem:s8+$0x11960] =	vst v6  }
0xce: {  	v6 =	vld [tilespmem:s15+$0x11900];
	[tilespmem:s8+$0x11970] =	vst v7;
	s8 =	smov.u32 s15  }
0xcf: {  	v11 =	vld [tilespmem:s8+$0x11910]  }
.Ltmp3:
0xd0: {  	v10 =	vld [tilespmem:s8+$0x11920];
	(pc) =	sbr.rel @p0 .LBB2_8-.Ltmp3, $4  }
0xd1: {  	v9 =	vld [tilespmem:s8+$0x11930]  }
0xd2: {  	v8 =	vld [tilespmem:s8+$0x11940]  }
0xd3: {  	v12 =	vmul.f32 $1.131370830e+01, v6;
	v7 =	vld [tilespmem:s8+$0x11950]  }
0xd4: {  	s16 =	sadd.s32 $0x200, s16;
	v11 =	vmul.f32 $1.131370830e+01, v11;
	v6 =	vld [tilespmem:s8+$0x11960]  }
0xd5: {  	v5 =	vadd.f32 v5, v12;
	v12 =	vld [tilespmem:s8+$0x11970];
	v10 =	vmul.f32 $1.131370830e+01, v10  }
0xd6: {  	v13 =	vld [tilespmem:s8+$0x4D60];
	v4 =	vadd.f32 v4, v11;
	v9 =	vmul.f32 $1.131370830e+01, v9  }
0xd7: {  	[tilespmem:s8+$0x11900] =	vst v5;
	v3 =	vadd.f32 v3, v10;
	v5 =	vmul.f32 $1.131370830e+01, v8;
	v8 =	vld [tilespmem:s8+$0x4D70]  }
0xd8: {  	[tilespmem:s8+$0x11910] =	vst v4;
	v2 =	vadd.f32 v2, v9;
	v4 =	vmul.f32 $1.131370830e+01, v7  }
0xd9: {  	[tilespmem:s8+$0x11920] =	vst v3;
	v1 =	vadd.f32 v1, v5;
	v3 =	vmul.f32 $1.131370830e+01, v6  }
0xda: {  	[tilespmem:s8+$0x11930] =	vst v2;
	v0 =	vadd.f32 v0, v4;
	v2 =	vmul.f32 $1.131370830e+01, v12  }
0xdb: {  	[tilespmem:s8+$0x11940] =	vst v1;
	v1 =	vadd.f32 v13, v3  }
0xdc: {  	[tilespmem:s8+$0x11950] =	vst v0;
	v0 =	vadd.f32 v8, v2  }
0xdd: {  	[tilespmem:s8+$0x11960] =	vst v1  }
0xde: {  	s19 =	simm.s32 $0x0;
	s5 =	rddreg [dreg:$0x9];
	[tilespmem:s8+$0x11970] =	vst v0  }
0xdf: {  	[hbm4b:s5+s19] =	stream.linear.scatter [tilespmem:s28], [sflag:$0xA], $0x3000, $0x38;
	[tilespmem:$0x1B500] =	vst v63  }
0xe0: {  	_ =	swait.ge [sflag:s9], $0x3400  }
0xe1: {  	[sflag:s9] =	ssyncset.done $0x0  }
0xe2: {  	s30 =	simm.s32 $0x320;
	[sflag:s9] =	ssyncadd.s32 $0xFFFFCC00  }
0xe3: {  	[tilespmem:s25], [sflag:$0x3] =	stream.indirect.gather [hbm4b:s1+s20], $0x80, s30, s20, $0xb8;
	[tilespmem:$0x1B500] =	vst v63  }
0xe4: {  	_ =	swait.ge [sflag:s10], $0x3400  }
0xe5: {  	[sflag:s10] =	ssyncset.done $0x0  }
0xe6: {  	s8 =	simm.s32 $0x0;
	[sflag:s10] =	ssyncadd.s32 $0xFFFFCC00  }
0xe7: {  	v5 =	vld [tilespmem:s8+$0x1900]  }
0xe8: {  	v4 =	vld [tilespmem:s8+$0x1910]  }
0xe9: {  	v3 =	vld [tilespmem:s8+$0x1920]  }
0xea: {  	v2 =	vld [tilespmem:s8+$0x1930]  }
0xeb: {  	v1 =	vld [tilespmem:s8+$0x1940]  }
0xec: {  	v0 =	vld [tilespmem:s8+$0x1950]  }
0xed: {  	v6 =	vld [tilespmem:s8+$0x14D00]  }
0xee: {  	v11 =	vld [tilespmem:s8+$0x14D10]  }
0xef: {  	v10 =	vld [tilespmem:s8+$0x14D20]  }
0xf0: {  	v9 =	vld [tilespmem:s8+$0x14D30]  }
0xf1: {  	v8 =	vld [tilespmem:s8+$0x14D40]  }
0xf2: {  	v7 =	vld [tilespmem:s8+$0x14D50];
	v12 =	vmul.f32 $1.131370830e+01, v6  }
0xf3: {  	s16 =	simm.s32 $0x200;
	v11 =	vmul.f32 $1.131370830e+01, v11;
	v6 =	vld [tilespmem:s8+$0x14D60]  }
.LBB2_10:
0xf4: {  	p0 =	sne.s32 s16, $0xCE00;
	v5 =	vadd.f32 v5, v12;
	v10 =	vmul.f32 $1.131370830e+01, v10;
	v12 =	vld [tilespmem:s8+$0x14D70]  }
0xf5: {  	v4 =	vadd.f32 v4, v11;
	v9 =	vmul.f32 $1.131370830e+01, v9;
	v11 =	vld [tilespmem:s8+$0x1960]  }
0xf6: {  	s15 =	sshra.s32 s16, $0x2;
	[tilespmem:s8+$0x14D00] =	vst v5;
	v3 =	vadd.f32 v3, v10;
	v8 =	vmul.f32 $1.131370830e+01, v8;
	v10 =	vld [tilespmem:s8+$0x1970]  }
0xf7: {  	v5 =	vld [tilespmem:s15+$0x1900];
	[tilespmem:s8+$0x14D10] =	vst v4;
	v2 =	vadd.f32 v2, v9;
	v7 =	vmul.f32 $1.131370830e+01, v7  }
0xf8: {  	v4 =	vld [tilespmem:s15+$0x1910];
	[tilespmem:s8+$0x14D20] =	vst v3;
	v1 =	vadd.f32 v1, v8;
	v6 =	vmul.f32 $1.131370830e+01, v6  }
0xf9: {  	v3 =	vld [tilespmem:s15+$0x1920];
	[tilespmem:s8+$0x14D30] =	vst v2;
	v0 =	vadd.f32 v0, v7;
	v7 =	vmul.f32 $1.131370830e+01, v12  }
0xfa: {  	v2 =	vld [tilespmem:s15+$0x1930];
	[tilespmem:s8+$0x14D40] =	vst v1;
	v6 =	vadd.f32 v11, v6  }
0xfb: {  	v1 =	vld [tilespmem:s15+$0x1940];
	[tilespmem:s8+$0x14D50] =	vst v0;
	v7 =	vadd.f32 v10, v7  }
0xfc: {  	v0 =	vld [tilespmem:s15+$0x1950];
	[tilespmem:s8+$0x14D60] =	vst v6  }
0xfd: {  	v6 =	vld [tilespmem:s15+$0x14D00];
	[tilespmem:s8+$0x14D70] =	vst v7;
	s8 =	smov.u32 s15  }
0xfe: {  	v11 =	vld [tilespmem:s8+$0x14D10]  }
.Ltmp4:
0xff: {  	v10 =	vld [tilespmem:s8+$0x14D20];
	(pc) =	sbr.rel @p0 .LBB2_10-.Ltmp4, $4  }
0x100: {  	v9 =	vld [tilespmem:s8+$0x14D30]  }
0x101: {  	v8 =	vld [tilespmem:s8+$0x14D40]  }
0x102: {  	v12 =	vmul.f32 $1.131370830e+01, v6;
	v7 =	vld [tilespmem:s8+$0x14D50]  }
0x103: {  	s16 =	sadd.s32 $0x200, s16;
	v11 =	vmul.f32 $1.131370830e+01, v11;
	v6 =	vld [tilespmem:s8+$0x14D60]  }
0x104: {  	v5 =	vadd.f32 v5, v12;
	v12 =	vld [tilespmem:s8+$0x14D70];
	v10 =	vmul.f32 $1.131370830e+01, v10  }
0x105: {  	v13 =	vld [tilespmem:s8+$0x1960];
	v4 =	vadd.f32 v4, v11;
	v9 =	vmul.f32 $1.131370830e+01, v9  }
0x106: {  	[tilespmem:s8+$0x14D00] =	vst v5;
	v3 =	vadd.f32 v3, v10;
	v5 =	vmul.f32 $1.131370830e+01, v8;
	v8 =	vld [tilespmem:s8+$0x1970]  }
0x107: {  	[tilespmem:s8+$0x14D10] =	vst v4;
	v2 =	vadd.f32 v2, v9;
	v4 =	vmul.f32 $1.131370830e+01, v7  }
0x108: {  	[tilespmem:s8+$0x14D20] =	vst v3;
	v1 =	vadd.f32 v1, v5;
	v3 =	vmul.f32 $1.131370830e+01, v6  }
0x109: {  	[tilespmem:s8+$0x14D30] =	vst v2;
	v0 =	vadd.f32 v0, v4;
	v2 =	vmul.f32 $1.131370830e+01, v12  }
0x10a: {  	[tilespmem:s8+$0x14D40] =	vst v1;
	v1 =	vadd.f32 v13, v3  }
0x10b: {  	[tilespmem:s8+$0x14D50] =	vst v0;
	v0 =	vadd.f32 v8, v2  }
0x10c: {  	[tilespmem:s8+$0x14D60] =	vst v1  }
0x10d: {  	s19 =	simm.s32 $0x0;
	s5 =	rddreg [dreg:$0xa];
	[tilespmem:s8+$0x14D70] =	vst v0  }
0x10e: {  	[hbm4b:s5+s19] =	stream.linear.scatter [tilespmem:s2], [sflag:$0xB], $0x3400, $0x38;
	[tilespmem:$0x1B500] =	vst v63  }
0x10f: {  	_ =	swait.ge [sflag:s11], $0x3000  }
0x110: {  	[sflag:s11] =	ssyncset.done $0x0  }
0x111: {  	s30 =	simm.s32 $0x388;
	[sflag:s11] =	ssyncadd.s32 $0xFFFFD000  }
0x112: {  	[tilespmem:s28], [sflag:$0x4] =	stream.indirect.gather [hbm4b:s1+s22], $0x80, s30, s22, $0xb8;
	[tilespmem:$0x1B500] =	vst v63  }
0x113: {  	_ =	swait.ge [sflag:s12], $0x3000  }
0x114: {  	[sflag:s12] =	ssyncset.done $0x0  }
0x115: {  	s8 =	simm.s32 $0x0;
	[sflag:s12] =	ssyncadd.s32 $0xFFFFD000  }
0x116: {  	v5 =	vld [tilespmem:s8+$0x4D00]  }
0x117: {  	v4 =	vld [tilespmem:s8+$0x4D10]  }
0x118: {  	v3 =	vld [tilespmem:s8+$0x4D20]  }
0x119: {  	v2 =	vld [tilespmem:s8+$0x4D30]  }
0x11a: {  	v1 =	vld [tilespmem:s8+$0x4D40]  }
0x11b: {  	v0 =	vld [tilespmem:s8+$0x4D50]  }
0x11c: {  	v6 =	vld [tilespmem:s8+$0x18100]  }
0x11d: {  	v11 =	vld [tilespmem:s8+$0x18110]  }
0x11e: {  	v10 =	vld [tilespmem:s8+$0x18120]  }
0x11f: {  	v9 =	vld [tilespmem:s8+$0x18130]  }
0x120: {  	v8 =	vld [tilespmem:s8+$0x18140]  }
0x121: {  	v7 =	vld [tilespmem:s8+$0x18150];
	v12 =	vmul.f32 $1.131370830e+01, v6  }
0x122: {  	s16 =	simm.s32 $0x200;
	v11 =	vmul.f32 $1.131370830e+01, v11;
	v6 =	vld [tilespmem:s8+$0x18160]  }
.LBB2_12:
0x123: {  	p0 =	sne.s32 s16, $0xBE00;
	v5 =	vadd.f32 v5, v12;
	v10 =	vmul.f32 $1.131370830e+01, v10;
	v12 =	vld [tilespmem:s8+$0x18170]  }
0x124: {  	v4 =	vadd.f32 v4, v11;
	v9 =	vmul.f32 $1.131370830e+01, v9;
	v11 =	vld [tilespmem:s8+$0x4D60]  }
0x125: {  	s15 =	sshra.s32 s16, $0x2;
	[tilespmem:s8+$0x18100] =	vst v5;
	v3 =	vadd.f32 v3, v10;
	v8 =	vmul.f32 $1.131370830e+01, v8;
	v10 =	vld [tilespmem:s8+$0x4D70]  }
0x126: {  	v5 =	vld [tilespmem:s15+$0x4D00];
	[tilespmem:s8+$0x18110] =	vst v4;
	v2 =	vadd.f32 v2, v9;
	v7 =	vmul.f32 $1.131370830e+01, v7  }
0x127: {  	v4 =	vld [tilespmem:s15+$0x4D10];
	[tilespmem:s8+$0x18120] =	vst v3;
	v1 =	vadd.f32 v1, v8;
	v6 =	vmul.f32 $1.131370830e+01, v6  }
0x128: {  	v3 =	vld [tilespmem:s15+$0x4D20];
	[tilespmem:s8+$0x18130] =	vst v2;
	v0 =	vadd.f32 v0, v7;
	v7 =	vmul.f32 $1.131370830e+01, v12  }
0x129: {  	v2 =	vld [tilespmem:s15+$0x4D30];
	[tilespmem:s8+$0x18140] =	vst v1;
	v6 =	vadd.f32 v11, v6  }
0x12a: {  	v1 =	vld [tilespmem:s15+$0x4D40];
	[tilespmem:s8+$0x18150] =	vst v0;
	v7 =	vadd.f32 v10, v7  }
0x12b: {  	v0 =	vld [tilespmem:s15+$0x4D50];
	[tilespmem:s8+$0x18160] =	vst v6  }
0x12c: {  	v6 =	vld [tilespmem:s15+$0x18100];
	[tilespmem:s8+$0x18170] =	vst v7;
	s8 =	smov.u32 s15  }
0x12d: {  	v11 =	vld [tilespmem:s8+$0x18110]  }
.Ltmp5:
0x12e: {  	v10 =	vld [tilespmem:s8+$0x18120];
	(pc) =	sbr.rel @p0 .LBB2_12-.Ltmp5, $4  }
0x12f: {  	v9 =	vld [tilespmem:s8+$0x18130]  }
0x130: {  	v8 =	vld [tilespmem:s8+$0x18140]  }
0x131: {  	v12 =	vmul.f32 $1.131370830e+01, v6;
	v7 =	vld [tilespmem:s8+$0x18150]  }
0x132: {  	s16 =	sadd.s32 $0x200, s16;
	v11 =	vmul.f32 $1.131370830e+01, v11;
	v6 =	vld [tilespmem:s8+$0x18160]  }
0x133: {  	v5 =	vadd.f32 v5, v12;
	v56 =	vld [tilespmem:s8+$0x18170];
	v10 =	vmul.f32 $1.131370830e+01, v10  }
0x134: {  	v13 =	vld [tilespmem:s8+$0x4D60];
	v4 =	vadd.f32 v4, v11;
	v9 =	vmul.f32 $1.131370830e+01, v9  }
0x135: {  	v58 =	vld [tilespmem:s8+$0x4D70];
	[tilespmem:s8+$0x18100] =	vst v5;
	v3 =	vadd.f32 v3, v10;
	v57 =	vmul.f32 $1.131370830e+01, v8  }
0x136: {  	[tilespmem:s8+$0x18110] =	vst v4;
	v2 =	vadd.f32 v2, v9;
	v59 =	vmul.f32 $1.131370830e+01, v7  }
0x137: {  	[tilespmem:s8+$0x18120] =	vst v3;
	v1 =	vadd.f32 v1, v57;
	v60 =	vmul.f32 $1.131370830e+01, v6  }
0x138: {  	[tilespmem:s8+$0x18130] =	vst v2;
	v0 =	vadd.f32 v0, v59;
	v61 =	vmul.f32 $1.131370830e+01, v56  }
0x139: {  	[tilespmem:s8+$0x18140] =	vst v1;
	v62 =	vadd.f32 v13, v60  }
0x13a: {  	[tilespmem:s8+$0x18150] =	vst v0;
	v63 =	vadd.f32 v58, v61  }
0x13b: {  	[tilespmem:s8+$0x18160] =	vst v62  }
0x13c: {  	s5 =	rddreg [dreg:$0xb];
	s16 =	simm.s32 $0x1;
	[tilespmem:s8+$0x18170] =	vst v63  }
0x13d: {  	[hbm4b:s5+s17] =	stream.linear.scatter [tilespmem:s24], [sflag:$0xC], $0x3000, $0x38;
	[tilespmem:$0x1B500] =	vst v63  }
.LBB2_14:
0x13e: {  	s8 =	smul.u32 $0x6, s16;
	_ =	sdelay $0x1  }
0x13f: {  	s18 =	sshrl.u32 s8, $0x1  }
0x140: {  	s17 =	sadd.s32 $0x2, s18  }
0x141: {  	_ =	swait.ge [sflag:s13], $0x3400;
	s15 =	smul.u32 $0x320, s17  }
0x142: {  	[sflag:s13] =	ssyncset.done $0x0  }
0x143: {  	[sflag:s13] =	ssyncadd.s32 $0xFFFFCC00;
	s19 =	sshra.s32 s15, $0x2  }
0x144: {  	[tilespmem:s2], [sflag:$0x5] =	stream.indirect.gather [hbm4b:s1+s20], $0x80, s19, s20, $0xb8;
	[tilespmem:$0x1B500] =	vst v63  }
0x145: {  	_ =	swait.ge [sflag:s0], $0x3400  }
0x146: {  	[sflag:s0] =	ssyncset.done $0x0  }
0x147: {  	s30 =	simm.s32 $0x0;
	[sflag:s0] =	ssyncadd.s32 $0xFFFFCC00  }
0x148: {  	v5 =	vld [tilespmem:s30+$0x1900]  }
0x149: {  	v4 =	vld [tilespmem:s30+$0x1910]  }
0x14a: {  	v3 =	vld [tilespmem:s30+$0x1920]  }
0x14b: {  	v2 =	vld [tilespmem:s30+$0x1930]  }
0x14c: {  	v1 =	vld [tilespmem:s30+$0x1940]  }
0x14d: {  	v0 =	vld [tilespmem:s30+$0x1950]  }
0x14e: {  	v6 =	vld [tilespmem:s30+$0x7D00]  }
0x14f: {  	v11 =	vld [tilespmem:s30+$0x7D10]  }
0x150: {  	v10 =	vld [tilespmem:s30+$0x7D20]  }
0x151: {  	v9 =	vld [tilespmem:s30+$0x7D30]  }
0x152: {  	v8 =	vld [tilespmem:s30+$0x7D40]  }
0x153: {  	v7 =	vld [tilespmem:s30+$0x7D50];
	v12 =	vmul.f32 $1.131370830e+01, v6  }
0x154: {  	s15 =	simm.s32 $0x200;
	v11 =	vmul.f32 $1.131370830e+01, v11;
	v6 =	vld [tilespmem:s30+$0x7D60]  }
.LBB2_15:
0x155: {  	p0 =	sne.s32 s15, $0xCE00;
	v5 =	vadd.f32 v5, v12;
	v10 =	vmul.f32 $1.131370830e+01, v10;
	v12 =	vld [tilespmem:s30+$0x7D70]  }
0x156: {  	v4 =	vadd.f32 v4, v11;
	v9 =	vmul.f32 $1.131370830e+01, v9;
	v11 =	vld [tilespmem:s30+$0x1960]  }
0x157: {  	s5 =	sshra.s32 s15, $0x2;
	[tilespmem:s30+$0x7D00] =	vst v5;
	v3 =	vadd.f32 v3, v10;
	v8 =	vmul.f32 $1.131370830e+01, v8;
	v10 =	vld [tilespmem:s30+$0x1970]  }
0x158: {  	v5 =	vld [tilespmem:s5+$0x1900];
	[tilespmem:s30+$0x7D10] =	vst v4;
	v2 =	vadd.f32 v2, v9;
	v7 =	vmul.f32 $1.131370830e+01, v7  }
0x159: {  	v4 =	vld [tilespmem:s5+$0x1910];
	[tilespmem:s30+$0x7D20] =	vst v3;
	v1 =	vadd.f32 v1, v8;
	v6 =	vmul.f32 $1.131370830e+01, v6  }
0x15a: {  	v3 =	vld [tilespmem:s5+$0x1920];
	[tilespmem:s30+$0x7D30] =	vst v2;
	v0 =	vadd.f32 v0, v7;
	v7 =	vmul.f32 $1.131370830e+01, v12  }
0x15b: {  	v2 =	vld [tilespmem:s5+$0x1930];
	[tilespmem:s30+$0x7D40] =	vst v1;
	v6 =	vadd.f32 v11, v6  }
0x15c: {  	v1 =	vld [tilespmem:s5+$0x1940];
	[tilespmem:s30+$0x7D50] =	vst v0;
	v7 =	vadd.f32 v10, v7  }
0x15d: {  	v0 =	vld [tilespmem:s5+$0x1950];
	[tilespmem:s30+$0x7D60] =	vst v6  }
0x15e: {  	v6 =	vld [tilespmem:s5+$0x7D00];
	[tilespmem:s30+$0x7D70] =	vst v7;
	s30 =	smov.u32 s5  }
0x15f: {  	v11 =	vld [tilespmem:s30+$0x7D10]  }
.Ltmp6:
0x160: {  	v10 =	vld [tilespmem:s30+$0x7D20];
	(pc) =	sbr.rel @p0 .LBB2_15-.Ltmp6, $4  }
0x161: {  	v9 =	vld [tilespmem:s30+$0x7D30]  }
0x162: {  	v8 =	vld [tilespmem:s30+$0x7D40]  }
0x163: {  	v12 =	vmul.f32 $1.131370830e+01, v6;
	v7 =	vld [tilespmem:s30+$0x7D50]  }
0x164: {  	s15 =	sadd.s32 $0x200, s15;
	v11 =	vmul.f32 $1.131370830e+01, v11;
	v6 =	vld [tilespmem:s30+$0x7D60]  }
0x165: {  	v5 =	vadd.f32 v5, v12;
	v12 =	vld [tilespmem:s30+$0x7D70];
	v10 =	vmul.f32 $1.131370830e+01, v10  }
0x166: {  	v13 =	vld [tilespmem:s30+$0x1960];
	v4 =	vadd.f32 v4, v11;
	v9 =	vmul.f32 $1.131370830e+01, v9  }
0x167: {  	[tilespmem:s30+$0x7D00] =	vst v5;
	v3 =	vadd.f32 v3, v10;
	v5 =	vmul.f32 $1.131370830e+01, v8;
	v8 =	vld [tilespmem:s30+$0x1970]  }
0x168: {  	[tilespmem:s30+$0x7D10] =	vst v4;
	v2 =	vadd.f32 v2, v9;
	v4 =	vmul.f32 $1.131370830e+01, v7  }
0x169: {  	[tilespmem:s30+$0x7D20] =	vst v3;
	v1 =	vadd.f32 v1, v5;
	v3 =	vmul.f32 $1.131370830e+01, v6  }
0x16a: {  	[tilespmem:s30+$0x7D30] =	vst v2;
	v0 =	vadd.f32 v0, v4;
	v2 =	vmul.f32 $1.131370830e+01, v12  }
0x16b: {  	s5 =	sadd.s32 s6, s18;
	[tilespmem:s30+$0x7D40] =	vst v1;
	v1 =	vadd.f32 v13, v3  }
0x16c: {  	s5 =	smul.u32 $0xC80, s5;
	[tilespmem:s30+$0x7D50] =	vst v0;
	v0 =	vadd.f32 v8, v2  }
0x16d: {  	[tilespmem:s30+$0x7D60] =	vst v1  }
0x16e: {  	s15 =	simm.s32 $0x0;
	s5 =	sadd.s32 s4, s5;
	[tilespmem:s30+$0x7D70] =	vst v0  }
0x16f: {  	[hbm4b:s5+s15] =	stream.linear.scatter [tilespmem:s21], [sflag:$0x7], $0x3400, $0x38;
	[tilespmem:$0x1B500] =	vst v63  }
0x170: {  	_ =	swait.ge [sflag:s14], $0x3000  }
0x171: {  	[sflag:s14] =	ssyncset.done $0x0  }
0x172: {  	s30 =	sadd.s32 $0x68, s19;
	[sflag:s14] =	ssyncadd.s32 $0xFFFFD000  }
0x173: {  	[tilespmem:s24], [sflag:$0x6] =	stream.indirect.gather [hbm4b:s1+s22], $0x80, s30, s22, $0xb8;
	[tilespmem:$0x1B500] =	vst v63  }
0x174: {  	_ =	swait.ge [sflag:s26], $0x3000  }
0x175: {  	[sflag:s26] =	ssyncset.done $0x0  }
0x176: {  	s19 =	simm.s32 $0x0;
	[sflag:s26] =	ssyncadd.s32 $0xFFFFD000  }
0x177: {  	v5 =	vld [tilespmem:s19+$0x4D00]  }
0x178: {  	v4 =	vld [tilespmem:s19+$0x4D10]  }
0x179: {  	v3 =	vld [tilespmem:s19+$0x4D20]  }
0x17a: {  	v2 =	vld [tilespmem:s19+$0x4D30]  }
0x17b: {  	v1 =	vld [tilespmem:s19+$0x4D40]  }
0x17c: {  	v0 =	vld [tilespmem:s19+$0x4D50]  }
0x17d: {  	v6 =	vld [tilespmem:s19+$0xB100]  }
0x17e: {  	v11 =	vld [tilespmem:s19+$0xB110]  }
0x17f: {  	v10 =	vld [tilespmem:s19+$0xB120]  }
0x180: {  	v9 =	vld [tilespmem:s19+$0xB130]  }
0x181: {  	v8 =	vld [tilespmem:s19+$0xB140]  }
0x182: {  	v7 =	vld [tilespmem:s19+$0xB150];
	v12 =	vmul.f32 $1.131370830e+01, v6  }
0x183: {  	s15 =	simm.s32 $0x200;
	v11 =	vmul.f32 $1.131370830e+01, v11;
	v6 =	vld [tilespmem:s19+$0xB160]  }
.LBB2_17:
0x184: {  	p0 =	sne.s32 s15, $0xBE00;
	v5 =	vadd.f32 v5, v12;
	v10 =	vmul.f32 $1.131370830e+01, v10;
	v12 =	vld [tilespmem:s19+$0xB170]  }
0x185: {  	v4 =	vadd.f32 v4, v11;
	v9 =	vmul.f32 $1.131370830e+01, v9;
	v11 =	vld [tilespmem:s19+$0x4D60]  }
0x186: {  	s5 =	sshra.s32 s15, $0x2;
	[tilespmem:s19+$0xB100] =	vst v5;
	v3 =	vadd.f32 v3, v10;
	v8 =	vmul.f32 $1.131370830e+01, v8;
	v10 =	vld [tilespmem:s19+$0x4D70]  }
0x187: {  	v5 =	vld [tilespmem:s5+$0x4D00];
	[tilespmem:s19+$0xB110] =	vst v4;
	v2 =	vadd.f32 v2, v9;
	v7 =	vmul.f32 $1.131370830e+01, v7  }
0x188: {  	v4 =	vld [tilespmem:s5+$0x4D10];
	[tilespmem:s19+$0xB120] =	vst v3;
	v1 =	vadd.f32 v1, v8;
	v6 =	vmul.f32 $1.131370830e+01, v6  }
0x189: {  	v3 =	vld [tilespmem:s5+$0x4D20];
	[tilespmem:s19+$0xB130] =	vst v2;
	v0 =	vadd.f32 v0, v7;
	v7 =	vmul.f32 $1.131370830e+01, v12  }
0x18a: {  	v2 =	vld [tilespmem:s5+$0x4D30];
	[tilespmem:s19+$0xB140] =	vst v1;
	v6 =	vadd.f32 v11, v6  }
0x18b: {  	v1 =	vld [tilespmem:s5+$0x4D40];
	[tilespmem:s19+$0xB150] =	vst v0;
	v7 =	vadd.f32 v10, v7  }
0x18c: {  	v0 =	vld [tilespmem:s5+$0x4D50];
	[tilespmem:s19+$0xB160] =	vst v6  }
0x18d: {  	v6 =	vld [tilespmem:s5+$0xB100];
	[tilespmem:s19+$0xB170] =	vst v7;
	s19 =	smov.u32 s5  }
0x18e: {  	v11 =	vld [tilespmem:s19+$0xB110]  }
.Ltmp7:
0x18f: {  	v10 =	vld [tilespmem:s19+$0xB120];
	(pc) =	sbr.rel @p0 .LBB2_17-.Ltmp7, $4  }
0x190: {  	v9 =	vld [tilespmem:s19+$0xB130]  }
0x191: {  	v8 =	vld [tilespmem:s19+$0xB140]  }
0x192: {  	v12 =	vmul.f32 $1.131370830e+01, v6;
	v7 =	vld [tilespmem:s19+$0xB150]  }
0x193: {  	s15 =	sadd.s32 $0x200, s15;
	v11 =	vmul.f32 $1.131370830e+01, v11;
	v6 =	vld [tilespmem:s19+$0xB160]  }
0x194: {  	v5 =	vadd.f32 v5, v12;
	v12 =	vld [tilespmem:s19+$0xB170];
	v10 =	vmul.f32 $1.131370830e+01, v10  }
0x195: {  	v13 =	vld [tilespmem:s19+$0x4D60];
	v4 =	vadd.f32 v4, v11;
	v9 =	vmul.f32 $1.131370830e+01, v9  }
0x196: {  	s5 =	smul.u32 $0x3, s16;
	[tilespmem:s19+$0xB100] =	vst v5;
	v3 =	vadd.f32 v3, v10;
	v5 =	vmul.f32 $1.131370830e+01, v8;
	v8 =	vld [tilespmem:s19+$0x4D70]  }
0x197: {  	[tilespmem:s19+$0xB110] =	vst v4;
	v2 =	vadd.f32 v2, v9;
	v4 =	vmul.f32 $1.131370830e+01, v7  }
0x198: {  	s5 =	sadd.s32 s6, s5;
	[tilespmem:s19+$0xB120] =	vst v3;
	v1 =	vadd.f32 v1, v5;
	v3 =	vmul.f32 $1.131370830e+01, v6  }
0x199: {  	s5 =	smul.u32 $0x6400, s5;
	[tilespmem:s19+$0xB130] =	vst v2;
	v0 =	vadd.f32 v0, v4;
	v2 =	vmul.f32 $1.131370830e+01, v12  }
0x19a: {  	[tilespmem:s19+$0xB140] =	vst v1;
	v1 =	vadd.f32 v13, v3  }
0x19b: {  	s5 =	sshrl.u32 s5, $0x3;
	[tilespmem:s19+$0xB150] =	vst v0;
	v0 =	vadd.f32 v8, v2  }
0x19c: {  	s5 =	sadd.s32 s4, s5;
	[tilespmem:s19+$0xB160] =	vst v1  }
0x19d: {  	s15 =	simm.s32 $0x0;
	s5 =	sadd.s32 $0x680, s5;
	[tilespmem:s19+$0xB170] =	vst v0;
	s19 =	sadd.s32 $0x6, s8  }
0x19e: {  	[hbm4b:s5+s15] =	stream.linear.scatter [tilespmem:s23], [sflag:$0x8], $0x3000, $0x38;
	[tilespmem:$0x1B500] =	vst v63  }
0x19f: {  	s5 =	sshrl.u32 s19, $0x1  }
0x1a0: {  	_ =	swait.ge [sflag:s29], $0x3400;
	s5 =	smul.u32 $0x320, s5  }
0x1a1: {  	[sflag:s29] =	ssyncset.done $0x0  }
0x1a2: {  	[sflag:s29] =	ssyncadd.s32 $0xFFFFCC00;
	s19 =	sshra.s32 s5, $0x2  }
0x1a3: {  	[tilespmem:s21], [sflag:$0x1] =	stream.indirect.gather [hbm4b:s1+s20], $0x80, s19, s20, $0xb8;
	[tilespmem:$0x1B500] =	vst v63  }
0x1a4: {  	_ =	swait.ge [sflag:s3], $0x3400  }
0x1a5: {  	[sflag:s3] =	ssyncset.done $0x0  }
0x1a6: {  	s30 =	simm.s32 $0x0;
	[sflag:s3] =	ssyncadd.s32 $0xFFFFCC00  }
0x1a7: {  	v5 =	vld [tilespmem:s30+$0x1900]  }
0x1a8: {  	v4 =	vld [tilespmem:s30+$0x1910]  }
0x1a9: {  	v3 =	vld [tilespmem:s30+$0x1920]  }
0x1aa: {  	v2 =	vld [tilespmem:s30+$0x1930]  }
0x1ab: {  	v1 =	vld [tilespmem:s30+$0x1940]  }
0x1ac: {  	v0 =	vld [tilespmem:s30+$0x1950]  }
0x1ad: {  	v6 =	vld [tilespmem:s30+$0xE500]  }
0x1ae: {  	v11 =	vld [tilespmem:s30+$0xE510]  }
0x1af: {  	v10 =	vld [tilespmem:s30+$0xE520]  }
0x1b0: {  	v9 =	vld [tilespmem:s30+$0xE530]  }
0x1b1: {  	v8 =	vld [tilespmem:s30+$0xE540]  }
0x1b2: {  	v7 =	vld [tilespmem:s30+$0xE550];
	v12 =	vmul.f32 $1.131370830e+01, v6  }
0x1b3: {  	s15 =	simm.s32 $0x200;
	v11 =	vmul.f32 $1.131370830e+01, v11;
	v6 =	vld [tilespmem:s30+$0xE560]  }
.LBB2_19:
0x1b4: {  	p0 =	sne.s32 s15, $0xCE00;
	v5 =	vadd.f32 v5, v12;
	v10 =	vmul.f32 $1.131370830e+01, v10;
	v12 =	vld [tilespmem:s30+$0xE570]  }
0x1b5: {  	v4 =	vadd.f32 v4, v11;
	v9 =	vmul.f32 $1.131370830e+01, v9;
	v11 =	vld [tilespmem:s30+$0x1960]  }
0x1b6: {  	s5 =	sshra.s32 s15, $0x2;
	[tilespmem:s30+$0xE500] =	vst v5;
	v3 =	vadd.f32 v3, v10;
	v8 =	vmul.f32 $1.131370830e+01, v8;
	v10 =	vld [tilespmem:s30+$0x1970]  }
0x1b7: {  	v5 =	vld [tilespmem:s5+$0x1900];
	[tilespmem:s30+$0xE510] =	vst v4;
	v2 =	vadd.f32 v2, v9;
	v7 =	vmul.f32 $1.131370830e+01, v7  }
0x1b8: {  	v4 =	vld [tilespmem:s5+$0x1910];
	[tilespmem:s30+$0xE520] =	vst v3;
	v1 =	vadd.f32 v1, v8;
	v6 =	vmul.f32 $1.131370830e+01, v6  }
0x1b9: {  	v3 =	vld [tilespmem:s5+$0x1920];
	[tilespmem:s30+$0xE530] =	vst v2;
	v0 =	vadd.f32 v0, v7;
	v7 =	vmul.f32 $1.131370830e+01, v12  }
0x1ba: {  	v2 =	vld [tilespmem:s5+$0x1930];
	[tilespmem:s30+$0xE540] =	vst v1;
	v6 =	vadd.f32 v11, v6  }
0x1bb: {  	v1 =	vld [tilespmem:s5+$0x1940];
	[tilespmem:s30+$0xE550] =	vst v0;
	v7 =	vadd.f32 v10, v7  }
0x1bc: {  	v0 =	vld [tilespmem:s5+$0x1950];
	[tilespmem:s30+$0xE560] =	vst v6  }
0x1bd: {  	v6 =	vld [tilespmem:s5+$0xE500];
	[tilespmem:s30+$0xE570] =	vst v7;
	s30 =	smov.u32 s5  }
0x1be: {  	v11 =	vld [tilespmem:s30+$0xE510]  }
.Ltmp8:
0x1bf: {  	v10 =	vld [tilespmem:s30+$0xE520];
	(pc) =	sbr.rel @p0 .LBB2_19-.Ltmp8, $4  }
0x1c0: {  	v9 =	vld [tilespmem:s30+$0xE530]  }
0x1c1: {  	v8 =	vld [tilespmem:s30+$0xE540]  }
0x1c2: {  	v12 =	vmul.f32 $1.131370830e+01, v6;
	v7 =	vld [tilespmem:s30+$0xE550]  }
0x1c3: {  	s15 =	sadd.s32 $0x200, s15;
	v11 =	vmul.f32 $1.131370830e+01, v11;
	v6 =	vld [tilespmem:s30+$0xE560]  }
0x1c4: {  	v5 =	vadd.f32 v5, v12;
	v12 =	vld [tilespmem:s30+$0xE570];
	v10 =	vmul.f32 $1.131370830e+01, v10  }
0x1c5: {  	v13 =	vld [tilespmem:s30+$0x1960];
	v4 =	vadd.f32 v4, v11;
	v9 =	vmul.f32 $1.131370830e+01, v9  }
0x1c6: {  	[tilespmem:s30+$0xE500] =	vst v5;
	v3 =	vadd.f32 v3, v10;
	v5 =	vmul.f32 $1.131370830e+01, v8;
	v8 =	vld [tilespmem:s30+$0x1970]  }
0x1c7: {  	[tilespmem:s30+$0xE510] =	vst v4;
	v2 =	vadd.f32 v2, v9;
	v4 =	vmul.f32 $1.131370830e+01, v7  }
0x1c8: {  	s5 =	sadd.s32 $0x2, s8;
	[tilespmem:s30+$0xE520] =	vst v3;
	v1 =	vadd.f32 v1, v5;
	v3 =	vmul.f32 $1.131370830e+01, v6  }
0x1c9: {  	s5 =	sshrl.u32 s5, $0x1;
	[tilespmem:s30+$0xE530] =	vst v2;
	v0 =	vadd.f32 v0, v4;
	v2 =	vmul.f32 $1.131370830e+01, v12  }
0x1ca: {  	s8 =	sadd.s32 s6, s5;
	[tilespmem:s30+$0xE540] =	vst v1;
	v1 =	vadd.f32 v13, v3  }
0x1cb: {  	s5 =	smul.u32 $0xC80, s8;
	[tilespmem:s30+$0xE550] =	vst v0;
	v0 =	vadd.f32 v8, v2  }
0x1cc: {  	[tilespmem:s30+$0xE560] =	vst v1  }
0x1cd: {  	s15 =	simm.s32 $0x0;
	s5 =	sadd.s32 s4, s5;
	[tilespmem:s30+$0xE570] =	vst v0  }
0x1ce: {  	[hbm4b:s5+s15] =	stream.linear.scatter [tilespmem:s25], [sflag:$0x9], $0x3400, $0x38;
	[tilespmem:$0x1B500] =	vst v63  }
0x1cf: {  	_ =	swait.ge [sflag:s31], $0x3000  }
0x1d0: {  	[sflag:s31] =	ssyncset.done $0x0  }
0x1d1: {  	s30 =	sadd.s32 $0x68, s19;
	[sflag:s31] =	ssyncadd.s32 $0xFFFFD000  }
0x1d2: {  	[tilespmem:s23], [sflag:$0x2] =	stream.indirect.gather [hbm4b:s1+s22], $0x80, s30, s22, $0xb8;
	[tilespmem:$0x1B500] =	vst v63  }
0x1d3: {  	_ =	swait.ge [sflag:s7], $0x3000  }
0x1d4: {  	[sflag:s7] =	ssyncset.done $0x0  }
0x1d5: {  	s19 =	simm.s32 $0x0;
	[sflag:s7] =	ssyncadd.s32 $0xFFFFD000  }
0x1d6: {  	v5 =	vld [tilespmem:s19+$0x4D00]  }
0x1d7: {  	v4 =	vld [tilespmem:s19+$0x4D10]  }
0x1d8: {  	v3 =	vld [tilespmem:s19+$0x4D20]  }
0x1d9: {  	v2 =	vld [tilespmem:s19+$0x4D30]  }
0x1da: {  	v1 =	vld [tilespmem:s19+$0x4D40]  }
0x1db: {  	v0 =	vld [tilespmem:s19+$0x4D50]  }
0x1dc: {  	v6 =	vld [tilespmem:s19+$0x11900]  }
0x1dd: {  	v11 =	vld [tilespmem:s19+$0x11910]  }
0x1de: {  	v10 =	vld [tilespmem:s19+$0x11920]  }
0x1df: {  	v9 =	vld [tilespmem:s19+$0x11930]  }
0x1e0: {  	v8 =	vld [tilespmem:s19+$0x11940]  }
0x1e1: {  	v7 =	vld [tilespmem:s19+$0x11950];
	v12 =	vmul.f32 $1.131370830e+01, v6  }
0x1e2: {  	s15 =	simm.s32 $0x200;
	v11 =	vmul.f32 $1.131370830e+01, v11;
	v6 =	vld [tilespmem:s19+$0x11960]  }
.LBB2_21:
0x1e3: {  	p0 =	sne.s32 s15, $0xBE00;
	v5 =	vadd.f32 v5, v12;
	v10 =	vmul.f32 $1.131370830e+01, v10;
	v12 =	vld [tilespmem:s19+$0x11970]  }
0x1e4: {  	v4 =	vadd.f32 v4, v11;
	v9 =	vmul.f32 $1.131370830e+01, v9;
	v11 =	vld [tilespmem:s19+$0x4D60]  }
0x1e5: {  	s5 =	sshra.s32 s15, $0x2;
	[tilespmem:s19+$0x11900] =	vst v5;
	v3 =	vadd.f32 v3, v10;
	v8 =	vmul.f32 $1.131370830e+01, v8;
	v10 =	vld [tilespmem:s19+$0x4D70]  }
0x1e6: {  	v5 =	vld [tilespmem:s5+$0x4D00];
	[tilespmem:s19+$0x11910] =	vst v4;
	v2 =	vadd.f32 v2, v9;
	v7 =	vmul.f32 $1.131370830e+01, v7  }
0x1e7: {  	v4 =	vld [tilespmem:s5+$0x4D10];
	[tilespmem:s19+$0x11920] =	vst v3;
	v1 =	vadd.f32 v1, v8;
	v6 =	vmul.f32 $1.131370830e+01, v6  }
0x1e8: {  	v3 =	vld [tilespmem:s5+$0x4D20];
	[tilespmem:s19+$0x11930] =	vst v2;
	v0 =	vadd.f32 v0, v7;
	v7 =	vmul.f32 $1.131370830e+01, v12  }
0x1e9: {  	v2 =	vld [tilespmem:s5+$0x4D30];
	[tilespmem:s19+$0x11940] =	vst v1;
	v6 =	vadd.f32 v11, v6  }
0x1ea: {  	v1 =	vld [tilespmem:s5+$0x4D40];
	[tilespmem:s19+$0x11950] =	vst v0;
	v7 =	vadd.f32 v10, v7  }
0x1eb: {  	v0 =	vld [tilespmem:s5+$0x4D50];
	[tilespmem:s19+$0x11960] =	vst v6  }
0x1ec: {  	v6 =	vld [tilespmem:s5+$0x11900];
	[tilespmem:s19+$0x11970] =	vst v7;
	s19 =	smov.u32 s5  }
0x1ed: {  	v11 =	vld [tilespmem:s19+$0x11910]  }
.Ltmp9:
0x1ee: {  	v10 =	vld [tilespmem:s19+$0x11920];
	(pc) =	sbr.rel @p0 .LBB2_21-.Ltmp9, $4  }
0x1ef: {  	v9 =	vld [tilespmem:s19+$0x11930]  }
0x1f0: {  	v8 =	vld [tilespmem:s19+$0x11940]  }
0x1f1: {  	v12 =	vmul.f32 $1.131370830e+01, v6;
	v7 =	vld [tilespmem:s19+$0x11950]  }
0x1f2: {  	s15 =	sadd.s32 $0x200, s15;
	v11 =	vmul.f32 $1.131370830e+01, v11;
	v6 =	vld [tilespmem:s19+$0x11960]  }
0x1f3: {  	v5 =	vadd.f32 v5, v12;
	v12 =	vld [tilespmem:s19+$0x11970];
	v10 =	vmul.f32 $1.131370830e+01, v10  }
0x1f4: {  	v13 =	vld [tilespmem:s19+$0x4D60];
	v4 =	vadd.f32 v4, v11;
	v9 =	vmul.f32 $1.131370830e+01, v9  }
0x1f5: {  	[tilespmem:s19+$0x11900] =	vst v5;
	v3 =	vadd.f32 v3, v10;
	v5 =	vmul.f32 $1.131370830e+01, v8;
	v8 =	vld [tilespmem:s19+$0x4D70]  }
0x1f6: {  	[tilespmem:s19+$0x11910] =	vst v4;
	v2 =	vadd.f32 v2, v9;
	v4 =	vmul.f32 $1.131370830e+01, v7  }
0x1f7: {  	[tilespmem:s19+$0x11920] =	vst v3;
	v1 =	vadd.f32 v1, v5;
	v3 =	vmul.f32 $1.131370830e+01, v6  }
0x1f8: {  	s5 =	smul.u32 $0x6400, s8;
	[tilespmem:s19+$0x11930] =	vst v2;
	v0 =	vadd.f32 v0, v4;
	v2 =	vmul.f32 $1.131370830e+01, v12  }
0x1f9: {  	[tilespmem:s19+$0x11940] =	vst v1;
	v1 =	vadd.f32 v13, v3  }
0x1fa: {  	s5 =	sshrl.u32 s5, $0x3;
	[tilespmem:s19+$0x11950] =	vst v0;
	v0 =	vadd.f32 v8, v2  }
0x1fb: {  	s5 =	sadd.s32 s4, s5;
	[tilespmem:s19+$0x11960] =	vst v1  }
0x1fc: {  	s30 =	smul.u32 $0x320, s18;
	s5 =	sadd.s32 $0x680, s5;
	[tilespmem:s19+$0x11970] =	vst v0;
	s19 =	simm.s32 $0x0  }
0x1fd: {  	[hbm4b:s5+s19] =	stream.linear.scatter [tilespmem:s28], [sflag:$0xA], $0x3000, $0x38;
	[tilespmem:$0x1B500] =	vst v63  }
0x1fe: {  	_ =	swait.ge [sflag:s9], $0x3400  }
0x1ff: {  	s5 =	sadd.s32 $0xC80, s30;
	[sflag:s9] =	ssyncset.done $0x0  }
0x200: {  	s8 =	sshra.s32 s5, $0x2;
	[sflag:s9] =	ssyncadd.s32 $0xFFFFCC00  }
0x201: {  	[tilespmem:s25], [sflag:$0x3] =	stream.indirect.gather [hbm4b:s1+s20], $0x80, s8, s20, $0xb8;
	[tilespmem:$0x1B500] =	vst v63  }
0x202: {  	_ =	swait.ge [sflag:s10], $0x3400  }
0x203: {  	[sflag:s10] =	ssyncset.done $0x0  }
0x204: {  	s18 =	simm.s32 $0x0;
	[sflag:s10] =	ssyncadd.s32 $0xFFFFCC00  }
0x205: {  	v5 =	vld [tilespmem:s18+$0x1900]  }
0x206: {  	v4 =	vld [tilespmem:s18+$0x1910]  }
0x207: {  	v3 =	vld [tilespmem:s18+$0x1920]  }
0x208: {  	v2 =	vld [tilespmem:s18+$0x1930]  }
0x209: {  	v1 =	vld [tilespmem:s18+$0x1940]  }
0x20a: {  	v0 =	vld [tilespmem:s18+$0x1950]  }
0x20b: {  	v6 =	vld [tilespmem:s18+$0x14D00]  }
0x20c: {  	v11 =	vld [tilespmem:s18+$0x14D10]  }
0x20d: {  	v10 =	vld [tilespmem:s18+$0x14D20]  }
0x20e: {  	v9 =	vld [tilespmem:s18+$0x14D30]  }
0x20f: {  	v8 =	vld [tilespmem:s18+$0x14D40]  }
0x210: {  	v7 =	vld [tilespmem:s18+$0x14D50];
	v12 =	vmul.f32 $1.131370830e+01, v6  }
0x211: {  	s15 =	simm.s32 $0x200;
	v11 =	vmul.f32 $1.131370830e+01, v11;
	v6 =	vld [tilespmem:s18+$0x14D60]  }
.LBB2_23:
0x212: {  	p0 =	sne.s32 s15, $0xCE00;
	v5 =	vadd.f32 v5, v12;
	v10 =	vmul.f32 $1.131370830e+01, v10;
	v12 =	vld [tilespmem:s18+$0x14D70]  }
0x213: {  	v4 =	vadd.f32 v4, v11;
	v9 =	vmul.f32 $1.131370830e+01, v9;
	v11 =	vld [tilespmem:s18+$0x1960]  }
0x214: {  	s5 =	sshra.s32 s15, $0x2;
	[tilespmem:s18+$0x14D00] =	vst v5;
	v3 =	vadd.f32 v3, v10;
	v8 =	vmul.f32 $1.131370830e+01, v8;
	v10 =	vld [tilespmem:s18+$0x1970]  }
0x215: {  	v5 =	vld [tilespmem:s5+$0x1900];
	[tilespmem:s18+$0x14D10] =	vst v4;
	v2 =	vadd.f32 v2, v9;
	v7 =	vmul.f32 $1.131370830e+01, v7  }
0x216: {  	v4 =	vld [tilespmem:s5+$0x1910];
	[tilespmem:s18+$0x14D20] =	vst v3;
	v1 =	vadd.f32 v1, v8;
	v6 =	vmul.f32 $1.131370830e+01, v6  }
0x217: {  	v3 =	vld [tilespmem:s5+$0x1920];
	[tilespmem:s18+$0x14D30] =	vst v2;
	v0 =	vadd.f32 v0, v7;
	v7 =	vmul.f32 $1.131370830e+01, v12  }
0x218: {  	v2 =	vld [tilespmem:s5+$0x1930];
	[tilespmem:s18+$0x14D40] =	vst v1;
	v6 =	vadd.f32 v11, v6  }
0x219: {  	v1 =	vld [tilespmem:s5+$0x1940];
	[tilespmem:s18+$0x14D50] =	vst v0;
	v7 =	vadd.f32 v10, v7  }
0x21a: {  	v0 =	vld [tilespmem:s5+$0x1950];
	[tilespmem:s18+$0x14D60] =	vst v6  }
0x21b: {  	v6 =	vld [tilespmem:s5+$0x14D00];
	[tilespmem:s18+$0x14D70] =	vst v7;
	s18 =	smov.u32 s5  }
0x21c: {  	v11 =	vld [tilespmem:s18+$0x14D10]  }
.Ltmp10:
0x21d: {  	v10 =	vld [tilespmem:s18+$0x14D20];
	(pc) =	sbr.rel @p0 .LBB2_23-.Ltmp10, $4  }
0x21e: {  	v9 =	vld [tilespmem:s18+$0x14D30]  }
0x21f: {  	v8 =	vld [tilespmem:s18+$0x14D40]  }
0x220: {  	v12 =	vmul.f32 $1.131370830e+01, v6;
	v7 =	vld [tilespmem:s18+$0x14D50]  }
0x221: {  	s15 =	sadd.s32 $0x200, s15;
	v11 =	vmul.f32 $1.131370830e+01, v11;
	v6 =	vld [tilespmem:s18+$0x14D60]  }
0x222: {  	v5 =	vadd.f32 v5, v12;
	v12 =	vld [tilespmem:s18+$0x14D70];
	v10 =	vmul.f32 $1.131370830e+01, v10  }
0x223: {  	v13 =	vld [tilespmem:s18+$0x1960];
	v4 =	vadd.f32 v4, v11;
	v9 =	vmul.f32 $1.131370830e+01, v9  }
0x224: {  	[tilespmem:s18+$0x14D00] =	vst v5;
	v3 =	vadd.f32 v3, v10;
	v5 =	vmul.f32 $1.131370830e+01, v8;
	v8 =	vld [tilespmem:s18+$0x1970]  }
0x225: {  	[tilespmem:s18+$0x14D10] =	vst v4;
	v2 =	vadd.f32 v2, v9;
	v4 =	vmul.f32 $1.131370830e+01, v7  }
0x226: {  	[tilespmem:s18+$0x14D20] =	vst v3;
	v1 =	vadd.f32 v1, v5;
	v3 =	vmul.f32 $1.131370830e+01, v6  }
0x227: {  	[tilespmem:s18+$0x14D30] =	vst v2;
	v0 =	vadd.f32 v0, v4;
	v2 =	vmul.f32 $1.131370830e+01, v12  }
0x228: {  	s17 =	sadd.s32 s6, s17;
	[tilespmem:s18+$0x14D40] =	vst v1;
	v1 =	vadd.f32 v13, v3  }
0x229: {  	s5 =	smul.u32 $0xC80, s17;
	[tilespmem:s18+$0x14D50] =	vst v0;
	v0 =	vadd.f32 v8, v2  }
0x22a: {  	[tilespmem:s18+$0x14D60] =	vst v1  }
0x22b: {  	s15 =	simm.s32 $0x0;
	s5 =	sadd.s32 s4, s5;
	[tilespmem:s18+$0x14D70] =	vst v0  }
0x22c: {  	[hbm4b:s5+s15] =	stream.linear.scatter [tilespmem:s2], [sflag:$0xB], $0x3400, $0x38;
	[tilespmem:$0x1B500] =	vst v63  }
0x22d: {  	_ =	swait.ge [sflag:s11], $0x3000  }
0x22e: {  	[sflag:s11] =	ssyncset.done $0x0  }
0x22f: {  	s30 =	sadd.s32 $0x68, s8;
	[sflag:s11] =	ssyncadd.s32 $0xFFFFD000  }
0x230: {  	[tilespmem:s28], [sflag:$0x4] =	stream.indirect.gather [hbm4b:s1+s22], $0x80, s30, s22, $0xb8;
	[tilespmem:$0x1B500] =	vst v63  }
0x231: {  	_ =	swait.ge [sflag:s12], $0x3000  }
0x232: {  	[sflag:s12] =	ssyncset.done $0x0  }
0x233: {  	s8 =	simm.s32 $0x0;
	[sflag:s12] =	ssyncadd.s32 $0xFFFFD000  }
0x234: {  	v5 =	vld [tilespmem:s8+$0x4D00]  }
0x235: {  	v4 =	vld [tilespmem:s8+$0x4D10]  }
0x236: {  	v3 =	vld [tilespmem:s8+$0x4D20]  }
0x237: {  	v2 =	vld [tilespmem:s8+$0x4D30]  }
0x238: {  	v1 =	vld [tilespmem:s8+$0x4D40]  }
0x239: {  	v0 =	vld [tilespmem:s8+$0x4D50]  }
0x23a: {  	v6 =	vld [tilespmem:s8+$0x18100]  }
0x23b: {  	v11 =	vld [tilespmem:s8+$0x18110]  }
0x23c: {  	v10 =	vld [tilespmem:s8+$0x18120]  }
0x23d: {  	v9 =	vld [tilespmem:s8+$0x18130]  }
0x23e: {  	v8 =	vld [tilespmem:s8+$0x18140]  }
0x23f: {  	v7 =	vld [tilespmem:s8+$0x18150];
	v12 =	vmul.f32 $1.131370830e+01, v6  }
0x240: {  	s15 =	simm.s32 $0x200;
	v11 =	vmul.f32 $1.131370830e+01, v11;
	v6 =	vld [tilespmem:s8+$0x18160]  }
.LBB2_25:
0x241: {  	p0 =	sne.s32 s15, $0xBE00;
	v5 =	vadd.f32 v5, v12;
	v10 =	vmul.f32 $1.131370830e+01, v10;
	v12 =	vld [tilespmem:s8+$0x18170]  }
0x242: {  	v4 =	vadd.f32 v4, v11;
	v9 =	vmul.f32 $1.131370830e+01, v9;
	v11 =	vld [tilespmem:s8+$0x4D60]  }
0x243: {  	s5 =	sshra.s32 s15, $0x2;
	[tilespmem:s8+$0x18100] =	vst v5;
	v3 =	vadd.f32 v3, v10;
	v8 =	vmul.f32 $1.131370830e+01, v8;
	v10 =	vld [tilespmem:s8+$0x4D70]  }
0x244: {  	v5 =	vld [tilespmem:s5+$0x4D00];
	[tilespmem:s8+$0x18110] =	vst v4;
	v2 =	vadd.f32 v2, v9;
	v7 =	vmul.f32 $1.131370830e+01, v7  }
0x245: {  	v4 =	vld [tilespmem:s5+$0x4D10];
	[tilespmem:s8+$0x18120] =	vst v3;
	v1 =	vadd.f32 v1, v8;
	v6 =	vmul.f32 $1.131370830e+01, v6  }
0x246: {  	v3 =	vld [tilespmem:s5+$0x4D20];
	[tilespmem:s8+$0x18130] =	vst v2;
	v0 =	vadd.f32 v0, v7;
	v7 =	vmul.f32 $1.131370830e+01, v12  }
0x247: {  	v2 =	vld [tilespmem:s5+$0x4D30];
	[tilespmem:s8+$0x18140] =	vst v1;
	v6 =	vadd.f32 v11, v6  }
0x248: {  	v1 =	vld [tilespmem:s5+$0x4D40];
	[tilespmem:s8+$0x18150] =	vst v0;
	v7 =	vadd.f32 v10, v7  }
0x249: {  	v0 =	vld [tilespmem:s5+$0x4D50];
	[tilespmem:s8+$0x18160] =	vst v6  }
0x24a: {  	v6 =	vld [tilespmem:s5+$0x18100];
	[tilespmem:s8+$0x18170] =	vst v7;
	s8 =	smov.u32 s5  }
0x24b: {  	v11 =	vld [tilespmem:s8+$0x18110]  }
.Ltmp11:
0x24c: {  	v10 =	vld [tilespmem:s8+$0x18120];
	(pc) =	sbr.rel @p0 .LBB2_25-.Ltmp11, $4  }
0x24d: {  	v9 =	vld [tilespmem:s8+$0x18130]  }
0x24e: {  	v8 =	vld [tilespmem:s8+$0x18140]  }
0x24f: {  	v12 =	vmul.f32 $1.131370830e+01, v6;
	v7 =	vld [tilespmem:s8+$0x18150]  }
0x250: {  	s15 =	sadd.s32 $0x200, s15;
	v11 =	vmul.f32 $1.131370830e+01, v11;
	v6 =	vld [tilespmem:s8+$0x18160]  }
0x251: {  	v5 =	vadd.f32 v5, v12;
	v56 =	vld [tilespmem:s8+$0x18170];
	v10 =	vmul.f32 $1.131370830e+01, v10  }
0x252: {  	v13 =	vld [tilespmem:s8+$0x4D60];
	v4 =	vadd.f32 v4, v11;
	v9 =	vmul.f32 $1.131370830e+01, v9  }
0x253: {  	v58 =	vld [tilespmem:s8+$0x4D70];
	[tilespmem:s8+$0x18100] =	vst v5;
	v3 =	vadd.f32 v3, v10;
	v57 =	vmul.f32 $1.131370830e+01, v8  }
0x254: {  	[tilespmem:s8+$0x18110] =	vst v4;
	v2 =	vadd.f32 v2, v9;
	v59 =	vmul.f32 $1.131370830e+01, v7  }
0x255: {  	s16 =	sadd.s32 $0x1, s16;
	[tilespmem:s8+$0x18120] =	vst v3;
	v1 =	vadd.f32 v1, v57;
	v60 =	vmul.f32 $1.131370830e+01, v6  }
0x256: {  	s5 =	smul.u32 $0x6400, s17;
	p0 =	sne.s32 s16, $0xA;
	[tilespmem:s8+$0x18130] =	vst v2;
	v0 =	vadd.f32 v0, v59;
	v61 =	vmul.f32 $1.131370830e+01, v56  }
.Ltmp12:
0x257: {  	[tilespmem:s8+$0x18140] =	vst v1;
	v62 =	vadd.f32 v13, v60;
	(pc) =	sbr.rel @p0 .LBB2_14-.Ltmp12, $4  }
0x258: {  	s5 =	sshrl.u32 s5, $0x3;
	[tilespmem:s8+$0x18150] =	vst v0;
	v63 =	vadd.f32 v58, v61  }
0x259: {  	s5 =	sadd.s32 s4, s5;
	[tilespmem:s8+$0x18160] =	vst v62  }
0x25a: {  	s17 =	simm.s32 $0x0;
	s5 =	sadd.s32 $0x680, s5;
	[tilespmem:s8+$0x18170] =	vst v63  }
0x25b: {  	[hbm4b:s5+s17] =	stream.linear.scatter [tilespmem:s24], [sflag:$0xC], $0x3000, $0x38;
	[tilespmem:$0x1B500] =	vst v63  }
0x25c: {  	_ =	swait.ge [sflag:s13], $0x3400  }
0x25d: {  	[sflag:s13] =	ssyncset.done $0x0  }
0x25e: {  	[sflag:s13] =	ssyncadd.s32 $0xFFFFCC00  }
0x25f: {  	_ =	swait.ge [sflag:s0], $0x3400  }
0x260: {  	[sflag:s0] =	ssyncset.done $0x0  }
0x261: {  	s8 =	simm.s32 $0x0;
	[sflag:s0] =	ssyncadd.s32 $0xFFFFCC00  }
0x262: {  	v5 =	vld [tilespmem:s8+$0x1900]  }
0x263: {  	v4 =	vld [tilespmem:s8+$0x1910]  }
0x264: {  	v3 =	vld [tilespmem:s8+$0x1920]  }
0x265: {  	v2 =	vld [tilespmem:s8+$0x1930]  }
0x266: {  	v1 =	vld [tilespmem:s8+$0x1940]  }
0x267: {  	v0 =	vld [tilespmem:s8+$0x1950]  }
0x268: {  	v6 =	vld [tilespmem:s8+$0x7D00]  }
0x269: {  	v11 =	vld [tilespmem:s8+$0x7D10]  }
0x26a: {  	v10 =	vld [tilespmem:s8+$0x7D20]  }
0x26b: {  	v9 =	vld [tilespmem:s8+$0x7D30]  }
0x26c: {  	v8 =	vld [tilespmem:s8+$0x7D40]  }
0x26d: {  	v7 =	vld [tilespmem:s8+$0x7D50];
	v12 =	vmul.f32 $1.131370830e+01, v6  }
0x26e: {  	s15 =	simm.s32 $0x200;
	v11 =	vmul.f32 $1.131370830e+01, v11;
	v6 =	vld [tilespmem:s8+$0x7D60]  }
.LBB2_28:
0x26f: {  	p0 =	sne.s32 s15, $0xCE00;
	v5 =	vadd.f32 v5, v12;
	v10 =	vmul.f32 $1.131370830e+01, v10;
	v12 =	vld [tilespmem:s8+$0x7D70]  }
0x270: {  	v4 =	vadd.f32 v4, v11;
	v9 =	vmul.f32 $1.131370830e+01, v9;
	v11 =	vld [tilespmem:s8+$0x1960]  }
0x271: {  	s5 =	sshra.s32 s15, $0x2;
	[tilespmem:s8+$0x7D00] =	vst v5;
	v3 =	vadd.f32 v3, v10;
	v8 =	vmul.f32 $1.131370830e+01, v8;
	v10 =	vld [tilespmem:s8+$0x1970]  }
0x272: {  	v5 =	vld [tilespmem:s5+$0x1900];
	[tilespmem:s8+$0x7D10] =	vst v4;
	v2 =	vadd.f32 v2, v9;
	v7 =	vmul.f32 $1.131370830e+01, v7  }
0x273: {  	v4 =	vld [tilespmem:s5+$0x1910];
	[tilespmem:s8+$0x7D20] =	vst v3;
	v1 =	vadd.f32 v1, v8;
	v6 =	vmul.f32 $1.131370830e+01, v6  }
0x274: {  	v3 =	vld [tilespmem:s5+$0x1920];
	[tilespmem:s8+$0x7D30] =	vst v2;
	v0 =	vadd.f32 v0, v7;
	v7 =	vmul.f32 $1.131370830e+01, v12  }
0x275: {  	v2 =	vld [tilespmem:s5+$0x1930];
	[tilespmem:s8+$0x7D40] =	vst v1;
	v6 =	vadd.f32 v11, v6  }
0x276: {  	v1 =	vld [tilespmem:s5+$0x1940];
	[tilespmem:s8+$0x7D50] =	vst v0;
	v7 =	vadd.f32 v10, v7  }
0x277: {  	v0 =	vld [tilespmem:s5+$0x1950];
	[tilespmem:s8+$0x7D60] =	vst v6  }
0x278: {  	v6 =	vld [tilespmem:s5+$0x7D00];
	[tilespmem:s8+$0x7D70] =	vst v7;
	s8 =	smov.u32 s5  }
0x279: {  	v11 =	vld [tilespmem:s8+$0x7D10]  }
.Ltmp13:
0x27a: {  	v10 =	vld [tilespmem:s8+$0x7D20];
	(pc) =	sbr.rel @p0 .LBB2_28-.Ltmp13, $4  }
0x27b: {  	v9 =	vld [tilespmem:s8+$0x7D30]  }
0x27c: {  	v8 =	vld [tilespmem:s8+$0x7D40]  }
0x27d: {  	v12 =	vmul.f32 $1.131370830e+01, v6;
	v7 =	vld [tilespmem:s8+$0x7D50]  }
0x27e: {  	s15 =	sadd.s32 $0x200, s15;
	v11 =	vmul.f32 $1.131370830e+01, v11;
	v6 =	vld [tilespmem:s8+$0x7D60]  }
0x27f: {  	v5 =	vadd.f32 v5, v12;
	v12 =	vld [tilespmem:s8+$0x7D70];
	v10 =	vmul.f32 $1.131370830e+01, v10  }
0x280: {  	v13 =	vld [tilespmem:s8+$0x1960];
	v4 =	vadd.f32 v4, v11;
	v9 =	vmul.f32 $1.131370830e+01, v9  }
0x281: {  	[tilespmem:s8+$0x7D00] =	vst v5;
	v3 =	vadd.f32 v3, v10;
	v5 =	vmul.f32 $1.131370830e+01, v8;
	v8 =	vld [tilespmem:s8+$0x1970]  }
0x282: {  	[tilespmem:s8+$0x7D10] =	vst v4;
	v2 =	vadd.f32 v2, v9;
	v4 =	vmul.f32 $1.131370830e+01, v7  }
0x283: {  	[tilespmem:s8+$0x7D20] =	vst v3;
	v1 =	vadd.f32 v1, v5;
	v3 =	vmul.f32 $1.131370830e+01, v6  }
0x284: {  	[tilespmem:s8+$0x7D30] =	vst v2;
	v0 =	vadd.f32 v0, v4;
	v2 =	vmul.f32 $1.131370830e+01, v12  }
0x285: {  	[tilespmem:s8+$0x7D40] =	vst v1;
	v1 =	vadd.f32 v13, v3  }
0x286: {  	[tilespmem:s8+$0x7D50] =	vst v0;
	v0 =	vadd.f32 v8, v2  }
0x287: {  	[tilespmem:s8+$0x7D60] =	vst v1  }
0x288: {  	s5 =	simm.s32 $0x0;
	s30 =	rddreg [dreg:$0xc];
	[tilespmem:s8+$0x7D70] =	vst v0  }
0x289: {  	[hbm4b:s30+s5] =	stream.linear.scatter [tilespmem:s21], [sflag:$0x7], $0x3400, $0x38;
	[tilespmem:$0x1B500] =	vst v63  }
0x28a: {  	_ =	swait.ge [sflag:s14], $0x3000  }
0x28b: {  	[sflag:s14] =	ssyncset.done $0x0  }
0x28c: {  	[sflag:s14] =	ssyncadd.s32 $0xFFFFD000  }
0x28d: {  	_ =	swait.ge [sflag:s26], $0x3000  }
0x28e: {  	[sflag:s26] =	ssyncset.done $0x0  }
0x28f: {  	s8 =	simm.s32 $0x0;
	[sflag:s26] =	ssyncadd.s32 $0xFFFFD000  }
0x290: {  	v5 =	vld [tilespmem:s8+$0x4D00]  }
0x291: {  	v4 =	vld [tilespmem:s8+$0x4D10]  }
0x292: {  	v3 =	vld [tilespmem:s8+$0x4D20]  }
0x293: {  	v2 =	vld [tilespmem:s8+$0x4D30]  }
0x294: {  	v1 =	vld [tilespmem:s8+$0x4D40]  }
0x295: {  	v0 =	vld [tilespmem:s8+$0x4D50]  }
0x296: {  	v6 =	vld [tilespmem:s8+$0xB100]  }
0x297: {  	v11 =	vld [tilespmem:s8+$0xB110]  }
0x298: {  	v10 =	vld [tilespmem:s8+$0xB120]  }
0x299: {  	v9 =	vld [tilespmem:s8+$0xB130]  }
0x29a: {  	v8 =	vld [tilespmem:s8+$0xB140]  }
0x29b: {  	v7 =	vld [tilespmem:s8+$0xB150];
	v12 =	vmul.f32 $1.131370830e+01, v6  }
0x29c: {  	s15 =	simm.s32 $0x200;
	v11 =	vmul.f32 $1.131370830e+01, v11;
	v6 =	vld [tilespmem:s8+$0xB160]  }
.LBB2_30:
0x29d: {  	p0 =	sne.s32 s15, $0xBE00;
	v5 =	vadd.f32 v5, v12;
	v10 =	vmul.f32 $1.131370830e+01, v10;
	v12 =	vld [tilespmem:s8+$0xB170]  }
0x29e: {  	v4 =	vadd.f32 v4, v11;
	v9 =	vmul.f32 $1.131370830e+01, v9;
	v11 =	vld [tilespmem:s8+$0x4D60]  }
0x29f: {  	s5 =	sshra.s32 s15, $0x2;
	[tilespmem:s8+$0xB100] =	vst v5;
	v3 =	vadd.f32 v3, v10;
	v8 =	vmul.f32 $1.131370830e+01, v8;
	v10 =	vld [tilespmem:s8+$0x4D70]  }
0x2a0: {  	v5 =	vld [tilespmem:s5+$0x4D00];
	[tilespmem:s8+$0xB110] =	vst v4;
	v2 =	vadd.f32 v2, v9;
	v7 =	vmul.f32 $1.131370830e+01, v7  }
0x2a1: {  	v4 =	vld [tilespmem:s5+$0x4D10];
	[tilespmem:s8+$0xB120] =	vst v3;
	v1 =	vadd.f32 v1, v8;
	v6 =	vmul.f32 $1.131370830e+01, v6  }
0x2a2: {  	v3 =	vld [tilespmem:s5+$0x4D20];
	[tilespmem:s8+$0xB130] =	vst v2;
	v0 =	vadd.f32 v0, v7;
	v7 =	vmul.f32 $1.131370830e+01, v12  }
0x2a3: {  	v2 =	vld [tilespmem:s5+$0x4D30];
	[tilespmem:s8+$0xB140] =	vst v1;
	v6 =	vadd.f32 v11, v6  }
0x2a4: {  	v1 =	vld [tilespmem:s5+$0x4D40];
	[tilespmem:s8+$0xB150] =	vst v0;
	v7 =	vadd.f32 v10, v7  }
0x2a5: {  	v0 =	vld [tilespmem:s5+$0x4D50];
	[tilespmem:s8+$0xB160] =	vst v6  }
0x2a6: {  	v6 =	vld [tilespmem:s5+$0xB100];
	[tilespmem:s8+$0xB170] =	vst v7;
	s8 =	smov.u32 s5  }
0x2a7: {  	v11 =	vld [tilespmem:s8+$0xB110]  }
.Ltmp14:
0x2a8: {  	v10 =	vld [tilespmem:s8+$0xB120];
	(pc) =	sbr.rel @p0 .LBB2_30-.Ltmp14, $4  }
0x2a9: {  	v9 =	vld [tilespmem:s8+$0xB130]  }
0x2aa: {  	v8 =	vld [tilespmem:s8+$0xB140]  }
0x2ab: {  	v12 =	vmul.f32 $1.131370830e+01, v6;
	v7 =	vld [tilespmem:s8+$0xB150]  }
0x2ac: {  	s15 =	sadd.s32 $0x200, s15;
	v11 =	vmul.f32 $1.131370830e+01, v11;
	v6 =	vld [tilespmem:s8+$0xB160]  }
0x2ad: {  	v5 =	vadd.f32 v5, v12;
	v12 =	vld [tilespmem:s8+$0xB170];
	v10 =	vmul.f32 $1.131370830e+01, v10  }
0x2ae: {  	v13 =	vld [tilespmem:s8+$0x4D60];
	v4 =	vadd.f32 v4, v11;
	v9 =	vmul.f32 $1.131370830e+01, v9  }
0x2af: {  	[tilespmem:s8+$0xB100] =	vst v5;
	v3 =	vadd.f32 v3, v10;
	v5 =	vmul.f32 $1.131370830e+01, v8;
	v8 =	vld [tilespmem:s8+$0x4D70]  }
0x2b0: {  	[tilespmem:s8+$0xB110] =	vst v4;
	v2 =	vadd.f32 v2, v9;
	v4 =	vmul.f32 $1.131370830e+01, v7  }
0x2b1: {  	[tilespmem:s8+$0xB120] =	vst v3;
	v1 =	vadd.f32 v1, v5;
	v3 =	vmul.f32 $1.131370830e+01, v6  }
0x2b2: {  	[tilespmem:s8+$0xB130] =	vst v2;
	v0 =	vadd.f32 v0, v4;
	v2 =	vmul.f32 $1.131370830e+01, v12  }
0x2b3: {  	[tilespmem:s8+$0xB140] =	vst v1;
	v1 =	vadd.f32 v13, v3  }
0x2b4: {  	[tilespmem:s8+$0xB150] =	vst v0;
	v0 =	vadd.f32 v8, v2  }
0x2b5: {  	[tilespmem:s8+$0xB160] =	vst v1  }
0x2b6: {  	s5 =	simm.s32 $0x0;
	s30 =	rddreg [dreg:$0xd];
	[tilespmem:s8+$0xB170] =	vst v0  }
0x2b7: {  	[hbm4b:s30+s5] =	stream.linear.scatter [tilespmem:s23], [sflag:$0x8], $0x3000, $0x38;
	[tilespmem:$0x1B500] =	vst v63  }
0x2b8: {  	_ =	swait.ge [sflag:s29], $0x3400  }
0x2b9: {  	[sflag:s29] =	ssyncset.done $0x0  }
0x2ba: {  	[sflag:s29] =	ssyncadd.s32 $0xFFFFCC00  }
0x2bb: {  	_ =	swait.ge [sflag:s3], $0x3400  }
0x2bc: {  	[sflag:s3] =	ssyncset.done $0x0  }
0x2bd: {  	s8 =	simm.s32 $0x0;
	[sflag:s3] =	ssyncadd.s32 $0xFFFFCC00  }
0x2be: {  	v5 =	vld [tilespmem:s8+$0x1900]  }
0x2bf: {  	v4 =	vld [tilespmem:s8+$0x1910]  }
0x2c0: {  	v3 =	vld [tilespmem:s8+$0x1920]  }
0x2c1: {  	v2 =	vld [tilespmem:s8+$0x1930]  }
0x2c2: {  	v1 =	vld [tilespmem:s8+$0x1940]  }
0x2c3: {  	v0 =	vld [tilespmem:s8+$0x1950]  }
0x2c4: {  	v6 =	vld [tilespmem:s8+$0xE500]  }
0x2c5: {  	v11 =	vld [tilespmem:s8+$0xE510]  }
0x2c6: {  	v10 =	vld [tilespmem:s8+$0xE520]  }
0x2c7: {  	v9 =	vld [tilespmem:s8+$0xE530]  }
0x2c8: {  	v8 =	vld [tilespmem:s8+$0xE540]  }
0x2c9: {  	v7 =	vld [tilespmem:s8+$0xE550];
	v12 =	vmul.f32 $1.131370830e+01, v6  }
0x2ca: {  	s15 =	simm.s32 $0x200;
	v11 =	vmul.f32 $1.131370830e+01, v11;
	v6 =	vld [tilespmem:s8+$0xE560]  }
.LBB2_32:
0x2cb: {  	p0 =	sne.s32 s15, $0xCE00;
	v5 =	vadd.f32 v5, v12;
	v10 =	vmul.f32 $1.131370830e+01, v10;
	v12 =	vld [tilespmem:s8+$0xE570]  }
0x2cc: {  	v4 =	vadd.f32 v4, v11;
	v9 =	vmul.f32 $1.131370830e+01, v9;
	v11 =	vld [tilespmem:s8+$0x1960]  }
0x2cd: {  	s5 =	sshra.s32 s15, $0x2;
	[tilespmem:s8+$0xE500] =	vst v5;
	v3 =	vadd.f32 v3, v10;
	v8 =	vmul.f32 $1.131370830e+01, v8;
	v10 =	vld [tilespmem:s8+$0x1970]  }
0x2ce: {  	v5 =	vld [tilespmem:s5+$0x1900];
	[tilespmem:s8+$0xE510] =	vst v4;
	v2 =	vadd.f32 v2, v9;
	v7 =	vmul.f32 $1.131370830e+01, v7  }
0x2cf: {  	v4 =	vld [tilespmem:s5+$0x1910];
	[tilespmem:s8+$0xE520] =	vst v3;
	v1 =	vadd.f32 v1, v8;
	v6 =	vmul.f32 $1.131370830e+01, v6  }
0x2d0: {  	v3 =	vld [tilespmem:s5+$0x1920];
	[tilespmem:s8+$0xE530] =	vst v2;
	v0 =	vadd.f32 v0, v7;
	v7 =	vmul.f32 $1.131370830e+01, v12  }
0x2d1: {  	v2 =	vld [tilespmem:s5+$0x1930];
	[tilespmem:s8+$0xE540] =	vst v1;
	v6 =	vadd.f32 v11, v6  }
0x2d2: {  	v1 =	vld [tilespmem:s5+$0x1940];
	[tilespmem:s8+$0xE550] =	vst v0;
	v7 =	vadd.f32 v10, v7  }
0x2d3: {  	v0 =	vld [tilespmem:s5+$0x1950];
	[tilespmem:s8+$0xE560] =	vst v6  }
0x2d4: {  	v6 =	vld [tilespmem:s5+$0xE500];
	[tilespmem:s8+$0xE570] =	vst v7;
	s8 =	smov.u32 s5  }
0x2d5: {  	v11 =	vld [tilespmem:s8+$0xE510]  }
.Ltmp15:
0x2d6: {  	v10 =	vld [tilespmem:s8+$0xE520];
	(pc) =	sbr.rel @p0 .LBB2_32-.Ltmp15, $4  }
0x2d7: {  	v9 =	vld [tilespmem:s8+$0xE530]  }
0x2d8: {  	v8 =	vld [tilespmem:s8+$0xE540]  }
0x2d9: {  	v12 =	vmul.f32 $1.131370830e+01, v6;
	v7 =	vld [tilespmem:s8+$0xE550]  }
0x2da: {  	s15 =	sadd.s32 $0x200, s15;
	v11 =	vmul.f32 $1.131370830e+01, v11;
	v6 =	vld [tilespmem:s8+$0xE560]  }
0x2db: {  	v5 =	vadd.f32 v5, v12;
	v12 =	vld [tilespmem:s8+$0xE570];
	v10 =	vmul.f32 $1.131370830e+01, v10  }
0x2dc: {  	v13 =	vld [tilespmem:s8+$0x1960];
	v4 =	vadd.f32 v4, v11;
	v9 =	vmul.f32 $1.131370830e+01, v9  }
0x2dd: {  	[tilespmem:s8+$0xE500] =	vst v5;
	v3 =	vadd.f32 v3, v10;
	v5 =	vmul.f32 $1.131370830e+01, v8;
	v8 =	vld [tilespmem:s8+$0x1970]  }
0x2de: {  	[tilespmem:s8+$0xE510] =	vst v4;
	v2 =	vadd.f32 v2, v9;
	v4 =	vmul.f32 $1.131370830e+01, v7  }
0x2df: {  	[tilespmem:s8+$0xE520] =	vst v3;
	v1 =	vadd.f32 v1, v5;
	v3 =	vmul.f32 $1.131370830e+01, v6  }
0x2e0: {  	[tilespmem:s8+$0xE530] =	vst v2;
	v0 =	vadd.f32 v0, v4;
	v2 =	vmul.f32 $1.131370830e+01, v12  }
0x2e1: {  	[tilespmem:s8+$0xE540] =	vst v1;
	v1 =	vadd.f32 v13, v3  }
0x2e2: {  	[tilespmem:s8+$0xE550] =	vst v0;
	v0 =	vadd.f32 v8, v2  }
0x2e3: {  	[tilespmem:s8+$0xE560] =	vst v1  }
0x2e4: {  	s5 =	simm.s32 $0x0;
	s30 =	rddreg [dreg:$0xe];
	[tilespmem:s8+$0xE570] =	vst v0  }
0x2e5: {  	[hbm4b:s30+s5] =	stream.linear.scatter [tilespmem:s25], [sflag:$0x9], $0x3400, $0x38;
	[tilespmem:$0x1B500] =	vst v63  }
0x2e6: {  	_ =	swait.ge [sflag:s31], $0x3000  }
0x2e7: {  	[sflag:s31] =	ssyncset.done $0x0  }
0x2e8: {  	[sflag:s31] =	ssyncadd.s32 $0xFFFFD000  }
0x2e9: {  	_ =	swait.ge [sflag:s7], $0x3000  }
0x2ea: {  	[sflag:s7] =	ssyncset.done $0x0  }
0x2eb: {  	s8 =	simm.s32 $0x0;
	[sflag:s7] =	ssyncadd.s32 $0xFFFFD000  }
0x2ec: {  	v5 =	vld [tilespmem:s8+$0x4D00]  }
0x2ed: {  	v4 =	vld [tilespmem:s8+$0x4D10]  }
0x2ee: {  	v3 =	vld [tilespmem:s8+$0x4D20]  }
0x2ef: {  	v2 =	vld [tilespmem:s8+$0x4D30]  }
0x2f0: {  	v1 =	vld [tilespmem:s8+$0x4D40]  }
0x2f1: {  	v0 =	vld [tilespmem:s8+$0x4D50]  }
0x2f2: {  	v6 =	vld [tilespmem:s8+$0x11900]  }
0x2f3: {  	v11 =	vld [tilespmem:s8+$0x11910]  }
0x2f4: {  	v10 =	vld [tilespmem:s8+$0x11920]  }
0x2f5: {  	v9 =	vld [tilespmem:s8+$0x11930]  }
0x2f6: {  	v8 =	vld [tilespmem:s8+$0x11940]  }
0x2f7: {  	v7 =	vld [tilespmem:s8+$0x11950];
	v12 =	vmul.f32 $1.131370830e+01, v6  }
0x2f8: {  	s15 =	simm.s32 $0x200;
	v11 =	vmul.f32 $1.131370830e+01, v11;
	v6 =	vld [tilespmem:s8+$0x11960]  }
.LBB2_34:
0x2f9: {  	p0 =	sne.s32 s15, $0xBE00;
	v5 =	vadd.f32 v5, v12;
	v10 =	vmul.f32 $1.131370830e+01, v10;
	v12 =	vld [tilespmem:s8+$0x11970]  }
0x2fa: {  	v4 =	vadd.f32 v4, v11;
	v9 =	vmul.f32 $1.131370830e+01, v9;
	v11 =	vld [tilespmem:s8+$0x4D60]  }
0x2fb: {  	s5 =	sshra.s32 s15, $0x2;
	[tilespmem:s8+$0x11900] =	vst v5;
	v3 =	vadd.f32 v3, v10;
	v8 =	vmul.f32 $1.131370830e+01, v8;
	v10 =	vld [tilespmem:s8+$0x4D70]  }
0x2fc: {  	v5 =	vld [tilespmem:s5+$0x4D00];
	[tilespmem:s8+$0x11910] =	vst v4;
	v2 =	vadd.f32 v2, v9;
	v7 =	vmul.f32 $1.131370830e+01, v7  }
0x2fd: {  	v4 =	vld [tilespmem:s5+$0x4D10];
	[tilespmem:s8+$0x11920] =	vst v3;
	v1 =	vadd.f32 v1, v8;
	v6 =	vmul.f32 $1.131370830e+01, v6  }
0x2fe: {  	v3 =	vld [tilespmem:s5+$0x4D20];
	[tilespmem:s8+$0x11930] =	vst v2;
	v0 =	vadd.f32 v0, v7;
	v7 =	vmul.f32 $1.131370830e+01, v12  }
0x2ff: {  	v2 =	vld [tilespmem:s5+$0x4D30];
	[tilespmem:s8+$0x11940] =	vst v1;
	v6 =	vadd.f32 v11, v6  }
0x300: {  	v1 =	vld [tilespmem:s5+$0x4D40];
	[tilespmem:s8+$0x11950] =	vst v0;
	v7 =	vadd.f32 v10, v7  }
0x301: {  	v0 =	vld [tilespmem:s5+$0x4D50];
	[tilespmem:s8+$0x11960] =	vst v6  }
0x302: {  	v6 =	vld [tilespmem:s5+$0x11900];
	[tilespmem:s8+$0x11970] =	vst v7;
	s8 =	smov.u32 s5  }
0x303: {  	v11 =	vld [tilespmem:s8+$0x11910]  }
.Ltmp16:
0x304: {  	v10 =	vld [tilespmem:s8+$0x11920];
	(pc) =	sbr.rel @p0 .LBB2_34-.Ltmp16, $4  }
0x305: {  	v9 =	vld [tilespmem:s8+$0x11930]  }
0x306: {  	v8 =	vld [tilespmem:s8+$0x11940]  }
0x307: {  	v12 =	vmul.f32 $1.131370830e+01, v6;
	v7 =	vld [tilespmem:s8+$0x11950]  }
0x308: {  	s15 =	sadd.s32 $0x200, s15;
	v11 =	vmul.f32 $1.131370830e+01, v11;
	v6 =	vld [tilespmem:s8+$0x11960]  }
0x309: {  	v5 =	vadd.f32 v5, v12;
	v56 =	vld [tilespmem:s8+$0x11970];
	v10 =	vmul.f32 $1.131370830e+01, v10  }
0x30a: {  	v13 =	vld [tilespmem:s8+$0x4D60];
	v4 =	vadd.f32 v4, v11;
	v9 =	vmul.f32 $1.131370830e+01, v9  }
0x30b: {  	v58 =	vld [tilespmem:s8+$0x4D70];
	[tilespmem:s8+$0x11900] =	vst v5;
	v3 =	vadd.f32 v3, v10;
	v57 =	vmul.f32 $1.131370830e+01, v8  }
0x30c: {  	[tilespmem:s8+$0x11910] =	vst v4;
	v2 =	vadd.f32 v2, v9;
	v59 =	vmul.f32 $1.131370830e+01, v7  }
0x30d: {  	[tilespmem:s8+$0x11920] =	vst v3;
	v1 =	vadd.f32 v1, v57;
	v60 =	vmul.f32 $1.131370830e+01, v6  }
0x30e: {  	[tilespmem:s8+$0x11930] =	vst v2;
	v0 =	vadd.f32 v0, v59;
	v61 =	vmul.f32 $1.131370830e+01, v56  }
0x30f: {  	[tilespmem:s8+$0x11940] =	vst v1;
	v62 =	vadd.f32 v13, v60  }
0x310: {  	[tilespmem:s8+$0x11950] =	vst v0;
	v63 =	vadd.f32 v58, v61  }
0x311: {  	[tilespmem:s8+$0x11960] =	vst v62  }
0x312: {  	s5 =	rddreg [dreg:$0xf];
	[tilespmem:s8+$0x11970] =	vst v63  }
0x313: {  	[hbm4b:s5+s17] =	stream.linear.scatter [tilespmem:s28], [sflag:$0xA], $0x3000, $0x38;
	[tilespmem:$0x1B500] =	vst v63  }
0x314: {  	_ =	swait.ge [sflag:s9], $0x3400  }
0x315: {  	[sflag:s9] =	ssyncset.done $0x0  }
0x316: {  	[sflag:s9] =	ssyncadd.s32 $0xFFFFCC00  }
0x317: {  	_ =	swait.ge [sflag:s11], $0x3000  }
0x318: {  	s19 =	rddreg [dreg:$0x11]  }
0x319: {  	s30 =	rddreg [dreg:$0x10];
	s8 =	sadd.s32 $0x1, s19  }
0x31a: {  	p0 =	sne.s32 s8, s30  }
.Ltmp17:
0x31b: {  	_ = 	snop;
	(pc) =	sbr.rel @p0 .LBB2_1-.Ltmp17, $3  }
0x31c: {  	_ =	sdelay $0x1  }
0x31d: {  	[sflag:s11] =	ssyncset.done $0x0  }
0x31e: {  	[sflag:s11] =	ssyncadd.s32 $0xFFFFD000  }
0x31f: {  	_ =	sfence.sel $0x180000  }
0x320: {  	[bflag:$0x0] =	sbarrier.arrive $0xFFFF  }
0x321: {  	_ =	strace $0x90000047  }
0x322: {  	s0 =	stileid.u32;
	[bflag:$0x2] =	sbarrier.arrive $0xFFFF  }
0x323: {  	p0 =	sne.s32 s0, $0x0;
	s0 =	rddreg [dreg:$0x4]  }
0x324: {  	s0 =	sadd.s32 @!p0 $0x100000, s0  }
0x325: {  	[sflag:s0] =	ssyncadd.tile.s32 @!p0 $0x1;
	_ =	shalt  }
.Lfunc_end2:
_tile_overlayer_lowered:
.L_overlay_start_2:
0x326: {  	(tag) =	ssettag $0x2  }
0x327: {  	s0 =	rddreg [dreg:$0x0];
	s2 =	stileid.u32  }
0x328: {  	s1 =	rddreg [dreg:$0x1];
	p0 =	sne.s32 s2, $0x0  }
0x329: {  	s3 =	rddreg [dreg:$0x2];
	[bflag:$0x3] =	sbarrier.arrive $0xFFFF;
	s2 =	simm.s32 @!p0 $0x1C0E  }
0x32a: {  	[timem:s3], [sflag:s2] =	dma.local @!p0 [hbm:s0], s1  }
0x32b: {  	s0 =	simm.s32 @!p0 $0xE  }
0x32c: {  	_ =	swait.ge @!p0 [sflag:s0], s1  }
0x32d: {  	s1 =	ssub.s32 @!p0 $0x0, s1;
	[sflag:s0] =	ssyncset.done @!p0 $0x0  }
0x32e: {  	[sflag:s0] =	ssyncadd.s32 @!p0 s1  }
0x32f: {  	[bflag:$0x3] =	sbarrier.arrive $0xFFFF  }
0x330: {  	_ =	shalt  }

</sc_bundles>
